<compile_context>
chip_gen: v7x
topology: tpu7x:2x2x1
jax: 0.10.2.dev20260603
libtpu: 0.0.44.dev20260713+nightly
codegen_flags: <defaults>
</compile_context>

<pallas_src>
import functools

import jax
import jax.numpy as jnp
from jax import lax
from jax.experimental import pallas as pl
from jax.experimental.pallas import tpu as pltpu
from jax.experimental.pallas import tpu_sc as plsc

MIN_NORM = 1e-15
BALL_EPS = 4e-3

N = 10000
D = 128
E = 320000

NC = 2
NS = 16
NW = NC * NS
EPW = E // NW
CH = 128
KF = EPW // CH
TAIL = EPW - KF * CH
G = 6
NG = KF // G
ACC_ROWS = 10112
ZPT = ACC_ROWS // NS


def _logmap_body(x_ref, o_ref):
    x = x_ref[...]
    n = jnp.sqrt(jnp.sum(x * x, axis=-1, keepdims=True))
    n = jnp.maximum(n, MIN_NORM)
    z = jnp.clip(n, -1.0 + 1e-7, 1.0 - 1e-7)
    at = 0.5 * jnp.log((1.0 + z) / (1.0 - z))
    o_ref[...] = x * (at / n)


def _logmap(x):
    br = 1000
    return pl.pallas_call(
        _logmap_body,
        grid=(N // br,),
        in_specs=[pl.BlockSpec((br, D), lambda i: (i, 0))],
        out_specs=pl.BlockSpec((br, D), lambda i: (i, 0)),
        out_shape=jax.ShapeDtypeStruct((N, D), jnp.float32),
    )(x)


def _expproj_body(p_ref, o_ref):
    u = p_ref[0] + p_ref[1]
    n = jnp.sqrt(jnp.sum(u * u, axis=-1, keepdims=True))
    n = jnp.maximum(n, MIN_NORM)
    y = jnp.tanh(n) * u / n
    yn = jnp.sqrt(jnp.sum(y * y, axis=-1, keepdims=True))
    yn = jnp.maximum(yn, MIN_NORM)
    maxnorm = 1.0 - BALL_EPS
    o_ref[...] = jnp.where(yn > maxnorm, y / yn * maxnorm, y)


def _expproj(parts):
    br = 1000
    return pl.pallas_call(
        _expproj_body,
        grid=(N // br,),
        in_specs=[pl.BlockSpec((NC, br, D), lambda i: (0, i, 0))],
        out_specs=pl.BlockSpec((br, D), lambda i: (i, 0)),
        out_shape=jax.ShapeDtypeStruct((N, D), jnp.float32),
    )(parts)


_MESH = plsc.VectorSubcoreMesh(core_axis_name="c", subcore_axis_name="s")


@functools.partial(
    pl.kernel,
    mesh=_MESH,
    out_type=jax.ShapeDtypeStruct((NC, ACC_ROWS, D), jnp.float32),
    scratch_types=[
        pltpu.VMEM((2, G, CH), jnp.int32),
        pltpu.VMEM((2, G, CH), jnp.int32),
        pltpu.VMEM((1, TAIL), jnp.int32),
        pltpu.VMEM((1, TAIL), jnp.int32),
        pltpu.VMEM((2, CH, D), jnp.float32),
        pltpu.VMEM_SHARED((ACC_ROWS, D), jnp.float32),
        pltpu.SemaphoreType.DMA,
        pltpu.SemaphoreType.DMA,
        pltpu.SemaphoreType.DMA,
        pltpu.SemaphoreType.DMA,
    ],
)
def _agg(xt_hbm, s_hbm, r_hbm, zeros_hbm, out_hbm, s_v, r_v, st_v, rt_v, buf,
         acc, sem, sem_i, sem_s, sem_z):
    cid = lax.axis_index("c")
    sid = lax.axis_index("s")
    wid = sid * NC + cid
    base = wid * EPW

    zero_cp = pltpu.make_async_copy(zeros_hbm.at[pl.ds(sid * ZPT, ZPT)],
                                    acc.at[pl.ds(sid * ZPT, ZPT)], sem_z)
    zero_cp.start()

    def idx_rows(g, bank, wait):
        for i in range(G):
            off = base + (g * G + i) * CH
            for hbm, vmem in ((s_hbm, s_v), (r_hbm, r_v)):
                d = pltpu.make_async_copy(hbm.at[pl.ds(off, CH)],
                                          vmem.at[bank, i], sem_i)
                if wait:
                    d.wait()
                else:
                    d.start()

    idx_rows(0, 0, wait=False)
    pltpu.async_copy(s_hbm.at[pl.ds(base + KF * CH, TAIL)], st_v.at[0], sem_i)
    pltpu.async_copy(r_hbm.at[pl.ds(base + KF * CH, TAIL)], rt_v.at[0], sem_i)
    idx_rows(0, 0, wait=True)
    pltpu.make_async_copy(s_hbm.at[pl.ds(base + KF * CH, TAIL)], st_v.at[0],
                          sem_i).wait()
    pltpu.make_async_copy(r_hbm.at[pl.ds(base + KF * CH, TAIL)], rt_v.at[0],
                          sem_i).wait()
    zero_cp.wait()
    plsc.subcore_barrier()
    pltpu.async_copy(xt_hbm.at[s_v.at[0, 0]], buf.at[0], sem)

    def emit_group(gb, g, is_last):
        if not is_last:
            idx_rows(g + 1, 1 - gb, wait=False)
        for u in range(G):
            cb = u % 2
            pltpu.make_async_copy(xt_hbm.at[s_v.at[gb, u]], buf.at[cb],
                                  sem).wait()

            def _wait_prev():
                pltpu.make_async_copy(buf.at[1 - cb], acc.at[r_v.at[gb, u]],
                                      sem_s).wait()
            if u == 0 and gb == 0 and not is_last:
                @pl.when(g > 0)
                def _():
                    _wait_prev()
            else:
                _wait_prev()

            if u < G - 1:
                pltpu.async_copy(xt_hbm.at[s_v.at[gb, u + 1]],
                                 buf.at[1 - cb], sem)
            elif not is_last:
                idx_rows(g + 1, 1 - gb, wait=True)
                pltpu.async_copy(xt_hbm.at[s_v.at[1 - gb, 0]],
                                 buf.at[1 - cb], sem)

            pltpu.async_copy(buf.at[cb], acc.at[r_v.at[gb, u]], sem_s,
                             add=True)

    def body(g2, carry):
        emit_group(0, g2 * 2, False)
        emit_group(1, g2 * 2 + 1, False)
        return carry

    lax.fori_loop(0, NG // 2, body, jnp.int32(0))
    emit_group(0, NG - 1, True)

    pltpu.async_copy(xt_hbm.at[st_v.at[0]], buf.at[0, pl.ds(0, TAIL)],
                     sem).wait()
    pltpu.make_async_copy(buf.at[1], acc.at[r_v.at[0, G - 1]], sem_s).wait()
    pltpu.sync_copy(buf.at[0, pl.ds(0, TAIL)], acc.at[rt_v.at[0]], add=True)
    plsc.subcore_barrier()

    rbase = sid * ZPT
    pltpu.sync_copy(acc.at[pl.ds(rbase, ZPT)],
                    out_hbm.at[cid, pl.ds(rbase, ZPT)])


def kernel(x, adj):
    s = adj[0].astype(jnp.int32)
    r = adj[1].astype(jnp.int32)
    zeros = jnp.zeros((ACC_ROWS, D), jnp.float32)
    xt = _logmap(x)
    parts = _agg(xt, s, r, zeros)
    return _expproj(parts)

# --- scband reference (transcript-rebuilt; emitter-appended) ---
"""Pipeline reference for scband-hyp-agg-46832323395928 (READ-ONLY COPY).

The authoritative reference and input builder live on the scoring server;
editing this copy changes nothing except your own understanding.
"""

import jax, jax.numpy as jnp
import numpy as np

C = 1.0
MIN_NORM = 1e-15
BALL_EPS = 4e-3


def _artanh(x):
    x = jnp.clip(x, -1.0 + 1e-7, 1.0 - 1e-7)
    return jnp.arctanh(x)


def poincare_logmap0(x, c):
    sqrt_c = c ** 0.5
    norm = jnp.clip(jnp.linalg.norm(x, axis=-1, keepdims=True), MIN_NORM, None)
    return x / (sqrt_c * norm) * _artanh(sqrt_c * norm)


def poincare_expmap0(u, c):
    sqrt_c = c ** 0.5
    norm = jnp.clip(jnp.linalg.norm(u, axis=-1, keepdims=True), MIN_NORM, None)
    return jnp.tanh(sqrt_c * norm) * u / (sqrt_c * norm)


def poincare_proj(x, c):
    norm = jnp.clip(jnp.linalg.norm(x, axis=-1, keepdims=True), MIN_NORM, None)
    maxnorm = (1.0 - BALL_EPS) / (c ** 0.5)
    cond = norm > maxnorm
    projected = x / norm * maxnorm
    return jnp.where(cond, projected, x)


def setup_inputs(seed: int = 0) -> dict:
    key = jax.random.key(seed)
    k1, k2 = jax.random.split(key)
    # Points must lie inside the Poincare ball: scale down then project.
    x = jax.random.normal(k1, (10000, 128), dtype=jnp.float32) * 0.01
    x = poincare_proj(x, C)
    adj = jax.random.randint(k2, (2, 320000), 0, 10000).astype(jnp.int64)
    return {"x": x, "adj": adj}


def reference(x, adj):
    # HypAgg.__call__ with use_att=False, w=None
    s = adj[0]
    r = adj[1]
    n = x.shape[0]
    xt = poincare_logmap0(x, c=C)           # map to tangent space at origin
    x_s = jnp.take(xt, s, axis=0)           # gather source node features [E, d]
    x_agg = jax.ops.segment_sum(x_s, r, num_segments=n)  # scatter-add by dst
    x_agg = poincare_proj(poincare_expmap0(x_agg, c=C), c=C)
    return x_agg

if __name__ == "__main__":
    import jax
    _d = setup_inputs()
    print(jax.jit(kernel)(*tuple(_d.values())))

</pallas_src>

<mosaic_0001>
#map = affine_map<(d0, d1) -> (0, 0)>
#map1 = affine_map<(d0, d1) -> (0)>
#map2 = affine_map<(d0, d1) -> (0, 0, 0)>
module attributes {stable_mosaic.version = 14 : i64} {
  func.func @_agg(%arg0: i32, %arg1: i32, %arg2: memref<10000x128xf32, #tpu.memory_space<hbm>>, %arg3: memref<320000xi32, #tpu.memory_space<hbm>>, %arg4: memref<320000xi32, #tpu.memory_space<hbm>>, %arg5: memref<10112x128xf32, #tpu.memory_space<hbm>>, %arg6: memref<2x10112x128xf32, #tpu.memory_space<hbm>>, %arg7: memref<2x6x128xi32, #tpu.memory_space<vmem>>, %arg8: memref<2x6x128xi32, #tpu.memory_space<vmem>>, %arg9: memref<1x16xi32, #tpu.memory_space<vmem>>, %arg10: memref<1x16xi32, #tpu.memory_space<vmem>>, %arg11: memref<2x128x128xf32, #tpu.memory_space<vmem>>, %arg12: memref<10112x128xf32, #tpu.memory_space<vmem_shared>>, %arg13: memref<!tpu.dma_semaphore, #tpu.memory_space<semaphore_mem>>, %arg14: memref<!tpu.dma_semaphore, #tpu.memory_space<semaphore_mem>>, %arg15: memref<!tpu.dma_semaphore, #tpu.memory_space<semaphore_mem>>, %arg16: memref<!tpu.dma_semaphore, #tpu.memory_space<semaphore_mem>>) attributes {dimension_semantics = [#tpu.dimension_semantics<core_parallel>, #tpu.dimension_semantics<subcore_parallel>], iteration_bounds = array<i64: 2, 16>, scalar_prefetch = 0 : i64, scratch_operands = 10 : i64, tpu.core_type = #tpu.core_type<sc_vector_subcore>, window_params = [{transform_indices = #map}, {transform_indices = #map1}, {transform_indices = #map1}, {transform_indices = #map}, {transform_indices = #map2}]} {
    %mul3A = arith.constant 2 : i32
    %mul3A_0 = arith.muli %arg1, %mul3A : i32
    %add3A = arith.addi %mul3A_0, %arg0 : i32
    %mul3A_1 = arith.constant 10000 : i32
    %mul3A_2 = arith.muli %add3A, %mul3A_1 : i32
    %mul3A_3 = arith.constant 632 : i32
    %mul3A_4 = arith.muli %arg1, %mul3A_3 : i32
    %mul3A_5 = arith.constant 632 : i32
    %mul3A_6 = arith.muli %arg1, %mul3A_5 : i32
    %dma_start3A = arith.constant 0 : i32
    %dma_start3A_7 = tpu.memref_slice %arg12[%mul3A_6, %dma_start3A] : memref<10112x128xf32, #tpu.memory_space<vmem_shared>> -> memref<632x128xf32, #tpu.memory_space<vmem_shared>>
    %dma_start3A_8 = arith.constant 0 : i32
    %dma_start3A_9 = tpu.memref_slice %arg5[%mul3A_4, %dma_start3A_8] : memref<10112x128xf32, #tpu.memory_space<hbm>> -> memref<632x128xf32, #tpu.memory_space<hbm>>
    tpu.enqueue_dma source(%dma_start3A_9 : memref<632x128xf32, #tpu.memory_space<hbm>>) target(%dma_start3A_7 : memref<632x128xf32, #tpu.memory_space<vmem_shared>>) target_semaphore(%arg16 : memref<!tpu.dma_semaphore, #tpu.memory_space<semaphore_mem>>)
    %add3A_10 = arith.constant 0 : i32
    %add3A_11 = arith.addi %mul3A_2, %add3A_10 : i32
    %dma_start3A_12 = arith.constant 0 : i32
    %dma_start3A_13 = arith.constant 0 : i32
    %dma_start3A_14 = arith.constant 0 : i32
    %dma_start3A_15 = tpu.memref_slice %arg7[%dma_start3A_12, %dma_start3A_13, %dma_start3A_14] : memref<2x6x128xi32, #tpu.memory_space<vmem>> -> memref<1x1x128xi32, #tpu.memory_space<vmem>>
    %dma_start3A_16 = tpu.memref_squeeze %dma_start3A_15 : memref<1x1x128xi32, #tpu.memory_space<vmem>> -> memref<128xi32, #tpu.memory_space<vmem>>
    %dma_start3A_17 = tpu.memref_slice %arg3[%add3A_11] : memref<320000xi32, #tpu.memory_space<hbm>> -> memref<128xi32, #tpu.memory_space<hbm>>
    %dma_start3A_18 = arith.constant 0 : i32
    %dma_start3A_19 = tpu.memref_slice %arg7[%dma_start3A_12, %dma_start3A_13, %dma_start3A_18] : memref<2x6x128xi32, #tpu.memory_space<vmem>> -> memref<1x1x128xi32, #tpu.memory_space<vmem>>
    %dma_start3A_20 = tpu.memref_squeeze %dma_start3A_19 : memref<1x1x128xi32, #tpu.memory_space<vmem>> -> memref<128xi32, #tpu.memory_space<vmem>>
    %dma_start3A_21 = tpu.memref_slice %arg3[%add3A_11] : memref<320000xi32, #tpu.memory_space<hbm>> -> memref<128xi32, #tpu.memory_space<hbm>>
    tpu.enqueue_dma source(%dma_start3A_21 : memref<128xi32, #tpu.memory_space<hbm>>) target(%dma_start3A_20 : memref<128xi32, #tpu.memory_space<vmem>>) target_semaphore(%arg14 : memref<!tpu.dma_semaphore, #tpu.memory_space<semaphore_mem>>)
    %dma_start3A_22 = arith.constant 0 : i32
    %dma_start3A_23 = arith.constant 0 : i32
    %dma_start3A_24 = arith.constant 0 : i32
    %dma_start3A_25 = tpu.memref_slice %arg8[%dma_start3A_22, %dma_start3A_23, %dma_start3A_24] : memref<2x6x128xi32, #tpu.memory_space<vmem>> -> memref<1x1x128xi32, #tpu.memory_space<vmem>>
    %dma_start3A_26 = tpu.memref_squeeze %dma_start3A_25 : memref<1x1x128xi32, #tpu.memory_space<vmem>> -> memref<128xi32, #tpu.memory_space<vmem>>
    %dma_start3A_27 = tpu.memref_slice %arg4[%add3A_11] : memref<320000xi32, #tpu.memory_space<hbm>> -> memref<128xi32, #tpu.memory_space<hbm>>
    %dma_start3A_28 = arith.constant 0 : i32
    %dma_start3A_29 = tpu.memref_slice %arg8[%dma_start3A_22, %dma_start3A_23, %dma_start3A_28] : memref<2x6x128xi32, #tpu.memory_space<vmem>> -> memref<1x1x128xi32, #tpu.memory_space<vmem>>
    %dma_start3A_30 = tpu.memref_squeeze %dma_start3A_29 : memref<1x1x128xi32, #tpu.memory_space<vmem>> -> memref<128xi32, #tpu.memory_space<vmem>>
    %dma_start3A_31 = tpu.memref_slice %arg4[%add3A_11] : memref<320000xi32, #tpu.memory_space<hbm>> -> memref<128xi32, #tpu.memory_space<hbm>>
    tpu.enqueue_dma source(%dma_start3A_31 : memref<128xi32, #tpu.memory_space<hbm>>) target(%dma_start3A_30 : memref<128xi32, #tpu.memory_space<vmem>>) target_semaphore(%arg14 : memref<!tpu.dma_semaphore, #tpu.memory_space<semaphore_mem>>)
    %add3A_32 = arith.constant 128 : i32
    %add3A_33 = arith.addi %mul3A_2, %add3A_32 : i32
    %dma_start3A_34 = arith.constant 0 : i32
    %dma_start3A_35 = arith.constant 1 : i32
    %dma_start3A_36 = arith.constant 0 : i32
    %dma_start3A_37 = tpu.memref_slice %arg7[%dma_start3A_34, %dma_start3A_35, %dma_start3A_36] : memref<2x6x128xi32, #tpu.memory_space<vmem>> -> memref<1x1x128xi32, #tpu.memory_space<vmem>>
    %dma_start3A_38 = tpu.memref_squeeze %dma_start3A_37 : memref<1x1x128xi32, #tpu.memory_space<vmem>> -> memref<128xi32, #tpu.memory_space<vmem>>
    %dma_start3A_39 = tpu.memref_slice %arg3[%add3A_33] : memref<320000xi32, #tpu.memory_space<hbm>> -> memref<128xi32, #tpu.memory_space<hbm>>
    %dma_start3A_40 = arith.constant 0 : i32
    %dma_start3A_41 = tpu.memref_slice %arg7[%dma_start3A_34, %dma_start3A_35, %dma_start3A_40] : memref<2x6x128xi32, #tpu.memory_space<vmem>> -> memref<1x1x128xi32, #tpu.memory_space<vmem>>
    %dma_start3A_42 = tpu.memref_squeeze %dma_start3A_41 : memref<1x1x128xi32, #tpu.memory_space<vmem>> -> memref<128xi32, #tpu.memory_space<vmem>>
    %dma_start3A_43 = tpu.memref_slice %arg3[%add3A_33] : memref<320000xi32, #tpu.memory_space<hbm>> -> memref<128xi32, #tpu.memory_space<hbm>>
    tpu.enqueue_dma source(%dma_start3A_43 : memref<128xi32, #tpu.memory_space<hbm>>) target(%dma_start3A_42 : memref<128xi32, #tpu.memory_space<vmem>>) target_semaphore(%arg14 : memref<!tpu.dma_semaphore, #tpu.memory_space<semaphore_mem>>)
    %dma_start3A_44 = arith.constant 0 : i32
    %dma_start3A_45 = arith.constant 1 : i32
    %dma_start3A_46 = arith.constant 0 : i32
    %dma_start3A_47 = tpu.memref_slice %arg8[%dma_start3A_44, %dma_start3A_45, %dma_start3A_46] : memref<2x6x128xi32, #tpu.memory_space<vmem>> -> memref<1x1x128xi32, #tpu.memory_space<vmem>>
    %dma_start3A_48 = tpu.memref_squeeze %dma_start3A_47 : memref<1x1x128xi32, #tpu.memory_space<vmem>> -> memref<128xi32, #tpu.memory_space<vmem>>
    %dma_start3A_49 = tpu.memref_slice %arg4[%add3A_33] : memref<320000xi32, #tpu.memory_space<hbm>> -> memref<128xi32, #tpu.memory_space<hbm>>
    %dma_start3A_50 = arith.constant 0 : i32
    %dma_start3A_51 = tpu.memref_slice %arg8[%dma_start3A_44, %dma_start3A_45, %dma_start3A_50] : memref<2x6x128xi32, #tpu.memory_space<vmem>> -> memref<1x1x128xi32, #tpu.memory_space<vmem>>
    %dma_start3A_52 = tpu.memref_squeeze %dma_start3A_51 : memref<1x1x128xi32, #tpu.memory_space<vmem>> -> memref<128xi32, #tpu.memory_space<vmem>>
    %dma_start3A_53 = tpu.memref_slice %arg4[%add3A_33] : memref<320000xi32, #tpu.memory_space<hbm>> -> memref<128xi32, #tpu.memory_space<hbm>>
    tpu.enqueue_dma source(%dma_start3A_53 : memref<128xi32, #tpu.memory_space<hbm>>) target(%dma_start3A_52 : memref<128xi32, #tpu.memory_space<vmem>>) target_semaphore(%arg14 : memref<!tpu.dma_semaphore, #tpu.memory_space<semaphore_mem>>)
    %add3A_54 = arith.constant 256 : i32
    %add3A_55 = arith.addi %mul3A_2, %add3A_54 : i32
    %dma_start3A_56 = arith.constant 0 : i32
    %dma_start3A_57 = arith.constant 2 : i32
    %dma_start3A_58 = arith.constant 0 : i32
    %dma_start3A_59 = tpu.memref_slice %arg7[%dma_start3A_56, %dma_start3A_57, %dma_start3A_58] : memref<2x6x128xi32, #tpu.memory_space<vmem>> -> memref<1x1x128xi32, #tpu.memory_space<vmem>>
    %dma_start3A_60 = tpu.memref_squeeze %dma_start3A_59 : memref<1x1x128xi32, #tpu.memory_space<vmem>> -> memref<128xi32, #tpu.memory_space<vmem>>
    %dma_start3A_61 = tpu.memref_slice %arg3[%add3A_55] : memref<320000xi32, #tpu.memory_space<hbm>> -> memref<128xi32, #tpu.memory_space<hbm>>
    %dma_start3A_62 = arith.constant 0 : i32
    %dma_start3A_63 = tpu.memref_slice %arg7[%dma_start3A_56, %dma_start3A_57, %dma_start3A_62] : memref<2x6x128xi32, #tpu.memory_space<vmem>> -> memref<1x1x128xi32, #tpu.memory_space<vmem>>
    %dma_start3A_64 = tpu.memref_squeeze %dma_start3A_63 : memref<1x1x128xi32, #tpu.memory_space<vmem>> -> memref<128xi32, #tpu.memory_space<vmem>>
    %dma_start3A_65 = tpu.memref_slice %arg3[%add3A_55] : memref<320000xi32, #tpu.memory_space<hbm>> -> memref<128xi32, #tpu.memory_space<hbm>>
    tpu.enqueue_dma source(%dma_start3A_65 : memref<128xi32, #tpu.memory_space<hbm>>) target(%dma_start3A_64 : memref<128xi32, #tpu.memory_space<vmem>>) target_semaphore(%arg14 : memref<!tpu.dma_semaphore, #tpu.memory_space<semaphore_mem>>)
    %dma_start3A_66 = arith.constant 0 : i32
    %dma_start3A_67 = arith.constant 2 : i32
    %dma_start3A_68 = arith.constant 0 : i32
    %dma_start3A_69 = tpu.memref_slice %arg8[%dma_start3A_66, %dma_start3A_67, %dma_start3A_68] : memref<2x6x128xi32, #tpu.memory_space<vmem>> -> memref<1x1x128xi32, #tpu.memory_space<vmem>>
    %dma_start3A_70 = tpu.memref_squeeze %dma_start3A_69 : memref<1x1x128xi32, #tpu.memory_space<vmem>> -> memref<128xi32, #tpu.memory_space<vmem>>
    %dma_start3A_71 = tpu.memref_slice %arg4[%add3A_55] : memref<320000xi32, #tpu.memory_space<hbm>> -> memref<128xi32, #tpu.memory_space<hbm>>
    %dma_start3A_72 = arith.constant 0 : i32
    %dma_start3A_73 = tpu.memref_slice %arg8[%dma_start3A_66, %dma_start3A_67, %dma_start3A_72] : memref<2x6x128xi32, #tpu.memory_space<vmem>> -> memref<1x1x128xi32, #tpu.memory_space<vmem>>
    %dma_start3A_74 = tpu.memref_squeeze %dma_start3A_73 : memref<1x1x128xi32, #tpu.memory_space<vmem>> -> memref<128xi32, #tpu.memory_space<vmem>>
    %dma_start3A_75 = tpu.memref_slice %arg4[%add3A_55] : memref<320000xi32, #tpu.memory_space<hbm>> -> memref<128xi32, #tpu.memory_space<hbm>>
    tpu.enqueue_dma source(%dma_start3A_75 : memref<128xi32, #tpu.memory_space<hbm>>) target(%dma_start3A_74 : memref<128xi32, #tpu.memory_space<vmem>>) target_semaphore(%arg14 : memref<!tpu.dma_semaphore, #tpu.memory_space<semaphore_mem>>)
    %add3A_76 = arith.constant 384 : i32
    %add3A_77 = arith.addi %mul3A_2, %add3A_76 : i32
    %dma_start3A_78 = arith.constant 0 : i32
    %dma_start3A_79 = arith.constant 3 : i32
    %dma_start3A_80 = arith.constant 0 : i32
    %dma_start3A_81 = tpu.memref_slice %arg7[%dma_start3A_78, %dma_start3A_79, %dma_start3A_80] : memref<2x6x128xi32, #tpu.memory_space<vmem>> -> memref<1x1x128xi32, #tpu.memory_space<vmem>>
    %dma_start3A_82 = tpu.memref_squeeze %dma_start3A_81 : memref<1x1x128xi32, #tpu.memory_space<vmem>> -> memref<128xi32, #tpu.memory_space<vmem>>
    %dma_start3A_83 = tpu.memref_slice %arg3[%add3A_77] : memref<320000xi32, #tpu.memory_space<hbm>> -> memref<128xi32, #tpu.memory_space<hbm>>
    %dma_start3A_84 = arith.constant 0 : i32
    %dma_start3A_85 = tpu.memref_slice %arg7[%dma_start3A_78, %dma_start3A_79, %dma_start3A_84] : memref<2x6x128xi32, #tpu.memory_space<vmem>> -> memref<1x1x128xi32, #tpu.memory_space<vmem>>
    %dma_start3A_86 = tpu.memref_squeeze %dma_start3A_85 : memref<1x1x128xi32, #tpu.memory_space<vmem>> -> memref<128xi32, #tpu.memory_space<vmem>>
    %dma_start3A_87 = tpu.memref_slice %arg3[%add3A_77] : memref<320000xi32, #tpu.memory_space<hbm>> -> memref<128xi32, #tpu.memory_space<hbm>>
    tpu.enqueue_dma source(%dma_start3A_87 : memref<128xi32, #tpu.memory_space<hbm>>) target(%dma_start3A_86 : memref<128xi32, #tpu.memory_space<vmem>>) target_semaphore(%arg14 : memref<!tpu.dma_semaphore, #tpu.memory_space<semaphore_mem>>)
    %dma_start3A_88 = arith.constant 0 : i32
    %dma_start3A_89 = arith.constant 3 : i32
    %dma_start3A_90 = arith.constant 0 : i32
    %dma_start3A_91 = tpu.memref_slice %arg8[%dma_start3A_88, %dma_start3A_89, %dma_start3A_90] : memref<2x6x128xi32, #tpu.memory_space<vmem>> -> memref<1x1x128xi32, #tpu.memory_space<vmem>>
    %dma_start3A_92 = tpu.memref_squeeze %dma_start3A_91 : memref<1x1x128xi32, #tpu.memory_space<vmem>> -> memref<128xi32, #tpu.memory_space<vmem>>
    %dma_start3A_93 = tpu.memref_slice %arg4[%add3A_77] : memref<320000xi32, #tpu.memory_space<hbm>> -> memref<128xi32, #tpu.memory_space<hbm>>
    %dma_start3A_94 = arith.constant 0 : i32
    %dma_start3A_95 = tpu.memref_slice %arg8[%dma_start3A_88, %dma_start3A_89, %dma_start3A_94] : memref<2x6x128xi32, #tpu.memory_space<vmem>> -> memref<1x1x128xi32, #tpu.memory_space<vmem>>
    %dma_start3A_96 = tpu.memref_squeeze %dma_start3A_95 : memref<1x1x128xi32, #tpu.memory_space<vmem>> -> memref<128xi32, #tpu.memory_space<vmem>>
    %dma_start3A_97 = tpu.memref_slice %arg4[%add3A_77] : memref<320000xi32, #tpu.memory_space<hbm>> -> memref<128xi32, #tpu.memory_space<hbm>>
    tpu.enqueue_dma source(%dma_start3A_97 : memref<128xi32, #tpu.memory_space<hbm>>) target(%dma_start3A_96 : memref<128xi32, #tpu.memory_space<vmem>>) target_semaphore(%arg14 : memref<!tpu.dma_semaphore, #tpu.memory_space<semaphore_mem>>)
    %add3A_98 = arith.constant 512 : i32
    %add3A_99 = arith.addi %mul3A_2, %add3A_98 : i32
    %dma_start3A_100 = arith.constant 0 : i32
    %dma_start3A_101 = arith.constant 4 : i32
    %dma_start3A_102 = arith.constant 0 : i32
    %dma_start3A_103 = tpu.memref_slice %arg7[%dma_start3A_100, %dma_start3A_101, %dma_start3A_102] : memref<2x6x128xi32, #tpu.memory_space<vmem>> -> memref<1x1x128xi32, #tpu.memory_space<vmem>>
    %dma_start3A_104 = tpu.memref_squeeze %dma_start3A_103 : memref<1x1x128xi32, #tpu.memory_space<vmem>> -> memref<128xi32, #tpu.memory_space<vmem>>
    %dma_start3A_105 = tpu.memref_slice %arg3[%add3A_99] : memref<320000xi32, #tpu.memory_space<hbm>> -> memref<128xi32, #tpu.memory_space<hbm>>
    %dma_start3A_106 = arith.constant 0 : i32
    %dma_start3A_107 = tpu.memref_slice %arg7[%dma_start3A_100, %dma_start3A_101, %dma_start3A_106] : memref<2x6x128xi32, #tpu.memory_space<vmem>> -> memref<1x1x128xi32, #tpu.memory_space<vmem>>
    %dma_start3A_108 = tpu.memref_squeeze %dma_start3A_107 : memref<1x1x128xi32, #tpu.memory_space<vmem>> -> memref<128xi32, #tpu.memory_space<vmem>>
    %dma_start3A_109 = tpu.memref_slice %arg3[%add3A_99] : memref<320000xi32, #tpu.memory_space<hbm>> -> memref<128xi32, #tpu.memory_space<hbm>>
    tpu.enqueue_dma source(%dma_start3A_109 : memref<128xi32, #tpu.memory_space<hbm>>) target(%dma_start3A_108 : memref<128xi32, #tpu.memory_space<vmem>>) target_semaphore(%arg14 : memref<!tpu.dma_semaphore, #tpu.memory_space<semaphore_mem>>)
    %dma_start3A_110 = arith.constant 0 : i32
    %dma_start3A_111 = arith.constant 4 : i32
    %dma_start3A_112 = arith.constant 0 : i32
    %dma_start3A_113 = tpu.memref_slice %arg8[%dma_start3A_110, %dma_start3A_111, %dma_start3A_112] : memref<2x6x128xi32, #tpu.memory_space<vmem>> -> memref<1x1x128xi32, #tpu.memory_space<vmem>>
    %dma_start3A_114 = tpu.memref_squeeze %dma_start3A_113 : memref<1x1x128xi32, #tpu.memory_space<vmem>> -> memref<128xi32, #tpu.memory_space<vmem>>
    %dma_start3A_115 = tpu.memref_slice %arg4[%add3A_99] : memref<320000xi32, #tpu.memory_space<hbm>> -> memref<128xi32, #tpu.memory_space<hbm>>
    %dma_start3A_116 = arith.constant 0 : i32
    %dma_start3A_117 = tpu.memref_slice %arg8[%dma_start3A_110, %dma_start3A_111, %dma_start3A_116] : memref<2x6x128xi32, #tpu.memory_space<vmem>> -> memref<1x1x128xi32, #tpu.memory_space<vmem>>
    %dma_start3A_118 = tpu.memref_squeeze %dma_start3A_117 : memref<1x1x128xi32, #tpu.memory_space<vmem>> -> memref<128xi32, #tpu.memory_space<vmem>>
    %dma_start3A_119 = tpu.memref_slice %arg4[%add3A_99] : memref<320000xi32, #tpu.memory_space<hbm>> -> memref<128xi32, #tpu.memory_space<hbm>>
    tpu.enqueue_dma source(%dma_start3A_119 : memref<128xi32, #tpu.memory_space<hbm>>) target(%dma_start3A_118 : memref<128xi32, #tpu.memory_space<vmem>>) target_semaphore(%arg14 : memref<!tpu.dma_semaphore, #tpu.memory_space<semaphore_mem>>)
    %add3A_120 = arith.constant 640 : i32
    %add3A_121 = arith.addi %mul3A_2, %add3A_120 : i32
    %dma_start3A_122 = arith.constant 0 : i32
    %dma_start3A_123 = arith.constant 5 : i32
    %dma_start3A_124 = arith.constant 0 : i32
    %dma_start3A_125 = tpu.memref_slice %arg7[%dma_start3A_122, %dma_start3A_123, %dma_start3A_124] : memref<2x6x128xi32, #tpu.memory_space<vmem>> -> memref<1x1x128xi32, #tpu.memory_space<vmem>>
    %dma_start3A_126 = tpu.memref_squeeze %dma_start3A_125 : memref<1x1x128xi32, #tpu.memory_space<vmem>> -> memref<128xi32, #tpu.memory_space<vmem>>
    %dma_start3A_127 = tpu.memref_slice %arg3[%add3A_121] : memref<320000xi32, #tpu.memory_space<hbm>> -> memref<128xi32, #tpu.memory_space<hbm>>
    %dma_start3A_128 = arith.constant 0 : i32
    %dma_start3A_129 = tpu.memref_slice %arg7[%dma_start3A_122, %dma_start3A_123, %dma_start3A_128] : memref<2x6x128xi32, #tpu.memory_space<vmem>> -> memref<1x1x128xi32, #tpu.memory_space<vmem>>
    %dma_start3A_130 = tpu.memref_squeeze %dma_start3A_129 : memref<1x1x128xi32, #tpu.memory_space<vmem>> -> memref<128xi32, #tpu.memory_space<vmem>>
    %dma_start3A_131 = tpu.memref_slice %arg3[%add3A_121] : memref<320000xi32, #tpu.memory_space<hbm>> -> memref<128xi32, #tpu.memory_space<hbm>>
    tpu.enqueue_dma source(%dma_start3A_131 : memref<128xi32, #tpu.memory_space<hbm>>) target(%dma_start3A_130 : memref<128xi32, #tpu.memory_space<vmem>>) target_semaphore(%arg14 : memref<!tpu.dma_semaphore, #tpu.memory_space<semaphore_mem>>)
    %dma_start3A_132 = arith.constant 0 : i32
    %dma_start3A_133 = arith.constant 5 : i32
    %dma_start3A_134 = arith.constant 0 : i32
    %dma_start3A_135 = tpu.memref_slice %arg8[%dma_start3A_132, %dma_start3A_133, %dma_start3A_134] : memref<2x6x128xi32, #tpu.memory_space<vmem>> -> memref<1x1x128xi32, #tpu.memory_space<vmem>>
    %dma_start3A_136 = tpu.memref_squeeze %dma_start3A_135 : memref<1x1x128xi32, #tpu.memory_space<vmem>> -> memref<128xi32, #tpu.memory_space<vmem>>
    %dma_start3A_137 = tpu.memref_slice %arg4[%add3A_121] : memref<320000xi32, #tpu.memory_space<hbm>> -> memref<128xi32, #tpu.memory_space<hbm>>
    %dma_start3A_138 = arith.constant 0 : i32
    %dma_start3A_139 = tpu.memref_slice %arg8[%dma_start3A_132, %dma_start3A_133, %dma_start3A_138] : memref<2x6x128xi32, #tpu.memory_space<vmem>> -> memref<1x1x128xi32, #tpu.memory_space<vmem>>
    %dma_start3A_140 = tpu.memref_squeeze %dma_start3A_139 : memref<1x1x128xi32, #tpu.memory_space<vmem>> -> memref<128xi32, #tpu.memory_space<vmem>>
    %dma_start3A_141 = tpu.memref_slice %arg4[%add3A_121] : memref<320000xi32, #tpu.memory_space<hbm>> -> memref<128xi32, #tpu.memory_space<hbm>>
    tpu.enqueue_dma source(%dma_start3A_141 : memref<128xi32, #tpu.memory_space<hbm>>) target(%dma_start3A_140 : memref<128xi32, #tpu.memory_space<vmem>>) target_semaphore(%arg14 : memref<!tpu.dma_semaphore, #tpu.memory_space<semaphore_mem>>)
    %add3A_142 = arith.constant 9984 : i32
    %add3A_143 = arith.addi %mul3A_2, %add3A_142 : i32
    %dma_start3A_144 = arith.constant 0 : i32
    %dma_start3A_145 = arith.constant 0 : i32
    %dma_start3A_146 = tpu.memref_slice %arg9[%dma_start3A_144, %dma_start3A_145] : memref<1x16xi32, #tpu.memory_space<vmem>> -> memref<1x16xi32, #tpu.memory_space<vmem>>
    %dma_start3A_147 = tpu.memref_squeeze %dma_start3A_146 : memref<1x16xi32, #tpu.memory_space<vmem>> -> memref<16xi32, #tpu.memory_space<vmem>>
    %dma_start3A_148 = tpu.memref_slice %arg3[%add3A_143] : memref<320000xi32, #tpu.memory_space<hbm>> -> memref<16xi32, #tpu.memory_space<hbm>>
    %dma_start3A_149 = arith.constant 0 : i32
    %dma_start3A_150 = tpu.memref_slice %arg9[%dma_start3A_144, %dma_start3A_149] : memref<1x16xi32, #tpu.memory_space<vmem>> -> memref<1x16xi32, #tpu.memory_space<vmem>>
    %dma_start3A_151 = tpu.memref_squeeze %dma_start3A_150 : memref<1x16xi32, #tpu.memory_space<vmem>> -> memref<16xi32, #tpu.memory_space<vmem>>
    %dma_start3A_152 = tpu.memref_slice %arg3[%add3A_143] : memref<320000xi32, #tpu.memory_space<hbm>> -> memref<16xi32, #tpu.memory_space<hbm>>
    tpu.enqueue_dma source(%dma_start3A_152 : memref<16xi32, #tpu.memory_space<hbm>>) target(%dma_start3A_151 : memref<16xi32, #tpu.memory_space<vmem>>) target_semaphore(%arg14 : memref<!tpu.dma_semaphore, #tpu.memory_space<semaphore_mem>>)
    %add3A_153 = arith.constant 9984 : i32
    %add3A_154 = arith.addi %mul3A_2, %add3A_153 : i32
    %dma_start3A_155 = arith.constant 0 : i32
    %dma_start3A_156 = arith.constant 0 : i32
    %dma_start3A_157 = tpu.memref_slice %arg10[%dma_start3A_155, %dma_start3A_156] : memref<1x16xi32, #tpu.memory_space<vmem>> -> memref<1x16xi32, #tpu.memory_space<vmem>>
    %dma_start3A_158 = tpu.memref_squeeze %dma_start3A_157 : memref<1x16xi32, #tpu.memory_space<vmem>> -> memref<16xi32, #tpu.memory_space<vmem>>
    %dma_start3A_159 = tpu.memref_slice %arg4[%add3A_154] : memref<320000xi32, #tpu.memory_space<hbm>> -> memref<16xi32, #tpu.memory_space<hbm>>
    %dma_start3A_160 = arith.constant 0 : i32
    %dma_start3A_161 = tpu.memref_slice %arg10[%dma_start3A_155, %dma_start3A_160] : memref<1x16xi32, #tpu.memory_space<vmem>> -> memref<1x16xi32, #tpu.memory_space<vmem>>
    %dma_start3A_162 = tpu.memref_squeeze %dma_start3A_161 : memref<1x16xi32, #tpu.memory_space<vmem>> -> memref<16xi32, #tpu.memory_space<vmem>>
    %dma_start3A_163 = tpu.memref_slice %arg4[%add3A_154] : memref<320000xi32, #tpu.memory_space<hbm>> -> memref<16xi32, #tpu.memory_space<hbm>>
    tpu.enqueue_dma source(%dma_start3A_163 : memref<16xi32, #tpu.memory_space<hbm>>) target(%dma_start3A_162 : memref<16xi32, #tpu.memory_space<vmem>>) target_semaphore(%arg14 : memref<!tpu.dma_semaphore, #tpu.memory_space<semaphore_mem>>)
    %add3A_164 = arith.constant 0 : i32
    %add3A_165 = arith.addi %mul3A_2, %add3A_164 : i32
    %dma_wait3A = arith.constant 0 : i32
    %dma_wait3A_166 = arith.constant 0 : i32
    %dma_wait3A_167 = arith.constant 0 : i32
    %dma_wait3A_168 = tpu.memref_slice %arg7[%dma_wait3A, %dma_wait3A_166, %dma_wait3A_167] : memref<2x6x128xi32, #tpu.memory_space<vmem>> -> memref<1x1x128xi32, #tpu.memory_space<vmem>>
    %dma_wait3A_169 = tpu.memref_squeeze %dma_wait3A_168 : memref<1x1x128xi32, #tpu.memory_space<vmem>> -> memref<128xi32, #tpu.memory_space<vmem>>
    %dma_wait3A_170 = tpu.memref_slice %arg3[%add3A_165] : memref<320000xi32, #tpu.memory_space<hbm>> -> memref<128xi32, #tpu.memory_space<hbm>>
    %dma_wait3A_171 = arith.constant 0 : i32
    %dma_wait3A_172 = tpu.memref_slice %arg7[%dma_wait3A, %dma_wait3A_166, %dma_wait3A_171] : memref<2x6x128xi32, #tpu.memory_space<vmem>> -> memref<1x1x128xi32, #tpu.memory_space<vmem>>
    %dma_wait3A_173 = tpu.memref_squeeze %dma_wait3A_172 : memref<1x1x128xi32, #tpu.memory_space<vmem>> -> memref<128xi32, #tpu.memory_space<vmem>>
    %dma_wait3A_174 = tpu.memref_slice %arg3[%add3A_165] : memref<320000xi32, #tpu.memory_space<hbm>> -> memref<128xi32, #tpu.memory_space<hbm>>
    tpu.wait_dma2 semaphore(%arg14 : memref<!tpu.dma_semaphore, #tpu.memory_space<semaphore_mem>>) src(%dma_wait3A_174 : memref<128xi32, #tpu.memory_space<hbm>>) dst(%dma_wait3A_173 : memref<128xi32, #tpu.memory_space<vmem>>)
    %dma_wait3A_175 = arith.constant 0 : i32
    %dma_wait3A_176 = arith.constant 0 : i32
    %dma_wait3A_177 = arith.constant 0 : i32
    %dma_wait3A_178 = tpu.memref_slice %arg8[%dma_wait3A_175, %dma_wait3A_176, %dma_wait3A_177] : memref<2x6x128xi32, #tpu.memory_space<vmem>> -> memref<1x1x128xi32, #tpu.memory_space<vmem>>
    %dma_wait3A_179 = tpu.memref_squeeze %dma_wait3A_178 : memref<1x1x128xi32, #tpu.memory_space<vmem>> -> memref<128xi32, #tpu.memory_space<vmem>>
    %dma_wait3A_180 = tpu.memref_slice %arg4[%add3A_165] : memref<320000xi32, #tpu.memory_space<hbm>> -> memref<128xi32, #tpu.memory_space<hbm>>
    %dma_wait3A_181 = arith.constant 0 : i32
    %dma_wait3A_182 = tpu.memref_slice %arg8[%dma_wait3A_175, %dma_wait3A_176, %dma_wait3A_181] : memref<2x6x128xi32, #tpu.memory_space<vmem>> -> memref<1x1x128xi32, #tpu.memory_space<vmem>>
    %dma_wait3A_183 = tpu.memref_squeeze %dma_wait3A_182 : memref<1x1x128xi32, #tpu.memory_space<vmem>> -> memref<128xi32, #tpu.memory_space<vmem>>
    %dma_wait3A_184 = tpu.memref_slice %arg4[%add3A_165] : memref<320000xi32, #tpu.memory_space<hbm>> -> memref<128xi32, #tpu.memory_space<hbm>>
    tpu.wait_dma2 semaphore(%arg14 : memref<!tpu.dma_semaphore, #tpu.memory_space<semaphore_mem>>) src(%dma_wait3A_184 : memref<128xi32, #tpu.memory_space<hbm>>) dst(%dma_wait3A_183 : memref<128xi32, #tpu.memory_space<vmem>>)
    %add3A_185 = arith.constant 128 : i32
    %add3A_186 = arith.addi %mul3A_2, %add3A_185 : i32
    %dma_wait3A_187 = arith.constant 0 : i32
    %dma_wait3A_188 = arith.constant 1 : i32
    %dma_wait3A_189 = arith.constant 0 : i32
    %dma_wait3A_190 = tpu.memref_slice %arg7[%dma_wait3A_187, %dma_wait3A_188, %dma_wait3A_189] : memref<2x6x128xi32, #tpu.memory_space<vmem>> -> memref<1x1x128xi32, #tpu.memory_space<vmem>>
    %dma_wait3A_191 = tpu.memref_squeeze %dma_wait3A_190 : memref<1x1x128xi32, #tpu.memory_space<vmem>> -> memref<128xi32, #tpu.memory_space<vmem>>
    %dma_wait3A_192 = tpu.memref_slice %arg3[%add3A_186] : memref<320000xi32, #tpu.memory_space<hbm>> -> memref<128xi32, #tpu.memory_space<hbm>>
    %dma_wait3A_193 = arith.constant 0 : i32
    %dma_wait3A_194 = tpu.memref_slice %arg7[%dma_wait3A_187, %dma_wait3A_188, %dma_wait3A_193] : memref<2x6x128xi32, #tpu.memory_space<vmem>> -> memref<1x1x128xi32, #tpu.memory_space<vmem>>
    %dma_wait3A_195 = tpu.memref_squeeze %dma_wait3A_194 : memref<1x1x128xi32, #tpu.memory_space<vmem>> -> memref<128xi32, #tpu.memory_space<vmem>>
    %dma_wait3A_196 = tpu.memref_slice %arg3[%add3A_186] : memref<320000xi32, #tpu.memory_space<hbm>> -> memref<128xi32, #tpu.memory_space<hbm>>
    tpu.wait_dma2 semaphore(%arg14 : memref<!tpu.dma_semaphore, #tpu.memory_space<semaphore_mem>>) src(%dma_wait3A_196 : memref<128xi32, #tpu.memory_space<hbm>>) dst(%dma_wait3A_195 : memref<128xi32, #tpu.memory_space<vmem>>)
    %dma_wait3A_197 = arith.constant 0 : i32
    %dma_wait3A_198 = arith.constant 1 : i32
    %dma_wait3A_199 = arith.constant 0 : i32
    %dma_wait3A_200 = tpu.memref_slice %arg8[%dma_wait3A_197, %dma_wait3A_198, %dma_wait3A_199] : memref<2x6x128xi32, #tpu.memory_space<vmem>> -> memref<1x1x128xi32, #tpu.memory_space<vmem>>
    %dma_wait3A_201 = tpu.memref_squeeze %dma_wait3A_200 : memref<1x1x128xi32, #tpu.memory_space<vmem>> -> memref<128xi32, #tpu.memory_space<vmem>>
    %dma_wait3A_202 = tpu.memref_slice %arg4[%add3A_186] : memref<320000xi32, #tpu.memory_space<hbm>> -> memref<128xi32, #tpu.memory_space<hbm>>
    %dma_wait3A_203 = arith.constant 0 : i32
    %dma_wait3A_204 = tpu.memref_slice %arg8[%dma_wait3A_197, %dma_wait3A_198, %dma_wait3A_203] : memref<2x6x128xi32, #tpu.memory_space<vmem>> -> memref<1x1x128xi32, #tpu.memory_space<vmem>>
    %dma_wait3A_205 = tpu.memref_squeeze %dma_wait3A_204 : memref<1x1x128xi32, #tpu.memory_space<vmem>> -> memref<128xi32, #tpu.memory_space<vmem>>
    %dma_wait3A_206 = tpu.memref_slice %arg4[%add3A_186] : memref<320000xi32, #tpu.memory_space<hbm>> -> memref<128xi32, #tpu.memory_space<hbm>>
    tpu.wait_dma2 semaphore(%arg14 : memref<!tpu.dma_semaphore, #tpu.memory_space<semaphore_mem>>) src(%dma_wait3A_206 : memref<128xi32, #tpu.memory_space<hbm>>) dst(%dma_wait3A_205 : memref<128xi32, #tpu.memory_space<vmem>>)
    %add3A_207 = arith.constant 256 : i32
    %add3A_208 = arith.addi %mul3A_2, %add3A_207 : i32
    %dma_wait3A_209 = arith.constant 0 : i32
    %dma_wait3A_210 = arith.constant 2 : i32
    %dma_wait3A_211 = arith.constant 0 : i32
    %dma_wait3A_212 = tpu.memref_slice %arg7[%dma_wait3A_209, %dma_wait3A_210, %dma_wait3A_211] : memref<2x6x128xi32, #tpu.memory_space<vmem>> -> memref<1x1x128xi32, #tpu.memory_space<vmem>>
    %dma_wait3A_213 = tpu.memref_squeeze %dma_wait3A_212 : memref<1x1x128xi32, #tpu.memory_space<vmem>> -> memref<128xi32, #tpu.memory_space<vmem>>
    %dma_wait3A_214 = tpu.memref_slice %arg3[%add3A_208] : memref<320000xi32, #tpu.memory_space<hbm>> -> memref<128xi32, #tpu.memory_space<hbm>>
    %dma_wait3A_215 = arith.constant 0 : i32
    %dma_wait3A_216 = tpu.memref_slice %arg7[%dma_wait3A_209, %dma_wait3A_210, %dma_wait3A_215] : memref<2x6x128xi32, #tpu.memory_space<vmem>> -> memref<1x1x128xi32, #tpu.memory_space<vmem>>
    %dma_wait3A_217 = tpu.memref_squeeze %dma_wait3A_216 : memref<1x1x128xi32, #tpu.memory_space<vmem>> -> memref<128xi32, #tpu.memory_space<vmem>>
    %dma_wait3A_218 = tpu.memref_slice %arg3[%add3A_208] : memref<320000xi32, #tpu.memory_space<hbm>> -> memref<128xi32, #tpu.memory_space<hbm>>
    tpu.wait_dma2 semaphore(%arg14 : memref<!tpu.dma_semaphore, #tpu.memory_space<semaphore_mem>>) src(%dma_wait3A_218 : memref<128xi32, #tpu.memory_space<hbm>>) dst(%dma_wait3A_217 : memref<128xi32, #tpu.memory_space<vmem>>)
    %dma_wait3A_219 = arith.constant 0 : i32
    %dma_wait3A_220 = arith.constant 2 : i32
    %dma_wait3A_221 = arith.constant 0 : i32
    %dma_wait3A_222 = tpu.memref_slice %arg8[%dma_wait3A_219, %dma_wait3A_220, %dma_wait3A_221] : memref<2x6x128xi32, #tpu.memory_space<vmem>> -> memref<1x1x128xi32, #tpu.memory_space<vmem>>
    %dma_wait3A_223 = tpu.memref_squeeze %dma_wait3A_222 : memref<1x1x128xi32, #tpu.memory_space<vmem>> -> memref<128xi32, #tpu.memory_space<vmem>>
    %dma_wait3A_224 = tpu.memref_slice %arg4[%add3A_208] : memref<320000xi32, #tpu.memory_space<hbm>> -> memref<128xi32, #tpu.memory_space<hbm>>
    %dma_wait3A_225 = arith.constant 0 : i32
    %dma_wait3A_226 = tpu.memref_slice %arg8[%dma_wait3A_219, %dma_wait3A_220, %dma_wait3A_225] : memref<2x6x128xi32, #tpu.memory_space<vmem>> -> memref<1x1x128xi32, #tpu.memory_space<vmem>>
    %dma_wait3A_227 = tpu.memref_squeeze %dma_wait3A_226 : memref<1x1x128xi32, #tpu.memory_space<vmem>> -> memref<128xi32, #tpu.memory_space<vmem>>
    %dma_wait3A_228 = tpu.memref_slice %arg4[%add3A_208] : memref<320000xi32, #tpu.memory_space<hbm>> -> memref<128xi32, #tpu.memory_space<hbm>>
    tpu.wait_dma2 semaphore(%arg14 : memref<!tpu.dma_semaphore, #tpu.memory_space<semaphore_mem>>) src(%dma_wait3A_228 : memref<128xi32, #tpu.memory_space<hbm>>) dst(%dma_wait3A_227 : memref<128xi32, #tpu.memory_space<vmem>>)
    %add3A_229 = arith.constant 384 : i32
    %add3A_230 = arith.addi %mul3A_2, %add3A_229 : i32
    %dma_wait3A_231 = arith.constant 0 : i32
    %dma_wait3A_232 = arith.constant 3 : i32
    %dma_wait3A_233 = arith.constant 0 : i32
    %dma_wait3A_234 = tpu.memref_slice %arg7[%dma_wait3A_231, %dma_wait3A_232, %dma_wait3A_233] : memref<2x6x128xi32, #tpu.memory_space<vmem>> -> memref<1x1x128xi32, #tpu.memory_space<vmem>>
    %dma_wait3A_235 = tpu.memref_squeeze %dma_wait3A_234 : memref<1x1x128xi32, #tpu.memory_space<vmem>> -> memref<128xi32, #tpu.memory_space<vmem>>
    %dma_wait3A_236 = tpu.memref_slice %arg3[%add3A_230] : memref<320000xi32, #tpu.memory_space<hbm>> -> memref<128xi32, #tpu.memory_space<hbm>>
    %dma_wait3A_237 = arith.constant 0 : i32
    %dma_wait3A_238 = tpu.memref_slice %arg7[%dma_wait3A_231, %dma_wait3A_232, %dma_wait3A_237] : memref<2x6x128xi32, #tpu.memory_space<vmem>> -> memref<1x1x128xi32, #tpu.memory_space<vmem>>
    %dma_wait3A_239 = tpu.memref_squeeze %dma_wait3A_238 : memref<1x1x128xi32, #tpu.memory_space<vmem>> -> memref<128xi32, #tpu.memory_space<vmem>>
    %dma_wait3A_240 = tpu.memref_slice %arg3[%add3A_230] : memref<320000xi32, #tpu.memory_space<hbm>> -> memref<128xi32, #tpu.memory_space<hbm>>
    tpu.wait_dma2 semaphore(%arg14 : memref<!tpu.dma_semaphore, #tpu.memory_space<semaphore_mem>>) src(%dma_wait3A_240 : memref<128xi32, #tpu.memory_space<hbm>>) dst(%dma_wait3A_239 : memref<128xi32, #tpu.memory_space<vmem>>)
    %dma_wait3A_241 = arith.constant 0 : i32
    %dma_wait3A_242 = arith.constant 3 : i32
    %dma_wait3A_243 = arith.constant 0 : i32
    %dma_wait3A_244 = tpu.memref_slice %arg8[%dma_wait3A_241, %dma_wait3A_242, %dma_wait3A_243] : memref<2x6x128xi32, #tpu.memory_space<vmem>> -> memref<1x1x128xi32, #tpu.memory_space<vmem>>
    %dma_wait3A_245 = tpu.memref_squeeze %dma_wait3A_244 : memref<1x1x128xi32, #tpu.memory_space<vmem>> -> memref<128xi32, #tpu.memory_space<vmem>>
    %dma_wait3A_246 = tpu.memref_slice %arg4[%add3A_230] : memref<320000xi32, #tpu.memory_space<hbm>> -> memref<128xi32, #tpu.memory_space<hbm>>
    %dma_wait3A_247 = arith.constant 0 : i32
    %dma_wait3A_248 = tpu.memref_slice %arg8[%dma_wait3A_241, %dma_wait3A_242, %dma_wait3A_247] : memref<2x6x128xi32, #tpu.memory_space<vmem>> -> memref<1x1x128xi32, #tpu.memory_space<vmem>>
    %dma_wait3A_249 = tpu.memref_squeeze %dma_wait3A_248 : memref<1x1x128xi32, #tpu.memory_space<vmem>> -> memref<128xi32, #tpu.memory_space<vmem>>
    %dma_wait3A_250 = tpu.memref_slice %arg4[%add3A_230] : memref<320000xi32, #tpu.memory_space<hbm>> -> memref<128xi32, #tpu.memory_space<hbm>>
    tpu.wait_dma2 semaphore(%arg14 : memref<!tpu.dma_semaphore, #tpu.memory_space<semaphore_mem>>) src(%dma_wait3A_250 : memref<128xi32, #tpu.memory_space<hbm>>) dst(%dma_wait3A_249 : memref<128xi32, #tpu.memory_space<vmem>>)
    %add3A_251 = arith.constant 512 : i32
    %add3A_252 = arith.addi %mul3A_2, %add3A_251 : i32
    %dma_wait3A_253 = arith.constant 0 : i32
    %dma_wait3A_254 = arith.constant 4 : i32
    %dma_wait3A_255 = arith.constant 0 : i32
    %dma_wait3A_256 = tpu.memref_slice %arg7[%dma_wait3A_253, %dma_wait3A_254, %dma_wait3A_255] : memref<2x6x128xi32, #tpu.memory_space<vmem>> -> memref<1x1x128xi32, #tpu.memory_space<vmem>>
    %dma_wait3A_257 = tpu.memref_squeeze %dma_wait3A_256 : memref<1x1x128xi32, #tpu.memory_space<vmem>> -> memref<128xi32, #tpu.memory_space<vmem>>
    %dma_wait3A_258 = tpu.memref_slice %arg3[%add3A_252] : memref<320000xi32, #tpu.memory_space<hbm>> -> memref<128xi32, #tpu.memory_space<hbm>>
    %dma_wait3A_259 = arith.constant 0 : i32
    %dma_wait3A_260 = tpu.memref_slice %arg7[%dma_wait3A_253, %dma_wait3A_254, %dma_wait3A_259] : memref<2x6x128xi32, #tpu.memory_space<vmem>> -> memref<1x1x128xi32, #tpu.memory_space<vmem>>
    %dma_wait3A_261 = tpu.memref_squeeze %dma_wait3A_260 : memref<1x1x128xi32, #tpu.memory_space<vmem>> -> memref<128xi32, #tpu.memory_space<vmem>>
    %dma_wait3A_262 = tpu.memref_slice %arg3[%add3A_252] : memref<320000xi32, #tpu.memory_space<hbm>> -> memref<128xi32, #tpu.memory_space<hbm>>
    tpu.wait_dma2 semaphore(%arg14 : memref<!tpu.dma_semaphore, #tpu.memory_space<semaphore_mem>>) src(%dma_wait3A_262 : memref<128xi32, #tpu.memory_space<hbm>>) dst(%dma_wait3A_261 : memref<128xi32, #tpu.memory_space<vmem>>)
    %dma_wait3A_263 = arith.constant 0 : i32
    %dma_wait3A_264 = arith.constant 4 : i32
    %dma_wait3A_265 = arith.constant 0 : i32
    %dma_wait3A_266 = tpu.memref_slice %arg8[%dma_wait3A_263, %dma_wait3A_264, %dma_wait3A_265] : memref<2x6x128xi32, #tpu.memory_space<vmem>> -> memref<1x1x128xi32, #tpu.memory_space<vmem>>
    %dma_wait3A_267 = tpu.memref_squeeze %dma_wait3A_266 : memref<1x1x128xi32, #tpu.memory_space<vmem>> -> memref<128xi32, #tpu.memory_space<vmem>>
    %dma_wait3A_268 = tpu.memref_slice %arg4[%add3A_252] : memref<320000xi32, #tpu.memory_space<hbm>> -> memref<128xi32, #tpu.memory_space<hbm>>
    %dma_wait3A_269 = arith.constant 0 : i32
    %dma_wait3A_270 = tpu.memref_slice %arg8[%dma_wait3A_263, %dma_wait3A_264, %dma_wait3A_269] : memref<2x6x128xi32, #tpu.memory_space<vmem>> -> memref<1x1x128xi32, #tpu.memory_space<vmem>>
    %dma_wait3A_271 = tpu.memref_squeeze %dma_wait3A_270 : memref<1x1x128xi32, #tpu.memory_space<vmem>> -> memref<128xi32, #tpu.memory_space<vmem>>
    %dma_wait3A_272 = tpu.memref_slice %arg4[%add3A_252] : memref<320000xi32, #tpu.memory_space<hbm>> -> memref<128xi32, #tpu.memory_space<hbm>>
    tpu.wait_dma2 semaphore(%arg14 : memref<!tpu.dma_semaphore, #tpu.memory_space<semaphore_mem>>) src(%dma_wait3A_272 : memref<128xi32, #tpu.memory_space<hbm>>) dst(%dma_wait3A_271 : memref<128xi32, #tpu.memory_space<vmem>>)
    %add3A_273 = arith.constant 640 : i32
    %add3A_274 = arith.addi %mul3A_2, %add3A_273 : i32
    %dma_wait3A_275 = arith.constant 0 : i32
    %dma_wait3A_276 = arith.constant 5 : i32
    %dma_wait3A_277 = arith.constant 0 : i32
    %dma_wait3A_278 = tpu.memref_slice %arg7[%dma_wait3A_275, %dma_wait3A_276, %dma_wait3A_277] : memref<2x6x128xi32, #tpu.memory_space<vmem>> -> memref<1x1x128xi32, #tpu.memory_space<vmem>>
    %dma_wait3A_279 = tpu.memref_squeeze %dma_wait3A_278 : memref<1x1x128xi32, #tpu.memory_space<vmem>> -> memref<128xi32, #tpu.memory_space<vmem>>
    %dma_wait3A_280 = tpu.memref_slice %arg3[%add3A_274] : memref<320000xi32, #tpu.memory_space<hbm>> -> memref<128xi32, #tpu.memory_space<hbm>>
    %dma_wait3A_281 = arith.constant 0 : i32
    %dma_wait3A_282 = tpu.memref_slice %arg7[%dma_wait3A_275, %dma_wait3A_276, %dma_wait3A_281] : memref<2x6x128xi32, #tpu.memory_space<vmem>> -> memref<1x1x128xi32, #tpu.memory_space<vmem>>
    %dma_wait3A_283 = tpu.memref_squeeze %dma_wait3A_282 : memref<1x1x128xi32, #tpu.memory_space<vmem>> -> memref<128xi32, #tpu.memory_space<vmem>>
    %dma_wait3A_284 = tpu.memref_slice %arg3[%add3A_274] : memref<320000xi32, #tpu.memory_space<hbm>> -> memref<128xi32, #tpu.memory_space<hbm>>
    tpu.wait_dma2 semaphore(%arg14 : memref<!tpu.dma_semaphore, #tpu.memory_space<semaphore_mem>>) src(%dma_wait3A_284 : memref<128xi32, #tpu.memory_space<hbm>>) dst(%dma_wait3A_283 : memref<128xi32, #tpu.memory_space<vmem>>)
    %dma_wait3A_285 = arith.constant 0 : i32
    %dma_wait3A_286 = arith.constant 5 : i32
    %dma_wait3A_287 = arith.constant 0 : i32
    %dma_wait3A_288 = tpu.memref_slice %arg8[%dma_wait3A_285, %dma_wait3A_286, %dma_wait3A_287] : memref<2x6x128xi32, #tpu.memory_space<vmem>> -> memref<1x1x128xi32, #tpu.memory_space<vmem>>
    %dma_wait3A_289 = tpu.memref_squeeze %dma_wait3A_288 : memref<1x1x128xi32, #tpu.memory_space<vmem>> -> memref<128xi32, #tpu.memory_space<vmem>>
    %dma_wait3A_290 = tpu.memref_slice %arg4[%add3A_274] : memref<320000xi32, #tpu.memory_space<hbm>> -> memref<128xi32, #tpu.memory_space<hbm>>
    %dma_wait3A_291 = arith.constant 0 : i32
    %dma_wait3A_292 = tpu.memref_slice %arg8[%dma_wait3A_285, %dma_wait3A_286, %dma_wait3A_291] : memref<2x6x128xi32, #tpu.memory_space<vmem>> -> memref<1x1x128xi32, #tpu.memory_space<vmem>>
    %dma_wait3A_293 = tpu.memref_squeeze %dma_wait3A_292 : memref<1x1x128xi32, #tpu.memory_space<vmem>> -> memref<128xi32, #tpu.memory_space<vmem>>
    %dma_wait3A_294 = tpu.memref_slice %arg4[%add3A_274] : memref<320000xi32, #tpu.memory_space<hbm>> -> memref<128xi32, #tpu.memory_space<hbm>>
    tpu.wait_dma2 semaphore(%arg14 : memref<!tpu.dma_semaphore, #tpu.memory_space<semaphore_mem>>) src(%dma_wait3A_294 : memref<128xi32, #tpu.memory_space<hbm>>) dst(%dma_wait3A_293 : memref<128xi32, #tpu.memory_space<vmem>>)
    %add3A_295 = arith.constant 9984 : i32
    %add3A_296 = arith.addi %mul3A_2, %add3A_295 : i32
    %dma_wait3A_297 = arith.constant 0 : i32
    %dma_wait3A_298 = arith.constant 0 : i32
    %dma_wait3A_299 = tpu.memref_slice %arg9[%dma_wait3A_297, %dma_wait3A_298] : memref<1x16xi32, #tpu.memory_space<vmem>> -> memref<1x16xi32, #tpu.memory_space<vmem>>
    %dma_wait3A_300 = tpu.memref_squeeze %dma_wait3A_299 : memref<1x16xi32, #tpu.memory_space<vmem>> -> memref<16xi32, #tpu.memory_space<vmem>>
    %dma_wait3A_301 = tpu.memref_slice %arg3[%add3A_296] : memref<320000xi32, #tpu.memory_space<hbm>> -> memref<16xi32, #tpu.memory_space<hbm>>
    %dma_wait3A_302 = arith.constant 0 : i32
    %dma_wait3A_303 = tpu.memref_slice %arg9[%dma_wait3A_297, %dma_wait3A_302] : memref<1x16xi32, #tpu.memory_space<vmem>> -> memref<1x16xi32, #tpu.memory_space<vmem>>
    %dma_wait3A_304 = tpu.memref_squeeze %dma_wait3A_303 : memref<1x16xi32, #tpu.memory_space<vmem>> -> memref<16xi32, #tpu.memory_space<vmem>>
    %dma_wait3A_305 = tpu.memref_slice %arg3[%add3A_296] : memref<320000xi32, #tpu.memory_space<hbm>> -> memref<16xi32, #tpu.memory_space<hbm>>
    tpu.wait_dma2 semaphore(%arg14 : memref<!tpu.dma_semaphore, #tpu.memory_space<semaphore_mem>>) src(%dma_wait3A_305 : memref<16xi32, #tpu.memory_space<hbm>>) dst(%dma_wait3A_304 : memref<16xi32, #tpu.memory_space<vmem>>)
    %add3A_306 = arith.constant 9984 : i32
    %add3A_307 = arith.addi %mul3A_2, %add3A_306 : i32
    %dma_wait3A_308 = arith.constant 0 : i32
    %dma_wait3A_309 = arith.constant 0 : i32
    %dma_wait3A_310 = tpu.memref_slice %arg10[%dma_wait3A_308, %dma_wait3A_309] : memref<1x16xi32, #tpu.memory_space<vmem>> -> memref<1x16xi32, #tpu.memory_space<vmem>>
    %dma_wait3A_311 = tpu.memref_squeeze %dma_wait3A_310 : memref<1x16xi32, #tpu.memory_space<vmem>> -> memref<16xi32, #tpu.memory_space<vmem>>
    %dma_wait3A_312 = tpu.memref_slice %arg4[%add3A_307] : memref<320000xi32, #tpu.memory_space<hbm>> -> memref<16xi32, #tpu.memory_space<hbm>>
    %dma_wait3A_313 = arith.constant 0 : i32
    %dma_wait3A_314 = tpu.memref_slice %arg10[%dma_wait3A_308, %dma_wait3A_313] : memref<1x16xi32, #tpu.memory_space<vmem>> -> memref<1x16xi32, #tpu.memory_space<vmem>>
    %dma_wait3A_315 = tpu.memref_squeeze %dma_wait3A_314 : memref<1x16xi32, #tpu.memory_space<vmem>> -> memref<16xi32, #tpu.memory_space<vmem>>
    %dma_wait3A_316 = tpu.memref_slice %arg4[%add3A_307] : memref<320000xi32, #tpu.memory_space<hbm>> -> memref<16xi32, #tpu.memory_space<hbm>>
    tpu.wait_dma2 semaphore(%arg14 : memref<!tpu.dma_semaphore, #tpu.memory_space<semaphore_mem>>) src(%dma_wait3A_316 : memref<16xi32, #tpu.memory_space<hbm>>) dst(%dma_wait3A_315 : memref<16xi32, #tpu.memory_space<vmem>>)
    %dma_wait3A_317 = arith.constant 0 : i32
    %dma_wait3A_318 = tpu.memref_slice %arg12[%mul3A_6, %dma_wait3A_317] : memref<10112x128xf32, #tpu.memory_space<vmem_shared>> -> memref<632x128xf32, #tpu.memory_space<vmem_shared>>
    %dma_wait3A_319 = arith.constant 0 : i32
    %dma_wait3A_320 = tpu.memref_slice %arg5[%mul3A_4, %dma_wait3A_319] : memref<10112x128xf32, #tpu.memory_space<hbm>> -> memref<632x128xf32, #tpu.memory_space<hbm>>
    tpu.wait_dma2 semaphore(%arg16 : memref<!tpu.dma_semaphore, #tpu.memory_space<semaphore_mem>>) src(%dma_wait3A_320 : memref<632x128xf32, #tpu.memory_space<hbm>>) dst(%dma_wait3A_318 : memref<632x128xf32, #tpu.memory_space<vmem_shared>>)
    %barrier3A = arith.constant 0 : index
    tpu.barrier barrier_id(%barrier3A)
    %dma_start3A_321 = arith.constant 0 : i32
    %dma_start3A_322 = arith.constant 0 : i32
    %dma_start3A_323 = arith.constant 0 : i32
    %dma_start3A_324 = arith.constant 0 : i32
    %dma_start3A_325 = arith.constant 0 : i32
    %dma_start3A_326 = tpu.memref_slice %arg11[%dma_start3A_323, %dma_start3A_324, %dma_start3A_325] : memref<2x128x128xf32, #tpu.memory_space<vmem>> -> memref<1x128x128xf32, #tpu.memory_space<vmem>>
    %dma_start3A_327 = tpu.memref_squeeze %dma_start3A_326 : memref<1x128x128xf32, #tpu.memory_space<vmem>> -> memref<128x128xf32, #tpu.memory_space<vmem>>
    %dma_start3A_328 = arith.constant 0 : i32
    %dma_start3A_329 = tpu.memref_slice %arg7[%dma_start3A_321, %dma_start3A_322, %dma_start3A_328] : memref<2x6x128xi32, #tpu.memory_space<vmem>> -> memref<1x1x128xi32, #tpu.memory_space<vmem>>
    %dma_start3A_330 = tpu.memref_squeeze %dma_start3A_329 : memref<1x1x128xi32, #tpu.memory_space<vmem>> -> memref<128xi32, #tpu.memory_space<vmem>>
    %dma_start3A_331 = arith.constant 0 : i32
    %dma_start3A_332 = arith.constant 0 : i32
    %dma_start3A_333 = tpu.memref_slice %arg2[%dma_start3A_331, %dma_start3A_332] : memref<10000x128xf32, #tpu.memory_space<hbm>> -> memref<10000x128xf32, #tpu.memory_space<hbm>>
    tpu.enqueue_indirect_dma source(%dma_start3A_333 : memref<10000x128xf32, #tpu.memory_space<hbm>>) target(%dma_start3A_327 : memref<128x128xf32, #tpu.memory_space<vmem>>) offsets(%dma_start3A_330 : memref<128xi32, #tpu.memory_space<vmem>>) semaphore(%arg13 : memref<!tpu.dma_semaphore, #tpu.memory_space<semaphore_mem>>)
    %scan3A = arith.constant 0 : i32
    %scan3A_334 = arith.constant 0 : i32
    %scan3A_335 = arith.constant 6 : i32
    %scan3A_336 = arith.addi %scan3A_334, %scan3A_335 : i32
    %scan3A_337 = arith.constant 1 : i32
    scf.for %scan3A_679 = %scan3A_334 to %scan3A_336 step %scan3A_337  : i32 {
      %mul3A_680 = arith.constant 2 : i32
      %mul3A_681 = arith.muli %scan3A_679, %mul3A_680 : i32
      %add3A_682 = arith.constant 1 : i32
      %add3A_683 = arith.addi %mul3A_681, %add3A_682 : i32
      %mul3A_684 = arith.constant 6 : i32
      %mul3A_685 = arith.muli %add3A_683, %mul3A_684 : i32
      %add3A_686 = arith.constant 0 : i32
      %add3A_687 = arith.addi %mul3A_685, %add3A_686 : i32
      %mul3A_688 = arith.constant 128 : i32
      %mul3A_689 = arith.muli %add3A_687, %mul3A_688 : i32
      %add3A_690 = arith.addi %mul3A_2, %mul3A_689 : i32
      %dma_start3A_691 = arith.constant 1 : i32
      %dma_start3A_692 = arith.constant 0 : i32
      %dma_start3A_693 = arith.constant 0 : i32
      %dma_start3A_694 = tpu.memref_slice %arg7[%dma_start3A_691, %dma_start3A_692, %dma_start3A_693] : memref<2x6x128xi32, #tpu.memory_space<vmem>> -> memref<1x1x128xi32, #tpu.memory_space<vmem>>
      %dma_start3A_695 = tpu.memref_squeeze %dma_start3A_694 : memref<1x1x128xi32, #tpu.memory_space<vmem>> -> memref<128xi32, #tpu.memory_space<vmem>>
      %dma_start3A_696 = tpu.memref_slice %arg3[%add3A_690] : memref<320000xi32, #tpu.memory_space<hbm>> -> memref<128xi32, #tpu.memory_space<hbm>>
      %dma_start3A_697 = arith.constant 0 : i32
      %dma_start3A_698 = tpu.memref_slice %arg7[%dma_start3A_691, %dma_start3A_692, %dma_start3A_697] : memref<2x6x128xi32, #tpu.memory_space<vmem>> -> memref<1x1x128xi32, #tpu.memory_space<vmem>>
      %dma_start3A_699 = tpu.memref_squeeze %dma_start3A_698 : memref<1x1x128xi32, #tpu.memory_space<vmem>> -> memref<128xi32, #tpu.memory_space<vmem>>
      %dma_start3A_700 = tpu.memref_slice %arg3[%add3A_690] : memref<320000xi32, #tpu.memory_space<hbm>> -> memref<128xi32, #tpu.memory_space<hbm>>
      tpu.enqueue_dma source(%dma_start3A_700 : memref<128xi32, #tpu.memory_space<hbm>>) target(%dma_start3A_699 : memref<128xi32, #tpu.memory_space<vmem>>) target_semaphore(%arg14 : memref<!tpu.dma_semaphore, #tpu.memory_space<semaphore_mem>>)
      %dma_start3A_701 = arith.constant 1 : i32
      %dma_start3A_702 = arith.constant 0 : i32
      %dma_start3A_703 = arith.constant 0 : i32
      %dma_start3A_704 = tpu.memref_slice %arg8[%dma_start3A_701, %dma_start3A_702, %dma_start3A_703] : memref<2x6x128xi32, #tpu.memory_space<vmem>> -> memref<1x1x128xi32, #tpu.memory_space<vmem>>
      %dma_start3A_705 = tpu.memref_squeeze %dma_start3A_704 : memref<1x1x128xi32, #tpu.memory_space<vmem>> -> memref<128xi32, #tpu.memory_space<vmem>>
      %dma_start3A_706 = tpu.memref_slice %arg4[%add3A_690] : memref<320000xi32, #tpu.memory_space<hbm>> -> memref<128xi32, #tpu.memory_space<hbm>>
      %dma_start3A_707 = arith.constant 0 : i32
      %dma_start3A_708 = tpu.memref_slice %arg8[%dma_start3A_701, %dma_start3A_702, %dma_start3A_707] : memref<2x6x128xi32, #tpu.memory_space<vmem>> -> memref<1x1x128xi32, #tpu.memory_space<vmem>>
      %dma_start3A_709 = tpu.memref_squeeze %dma_start3A_708 : memref<1x1x128xi32, #tpu.memory_space<vmem>> -> memref<128xi32, #tpu.memory_space<vmem>>
      %dma_start3A_710 = tpu.memref_slice %arg4[%add3A_690] : memref<320000xi32, #tpu.memory_space<hbm>> -> memref<128xi32, #tpu.memory_space<hbm>>
      tpu.enqueue_dma source(%dma_start3A_710 : memref<128xi32, #tpu.memory_space<hbm>>) target(%dma_start3A_709 : memref<128xi32, #tpu.memory_space<vmem>>) target_semaphore(%arg14 : memref<!tpu.dma_semaphore, #tpu.memory_space<semaphore_mem>>)
      %mul3A_711 = arith.constant 6 : i32
      %mul3A_712 = arith.muli %add3A_683, %mul3A_711 : i32
      %add3A_713 = arith.constant 1 : i32
      %add3A_714 = arith.addi %mul3A_712, %add3A_713 : i32
      %mul3A_715 = arith.constant 128 : i32
      %mul3A_716 = arith.muli %add3A_714, %mul3A_715 : i32
      %add3A_717 = arith.addi %mul3A_2, %mul3A_716 : i32
      %dma_start3A_718 = arith.constant 1 : i32
      %dma_start3A_719 = arith.constant 1 : i32
      %dma_start3A_720 = arith.constant 0 : i32
      %dma_start3A_721 = tpu.memref_slice %arg7[%dma_start3A_718, %dma_start3A_719, %dma_start3A_720] : memref<2x6x128xi32, #tpu.memory_space<vmem>> -> memref<1x1x128xi32, #tpu.memory_space<vmem>>
      %dma_start3A_722 = tpu.memref_squeeze %dma_start3A_721 : memref<1x1x128xi32, #tpu.memory_space<vmem>> -> memref<128xi32, #tpu.memory_space<vmem>>
      %dma_start3A_723 = tpu.memref_slice %arg3[%add3A_717] : memref<320000xi32, #tpu.memory_space<hbm>> -> memref<128xi32, #tpu.memory_space<hbm>>
      %dma_start3A_724 = arith.constant 0 : i32
      %dma_start3A_725 = tpu.memref_slice %arg7[%dma_start3A_718, %dma_start3A_719, %dma_start3A_724] : memref<2x6x128xi32, #tpu.memory_space<vmem>> -> memref<1x1x128xi32, #tpu.memory_space<vmem>>
      %dma_start3A_726 = tpu.memref_squeeze %dma_start3A_725 : memref<1x1x128xi32, #tpu.memory_space<vmem>> -> memref<128xi32, #tpu.memory_space<vmem>>
      %dma_start3A_727 = tpu.memref_slice %arg3[%add3A_717] : memref<320000xi32, #tpu.memory_space<hbm>> -> memref<128xi32, #tpu.memory_space<hbm>>
      tpu.enqueue_dma source(%dma_start3A_727 : memref<128xi32, #tpu.memory_space<hbm>>) target(%dma_start3A_726 : memref<128xi32, #tpu.memory_space<vmem>>) target_semaphore(%arg14 : memref<!tpu.dma_semaphore, #tpu.memory_space<semaphore_mem>>)
      %dma_start3A_728 = arith.constant 1 : i32
      %dma_start3A_729 = arith.constant 1 : i32
      %dma_start3A_730 = arith.constant 0 : i32
      %dma_start3A_731 = tpu.memref_slice %arg8[%dma_start3A_728, %dma_start3A_729, %dma_start3A_730] : memref<2x6x128xi32, #tpu.memory_space<vmem>> -> memref<1x1x128xi32, #tpu.memory_space<vmem>>
      %dma_start3A_732 = tpu.memref_squeeze %dma_start3A_731 : memref<1x1x128xi32, #tpu.memory_space<vmem>> -> memref<128xi32, #tpu.memory_space<vmem>>
      %dma_start3A_733 = tpu.memref_slice %arg4[%add3A_717] : memref<320000xi32, #tpu.memory_space<hbm>> -> memref<128xi32, #tpu.memory_space<hbm>>
      %dma_start3A_734 = arith.constant 0 : i32
      %dma_start3A_735 = tpu.memref_slice %arg8[%dma_start3A_728, %dma_start3A_729, %dma_start3A_734] : memref<2x6x128xi32, #tpu.memory_space<vmem>> -> memref<1x1x128xi32, #tpu.memory_space<vmem>>
      %dma_start3A_736 = tpu.memref_squeeze %dma_start3A_735 : memref<1x1x128xi32, #tpu.memory_space<vmem>> -> memref<128xi32, #tpu.memory_space<vmem>>
      %dma_start3A_737 = tpu.memref_slice %arg4[%add3A_717] : memref<320000xi32, #tpu.memory_space<hbm>> -> memref<128xi32, #tpu.memory_space<hbm>>
      tpu.enqueue_dma source(%dma_start3A_737 : memref<128xi32, #tpu.memory_space<hbm>>) target(%dma_start3A_736 : memref<128xi32, #tpu.memory_space<vmem>>) target_semaphore(%arg14 : memref<!tpu.dma_semaphore, #tpu.memory_space<semaphore_mem>>)
      %mul3A_738 = arith.constant 6 : i32
      %mul3A_739 = arith.muli %add3A_683, %mul3A_738 : i32
      %add3A_740 = arith.constant 2 : i32
      %add3A_741 = arith.addi %mul3A_739, %add3A_740 : i32
      %mul3A_742 = arith.constant 128 : i32
      %mul3A_743 = arith.muli %add3A_741, %mul3A_742 : i32
      %add3A_744 = arith.addi %mul3A_2, %mul3A_743 : i32
      %dma_start3A_745 = arith.constant 1 : i32
      %dma_start3A_746 = arith.constant 2 : i32
      %dma_start3A_747 = arith.constant 0 : i32
      %dma_start3A_748 = tpu.memref_slice %arg7[%dma_start3A_745, %dma_start3A_746, %dma_start3A_747] : memref<2x6x128xi32, #tpu.memory_space<vmem>> -> memref<1x1x128xi32, #tpu.memory_space<vmem>>
      %dma_start3A_749 = tpu.memref_squeeze %dma_start3A_748 : memref<1x1x128xi32, #tpu.memory_space<vmem>> -> memref<128xi32, #tpu.memory_space<vmem>>
      %dma_start3A_750 = tpu.memref_slice %arg3[%add3A_744] : memref<320000xi32, #tpu.memory_space<hbm>> -> memref<128xi32, #tpu.memory_space<hbm>>
      %dma_start3A_751 = arith.constant 0 : i32
      %dma_start3A_752 = tpu.memref_slice %arg7[%dma_start3A_745, %dma_start3A_746, %dma_start3A_751] : memref<2x6x128xi32, #tpu.memory_space<vmem>> -> memref<1x1x128xi32, #tpu.memory_space<vmem>>
      %dma_start3A_753 = tpu.memref_squeeze %dma_start3A_752 : memref<1x1x128xi32, #tpu.memory_space<vmem>> -> memref<128xi32, #tpu.memory_space<vmem>>
      %dma_start3A_754 = tpu.memref_slice %arg3[%add3A_744] : memref<320000xi32, #tpu.memory_space<hbm>> -> memref<128xi32, #tpu.memory_space<hbm>>
      tpu.enqueue_dma source(%dma_start3A_754 : memref<128xi32, #tpu.memory_space<hbm>>) target(%dma_start3A_753 : memref<128xi32, #tpu.memory_space<vmem>>) target_semaphore(%arg14 : memref<!tpu.dma_semaphore, #tpu.memory_space<semaphore_mem>>)
      %dma_start3A_755 = arith.constant 1 : i32
      %dma_start3A_756 = arith.constant 2 : i32
      %dma_start3A_757 = arith.constant 0 : i32
      %dma_start3A_758 = tpu.memref_slice %arg8[%dma_start3A_755, %dma_start3A_756, %dma_start3A_757] : memref<2x6x128xi32, #tpu.memory_space<vmem>> -> memref<1x1x128xi32, #tpu.memory_space<vmem>>
      %dma_start3A_759 = tpu.memref_squeeze %dma_start3A_758 : memref<1x1x128xi32, #tpu.memory_space<vmem>> -> memref<128xi32, #tpu.memory_space<vmem>>
      %dma_start3A_760 = tpu.memref_slice %arg4[%add3A_744] : memref<320000xi32, #tpu.memory_space<hbm>> -> memref<128xi32, #tpu.memory_space<hbm>>
      %dma_start3A_761 = arith.constant 0 : i32
      %dma_start3A_762 = tpu.memref_slice %arg8[%dma_start3A_755, %dma_start3A_756, %dma_start3A_761] : memref<2x6x128xi32, #tpu.memory_space<vmem>> -> memref<1x1x128xi32, #tpu.memory_space<vmem>>
      %dma_start3A_763 = tpu.memref_squeeze %dma_start3A_762 : memref<1x1x128xi32, #tpu.memory_space<vmem>> -> memref<128xi32, #tpu.memory_space<vmem>>
      %dma_start3A_764 = tpu.memref_slice %arg4[%add3A_744] : memref<320000xi32, #tpu.memory_space<hbm>> -> memref<128xi32, #tpu.memory_space<hbm>>
      tpu.enqueue_dma source(%dma_start3A_764 : memref<128xi32, #tpu.memory_space<hbm>>) target(%dma_start3A_763 : memref<128xi32, #tpu.memory_space<vmem>>) target_semaphore(%arg14 : memref<!tpu.dma_semaphore, #tpu.memory_space<semaphore_mem>>)
      %mul3A_765 = arith.constant 6 : i32
      %mul3A_766 = arith.muli %add3A_683, %mul3A_765 : i32
      %add3A_767 = arith.constant 3 : i32
      %add3A_768 = arith.addi %mul3A_766, %add3A_767 : i32
      %mul3A_769 = arith.constant 128 : i32
      %mul3A_770 = arith.muli %add3A_768, %mul3A_769 : i32
      %add3A_771 = arith.addi %mul3A_2, %mul3A_770 : i32
      %dma_start3A_772 = arith.constant 1 : i32
      %dma_start3A_773 = arith.constant 3 : i32
      %dma_start3A_774 = arith.constant 0 : i32
      %dma_start3A_775 = tpu.memref_slice %arg7[%dma_start3A_772, %dma_start3A_773, %dma_start3A_774] : memref<2x6x128xi32, #tpu.memory_space<vmem>> -> memref<1x1x128xi32, #tpu.memory_space<vmem>>
      %dma_start3A_776 = tpu.memref_squeeze %dma_start3A_775 : memref<1x1x128xi32, #tpu.memory_space<vmem>> -> memref<128xi32, #tpu.memory_space<vmem>>
      %dma_start3A_777 = tpu.memref_slice %arg3[%add3A_771] : memref<320000xi32, #tpu.memory_space<hbm>> -> memref<128xi32, #tpu.memory_space<hbm>>
      %dma_start3A_778 = arith.constant 0 : i32
      %dma_start3A_779 = tpu.memref_slice %arg7[%dma_start3A_772, %dma_start3A_773, %dma_start3A_778] : memref<2x6x128xi32, #tpu.memory_space<vmem>> -> memref<1x1x128xi32, #tpu.memory_space<vmem>>
      %dma_start3A_780 = tpu.memref_squeeze %dma_start3A_779 : memref<1x1x128xi32, #tpu.memory_space<vmem>> -> memref<128xi32, #tpu.memory_space<vmem>>
      %dma_start3A_781 = tpu.memref_slice %arg3[%add3A_771] : memref<320000xi32, #tpu.memory_space<hbm>> -> memref<128xi32, #tpu.memory_space<hbm>>
      tpu.enqueue_dma source(%dma_start3A_781 : memref<128xi32, #tpu.memory_space<hbm>>) target(%dma_start3A_780 : memref<128xi32, #tpu.memory_space<vmem>>) target_semaphore(%arg14 : memref<!tpu.dma_semaphore, #tpu.memory_space<semaphore_mem>>)
      %dma_start3A_782 = arith.constant 1 : i32
      %dma_start3A_783 = arith.constant 3 : i32
      %dma_start3A_784 = arith.constant 0 : i32
      %dma_start3A_785 = tpu.memref_slice %arg8[%dma_start3A_782, %dma_start3A_783, %dma_start3A_784] : memref<2x6x128xi32, #tpu.memory_space<vmem>> -> memref<1x1x128xi32, #tpu.memory_space<vmem>>
      %dma_start3A_786 = tpu.memref_squeeze %dma_start3A_785 : memref<1x1x128xi32, #tpu.memory_space<vmem>> -> memref<128xi32, #tpu.memory_space<vmem>>
      %dma_start3A_787 = tpu.memref_slice %arg4[%add3A_771] : memref<320000xi32, #tpu.memory_space<hbm>> -> memref<128xi32, #tpu.memory_space<hbm>>
      %dma_start3A_788 = arith.constant 0 : i32
      %dma_start3A_789 = tpu.memref_slice %arg8[%dma_start3A_782, %dma_start3A_783, %dma_start3A_788] : memref<2x6x128xi32, #tpu.memory_space<vmem>> -> memref<1x1x128xi32, #tpu.memory_space<vmem>>
      %dma_start3A_790 = tpu.memref_squeeze %dma_start3A_789 : memref<1x1x128xi32, #tpu.memory_space<vmem>> -> memref<128xi32, #tpu.memory_space<vmem>>
      %dma_start3A_791 = tpu.memref_slice %arg4[%add3A_771] : memref<320000xi32, #tpu.memory_space<hbm>> -> memref<128xi32, #tpu.memory_space<hbm>>
      tpu.enqueue_dma source(%dma_start3A_791 : memref<128xi32, #tpu.memory_space<hbm>>) target(%dma_start3A_790 : memref<128xi32, #tpu.memory_space<vmem>>) target_semaphore(%arg14 : memref<!tpu.dma_semaphore, #tpu.memory_space<semaphore_mem>>)
      %mul3A_792 = arith.constant 6 : i32
      %mul3A_793 = arith.muli %add3A_683, %mul3A_792 : i32
      %add3A_794 = arith.constant 4 : i32
      %add3A_795 = arith.addi %mul3A_793, %add3A_794 : i32
      %mul3A_796 = arith.constant 128 : i32
      %mul3A_797 = arith.muli %add3A_795, %mul3A_796 : i32
      %add3A_798 = arith.addi %mul3A_2, %mul3A_797 : i32
      %dma_start3A_799 = arith.constant 1 : i32
      %dma_start3A_800 = arith.constant 4 : i32
      %dma_start3A_801 = arith.constant 0 : i32
      %dma_start3A_802 = tpu.memref_slice %arg7[%dma_start3A_799, %dma_start3A_800, %dma_start3A_801] : memref<2x6x128xi32, #tpu.memory_space<vmem>> -> memref<1x1x128xi32, #tpu.memory_space<vmem>>
      %dma_start3A_803 = tpu.memref_squeeze %dma_start3A_802 : memref<1x1x128xi32, #tpu.memory_space<vmem>> -> memref<128xi32, #tpu.memory_space<vmem>>
      %dma_start3A_804 = tpu.memref_slice %arg3[%add3A_798] : memref<320000xi32, #tpu.memory_space<hbm>> -> memref<128xi32, #tpu.memory_space<hbm>>
      %dma_start3A_805 = arith.constant 0 : i32
      %dma_start3A_806 = tpu.memref_slice %arg7[%dma_start3A_799, %dma_start3A_800, %dma_start3A_805] : memref<2x6x128xi32, #tpu.memory_space<vmem>> -> memref<1x1x128xi32, #tpu.memory_space<vmem>>
      %dma_start3A_807 = tpu.memref_squeeze %dma_start3A_806 : memref<1x1x128xi32, #tpu.memory_space<vmem>> -> memref<128xi32, #tpu.memory_space<vmem>>
      %dma_start3A_808 = tpu.memref_slice %arg3[%add3A_798] : memref<320000xi32, #tpu.memory_space<hbm>> -> memref<128xi32, #tpu.memory_space<hbm>>
      tpu.enqueue_dma source(%dma_start3A_808 : memref<128xi32, #tpu.memory_space<hbm>>) target(%dma_start3A_807 : memref<128xi32, #tpu.memory_space<vmem>>) target_semaphore(%arg14 : memref<!tpu.dma_semaphore, #tpu.memory_space<semaphore_mem>>)
      %dma_start3A_809 = arith.constant 1 : i32
      %dma_start3A_810 = arith.constant 4 : i32
      %dma_start3A_811 = arith.constant 0 : i32
      %dma_start3A_812 = tpu.memref_slice %arg8[%dma_start3A_809, %dma_start3A_810, %dma_start3A_811] : memref<2x6x128xi32, #tpu.memory_space<vmem>> -> memref<1x1x128xi32, #tpu.memory_space<vmem>>
      %dma_start3A_813 = tpu.memref_squeeze %dma_start3A_812 : memref<1x1x128xi32, #tpu.memory_space<vmem>> -> memref<128xi32, #tpu.memory_space<vmem>>
      %dma_start3A_814 = tpu.memref_slice %arg4[%add3A_798] : memref<320000xi32, #tpu.memory_space<hbm>> -> memref<128xi32, #tpu.memory_space<hbm>>
      %dma_start3A_815 = arith.constant 0 : i32
      %dma_start3A_816 = tpu.memref_slice %arg8[%dma_start3A_809, %dma_start3A_810, %dma_start3A_815] : memref<2x6x128xi32, #tpu.memory_space<vmem>> -> memref<1x1x128xi32, #tpu.memory_space<vmem>>
      %dma_start3A_817 = tpu.memref_squeeze %dma_start3A_816 : memref<1x1x128xi32, #tpu.memory_space<vmem>> -> memref<128xi32, #tpu.memory_space<vmem>>
      %dma_start3A_818 = tpu.memref_slice %arg4[%add3A_798] : memref<320000xi32, #tpu.memory_space<hbm>> -> memref<128xi32, #tpu.memory_space<hbm>>
      tpu.enqueue_dma source(%dma_start3A_818 : memref<128xi32, #tpu.memory_space<hbm>>) target(%dma_start3A_817 : memref<128xi32, #tpu.memory_space<vmem>>) target_semaphore(%arg14 : memref<!tpu.dma_semaphore, #tpu.memory_space<semaphore_mem>>)
      %mul3A_819 = arith.constant 6 : i32
      %mul3A_820 = arith.muli %add3A_683, %mul3A_819 : i32
      %add3A_821 = arith.constant 5 : i32
      %add3A_822 = arith.addi %mul3A_820, %add3A_821 : i32
      %mul3A_823 = arith.constant 128 : i32
      %mul3A_824 = arith.muli %add3A_822, %mul3A_823 : i32
      %add3A_825 = arith.addi %mul3A_2, %mul3A_824 : i32
      %dma_start3A_826 = arith.constant 1 : i32
      %dma_start3A_827 = arith.constant 5 : i32
      %dma_start3A_828 = arith.constant 0 : i32
      %dma_start3A_829 = tpu.memref_slice %arg7[%dma_start3A_826, %dma_start3A_827, %dma_start3A_828] : memref<2x6x128xi32, #tpu.memory_space<vmem>> -> memref<1x1x128xi32, #tpu.memory_space<vmem>>
      %dma_start3A_830 = tpu.memref_squeeze %dma_start3A_829 : memref<1x1x128xi32, #tpu.memory_space<vmem>> -> memref<128xi32, #tpu.memory_space<vmem>>
      %dma_start3A_831 = tpu.memref_slice %arg3[%add3A_825] : memref<320000xi32, #tpu.memory_space<hbm>> -> memref<128xi32, #tpu.memory_space<hbm>>
      %dma_start3A_832 = arith.constant 0 : i32
      %dma_start3A_833 = tpu.memref_slice %arg7[%dma_start3A_826, %dma_start3A_827, %dma_start3A_832] : memref<2x6x128xi32, #tpu.memory_space<vmem>> -> memref<1x1x128xi32, #tpu.memory_space<vmem>>
      %dma_start3A_834 = tpu.memref_squeeze %dma_start3A_833 : memref<1x1x128xi32, #tpu.memory_space<vmem>> -> memref<128xi32, #tpu.memory_space<vmem>>
      %dma_start3A_835 = tpu.memref_slice %arg3[%add3A_825] : memref<320000xi32, #tpu.memory_space<hbm>> -> memref<128xi32, #tpu.memory_space<hbm>>
      tpu.enqueue_dma source(%dma_start3A_835 : memref<128xi32, #tpu.memory_space<hbm>>) target(%dma_start3A_834 : memref<128xi32, #tpu.memory_space<vmem>>) target_semaphore(%arg14 : memref<!tpu.dma_semaphore, #tpu.memory_space<semaphore_mem>>)
      %dma_start3A_836 = arith.constant 1 : i32
      %dma_start3A_837 = arith.constant 5 : i32
      %dma_start3A_838 = arith.constant 0 : i32
      %dma_start3A_839 = tpu.memref_slice %arg8[%dma_start3A_836, %dma_start3A_837, %dma_start3A_838] : memref<2x6x128xi32, #tpu.memory_space<vmem>> -> memref<1x1x128xi32, #tpu.memory_space<vmem>>
      %dma_start3A_840 = tpu.memref_squeeze %dma_start3A_839 : memref<1x1x128xi32, #tpu.memory_space<vmem>> -> memref<128xi32, #tpu.memory_space<vmem>>
      %dma_start3A_841 = tpu.memref_slice %arg4[%add3A_825] : memref<320000xi32, #tpu.memory_space<hbm>> -> memref<128xi32, #tpu.memory_space<hbm>>
      %dma_start3A_842 = arith.constant 0 : i32
      %dma_start3A_843 = tpu.memref_slice %arg8[%dma_start3A_836, %dma_start3A_837, %dma_start3A_842] : memref<2x6x128xi32, #tpu.memory_space<vmem>> -> memref<1x1x128xi32, #tpu.memory_space<vmem>>
      %dma_start3A_844 = tpu.memref_squeeze %dma_start3A_843 : memref<1x1x128xi32, #tpu.memory_space<vmem>> -> memref<128xi32, #tpu.memory_space<vmem>>
      %dma_start3A_845 = tpu.memref_slice %arg4[%add3A_825] : memref<320000xi32, #tpu.memory_space<hbm>> -> memref<128xi32, #tpu.memory_space<hbm>>
      tpu.enqueue_dma source(%dma_start3A_845 : memref<128xi32, #tpu.memory_space<hbm>>) target(%dma_start3A_844 : memref<128xi32, #tpu.memory_space<vmem>>) target_semaphore(%arg14 : memref<!tpu.dma_semaphore, #tpu.memory_space<semaphore_mem>>)
      %dma_wait3A_846 = arith.constant 0 : i32
      %dma_wait3A_847 = arith.constant 0 : i32
      %dma_wait3A_848 = arith.constant 0 : i32
      %dma_wait3A_849 = arith.constant 0 : i32
      %dma_wait3A_850 = arith.constant 0 : i32
      %dma_wait3A_851 = tpu.memref_slice %arg11[%dma_wait3A_848, %dma_wait3A_849, %dma_wait3A_850] : memref<2x128x128xf32, #tpu.memory_space<vmem>> -> memref<1x128x128xf32, #tpu.memory_space<vmem>>
      %dma_wait3A_852 = tpu.memref_squeeze %dma_wait3A_851 : memref<1x128x128xf32, #tpu.memory_space<vmem>> -> memref<128x128xf32, #tpu.memory_space<vmem>>
      %dma_wait3A_853 = arith.constant 0 : i32
      %dma_wait3A_854 = tpu.memref_slice %arg7[%dma_wait3A_846, %dma_wait3A_847, %dma_wait3A_853] : memref<2x6x128xi32, #tpu.memory_space<vmem>> -> memref<1x1x128xi32, #tpu.memory_space<vmem>>
      %dma_wait3A_855 = tpu.memref_squeeze %dma_wait3A_854 : memref<1x1x128xi32, #tpu.memory_space<vmem>> -> memref<128xi32, #tpu.memory_space<vmem>>
      %dma_wait3A_856 = arith.constant 0 : i32
      %dma_wait3A_857 = arith.constant 0 : i32
      %dma_wait3A_858 = tpu.memref_slice %arg2[%dma_wait3A_856, %dma_wait3A_857] : memref<10000x128xf32, #tpu.memory_space<hbm>> -> memref<10000x128xf32, #tpu.memory_space<hbm>>
      tpu.wait_indirect_dma semaphore(%arg13 : memref<!tpu.dma_semaphore, #tpu.memory_space<semaphore_mem>>) src(%dma_wait3A_858 : memref<10000x128xf32, #tpu.memory_space<hbm>>) dst(%dma_wait3A_852 : memref<128x128xf32, #tpu.memory_space<vmem>>)
      %gt3A = arith.constant 0 : i32
      %gt3A_859 = arith.cmpi sgt, %mul3A_681, %gt3A : i32
      %convert_element_type3A = arith.extui %gt3A_859 : i1 to i32
      %cond3A = arith.constant 0 : i32
      %cond3A_860 = arith.cmpi ne, %convert_element_type3A, %cond3A : i32
      scf.if %cond3A_860 {
        %dma_wait3A_1955 = arith.constant 1 : i32
        %dma_wait3A_1956 = arith.constant 0 : i32
        %dma_wait3A_1957 = arith.constant 0 : i32
        %dma_wait3A_1958 = arith.constant 0 : i32
        %dma_wait3A_1959 = arith.constant 0 : i32
        %dma_wait3A_1960 = tpu.memref_slice %arg11[%dma_wait3A_1955, %dma_wait3A_1958, %dma_wait3A_1959] : memref<2x128x128xf32, #tpu.memory_space<vmem>> -> memref<1x128x128xf32, #tpu.memory_space<vmem>>
        %dma_wait3A_1961 = tpu.memref_squeeze %dma_wait3A_1960 : memref<1x128x128xf32, #tpu.memory_space<vmem>> -> memref<128x128xf32, #tpu.memory_space<vmem>>
        %dma_wait3A_1962 = arith.constant 0 : i32
        %dma_wait3A_1963 = tpu.memref_slice %arg8[%dma_wait3A_1956, %dma_wait3A_1957, %dma_wait3A_1962] : memref<2x6x128xi32, #tpu.memory_space<vmem>> -> memref<1x1x128xi32, #tpu.memory_space<vmem>>
        %dma_wait3A_1964 = tpu.memref_squeeze %dma_wait3A_1963 : memref<1x1x128xi32, #tpu.memory_space<vmem>> -> memref<128xi32, #tpu.memory_space<vmem>>
        %dma_wait3A_1965 = arith.constant 0 : i32
        %dma_wait3A_1966 = arith.constant 0 : i32
        %dma_wait3A_1967 = tpu.memref_slice %arg12[%dma_wait3A_1965, %dma_wait3A_1966] : memref<10112x128xf32, #tpu.memory_space<vmem_shared>> -> memref<10112x128xf32, #tpu.memory_space<vmem_shared>>
        tpu.wait_indirect_dma semaphore(%arg15 : memref<!tpu.dma_semaphore, #tpu.memory_space<semaphore_mem>>) src(%dma_wait3A_1961 : memref<128x128xf32, #tpu.memory_space<vmem>>) dst(%dma_wait3A_1967 : memref<10112x128xf32, #tpu.memory_space<vmem_shared>>)
      } else {
      }
      %dma_start3A_861 = arith.constant 0 : i32
      %dma_start3A_862 = arith.constant 1 : i32
      %dma_start3A_863 = arith.constant 1 : i32
      %dma_start3A_864 = arith.constant 0 : i32
      %dma_start3A_865 = arith.constant 0 : i32
      %dma_start3A_866 = tpu.memref_slice %arg11[%dma_start3A_863, %dma_start3A_864, %dma_start3A_865] : memref<2x128x128xf32, #tpu.memory_space<vmem>> -> memref<1x128x128xf32, #tpu.memory_space<vmem>>
      %dma_start3A_867 = tpu.memref_squeeze %dma_start3A_866 : memref<1x128x128xf32, #tpu.memory_space<vmem>> -> memref<128x128xf32, #tpu.memory_space<vmem>>
      %dma_start3A_868 = arith.constant 0 : i32
      %dma_start3A_869 = tpu.memref_slice %arg7[%dma_start3A_861, %dma_start3A_862, %dma_start3A_868] : memref<2x6x128xi32, #tpu.memory_space<vmem>> -> memref<1x1x128xi32, #tpu.memory_space<vmem>>
      %dma_start3A_870 = tpu.memref_squeeze %dma_start3A_869 : memref<1x1x128xi32, #tpu.memory_space<vmem>> -> memref<128xi32, #tpu.memory_space<vmem>>
      %dma_start3A_871 = arith.constant 0 : i32
      %dma_start3A_872 = arith.constant 0 : i32
      %dma_start3A_873 = tpu.memref_slice %arg2[%dma_start3A_871, %dma_start3A_872] : memref<10000x128xf32, #tpu.memory_space<hbm>> -> memref<10000x128xf32, #tpu.memory_space<hbm>>
      tpu.enqueue_indirect_dma source(%dma_start3A_873 : memref<10000x128xf32, #tpu.memory_space<hbm>>) target(%dma_start3A_867 : memref<128x128xf32, #tpu.memory_space<vmem>>) offsets(%dma_start3A_870 : memref<128xi32, #tpu.memory_space<vmem>>) semaphore(%arg13 : memref<!tpu.dma_semaphore, #tpu.memory_space<semaphore_mem>>)
      %dma_start3A_874 = arith.constant 0 : i32
      %dma_start3A_875 = arith.constant 0 : i32
      %dma_start3A_876 = arith.constant 0 : i32
      %dma_start3A_877 = arith.constant 0 : i32
      %dma_start3A_878 = arith.constant 0 : i32
      %dma_start3A_879 = tpu.memref_slice %arg11[%dma_start3A_874, %dma_start3A_877, %dma_start3A_878] : memref<2x128x128xf32, #tpu.memory_space<vmem>> -> memref<1x128x128xf32, #tpu.memory_space<vmem>>
      %dma_start3A_880 = tpu.memref_squeeze %dma_start3A_879 : memref<1x128x128xf32, #tpu.memory_space<vmem>> -> memref<128x128xf32, #tpu.memory_space<vmem>>
      %dma_start3A_881 = arith.constant 0 : i32
      %dma_start3A_882 = tpu.memref_slice %arg8[%dma_start3A_875, %dma_start3A_876, %dma_start3A_881] : memref<2x6x128xi32, #tpu.memory_space<vmem>> -> memref<1x1x128xi32, #tpu.memory_space<vmem>>
      %dma_start3A_883 = tpu.memref_squeeze %dma_start3A_882 : memref<1x1x128xi32, #tpu.memory_space<vmem>> -> memref<128xi32, #tpu.memory_space<vmem>>
      %dma_start3A_884 = arith.constant 0 : i32
      %dma_start3A_885 = arith.constant 0 : i32
      %dma_start3A_886 = tpu.memref_slice %arg12[%dma_start3A_884, %dma_start3A_885] : memref<10112x128xf32, #tpu.memory_space<vmem_shared>> -> memref<10112x128xf32, #tpu.memory_space<vmem_shared>>
      tpu.enqueue_indirect_dma source(%dma_start3A_880 : memref<128x128xf32, #tpu.memory_space<vmem>>) target(%dma_start3A_886 : memref<10112x128xf32, #tpu.memory_space<vmem_shared>>) offsets(%dma_start3A_883 : memref<128xi32, #tpu.memory_space<vmem>>) semaphore(%arg15 : memref<!tpu.dma_semaphore, #tpu.memory_space<semaphore_mem>>) {add = true}
      %dma_wait3A_887 = arith.constant 0 : i32
      %dma_wait3A_888 = arith.constant 1 : i32
      %dma_wait3A_889 = arith.constant 1 : i32
      %dma_wait3A_890 = arith.constant 0 : i32
      %dma_wait3A_891 = arith.constant 0 : i32
      %dma_wait3A_892 = tpu.memref_slice %arg11[%dma_wait3A_889, %dma_wait3A_890, %dma_wait3A_891] : memref<2x128x128xf32, #tpu.memory_space<vmem>> -> memref<1x128x128xf32, #tpu.memory_space<vmem>>
      %dma_wait3A_893 = tpu.memref_squeeze %dma_wait3A_892 : memref<1x128x128xf32, #tpu.memory_space<vmem>> -> memref<128x128xf32, #tpu.memory_space<vmem>>
      %dma_wait3A_894 = arith.constant 0 : i32
      %dma_wait3A_895 = tpu.memref_slice %arg7[%dma_wait3A_887, %dma_wait3A_888, %dma_wait3A_894] : memref<2x6x128xi32, #tpu.memory_space<vmem>> -> memref<1x1x128xi32, #tpu.memory_space<vmem>>
      %dma_wait3A_896 = tpu.memref_squeeze %dma_wait3A_895 : memref<1x1x128xi32, #tpu.memory_space<vmem>> -> memref<128xi32, #tpu.memory_space<vmem>>
      %dma_wait3A_897 = arith.constant 0 : i32
      %dma_wait3A_898 = arith.constant 0 : i32
      %dma_wait3A_899 = tpu.memref_slice %arg2[%dma_wait3A_897, %dma_wait3A_898] : memref<10000x128xf32, #tpu.memory_space<hbm>> -> memref<10000x128xf32, #tpu.memory_space<hbm>>
      tpu.wait_indirect_dma semaphore(%arg13 : memref<!tpu.dma_semaphore, #tpu.memory_space<semaphore_mem>>) src(%dma_wait3A_899 : memref<10000x128xf32, #tpu.memory_space<hbm>>) dst(%dma_wait3A_893 : memref<128x128xf32, #tpu.memory_space<vmem>>)
      %dma_wait3A_900 = arith.constant 0 : i32
      %dma_wait3A_901 = arith.constant 0 : i32
      %dma_wait3A_902 = arith.constant 1 : i32
      %dma_wait3A_903 = arith.constant 0 : i32
      %dma_wait3A_904 = arith.constant 0 : i32
      %dma_wait3A_905 = tpu.memref_slice %arg11[%dma_wait3A_900, %dma_wait3A_903, %dma_wait3A_904] : memref<2x128x128xf32, #tpu.memory_space<vmem>> -> memref<1x128x128xf32, #tpu.memory_space<vmem>>
      %dma_wait3A_906 = tpu.memref_squeeze %dma_wait3A_905 : memref<1x128x128xf32, #tpu.memory_space<vmem>> -> memref<128x128xf32, #tpu.memory_space<vmem>>
      %dma_wait3A_907 = arith.constant 0 : i32
      %dma_wait3A_908 = tpu.memref_slice %arg8[%dma_wait3A_901, %dma_wait3A_902, %dma_wait3A_907] : memref<2x6x128xi32, #tpu.memory_space<vmem>> -> memref<1x1x128xi32, #tpu.memory_space<vmem>>
      %dma_wait3A_909 = tpu.memref_squeeze %dma_wait3A_908 : memref<1x1x128xi32, #tpu.memory_space<vmem>> -> memref<128xi32, #tpu.memory_space<vmem>>
      %dma_wait3A_910 = arith.constant 0 : i32
      %dma_wait3A_911 = arith.constant 0 : i32
      %dma_wait3A_912 = tpu.memref_slice %arg12[%dma_wait3A_910, %dma_wait3A_911] : memref<10112x128xf32, #tpu.memory_space<vmem_shared>> -> memref<10112x128xf32, #tpu.memory_space<vmem_shared>>
      tpu.wait_indirect_dma semaphore(%arg15 : memref<!tpu.dma_semaphore, #tpu.memory_space<semaphore_mem>>) src(%dma_wait3A_906 : memref<128x128xf32, #tpu.memory_space<vmem>>) dst(%dma_wait3A_912 : memref<10112x128xf32, #tpu.memory_space<vmem_shared>>)
      %dma_start3A_913 = arith.constant 0 : i32
      %dma_start3A_914 = arith.constant 2 : i32
      %dma_start3A_915 = arith.constant 0 : i32
      %dma_start3A_916 = arith.constant 0 : i32
      %dma_start3A_917 = arith.constant 0 : i32
      %dma_start3A_918 = tpu.memref_slice %arg11[%dma_start3A_915, %dma_start3A_916, %dma_start3A_917] : memref<2x128x128xf32, #tpu.memory_space<vmem>> -> memref<1x128x128xf32, #tpu.memory_space<vmem>>
      %dma_start3A_919 = tpu.memref_squeeze %dma_start3A_918 : memref<1x128x128xf32, #tpu.memory_space<vmem>> -> memref<128x128xf32, #tpu.memory_space<vmem>>
      %dma_start3A_920 = arith.constant 0 : i32
      %dma_start3A_921 = tpu.memref_slice %arg7[%dma_start3A_913, %dma_start3A_914, %dma_start3A_920] : memref<2x6x128xi32, #tpu.memory_space<vmem>> -> memref<1x1x128xi32, #tpu.memory_space<vmem>>
      %dma_start3A_922 = tpu.memref_squeeze %dma_start3A_921 : memref<1x1x128xi32, #tpu.memory_space<vmem>> -> memref<128xi32, #tpu.memory_space<vmem>>
      %dma_start3A_923 = arith.constant 0 : i32
      %dma_start3A_924 = arith.constant 0 : i32
      %dma_start3A_925 = tpu.memref_slice %arg2[%dma_start3A_923, %dma_start3A_924] : memref<10000x128xf32, #tpu.memory_space<hbm>> -> memref<10000x128xf32, #tpu.memory_space<hbm>>
      tpu.enqueue_indirect_dma source(%dma_start3A_925 : memref<10000x128xf32, #tpu.memory_space<hbm>>) target(%dma_start3A_919 : memref<128x128xf32, #tpu.memory_space<vmem>>) offsets(%dma_start3A_922 : memref<128xi32, #tpu.memory_space<vmem>>) semaphore(%arg13 : memref<!tpu.dma_semaphore, #tpu.memory_space<semaphore_mem>>)
      %dma_start3A_926 = arith.constant 1 : i32
      %dma_start3A_927 = arith.constant 0 : i32
      %dma_start3A_928 = arith.constant 1 : i32
      %dma_start3A_929 = arith.constant 0 : i32
      %dma_start3A_930 = arith.constant 0 : i32
      %dma_start3A_931 = tpu.memref_slice %arg11[%dma_start3A_926, %dma_start3A_929, %dma_start3A_930] : memref<2x128x128xf32, #tpu.memory_space<vmem>> -> memref<1x128x128xf32, #tpu.memory_space<vmem>>
      %dma_start3A_932 = tpu.memref_squeeze %dma_start3A_931 : memref<1x128x128xf32, #tpu.memory_space<vmem>> -> memref<128x128xf32, #tpu.memory_space<vmem>>
      %dma_start3A_933 = arith.constant 0 : i32
      %dma_start3A_934 = tpu.memref_slice %arg8[%dma_start3A_927, %dma_start3A_928, %dma_start3A_933] : memref<2x6x128xi32, #tpu.memory_space<vmem>> -> memref<1x1x128xi32, #tpu.memory_space<vmem>>
      %dma_start3A_935 = tpu.memref_squeeze %dma_start3A_934 : memref<1x1x128xi32, #tpu.memory_space<vmem>> -> memref<128xi32, #tpu.memory_space<vmem>>
      %dma_start3A_936 = arith.constant 0 : i32
      %dma_start3A_937 = arith.constant 0 : i32
      %dma_start3A_938 = tpu.memref_slice %arg12[%dma_start3A_936, %dma_start3A_937] : memref<10112x128xf32, #tpu.memory_space<vmem_shared>> -> memref<10112x128xf32, #tpu.memory_space<vmem_shared>>
      tpu.enqueue_indirect_dma source(%dma_start3A_932 : memref<128x128xf32, #tpu.memory_space<vmem>>) target(%dma_start3A_938 : memref<10112x128xf32, #tpu.memory_space<vmem_shared>>) offsets(%dma_start3A_935 : memref<128xi32, #tpu.memory_space<vmem>>) semaphore(%arg15 : memref<!tpu.dma_semaphore, #tpu.memory_space<semaphore_mem>>) {add = true}
      %dma_wait3A_939 = arith.constant 0 : i32
      %dma_wait3A_940 = arith.constant 2 : i32
      %dma_wait3A_941 = arith.constant 0 : i32
      %dma_wait3A_942 = arith.constant 0 : i32
      %dma_wait3A_943 = arith.constant 0 : i32
      %dma_wait3A_944 = tpu.memref_slice %arg11[%dma_wait3A_941, %dma_wait3A_942, %dma_wait3A_943] : memref<2x128x128xf32, #tpu.memory_space<vmem>> -> memref<1x128x128xf32, #tpu.memory_space<vmem>>
      %dma_wait3A_945 = tpu.memref_squeeze %dma_wait3A_944 : memref<1x128x128xf32, #tpu.memory_space<vmem>> -> memref<128x128xf32, #tpu.memory_space<vmem>>
      %dma_wait3A_946 = arith.constant 0 : i32
      %dma_wait3A_947 = tpu.memref_slice %arg7[%dma_wait3A_939, %dma_wait3A_940, %dma_wait3A_946] : memref<2x6x128xi32, #tpu.memory_space<vmem>> -> memref<1x1x128xi32, #tpu.memory_space<vmem>>
      %dma_wait3A_948 = tpu.memref_squeeze %dma_wait3A_947 : memref<1x1x128xi32, #tpu.memory_space<vmem>> -> memref<128xi32, #tpu.memory_space<vmem>>
      %dma_wait3A_949 = arith.constant 0 : i32
      %dma_wait3A_950 = arith.constant 0 : i32
      %dma_wait3A_951 = tpu.memref_slice %arg2[%dma_wait3A_949, %dma_wait3A_950] : memref<10000x128xf32, #tpu.memory_space<hbm>> -> memref<10000x128xf32, #tpu.memory_space<hbm>>
      tpu.wait_indirect_dma semaphore(%arg13 : memref<!tpu.dma_semaphore, #tpu.memory_space<semaphore_mem>>) src(%dma_wait3A_951 : memref<10000x128xf32, #tpu.memory_space<hbm>>) dst(%dma_wait3A_945 : memref<128x128xf32, #tpu.memory_space<vmem>>)
      %dma_wait3A_952 = arith.constant 1 : i32
      %dma_wait3A_953 = arith.constant 0 : i32
      %dma_wait3A_954 = arith.constant 2 : i32
      %dma_wait3A_955 = arith.constant 0 : i32
      %dma_wait3A_956 = arith.constant 0 : i32
      %dma_wait3A_957 = tpu.memref_slice %arg11[%dma_wait3A_952, %dma_wait3A_955, %dma_wait3A_956] : memref<2x128x128xf32, #tpu.memory_space<vmem>> -> memref<1x128x128xf32, #tpu.memory_space<vmem>>
      %dma_wait3A_958 = tpu.memref_squeeze %dma_wait3A_957 : memref<1x128x128xf32, #tpu.memory_space<vmem>> -> memref<128x128xf32, #tpu.memory_space<vmem>>
      %dma_wait3A_959 = arith.constant 0 : i32
      %dma_wait3A_960 = tpu.memref_slice %arg8[%dma_wait3A_953, %dma_wait3A_954, %dma_wait3A_959] : memref<2x6x128xi32, #tpu.memory_space<vmem>> -> memref<1x1x128xi32, #tpu.memory_space<vmem>>
      %dma_wait3A_961 = tpu.memref_squeeze %dma_wait3A_960 : memref<1x1x128xi32, #tpu.memory_space<vmem>> -> memref<128xi32, #tpu.memory_space<vmem>>
      %dma_wait3A_962 = arith.constant 0 : i32
      %dma_wait3A_963 = arith.constant 0 : i32
      %dma_wait3A_964 = tpu.memref_slice %arg12[%dma_wait3A_962, %dma_wait3A_963] : memref<10112x128xf32, #tpu.memory_space<vmem_shared>> -> memref<10112x128xf32, #tpu.memory_space<vmem_shared>>
      tpu.wait_indirect_dma semaphore(%arg15 : memref<!tpu.dma_semaphore, #tpu.memory_space<semaphore_mem>>) src(%dma_wait3A_958 : memref<128x128xf32, #tpu.memory_space<vmem>>) dst(%dma_wait3A_964 : memref<10112x128xf32, #tpu.memory_space<vmem_shared>>)
      %dma_start3A_965 = arith.constant 0 : i32
      %dma_start3A_966 = arith.constant 3 : i32
      %dma_start3A_967 = arith.constant 1 : i32
      %dma_start3A_968 = arith.constant 0 : i32
      %dma_start3A_969 = arith.constant 0 : i32
      %dma_start3A_970 = tpu.memref_slice %arg11[%dma_start3A_967, %dma_start3A_968, %dma_start3A_969] : memref<2x128x128xf32, #tpu.memory_space<vmem>> -> memref<1x128x128xf32, #tpu.memory_space<vmem>>
      %dma_start3A_971 = tpu.memref_squeeze %dma_start3A_970 : memref<1x128x128xf32, #tpu.memory_space<vmem>> -> memref<128x128xf32, #tpu.memory_space<vmem>>
      %dma_start3A_972 = arith.constant 0 : i32
      %dma_start3A_973 = tpu.memref_slice %arg7[%dma_start3A_965, %dma_start3A_966, %dma_start3A_972] : memref<2x6x128xi32, #tpu.memory_space<vmem>> -> memref<1x1x128xi32, #tpu.memory_space<vmem>>
      %dma_start3A_974 = tpu.memref_squeeze %dma_start3A_973 : memref<1x1x128xi32, #tpu.memory_space<vmem>> -> memref<128xi32, #tpu.memory_space<vmem>>
      %dma_start3A_975 = arith.constant 0 : i32
      %dma_start3A_976 = arith.constant 0 : i32
      %dma_start3A_977 = tpu.memref_slice %arg2[%dma_start3A_975, %dma_start3A_976] : memref<10000x128xf32, #tpu.memory_space<hbm>> -> memref<10000x128xf32, #tpu.memory_space<hbm>>
      tpu.enqueue_indirect_dma source(%dma_start3A_977 : memref<10000x128xf32, #tpu.memory_space<hbm>>) target(%dma_start3A_971 : memref<128x128xf32, #tpu.memory_space<vmem>>) offsets(%dma_start3A_974 : memref<128xi32, #tpu.memory_space<vmem>>) semaphore(%arg13 : memref<!tpu.dma_semaphore, #tpu.memory_space<semaphore_mem>>)
      %dma_start3A_978 = arith.constant 0 : i32
      %dma_start3A_979 = arith.constant 0 : i32
      %dma_start3A_980 = arith.constant 2 : i32
      %dma_start3A_981 = arith.constant 0 : i32
      %dma_start3A_982 = arith.constant 0 : i32
      %dma_start3A_983 = tpu.memref_slice %arg11[%dma_start3A_978, %dma_start3A_981, %dma_start3A_982] : memref<2x128x128xf32, #tpu.memory_space<vmem>> -> memref<1x128x128xf32, #tpu.memory_space<vmem>>
      %dma_start3A_984 = tpu.memref_squeeze %dma_start3A_983 : memref<1x128x128xf32, #tpu.memory_space<vmem>> -> memref<128x128xf32, #tpu.memory_space<vmem>>
      %dma_start3A_985 = arith.constant 0 : i32
      %dma_start3A_986 = tpu.memref_slice %arg8[%dma_start3A_979, %dma_start3A_980, %dma_start3A_985] : memref<2x6x128xi32, #tpu.memory_space<vmem>> -> memref<1x1x128xi32, #tpu.memory_space<vmem>>
      %dma_start3A_987 = tpu.memref_squeeze %dma_start3A_986 : memref<1x1x128xi32, #tpu.memory_space<vmem>> -> memref<128xi32, #tpu.memory_space<vmem>>
      %dma_start3A_988 = arith.constant 0 : i32
      %dma_start3A_989 = arith.constant 0 : i32
      %dma_start3A_990 = tpu.memref_slice %arg12[%dma_start3A_988, %dma_start3A_989] : memref<10112x128xf32, #tpu.memory_space<vmem_shared>> -> memref<10112x128xf32, #tpu.memory_space<vmem_shared>>
      tpu.enqueue_indirect_dma source(%dma_start3A_984 : memref<128x128xf32, #tpu.memory_space<vmem>>) target(%dma_start3A_990 : memref<10112x128xf32, #tpu.memory_space<vmem_shared>>) offsets(%dma_start3A_987 : memref<128xi32, #tpu.memory_space<vmem>>) semaphore(%arg15 : memref<!tpu.dma_semaphore, #tpu.memory_space<semaphore_mem>>) {add = true}
      %dma_wait3A_991 = arith.constant 0 : i32
      %dma_wait3A_992 = arith.constant 3 : i32
      %dma_wait3A_993 = arith.constant 1 : i32
      %dma_wait3A_994 = arith.constant 0 : i32
      %dma_wait3A_995 = arith.constant 0 : i32
      %dma_wait3A_996 = tpu.memref_slice %arg11[%dma_wait3A_993, %dma_wait3A_994, %dma_wait3A_995] : memref<2x128x128xf32, #tpu.memory_space<vmem>> -> memref<1x128x128xf32, #tpu.memory_space<vmem>>
      %dma_wait3A_997 = tpu.memref_squeeze %dma_wait3A_996 : memref<1x128x128xf32, #tpu.memory_space<vmem>> -> memref<128x128xf32, #tpu.memory_space<vmem>>
      %dma_wait3A_998 = arith.constant 0 : i32
      %dma_wait3A_999 = tpu.memref_slice %arg7[%dma_wait3A_991, %dma_wait3A_992, %dma_wait3A_998] : memref<2x6x128xi32, #tpu.memory_space<vmem>> -> memref<1x1x128xi32, #tpu.memory_space<vmem>>
      %dma_wait3A_1000 = tpu.memref_squeeze %dma_wait3A_999 : memref<1x1x128xi32, #tpu.memory_space<vmem>> -> memref<128xi32, #tpu.memory_space<vmem>>
      %dma_wait3A_1001 = arith.constant 0 : i32
      %dma_wait3A_1002 = arith.constant 0 : i32
      %dma_wait3A_1003 = tpu.memref_slice %arg2[%dma_wait3A_1001, %dma_wait3A_1002] : memref<10000x128xf32, #tpu.memory_space<hbm>> -> memref<10000x128xf32, #tpu.memory_space<hbm>>
      tpu.wait_indirect_dma semaphore(%arg13 : memref<!tpu.dma_semaphore, #tpu.memory_space<semaphore_mem>>) src(%dma_wait3A_1003 : memref<10000x128xf32, #tpu.memory_space<hbm>>) dst(%dma_wait3A_997 : memref<128x128xf32, #tpu.memory_space<vmem>>)
      %dma_wait3A_1004 = arith.constant 0 : i32
      %dma_wait3A_1005 = arith.constant 0 : i32
      %dma_wait3A_1006 = arith.constant 3 : i32
      %dma_wait3A_1007 = arith.constant 0 : i32
      %dma_wait3A_1008 = arith.constant 0 : i32
      %dma_wait3A_1009 = tpu.memref_slice %arg11[%dma_wait3A_1004, %dma_wait3A_1007, %dma_wait3A_1008] : memref<2x128x128xf32, #tpu.memory_space<vmem>> -> memref<1x128x128xf32, #tpu.memory_space<vmem>>
      %dma_wait3A_1010 = tpu.memref_squeeze %dma_wait3A_1009 : memref<1x128x128xf32, #tpu.memory_space<vmem>> -> memref<128x128xf32, #tpu.memory_space<vmem>>
      %dma_wait3A_1011 = arith.constant 0 : i32
      %dma_wait3A_1012 = tpu.memref_slice %arg8[%dma_wait3A_1005, %dma_wait3A_1006, %dma_wait3A_1011] : memref<2x6x128xi32, #tpu.memory_space<vmem>> -> memref<1x1x128xi32, #tpu.memory_space<vmem>>
      %dma_wait3A_1013 = tpu.memref_squeeze %dma_wait3A_1012 : memref<1x1x128xi32, #tpu.memory_space<vmem>> -> memref<128xi32, #tpu.memory_space<vmem>>
      %dma_wait3A_1014 = arith.constant 0 : i32
      %dma_wait3A_1015 = arith.constant 0 : i32
      %dma_wait3A_1016 = tpu.memref_slice %arg12[%dma_wait3A_1014, %dma_wait3A_1015] : memref<10112x128xf32, #tpu.memory_space<vmem_shared>> -> memref<10112x128xf32, #tpu.memory_space<vmem_shared>>
      tpu.wait_indirect_dma semaphore(%arg15 : memref<!tpu.dma_semaphore, #tpu.memory_space<semaphore_mem>>) src(%dma_wait3A_1010 : memref<128x128xf32, #tpu.memory_space<vmem>>) dst(%dma_wait3A_1016 : memref<10112x128xf32, #tpu.memory_space<vmem_shared>>)
      %dma_start3A_1017 = arith.constant 0 : i32
      %dma_start3A_1018 = arith.constant 4 : i32
      %dma_start3A_1019 = arith.constant 0 : i32
      %dma_start3A_1020 = arith.constant 0 : i32
      %dma_start3A_1021 = arith.constant 0 : i32
      %dma_start3A_1022 = tpu.memref_slice %arg11[%dma_start3A_1019, %dma_start3A_1020, %dma_start3A_1021] : memref<2x128x128xf32, #tpu.memory_space<vmem>> -> memref<1x128x128xf32, #tpu.memory_space<vmem>>
      %dma_start3A_1023 = tpu.memref_squeeze %dma_start3A_1022 : memref<1x128x128xf32, #tpu.memory_space<vmem>> -> memref<128x128xf32, #tpu.memory_space<vmem>>
      %dma_start3A_1024 = arith.constant 0 : i32
      %dma_start3A_1025 = tpu.memref_slice %arg7[%dma_start3A_1017, %dma_start3A_1018, %dma_start3A_1024] : memref<2x6x128xi32, #tpu.memory_space<vmem>> -> memref<1x1x128xi32, #tpu.memory_space<vmem>>
      %dma_start3A_1026 = tpu.memref_squeeze %dma_start3A_1025 : memref<1x1x128xi32, #tpu.memory_space<vmem>> -> memref<128xi32, #tpu.memory_space<vmem>>
      %dma_start3A_1027 = arith.constant 0 : i32
      %dma_start3A_1028 = arith.constant 0 : i32
      %dma_start3A_1029 = tpu.memref_slice %arg2[%dma_start3A_1027, %dma_start3A_1028] : memref<10000x128xf32, #tpu.memory_space<hbm>> -> memref<10000x128xf32, #tpu.memory_space<hbm>>
      tpu.enqueue_indirect_dma source(%dma_start3A_1029 : memref<10000x128xf32, #tpu.memory_space<hbm>>) target(%dma_start3A_1023 : memref<128x128xf32, #tpu.memory_space<vmem>>) offsets(%dma_start3A_1026 : memref<128xi32, #tpu.memory_space<vmem>>) semaphore(%arg13 : memref<!tpu.dma_semaphore, #tpu.memory_space<semaphore_mem>>)
      %dma_start3A_1030 = arith.constant 1 : i32
      %dma_start3A_1031 = arith.constant 0 : i32
      %dma_start3A_1032 = arith.constant 3 : i32
      %dma_start3A_1033 = arith.constant 0 : i32
      %dma_start3A_1034 = arith.constant 0 : i32
      %dma_start3A_1035 = tpu.memref_slice %arg11[%dma_start3A_1030, %dma_start3A_1033, %dma_start3A_1034] : memref<2x128x128xf32, #tpu.memory_space<vmem>> -> memref<1x128x128xf32, #tpu.memory_space<vmem>>
      %dma_start3A_1036 = tpu.memref_squeeze %dma_start3A_1035 : memref<1x128x128xf32, #tpu.memory_space<vmem>> -> memref<128x128xf32, #tpu.memory_space<vmem>>
      %dma_start3A_1037 = arith.constant 0 : i32
      %dma_start3A_1038 = tpu.memref_slice %arg8[%dma_start3A_1031, %dma_start3A_1032, %dma_start3A_1037] : memref<2x6x128xi32, #tpu.memory_space<vmem>> -> memref<1x1x128xi32, #tpu.memory_space<vmem>>
      %dma_start3A_1039 = tpu.memref_squeeze %dma_start3A_1038 : memref<1x1x128xi32, #tpu.memory_space<vmem>> -> memref<128xi32, #tpu.memory_space<vmem>>
      %dma_start3A_1040 = arith.constant 0 : i32
      %dma_start3A_1041 = arith.constant 0 : i32
      %dma_start3A_1042 = tpu.memref_slice %arg12[%dma_start3A_1040, %dma_start3A_1041] : memref<10112x128xf32, #tpu.memory_space<vmem_shared>> -> memref<10112x128xf32, #tpu.memory_space<vmem_shared>>
      tpu.enqueue_indirect_dma source(%dma_start3A_1036 : memref<128x128xf32, #tpu.memory_space<vmem>>) target(%dma_start3A_1042 : memref<10112x128xf32, #tpu.memory_space<vmem_shared>>) offsets(%dma_start3A_1039 : memref<128xi32, #tpu.memory_space<vmem>>) semaphore(%arg15 : memref<!tpu.dma_semaphore, #tpu.memory_space<semaphore_mem>>) {add = true}
      %dma_wait3A_1043 = arith.constant 0 : i32
      %dma_wait3A_1044 = arith.constant 4 : i32
      %dma_wait3A_1045 = arith.constant 0 : i32
      %dma_wait3A_1046 = arith.constant 0 : i32
      %dma_wait3A_1047 = arith.constant 0 : i32
      %dma_wait3A_1048 = tpu.memref_slice %arg11[%dma_wait3A_1045, %dma_wait3A_1046, %dma_wait3A_1047] : memref<2x128x128xf32, #tpu.memory_space<vmem>> -> memref<1x128x128xf32, #tpu.memory_space<vmem>>
      %dma_wait3A_1049 = tpu.memref_squeeze %dma_wait3A_1048 : memref<1x128x128xf32, #tpu.memory_space<vmem>> -> memref<128x128xf32, #tpu.memory_space<vmem>>
      %dma_wait3A_1050 = arith.constant 0 : i32
      %dma_wait3A_1051 = tpu.memref_slice %arg7[%dma_wait3A_1043, %dma_wait3A_1044, %dma_wait3A_1050] : memref<2x6x128xi32, #tpu.memory_space<vmem>> -> memref<1x1x128xi32, #tpu.memory_space<vmem>>
      %dma_wait3A_1052 = tpu.memref_squeeze %dma_wait3A_1051 : memref<1x1x128xi32, #tpu.memory_space<vmem>> -> memref<128xi32, #tpu.memory_space<vmem>>
      %dma_wait3A_1053 = arith.constant 0 : i32
      %dma_wait3A_1054 = arith.constant 0 : i32
      %dma_wait3A_1055 = tpu.memref_slice %arg2[%dma_wait3A_1053, %dma_wait3A_1054] : memref<10000x128xf32, #tpu.memory_space<hbm>> -> memref<10000x128xf32, #tpu.memory_space<hbm>>
      tpu.wait_indirect_dma semaphore(%arg13 : memref<!tpu.dma_semaphore, #tpu.memory_space<semaphore_mem>>) src(%dma_wait3A_1055 : memref<10000x128xf32, #tpu.memory_space<hbm>>) dst(%dma_wait3A_1049 : memref<128x128xf32, #tpu.memory_space<vmem>>)
      %dma_wait3A_1056 = arith.constant 1 : i32
      %dma_wait3A_1057 = arith.constant 0 : i32
      %dma_wait3A_1058 = arith.constant 4 : i32
      %dma_wait3A_1059 = arith.constant 0 : i32
      %dma_wait3A_1060 = arith.constant 0 : i32
      %dma_wait3A_1061 = tpu.memref_slice %arg11[%dma_wait3A_1056, %dma_wait3A_1059, %dma_wait3A_1060] : memref<2x128x128xf32, #tpu.memory_space<vmem>> -> memref<1x128x128xf32, #tpu.memory_space<vmem>>
      %dma_wait3A_1062 = tpu.memref_squeeze %dma_wait3A_1061 : memref<1x128x128xf32, #tpu.memory_space<vmem>> -> memref<128x128xf32, #tpu.memory_space<vmem>>
      %dma_wait3A_1063 = arith.constant 0 : i32
      %dma_wait3A_1064 = tpu.memref_slice %arg8[%dma_wait3A_1057, %dma_wait3A_1058, %dma_wait3A_1063] : memref<2x6x128xi32, #tpu.memory_space<vmem>> -> memref<1x1x128xi32, #tpu.memory_space<vmem>>
      %dma_wait3A_1065 = tpu.memref_squeeze %dma_wait3A_1064 : memref<1x1x128xi32, #tpu.memory_space<vmem>> -> memref<128xi32, #tpu.memory_space<vmem>>
      %dma_wait3A_1066 = arith.constant 0 : i32
      %dma_wait3A_1067 = arith.constant 0 : i32
      %dma_wait3A_1068 = tpu.memref_slice %arg12[%dma_wait3A_1066, %dma_wait3A_1067] : memref<10112x128xf32, #tpu.memory_space<vmem_shared>> -> memref<10112x128xf32, #tpu.memory_space<vmem_shared>>
      tpu.wait_indirect_dma semaphore(%arg15 : memref<!tpu.dma_semaphore, #tpu.memory_space<semaphore_mem>>) src(%dma_wait3A_1062 : memref<128x128xf32, #tpu.memory_space<vmem>>) dst(%dma_wait3A_1068 : memref<10112x128xf32, #tpu.memory_space<vmem_shared>>)
      %dma_start3A_1069 = arith.constant 0 : i32
      %dma_start3A_1070 = arith.constant 5 : i32
      %dma_start3A_1071 = arith.constant 1 : i32
      %dma_start3A_1072 = arith.constant 0 : i32
      %dma_start3A_1073 = arith.constant 0 : i32
      %dma_start3A_1074 = tpu.memref_slice %arg11[%dma_start3A_1071, %dma_start3A_1072, %dma_start3A_1073] : memref<2x128x128xf32, #tpu.memory_space<vmem>> -> memref<1x128x128xf32, #tpu.memory_space<vmem>>
      %dma_start3A_1075 = tpu.memref_squeeze %dma_start3A_1074 : memref<1x128x128xf32, #tpu.memory_space<vmem>> -> memref<128x128xf32, #tpu.memory_space<vmem>>
      %dma_start3A_1076 = arith.constant 0 : i32
      %dma_start3A_1077 = tpu.memref_slice %arg7[%dma_start3A_1069, %dma_start3A_1070, %dma_start3A_1076] : memref<2x6x128xi32, #tpu.memory_space<vmem>> -> memref<1x1x128xi32, #tpu.memory_space<vmem>>
      %dma_start3A_1078 = tpu.memref_squeeze %dma_start3A_1077 : memref<1x1x128xi32, #tpu.memory_space<vmem>> -> memref<128xi32, #tpu.memory_space<vmem>>
      %dma_start3A_1079 = arith.constant 0 : i32
      %dma_start3A_1080 = arith.constant 0 : i32
      %dma_start3A_1081 = tpu.memref_slice %arg2[%dma_start3A_1079, %dma_start3A_1080] : memref<10000x128xf32, #tpu.memory_space<hbm>> -> memref<10000x128xf32, #tpu.memory_space<hbm>>
      tpu.enqueue_indirect_dma source(%dma_start3A_1081 : memref<10000x128xf32, #tpu.memory_space<hbm>>) target(%dma_start3A_1075 : memref<128x128xf32, #tpu.memory_space<vmem>>) offsets(%dma_start3A_1078 : memref<128xi32, #tpu.memory_space<vmem>>) semaphore(%arg13 : memref<!tpu.dma_semaphore, #tpu.memory_space<semaphore_mem>>)
      %dma_start3A_1082 = arith.constant 0 : i32
      %dma_start3A_1083 = arith.constant 0 : i32
      %dma_start3A_1084 = arith.constant 4 : i32
      %dma_start3A_1085 = arith.constant 0 : i32
      %dma_start3A_1086 = arith.constant 0 : i32
      %dma_start3A_1087 = tpu.memref_slice %arg11[%dma_start3A_1082, %dma_start3A_1085, %dma_start3A_1086] : memref<2x128x128xf32, #tpu.memory_space<vmem>> -> memref<1x128x128xf32, #tpu.memory_space<vmem>>
      %dma_start3A_1088 = tpu.memref_squeeze %dma_start3A_1087 : memref<1x128x128xf32, #tpu.memory_space<vmem>> -> memref<128x128xf32, #tpu.memory_space<vmem>>
      %dma_start3A_1089 = arith.constant 0 : i32
      %dma_start3A_1090 = tpu.memref_slice %arg8[%dma_start3A_1083, %dma_start3A_1084, %dma_start3A_1089] : memref<2x6x128xi32, #tpu.memory_space<vmem>> -> memref<1x1x128xi32, #tpu.memory_space<vmem>>
      %dma_start3A_1091 = tpu.memref_squeeze %dma_start3A_1090 : memref<1x1x128xi32, #tpu.memory_space<vmem>> -> memref<128xi32, #tpu.memory_space<vmem>>
      %dma_start3A_1092 = arith.constant 0 : i32
      %dma_start3A_1093 = arith.constant 0 : i32
      %dma_start3A_1094 = tpu.memref_slice %arg12[%dma_start3A_1092, %dma_start3A_1093] : memref<10112x128xf32, #tpu.memory_space<vmem_shared>> -> memref<10112x128xf32, #tpu.memory_space<vmem_shared>>
      tpu.enqueue_indirect_dma source(%dma_start3A_1088 : memref<128x128xf32, #tpu.memory_space<vmem>>) target(%dma_start3A_1094 : memref<10112x128xf32, #tpu.memory_space<vmem_shared>>) offsets(%dma_start3A_1091 : memref<128xi32, #tpu.memory_space<vmem>>) semaphore(%arg15 : memref<!tpu.dma_semaphore, #tpu.memory_space<semaphore_mem>>) {add = true}
      %dma_wait3A_1095 = arith.constant 0 : i32
      %dma_wait3A_1096 = arith.constant 5 : i32
      %dma_wait3A_1097 = arith.constant 1 : i32
      %dma_wait3A_1098 = arith.constant 0 : i32
      %dma_wait3A_1099 = arith.constant 0 : i32
      %dma_wait3A_1100 = tpu.memref_slice %arg11[%dma_wait3A_1097, %dma_wait3A_1098, %dma_wait3A_1099] : memref<2x128x128xf32, #tpu.memory_space<vmem>> -> memref<1x128x128xf32, #tpu.memory_space<vmem>>
      %dma_wait3A_1101 = tpu.memref_squeeze %dma_wait3A_1100 : memref<1x128x128xf32, #tpu.memory_space<vmem>> -> memref<128x128xf32, #tpu.memory_space<vmem>>
      %dma_wait3A_1102 = arith.constant 0 : i32
      %dma_wait3A_1103 = tpu.memref_slice %arg7[%dma_wait3A_1095, %dma_wait3A_1096, %dma_wait3A_1102] : memref<2x6x128xi32, #tpu.memory_space<vmem>> -> memref<1x1x128xi32, #tpu.memory_space<vmem>>
      %dma_wait3A_1104 = tpu.memref_squeeze %dma_wait3A_1103 : memref<1x1x128xi32, #tpu.memory_space<vmem>> -> memref<128xi32, #tpu.memory_space<vmem>>
      %dma_wait3A_1105 = arith.constant 0 : i32
      %dma_wait3A_1106 = arith.constant 0 : i32
      %dma_wait3A_1107 = tpu.memref_slice %arg2[%dma_wait3A_1105, %dma_wait3A_1106] : memref<10000x128xf32, #tpu.memory_space<hbm>> -> memref<10000x128xf32, #tpu.memory_space<hbm>>
      tpu.wait_indirect_dma semaphore(%arg13 : memref<!tpu.dma_semaphore, #tpu.memory_space<semaphore_mem>>) src(%dma_wait3A_1107 : memref<10000x128xf32, #tpu.memory_space<hbm>>) dst(%dma_wait3A_1101 : memref<128x128xf32, #tpu.memory_space<vmem>>)
      %dma_wait3A_1108 = arith.constant 0 : i32
      %dma_wait3A_1109 = arith.constant 0 : i32
      %dma_wait3A_1110 = arith.constant 5 : i32
      %dma_wait3A_1111 = arith.constant 0 : i32
      %dma_wait3A_1112 = arith.constant 0 : i32
      %dma_wait3A_1113 = tpu.memref_slice %arg11[%dma_wait3A_1108, %dma_wait3A_1111, %dma_wait3A_1112] : memref<2x128x128xf32, #tpu.memory_space<vmem>> -> memref<1x128x128xf32, #tpu.memory_space<vmem>>
      %dma_wait3A_1114 = tpu.memref_squeeze %dma_wait3A_1113 : memref<1x128x128xf32, #tpu.memory_space<vmem>> -> memref<128x128xf32, #tpu.memory_space<vmem>>
      %dma_wait3A_1115 = arith.constant 0 : i32
      %dma_wait3A_1116 = tpu.memref_slice %arg8[%dma_wait3A_1109, %dma_wait3A_1110, %dma_wait3A_1115] : memref<2x6x128xi32, #tpu.memory_space<vmem>> -> memref<1x1x128xi32, #tpu.memory_space<vmem>>
      %dma_wait3A_1117 = tpu.memref_squeeze %dma_wait3A_1116 : memref<1x1x128xi32, #tpu.memory_space<vmem>> -> memref<128xi32, #tpu.memory_space<vmem>>
      %dma_wait3A_1118 = arith.constant 0 : i32
      %dma_wait3A_1119 = arith.constant 0 : i32
      %dma_wait3A_1120 = tpu.memref_slice %arg12[%dma_wait3A_1118, %dma_wait3A_1119] : memref<10112x128xf32, #tpu.memory_space<vmem_shared>> -> memref<10112x128xf32, #tpu.memory_space<vmem_shared>>
      tpu.wait_indirect_dma semaphore(%arg15 : memref<!tpu.dma_semaphore, #tpu.memory_space<semaphore_mem>>) src(%dma_wait3A_1114 : memref<128x128xf32, #tpu.memory_space<vmem>>) dst(%dma_wait3A_1120 : memref<10112x128xf32, #tpu.memory_space<vmem_shared>>)
      %add3A_1121 = arith.constant 1 : i32
      %add3A_1122 = arith.addi %mul3A_681, %add3A_1121 : i32
      %mul3A_1123 = arith.constant 6 : i32
      %mul3A_1124 = arith.muli %add3A_1122, %mul3A_1123 : i32
      %add3A_1125 = arith.constant 0 : i32
      %add3A_1126 = arith.addi %mul3A_1124, %add3A_1125 : i32
      %mul3A_1127 = arith.constant 128 : i32
      %mul3A_1128 = arith.muli %add3A_1126, %mul3A_1127 : i32
      %add3A_1129 = arith.addi %mul3A_2, %mul3A_1128 : i32
      %dma_wait3A_1130 = arith.constant 1 : i32
      %dma_wait3A_1131 = arith.constant 0 : i32
      %dma_wait3A_1132 = arith.constant 0 : i32
      %dma_wait3A_1133 = tpu.memref_slice %arg7[%dma_wait3A_1130, %dma_wait3A_1131, %dma_wait3A_1132] : memref<2x6x128xi32, #tpu.memory_space<vmem>> -> memref<1x1x128xi32, #tpu.memory_space<vmem>>
      %dma_wait3A_1134 = tpu.memref_squeeze %dma_wait3A_1133 : memref<1x1x128xi32, #tpu.memory_space<vmem>> -> memref<128xi32, #tpu.memory_space<vmem>>
      %dma_wait3A_1135 = tpu.memref_slice %arg3[%add3A_1129] : memref<320000xi32, #tpu.memory_space<hbm>> -> memref<128xi32, #tpu.memory_space<hbm>>
      %dma_wait3A_1136 = arith.constant 0 : i32
      %dma_wait3A_1137 = tpu.memref_slice %arg7[%dma_wait3A_1130, %dma_wait3A_1131, %dma_wait3A_1136] : memref<2x6x128xi32, #tpu.memory_space<vmem>> -> memref<1x1x128xi32, #tpu.memory_space<vmem>>
      %dma_wait3A_1138 = tpu.memref_squeeze %dma_wait3A_1137 : memref<1x1x128xi32, #tpu.memory_space<vmem>> -> memref<128xi32, #tpu.memory_space<vmem>>
      %dma_wait3A_1139 = tpu.memref_slice %arg3[%add3A_1129] : memref<320000xi32, #tpu.memory_space<hbm>> -> memref<128xi32, #tpu.memory_space<hbm>>
      tpu.wait_dma2 semaphore(%arg14 : memref<!tpu.dma_semaphore, #tpu.memory_space<semaphore_mem>>) src(%dma_wait3A_1139 : memref<128xi32, #tpu.memory_space<hbm>>) dst(%dma_wait3A_1138 : memref<128xi32, #tpu.memory_space<vmem>>)
      %dma_wait3A_1140 = arith.constant 1 : i32
      %dma_wait3A_1141 = arith.constant 0 : i32
      %dma_wait3A_1142 = arith.constant 0 : i32
      %dma_wait3A_1143 = tpu.memref_slice %arg8[%dma_wait3A_1140, %dma_wait3A_1141, %dma_wait3A_1142] : memref<2x6x128xi32, #tpu.memory_space<vmem>> -> memref<1x1x128xi32, #tpu.memory_space<vmem>>
      %dma_wait3A_1144 = tpu.memref_squeeze %dma_wait3A_1143 : memref<1x1x128xi32, #tpu.memory_space<vmem>> -> memref<128xi32, #tpu.memory_space<vmem>>
      %dma_wait3A_1145 = tpu.memref_slice %arg4[%add3A_1129] : memref<320000xi32, #tpu.memory_space<hbm>> -> memref<128xi32, #tpu.memory_space<hbm>>
      %dma_wait3A_1146 = arith.constant 0 : i32
      %dma_wait3A_1147 = tpu.memref_slice %arg8[%dma_wait3A_1140, %dma_wait3A_1141, %dma_wait3A_1146] : memref<2x6x128xi32, #tpu.memory_space<vmem>> -> memref<1x1x128xi32, #tpu.memory_space<vmem>>
      %dma_wait3A_1148 = tpu.memref_squeeze %dma_wait3A_1147 : memref<1x1x128xi32, #tpu.memory_space<vmem>> -> memref<128xi32, #tpu.memory_space<vmem>>
      %dma_wait3A_1149 = tpu.memref_slice %arg4[%add3A_1129] : memref<320000xi32, #tpu.memory_space<hbm>> -> memref<128xi32, #tpu.memory_space<hbm>>
      tpu.wait_dma2 semaphore(%arg14 : memref<!tpu.dma_semaphore, #tpu.memory_space<semaphore_mem>>) src(%dma_wait3A_1149 : memref<128xi32, #tpu.memory_space<hbm>>) dst(%dma_wait3A_1148 : memref<128xi32, #tpu.memory_space<vmem>>)
      %mul3A_1150 = arith.constant 6 : i32
      %mul3A_1151 = arith.muli %add3A_1122, %mul3A_1150 : i32
      %add3A_1152 = arith.constant 1 : i32
      %add3A_1153 = arith.addi %mul3A_1151, %add3A_1152 : i32
      %mul3A_1154 = arith.constant 128 : i32
      %mul3A_1155 = arith.muli %add3A_1153, %mul3A_1154 : i32
      %add3A_1156 = arith.addi %mul3A_2, %mul3A_1155 : i32
      %dma_wait3A_1157 = arith.constant 1 : i32
      %dma_wait3A_1158 = arith.constant 1 : i32
      %dma_wait3A_1159 = arith.constant 0 : i32
      %dma_wait3A_1160 = tpu.memref_slice %arg7[%dma_wait3A_1157, %dma_wait3A_1158, %dma_wait3A_1159] : memref<2x6x128xi32, #tpu.memory_space<vmem>> -> memref<1x1x128xi32, #tpu.memory_space<vmem>>
      %dma_wait3A_1161 = tpu.memref_squeeze %dma_wait3A_1160 : memref<1x1x128xi32, #tpu.memory_space<vmem>> -> memref<128xi32, #tpu.memory_space<vmem>>
      %dma_wait3A_1162 = tpu.memref_slice %arg3[%add3A_1156] : memref<320000xi32, #tpu.memory_space<hbm>> -> memref<128xi32, #tpu.memory_space<hbm>>
      %dma_wait3A_1163 = arith.constant 0 : i32
      %dma_wait3A_1164 = tpu.memref_slice %arg7[%dma_wait3A_1157, %dma_wait3A_1158, %dma_wait3A_1163] : memref<2x6x128xi32, #tpu.memory_space<vmem>> -> memref<1x1x128xi32, #tpu.memory_space<vmem>>
      %dma_wait3A_1165 = tpu.memref_squeeze %dma_wait3A_1164 : memref<1x1x128xi32, #tpu.memory_space<vmem>> -> memref<128xi32, #tpu.memory_space<vmem>>
      %dma_wait3A_1166 = tpu.memref_slice %arg3[%add3A_1156] : memref<320000xi32, #tpu.memory_space<hbm>> -> memref<128xi32, #tpu.memory_space<hbm>>
      tpu.wait_dma2 semaphore(%arg14 : memref<!tpu.dma_semaphore, #tpu.memory_space<semaphore_mem>>) src(%dma_wait3A_1166 : memref<128xi32, #tpu.memory_space<hbm>>) dst(%dma_wait3A_1165 : memref<128xi32, #tpu.memory_space<vmem>>)
      %dma_wait3A_1167 = arith.constant 1 : i32
      %dma_wait3A_1168 = arith.constant 1 : i32
      %dma_wait3A_1169 = arith.constant 0 : i32
      %dma_wait3A_1170 = tpu.memref_slice %arg8[%dma_wait3A_1167, %dma_wait3A_1168, %dma_wait3A_1169] : memref<2x6x128xi32, #tpu.memory_space<vmem>> -> memref<1x1x128xi32, #tpu.memory_space<vmem>>
      %dma_wait3A_1171 = tpu.memref_squeeze %dma_wait3A_1170 : memref<1x1x128xi32, #tpu.memory_space<vmem>> -> memref<128xi32, #tpu.memory_space<vmem>>
      %dma_wait3A_1172 = tpu.memref_slice %arg4[%add3A_1156] : memref<320000xi32, #tpu.memory_space<hbm>> -> memref<128xi32, #tpu.memory_space<hbm>>
      %dma_wait3A_1173 = arith.constant 0 : i32
      %dma_wait3A_1174 = tpu.memref_slice %arg8[%dma_wait3A_1167, %dma_wait3A_1168, %dma_wait3A_1173] : memref<2x6x128xi32, #tpu.memory_space<vmem>> -> memref<1x1x128xi32, #tpu.memory_space<vmem>>
      %dma_wait3A_1175 = tpu.memref_squeeze %dma_wait3A_1174 : memref<1x1x128xi32, #tpu.memory_space<vmem>> -> memref<128xi32, #tpu.memory_space<vmem>>
      %dma_wait3A_1176 = tpu.memref_slice %arg4[%add3A_1156] : memref<320000xi32, #tpu.memory_space<hbm>> -> memref<128xi32, #tpu.memory_space<hbm>>
      tpu.wait_dma2 semaphore(%arg14 : memref<!tpu.dma_semaphore, #tpu.memory_space<semaphore_mem>>) src(%dma_wait3A_1176 : memref<128xi32, #tpu.memory_space<hbm>>) dst(%dma_wait3A_1175 : memref<128xi32, #tpu.memory_space<vmem>>)
      %mul3A_1177 = arith.constant 6 : i32
      %mul3A_1178 = arith.muli %add3A_1122, %mul3A_1177 : i32
      %add3A_1179 = arith.constant 2 : i32
      %add3A_1180 = arith.addi %mul3A_1178, %add3A_1179 : i32
      %mul3A_1181 = arith.constant 128 : i32
      %mul3A_1182 = arith.muli %add3A_1180, %mul3A_1181 : i32
      %add3A_1183 = arith.addi %mul3A_2, %mul3A_1182 : i32
      %dma_wait3A_1184 = arith.constant 1 : i32
      %dma_wait3A_1185 = arith.constant 2 : i32
      %dma_wait3A_1186 = arith.constant 0 : i32
      %dma_wait3A_1187 = tpu.memref_slice %arg7[%dma_wait3A_1184, %dma_wait3A_1185, %dma_wait3A_1186] : memref<2x6x128xi32, #tpu.memory_space<vmem>> -> memref<1x1x128xi32, #tpu.memory_space<vmem>>
      %dma_wait3A_1188 = tpu.memref_squeeze %dma_wait3A_1187 : memref<1x1x128xi32, #tpu.memory_space<vmem>> -> memref<128xi32, #tpu.memory_space<vmem>>
      %dma_wait3A_1189 = tpu.memref_slice %arg3[%add3A_1183] : memref<320000xi32, #tpu.memory_space<hbm>> -> memref<128xi32, #tpu.memory_space<hbm>>
      %dma_wait3A_1190 = arith.constant 0 : i32
      %dma_wait3A_1191 = tpu.memref_slice %arg7[%dma_wait3A_1184, %dma_wait3A_1185, %dma_wait3A_1190] : memref<2x6x128xi32, #tpu.memory_space<vmem>> -> memref<1x1x128xi32, #tpu.memory_space<vmem>>
      %dma_wait3A_1192 = tpu.memref_squeeze %dma_wait3A_1191 : memref<1x1x128xi32, #tpu.memory_space<vmem>> -> memref<128xi32, #tpu.memory_space<vmem>>
      %dma_wait3A_1193 = tpu.memref_slice %arg3[%add3A_1183] : memref<320000xi32, #tpu.memory_space<hbm>> -> memref<128xi32, #tpu.memory_space<hbm>>
      tpu.wait_dma2 semaphore(%arg14 : memref<!tpu.dma_semaphore, #tpu.memory_space<semaphore_mem>>) src(%dma_wait3A_1193 : memref<128xi32, #tpu.memory_space<hbm>>) dst(%dma_wait3A_1192 : memref<128xi32, #tpu.memory_space<vmem>>)
      %dma_wait3A_1194 = arith.constant 1 : i32
      %dma_wait3A_1195 = arith.constant 2 : i32
      %dma_wait3A_1196 = arith.constant 0 : i32
      %dma_wait3A_1197 = tpu.memref_slice %arg8[%dma_wait3A_1194, %dma_wait3A_1195, %dma_wait3A_1196] : memref<2x6x128xi32, #tpu.memory_space<vmem>> -> memref<1x1x128xi32, #tpu.memory_space<vmem>>
      %dma_wait3A_1198 = tpu.memref_squeeze %dma_wait3A_1197 : memref<1x1x128xi32, #tpu.memory_space<vmem>> -> memref<128xi32, #tpu.memory_space<vmem>>
      %dma_wait3A_1199 = tpu.memref_slice %arg4[%add3A_1183] : memref<320000xi32, #tpu.memory_space<hbm>> -> memref<128xi32, #tpu.memory_space<hbm>>
      %dma_wait3A_1200 = arith.constant 0 : i32
      %dma_wait3A_1201 = tpu.memref_slice %arg8[%dma_wait3A_1194, %dma_wait3A_1195, %dma_wait3A_1200] : memref<2x6x128xi32, #tpu.memory_space<vmem>> -> memref<1x1x128xi32, #tpu.memory_space<vmem>>
      %dma_wait3A_1202 = tpu.memref_squeeze %dma_wait3A_1201 : memref<1x1x128xi32, #tpu.memory_space<vmem>> -> memref<128xi32, #tpu.memory_space<vmem>>
      %dma_wait3A_1203 = tpu.memref_slice %arg4[%add3A_1183] : memref<320000xi32, #tpu.memory_space<hbm>> -> memref<128xi32, #tpu.memory_space<hbm>>
      tpu.wait_dma2 semaphore(%arg14 : memref<!tpu.dma_semaphore, #tpu.memory_space<semaphore_mem>>) src(%dma_wait3A_1203 : memref<128xi32, #tpu.memory_space<hbm>>) dst(%dma_wait3A_1202 : memref<128xi32, #tpu.memory_space<vmem>>)
      %mul3A_1204 = arith.constant 6 : i32
      %mul3A_1205 = arith.muli %add3A_1122, %mul3A_1204 : i32
      %add3A_1206 = arith.constant 3 : i32
      %add3A_1207 = arith.addi %mul3A_1205, %add3A_1206 : i32
      %mul3A_1208 = arith.constant 128 : i32
      %mul3A_1209 = arith.muli %add3A_1207, %mul3A_1208 : i32
      %add3A_1210 = arith.addi %mul3A_2, %mul3A_1209 : i32
      %dma_wait3A_1211 = arith.constant 1 : i32
      %dma_wait3A_1212 = arith.constant 3 : i32
      %dma_wait3A_1213 = arith.constant 0 : i32
      %dma_wait3A_1214 = tpu.memref_slice %arg7[%dma_wait3A_1211, %dma_wait3A_1212, %dma_wait3A_1213] : memref<2x6x128xi32, #tpu.memory_space<vmem>> -> memref<1x1x128xi32, #tpu.memory_space<vmem>>
      %dma_wait3A_1215 = tpu.memref_squeeze %dma_wait3A_1214 : memref<1x1x128xi32, #tpu.memory_space<vmem>> -> memref<128xi32, #tpu.memory_space<vmem>>
      %dma_wait3A_1216 = tpu.memref_slice %arg3[%add3A_1210] : memref<320000xi32, #tpu.memory_space<hbm>> -> memref<128xi32, #tpu.memory_space<hbm>>
      %dma_wait3A_1217 = arith.constant 0 : i32
      %dma_wait3A_1218 = tpu.memref_slice %arg7[%dma_wait3A_1211, %dma_wait3A_1212, %dma_wait3A_1217] : memref<2x6x128xi32, #tpu.memory_space<vmem>> -> memref<1x1x128xi32, #tpu.memory_space<vmem>>
      %dma_wait3A_1219 = tpu.memref_squeeze %dma_wait3A_1218 : memref<1x1x128xi32, #tpu.memory_space<vmem>> -> memref<128xi32, #tpu.memory_space<vmem>>
      %dma_wait3A_1220 = tpu.memref_slice %arg3[%add3A_1210] : memref<320000xi32, #tpu.memory_space<hbm>> -> memref<128xi32, #tpu.memory_space<hbm>>
      tpu.wait_dma2 semaphore(%arg14 : memref<!tpu.dma_semaphore, #tpu.memory_space<semaphore_mem>>) src(%dma_wait3A_1220 : memref<128xi32, #tpu.memory_space<hbm>>) dst(%dma_wait3A_1219 : memref<128xi32, #tpu.memory_space<vmem>>)
      %dma_wait3A_1221 = arith.constant 1 : i32
      %dma_wait3A_1222 = arith.constant 3 : i32
      %dma_wait3A_1223 = arith.constant 0 : i32
      %dma_wait3A_1224 = tpu.memref_slice %arg8[%dma_wait3A_1221, %dma_wait3A_1222, %dma_wait3A_1223] : memref<2x6x128xi32, #tpu.memory_space<vmem>> -> memref<1x1x128xi32, #tpu.memory_space<vmem>>
      %dma_wait3A_1225 = tpu.memref_squeeze %dma_wait3A_1224 : memref<1x1x128xi32, #tpu.memory_space<vmem>> -> memref<128xi32, #tpu.memory_space<vmem>>
      %dma_wait3A_1226 = tpu.memref_slice %arg4[%add3A_1210] : memref<320000xi32, #tpu.memory_space<hbm>> -> memref<128xi32, #tpu.memory_space<hbm>>
      %dma_wait3A_1227 = arith.constant 0 : i32
      %dma_wait3A_1228 = tpu.memref_slice %arg8[%dma_wait3A_1221, %dma_wait3A_1222, %dma_wait3A_1227] : memref<2x6x128xi32, #tpu.memory_space<vmem>> -> memref<1x1x128xi32, #tpu.memory_space<vmem>>
      %dma_wait3A_1229 = tpu.memref_squeeze %dma_wait3A_1228 : memref<1x1x128xi32, #tpu.memory_space<vmem>> -> memref<128xi32, #tpu.memory_space<vmem>>
      %dma_wait3A_1230 = tpu.memref_slice %arg4[%add3A_1210] : memref<320000xi32, #tpu.memory_space<hbm>> -> memref<128xi32, #tpu.memory_space<hbm>>
      tpu.wait_dma2 semaphore(%arg14 : memref<!tpu.dma_semaphore, #tpu.memory_space<semaphore_mem>>) src(%dma_wait3A_1230 : memref<128xi32, #tpu.memory_space<hbm>>) dst(%dma_wait3A_1229 : memref<128xi32, #tpu.memory_space<vmem>>)
      %mul3A_1231 = arith.constant 6 : i32
      %mul3A_1232 = arith.muli %add3A_1122, %mul3A_1231 : i32
      %add3A_1233 = arith.constant 4 : i32
      %add3A_1234 = arith.addi %mul3A_1232, %add3A_1233 : i32
      %mul3A_1235 = arith.constant 128 : i32
      %mul3A_1236 = arith.muli %add3A_1234, %mul3A_1235 : i32
      %add3A_1237 = arith.addi %mul3A_2, %mul3A_1236 : i32
      %dma_wait3A_1238 = arith.constant 1 : i32
      %dma_wait3A_1239 = arith.constant 4 : i32
      %dma_wait3A_1240 = arith.constant 0 : i32
      %dma_wait3A_1241 = tpu.memref_slice %arg7[%dma_wait3A_1238, %dma_wait3A_1239, %dma_wait3A_1240] : memref<2x6x128xi32, #tpu.memory_space<vmem>> -> memref<1x1x128xi32, #tpu.memory_space<vmem>>
      %dma_wait3A_1242 = tpu.memref_squeeze %dma_wait3A_1241 : memref<1x1x128xi32, #tpu.memory_space<vmem>> -> memref<128xi32, #tpu.memory_space<vmem>>
      %dma_wait3A_1243 = tpu.memref_slice %arg3[%add3A_1237] : memref<320000xi32, #tpu.memory_space<hbm>> -> memref<128xi32, #tpu.memory_space<hbm>>
      %dma_wait3A_1244 = arith.constant 0 : i32
      %dma_wait3A_1245 = tpu.memref_slice %arg7[%dma_wait3A_1238, %dma_wait3A_1239, %dma_wait3A_1244] : memref<2x6x128xi32, #tpu.memory_space<vmem>> -> memref<1x1x128xi32, #tpu.memory_space<vmem>>
      %dma_wait3A_1246 = tpu.memref_squeeze %dma_wait3A_1245 : memref<1x1x128xi32, #tpu.memory_space<vmem>> -> memref<128xi32, #tpu.memory_space<vmem>>
      %dma_wait3A_1247 = tpu.memref_slice %arg3[%add3A_1237] : memref<320000xi32, #tpu.memory_space<hbm>> -> memref<128xi32, #tpu.memory_space<hbm>>
      tpu.wait_dma2 semaphore(%arg14 : memref<!tpu.dma_semaphore, #tpu.memory_space<semaphore_mem>>) src(%dma_wait3A_1247 : memref<128xi32, #tpu.memory_space<hbm>>) dst(%dma_wait3A_1246 : memref<128xi32, #tpu.memory_space<vmem>>)
      %dma_wait3A_1248 = arith.constant 1 : i32
      %dma_wait3A_1249 = arith.constant 4 : i32
      %dma_wait3A_1250 = arith.constant 0 : i32
      %dma_wait3A_1251 = tpu.memref_slice %arg8[%dma_wait3A_1248, %dma_wait3A_1249, %dma_wait3A_1250] : memref<2x6x128xi32, #tpu.memory_space<vmem>> -> memref<1x1x128xi32, #tpu.memory_space<vmem>>
      %dma_wait3A_1252 = tpu.memref_squeeze %dma_wait3A_1251 : memref<1x1x128xi32, #tpu.memory_space<vmem>> -> memref<128xi32, #tpu.memory_space<vmem>>
      %dma_wait3A_1253 = tpu.memref_slice %arg4[%add3A_1237] : memref<320000xi32, #tpu.memory_space<hbm>> -> memref<128xi32, #tpu.memory_space<hbm>>
      %dma_wait3A_1254 = arith.constant 0 : i32
      %dma_wait3A_1255 = tpu.memref_slice %arg8[%dma_wait3A_1248, %dma_wait3A_1249, %dma_wait3A_1254] : memref<2x6x128xi32, #tpu.memory_space<vmem>> -> memref<1x1x128xi32, #tpu.memory_space<vmem>>
      %dma_wait3A_1256 = tpu.memref_squeeze %dma_wait3A_1255 : memref<1x1x128xi32, #tpu.memory_space<vmem>> -> memref<128xi32, #tpu.memory_space<vmem>>
      %dma_wait3A_1257 = tpu.memref_slice %arg4[%add3A_1237] : memref<320000xi32, #tpu.memory_space<hbm>> -> memref<128xi32, #tpu.memory_space<hbm>>
      tpu.wait_dma2 semaphore(%arg14 : memref<!tpu.dma_semaphore, #tpu.memory_space<semaphore_mem>>) src(%dma_wait3A_1257 : memref<128xi32, #tpu.memory_space<hbm>>) dst(%dma_wait3A_1256 : memref<128xi32, #tpu.memory_space<vmem>>)
      %mul3A_1258 = arith.constant 6 : i32
      %mul3A_1259 = arith.muli %add3A_1122, %mul3A_1258 : i32
      %add3A_1260 = arith.constant 5 : i32
      %add3A_1261 = arith.addi %mul3A_1259, %add3A_1260 : i32
      %mul3A_1262 = arith.constant 128 : i32
      %mul3A_1263 = arith.muli %add3A_1261, %mul3A_1262 : i32
      %add3A_1264 = arith.addi %mul3A_2, %mul3A_1263 : i32
      %dma_wait3A_1265 = arith.constant 1 : i32
      %dma_wait3A_1266 = arith.constant 5 : i32
      %dma_wait3A_1267 = arith.constant 0 : i32
      %dma_wait3A_1268 = tpu.memref_slice %arg7[%dma_wait3A_1265, %dma_wait3A_1266, %dma_wait3A_1267] : memref<2x6x128xi32, #tpu.memory_space<vmem>> -> memref<1x1x128xi32, #tpu.memory_space<vmem>>
      %dma_wait3A_1269 = tpu.memref_squeeze %dma_wait3A_1268 : memref<1x1x128xi32, #tpu.memory_space<vmem>> -> memref<128xi32, #tpu.memory_space<vmem>>
      %dma_wait3A_1270 = tpu.memref_slice %arg3[%add3A_1264] : memref<320000xi32, #tpu.memory_space<hbm>> -> memref<128xi32, #tpu.memory_space<hbm>>
      %dma_wait3A_1271 = arith.constant 0 : i32
      %dma_wait3A_1272 = tpu.memref_slice %arg7[%dma_wait3A_1265, %dma_wait3A_1266, %dma_wait3A_1271] : memref<2x6x128xi32, #tpu.memory_space<vmem>> -> memref<1x1x128xi32, #tpu.memory_space<vmem>>
      %dma_wait3A_1273 = tpu.memref_squeeze %dma_wait3A_1272 : memref<1x1x128xi32, #tpu.memory_space<vmem>> -> memref<128xi32, #tpu.memory_space<vmem>>
      %dma_wait3A_1274 = tpu.memref_slice %arg3[%add3A_1264] : memref<320000xi32, #tpu.memory_space<hbm>> -> memref<128xi32, #tpu.memory_space<hbm>>
      tpu.wait_dma2 semaphore(%arg14 : memref<!tpu.dma_semaphore, #tpu.memory_space<semaphore_mem>>) src(%dma_wait3A_1274 : memref<128xi32, #tpu.memory_space<hbm>>) dst(%dma_wait3A_1273 : memref<128xi32, #tpu.memory_space<vmem>>)
      %dma_wait3A_1275 = arith.constant 1 : i32
      %dma_wait3A_1276 = arith.constant 5 : i32
      %dma_wait3A_1277 = arith.constant 0 : i32
      %dma_wait3A_1278 = tpu.memref_slice %arg8[%dma_wait3A_1275, %dma_wait3A_1276, %dma_wait3A_1277] : memref<2x6x128xi32, #tpu.memory_space<vmem>> -> memref<1x1x128xi32, #tpu.memory_space<vmem>>
      %dma_wait3A_1279 = tpu.memref_squeeze %dma_wait3A_1278 : memref<1x1x128xi32, #tpu.memory_space<vmem>> -> memref<128xi32, #tpu.memory_space<vmem>>
      %dma_wait3A_1280 = tpu.memref_slice %arg4[%add3A_1264] : memref<320000xi32, #tpu.memory_space<hbm>> -> memref<128xi32, #tpu.memory_space<hbm>>
      %dma_wait3A_1281 = arith.constant 0 : i32
      %dma_wait3A_1282 = tpu.memref_slice %arg8[%dma_wait3A_1275, %dma_wait3A_1276, %dma_wait3A_1281] : memref<2x6x128xi32, #tpu.memory_space<vmem>> -> memref<1x1x128xi32, #tpu.memory_space<vmem>>
      %dma_wait3A_1283 = tpu.memref_squeeze %dma_wait3A_1282 : memref<1x1x128xi32, #tpu.memory_space<vmem>> -> memref<128xi32, #tpu.memory_space<vmem>>
      %dma_wait3A_1284 = tpu.memref_slice %arg4[%add3A_1264] : memref<320000xi32, #tpu.memory_space<hbm>> -> memref<128xi32, #tpu.memory_space<hbm>>
      tpu.wait_dma2 semaphore(%arg14 : memref<!tpu.dma_semaphore, #tpu.memory_space<semaphore_mem>>) src(%dma_wait3A_1284 : memref<128xi32, #tpu.memory_space<hbm>>) dst(%dma_wait3A_1283 : memref<128xi32, #tpu.memory_space<vmem>>)
      %dma_start3A_1285 = arith.constant 1 : i32
      %dma_start3A_1286 = arith.constant 0 : i32
      %dma_start3A_1287 = arith.constant 0 : i32
      %dma_start3A_1288 = arith.constant 0 : i32
      %dma_start3A_1289 = arith.constant 0 : i32
      %dma_start3A_1290 = tpu.memref_slice %arg11[%dma_start3A_1287, %dma_start3A_1288, %dma_start3A_1289] : memref<2x128x128xf32, #tpu.memory_space<vmem>> -> memref<1x128x128xf32, #tpu.memory_space<vmem>>
      %dma_start3A_1291 = tpu.memref_squeeze %dma_start3A_1290 : memref<1x128x128xf32, #tpu.memory_space<vmem>> -> memref<128x128xf32, #tpu.memory_space<vmem>>
      %dma_start3A_1292 = arith.constant 0 : i32
      %dma_start3A_1293 = tpu.memref_slice %arg7[%dma_start3A_1285, %dma_start3A_1286, %dma_start3A_1292] : memref<2x6x128xi32, #tpu.memory_space<vmem>> -> memref<1x1x128xi32, #tpu.memory_space<vmem>>
      %dma_start3A_1294 = tpu.memref_squeeze %dma_start3A_1293 : memref<1x1x128xi32, #tpu.memory_space<vmem>> -> memref<128xi32, #tpu.memory_space<vmem>>
      %dma_start3A_1295 = arith.constant 0 : i32
      %dma_start3A_1296 = arith.constant 0 : i32
      %dma_start3A_1297 = tpu.memref_slice %arg2[%dma_start3A_1295, %dma_start3A_1296] : memref<10000x128xf32, #tpu.memory_space<hbm>> -> memref<10000x128xf32, #tpu.memory_space<hbm>>
      tpu.enqueue_indirect_dma source(%dma_start3A_1297 : memref<10000x128xf32, #tpu.memory_space<hbm>>) target(%dma_start3A_1291 : memref<128x128xf32, #tpu.memory_space<vmem>>) offsets(%dma_start3A_1294 : memref<128xi32, #tpu.memory_space<vmem>>) semaphore(%arg13 : memref<!tpu.dma_semaphore, #tpu.memory_space<semaphore_mem>>)
      %dma_start3A_1298 = arith.constant 1 : i32
      %dma_start3A_1299 = arith.constant 0 : i32
      %dma_start3A_1300 = arith.constant 5 : i32
      %dma_start3A_1301 = arith.constant 0 : i32
      %dma_start3A_1302 = arith.constant 0 : i32
      %dma_start3A_1303 = tpu.memref_slice %arg11[%dma_start3A_1298, %dma_start3A_1301, %dma_start3A_1302] : memref<2x128x128xf32, #tpu.memory_space<vmem>> -> memref<1x128x128xf32, #tpu.memory_space<vmem>>
      %dma_start3A_1304 = tpu.memref_squeeze %dma_start3A_1303 : memref<1x128x128xf32, #tpu.memory_space<vmem>> -> memref<128x128xf32, #tpu.memory_space<vmem>>
      %dma_start3A_1305 = arith.constant 0 : i32
      %dma_start3A_1306 = tpu.memref_slice %arg8[%dma_start3A_1299, %dma_start3A_1300, %dma_start3A_1305] : memref<2x6x128xi32, #tpu.memory_space<vmem>> -> memref<1x1x128xi32, #tpu.memory_space<vmem>>
      %dma_start3A_1307 = tpu.memref_squeeze %dma_start3A_1306 : memref<1x1x128xi32, #tpu.memory_space<vmem>> -> memref<128xi32, #tpu.memory_space<vmem>>
      %dma_start3A_1308 = arith.constant 0 : i32
      %dma_start3A_1309 = arith.constant 0 : i32
      %dma_start3A_1310 = tpu.memref_slice %arg12[%dma_start3A_1308, %dma_start3A_1309] : memref<10112x128xf32, #tpu.memory_space<vmem_shared>> -> memref<10112x128xf32, #tpu.memory_space<vmem_shared>>
      tpu.enqueue_indirect_dma source(%dma_start3A_1304 : memref<128x128xf32, #tpu.memory_space<vmem>>) target(%dma_start3A_1310 : memref<10112x128xf32, #tpu.memory_space<vmem_shared>>) offsets(%dma_start3A_1307 : memref<128xi32, #tpu.memory_space<vmem>>) semaphore(%arg15 : memref<!tpu.dma_semaphore, #tpu.memory_space<semaphore_mem>>) {add = true}
      %mul3A_1311 = arith.constant 2 : i32
      %mul3A_1312 = arith.muli %scan3A_679, %mul3A_1311 : i32
      %add3A_1313 = arith.constant 1 : i32
      %add3A_1314 = arith.addi %mul3A_1312, %add3A_1313 : i32
      %add3A_1315 = arith.constant 1 : i32
      %add3A_1316 = arith.addi %add3A_1314, %add3A_1315 : i32
      %mul3A_1317 = arith.constant 6 : i32
      %mul3A_1318 = arith.muli %add3A_1316, %mul3A_1317 : i32
      %add3A_1319 = arith.constant 0 : i32
      %add3A_1320 = arith.addi %mul3A_1318, %add3A_1319 : i32
      %mul3A_1321 = arith.constant 128 : i32
      %mul3A_1322 = arith.muli %add3A_1320, %mul3A_1321 : i32
      %add3A_1323 = arith.addi %mul3A_2, %mul3A_1322 : i32
      %dma_start3A_1324 = arith.constant 0 : i32
      %dma_start3A_1325 = arith.constant 0 : i32
      %dma_start3A_1326 = arith.constant 0 : i32
      %dma_start3A_1327 = tpu.memref_slice %arg7[%dma_start3A_1324, %dma_start3A_1325, %dma_start3A_1326] : memref<2x6x128xi32, #tpu.memory_space<vmem>> -> memref<1x1x128xi32, #tpu.memory_space<vmem>>
      %dma_start3A_1328 = tpu.memref_squeeze %dma_start3A_1327 : memref<1x1x128xi32, #tpu.memory_space<vmem>> -> memref<128xi32, #tpu.memory_space<vmem>>
      %dma_start3A_1329 = tpu.memref_slice %arg3[%add3A_1323] : memref<320000xi32, #tpu.memory_space<hbm>> -> memref<128xi32, #tpu.memory_space<hbm>>
      %dma_start3A_1330 = arith.constant 0 : i32
      %dma_start3A_1331 = tpu.memref_slice %arg7[%dma_start3A_1324, %dma_start3A_1325, %dma_start3A_1330] : memref<2x6x128xi32, #tpu.memory_space<vmem>> -> memref<1x1x128xi32, #tpu.memory_space<vmem>>
      %dma_start3A_1332 = tpu.memref_squeeze %dma_start3A_1331 : memref<1x1x128xi32, #tpu.memory_space<vmem>> -> memref<128xi32, #tpu.memory_space<vmem>>
      %dma_start3A_1333 = tpu.memref_slice %arg3[%add3A_1323] : memref<320000xi32, #tpu.memory_space<hbm>> -> memref<128xi32, #tpu.memory_space<hbm>>
      tpu.enqueue_dma source(%dma_start3A_1333 : memref<128xi32, #tpu.memory_space<hbm>>) target(%dma_start3A_1332 : memref<128xi32, #tpu.memory_space<vmem>>) target_semaphore(%arg14 : memref<!tpu.dma_semaphore, #tpu.memory_space<semaphore_mem>>)
      %dma_start3A_1334 = arith.constant 0 : i32
      %dma_start3A_1335 = arith.constant 0 : i32
      %dma_start3A_1336 = arith.constant 0 : i32
      %dma_start3A_1337 = tpu.memref_slice %arg8[%dma_start3A_1334, %dma_start3A_1335, %dma_start3A_1336] : memref<2x6x128xi32, #tpu.memory_space<vmem>> -> memref<1x1x128xi32, #tpu.memory_space<vmem>>
      %dma_start3A_1338 = tpu.memref_squeeze %dma_start3A_1337 : memref<1x1x128xi32, #tpu.memory_space<vmem>> -> memref<128xi32, #tpu.memory_space<vmem>>
      %dma_start3A_1339 = tpu.memref_slice %arg4[%add3A_1323] : memref<320000xi32, #tpu.memory_space<hbm>> -> memref<128xi32, #tpu.memory_space<hbm>>
      %dma_start3A_1340 = arith.constant 0 : i32
      %dma_start3A_1341 = tpu.memref_slice %arg8[%dma_start3A_1334, %dma_start3A_1335, %dma_start3A_1340] : memref<2x6x128xi32, #tpu.memory_space<vmem>> -> memref<1x1x128xi32, #tpu.memory_space<vmem>>
      %dma_start3A_1342 = tpu.memref_squeeze %dma_start3A_1341 : memref<1x1x128xi32, #tpu.memory_space<vmem>> -> memref<128xi32, #tpu.memory_space<vmem>>
      %dma_start3A_1343 = tpu.memref_slice %arg4[%add3A_1323] : memref<320000xi32, #tpu.memory_space<hbm>> -> memref<128xi32, #tpu.memory_space<hbm>>
      tpu.enqueue_dma source(%dma_start3A_1343 : memref<128xi32, #tpu.memory_space<hbm>>) target(%dma_start3A_1342 : memref<128xi32, #tpu.memory_space<vmem>>) target_semaphore(%arg14 : memref<!tpu.dma_semaphore, #tpu.memory_space<semaphore_mem>>)
      %mul3A_1344 = arith.constant 6 : i32
      %mul3A_1345 = arith.muli %add3A_1316, %mul3A_1344 : i32
      %add3A_1346 = arith.constant 1 : i32
      %add3A_1347 = arith.addi %mul3A_1345, %add3A_1346 : i32
      %mul3A_1348 = arith.constant 128 : i32
      %mul3A_1349 = arith.muli %add3A_1347, %mul3A_1348 : i32
      %add3A_1350 = arith.addi %mul3A_2, %mul3A_1349 : i32
      %dma_start3A_1351 = arith.constant 0 : i32
      %dma_start3A_1352 = arith.constant 1 : i32
      %dma_start3A_1353 = arith.constant 0 : i32
      %dma_start3A_1354 = tpu.memref_slice %arg7[%dma_start3A_1351, %dma_start3A_1352, %dma_start3A_1353] : memref<2x6x128xi32, #tpu.memory_space<vmem>> -> memref<1x1x128xi32, #tpu.memory_space<vmem>>
      %dma_start3A_1355 = tpu.memref_squeeze %dma_start3A_1354 : memref<1x1x128xi32, #tpu.memory_space<vmem>> -> memref<128xi32, #tpu.memory_space<vmem>>
      %dma_start3A_1356 = tpu.memref_slice %arg3[%add3A_1350] : memref<320000xi32, #tpu.memory_space<hbm>> -> memref<128xi32, #tpu.memory_space<hbm>>
      %dma_start3A_1357 = arith.constant 0 : i32
      %dma_start3A_1358 = tpu.memref_slice %arg7[%dma_start3A_1351, %dma_start3A_1352, %dma_start3A_1357] : memref<2x6x128xi32, #tpu.memory_space<vmem>> -> memref<1x1x128xi32, #tpu.memory_space<vmem>>
      %dma_start3A_1359 = tpu.memref_squeeze %dma_start3A_1358 : memref<1x1x128xi32, #tpu.memory_space<vmem>> -> memref<128xi32, #tpu.memory_space<vmem>>
      %dma_start3A_1360 = tpu.memref_slice %arg3[%add3A_1350] : memref<320000xi32, #tpu.memory_space<hbm>> -> memref<128xi32, #tpu.memory_space<hbm>>
      tpu.enqueue_dma source(%dma_start3A_1360 : memref<128xi32, #tpu.memory_space<hbm>>) target(%dma_start3A_1359 : memref<128xi32, #tpu.memory_space<vmem>>) target_semaphore(%arg14 : memref<!tpu.dma_semaphore, #tpu.memory_space<semaphore_mem>>)
      %dma_start3A_1361 = arith.constant 0 : i32
      %dma_start3A_1362 = arith.constant 1 : i32
      %dma_start3A_1363 = arith.constant 0 : i32
      %dma_start3A_1364 = tpu.memref_slice %arg8[%dma_start3A_1361, %dma_start3A_1362, %dma_start3A_1363] : memref<2x6x128xi32, #tpu.memory_space<vmem>> -> memref<1x1x128xi32, #tpu.memory_space<vmem>>
      %dma_start3A_1365 = tpu.memref_squeeze %dma_start3A_1364 : memref<1x1x128xi32, #tpu.memory_space<vmem>> -> memref<128xi32, #tpu.memory_space<vmem>>
      %dma_start3A_1366 = tpu.memref_slice %arg4[%add3A_1350] : memref<320000xi32, #tpu.memory_space<hbm>> -> memref<128xi32, #tpu.memory_space<hbm>>
      %dma_start3A_1367 = arith.constant 0 : i32
      %dma_start3A_1368 = tpu.memref_slice %arg8[%dma_start3A_1361, %dma_start3A_1362, %dma_start3A_1367] : memref<2x6x128xi32, #tpu.memory_space<vmem>> -> memref<1x1x128xi32, #tpu.memory_space<vmem>>
      %dma_start3A_1369 = tpu.memref_squeeze %dma_start3A_1368 : memref<1x1x128xi32, #tpu.memory_space<vmem>> -> memref<128xi32, #tpu.memory_space<vmem>>
      %dma_start3A_1370 = tpu.memref_slice %arg4[%add3A_1350] : memref<320000xi32, #tpu.memory_space<hbm>> -> memref<128xi32, #tpu.memory_space<hbm>>
      tpu.enqueue_dma source(%dma_start3A_1370 : memref<128xi32, #tpu.memory_space<hbm>>) target(%dma_start3A_1369 : memref<128xi32, #tpu.memory_space<vmem>>) target_semaphore(%arg14 : memref<!tpu.dma_semaphore, #tpu.memory_space<semaphore_mem>>)
      %mul3A_1371 = arith.constant 6 : i32
      %mul3A_1372 = arith.muli %add3A_1316, %mul3A_1371 : i32
      %add3A_1373 = arith.constant 2 : i32
      %add3A_1374 = arith.addi %mul3A_1372, %add3A_1373 : i32
      %mul3A_1375 = arith.constant 128 : i32
      %mul3A_1376 = arith.muli %add3A_1374, %mul3A_1375 : i32
      %add3A_1377 = arith.addi %mul3A_2, %mul3A_1376 : i32
      %dma_start3A_1378 = arith.constant 0 : i32
      %dma_start3A_1379 = arith.constant 2 : i32
      %dma_start3A_1380 = arith.constant 0 : i32
      %dma_start3A_1381 = tpu.memref_slice %arg7[%dma_start3A_1378, %dma_start3A_1379, %dma_start3A_1380] : memref<2x6x128xi32, #tpu.memory_space<vmem>> -> memref<1x1x128xi32, #tpu.memory_space<vmem>>
      %dma_start3A_1382 = tpu.memref_squeeze %dma_start3A_1381 : memref<1x1x128xi32, #tpu.memory_space<vmem>> -> memref<128xi32, #tpu.memory_space<vmem>>
      %dma_start3A_1383 = tpu.memref_slice %arg3[%add3A_1377] : memref<320000xi32, #tpu.memory_space<hbm>> -> memref<128xi32, #tpu.memory_space<hbm>>
      %dma_start3A_1384 = arith.constant 0 : i32
      %dma_start3A_1385 = tpu.memref_slice %arg7[%dma_start3A_1378, %dma_start3A_1379, %dma_start3A_1384] : memref<2x6x128xi32, #tpu.memory_space<vmem>> -> memref<1x1x128xi32, #tpu.memory_space<vmem>>
      %dma_start3A_1386 = tpu.memref_squeeze %dma_start3A_1385 : memref<1x1x128xi32, #tpu.memory_space<vmem>> -> memref<128xi32, #tpu.memory_space<vmem>>
      %dma_start3A_1387 = tpu.memref_slice %arg3[%add3A_1377] : memref<320000xi32, #tpu.memory_space<hbm>> -> memref<128xi32, #tpu.memory_space<hbm>>
      tpu.enqueue_dma source(%dma_start3A_1387 : memref<128xi32, #tpu.memory_space<hbm>>) target(%dma_start3A_1386 : memref<128xi32, #tpu.memory_space<vmem>>) target_semaphore(%arg14 : memref<!tpu.dma_semaphore, #tpu.memory_space<semaphore_mem>>)
      %dma_start3A_1388 = arith.constant 0 : i32
      %dma_start3A_1389 = arith.constant 2 : i32
      %dma_start3A_1390 = arith.constant 0 : i32
      %dma_start3A_1391 = tpu.memref_slice %arg8[%dma_start3A_1388, %dma_start3A_1389, %dma_start3A_1390] : memref<2x6x128xi32, #tpu.memory_space<vmem>> -> memref<1x1x128xi32, #tpu.memory_space<vmem>>
      %dma_start3A_1392 = tpu.memref_squeeze %dma_start3A_1391 : memref<1x1x128xi32, #tpu.memory_space<vmem>> -> memref<128xi32, #tpu.memory_space<vmem>>
      %dma_start3A_1393 = tpu.memref_slice %arg4[%add3A_1377] : memref<320000xi32, #tpu.memory_space<hbm>> -> memref<128xi32, #tpu.memory_space<hbm>>
      %dma_start3A_1394 = arith.constant 0 : i32
      %dma_start3A_1395 = tpu.memref_slice %arg8[%dma_start3A_1388, %dma_start3A_1389, %dma_start3A_1394] : memref<2x6x128xi32, #tpu.memory_space<vmem>> -> memref<1x1x128xi32, #tpu.memory_space<vmem>>
      %dma_start3A_1396 = tpu.memref_squeeze %dma_start3A_1395 : memref<1x1x128xi32, #tpu.memory_space<vmem>> -> memref<128xi32, #tpu.memory_space<vmem>>
      %dma_start3A_1397 = tpu.memref_slice %arg4[%add3A_1377] : memref<320000xi32, #tpu.memory_space<hbm>> -> memref<128xi32, #tpu.memory_space<hbm>>
      tpu.enqueue_dma source(%dma_start3A_1397 : memref<128xi32, #tpu.memory_space<hbm>>) target(%dma_start3A_1396 : memref<128xi32, #tpu.memory_space<vmem>>) target_semaphore(%arg14 : memref<!tpu.dma_semaphore, #tpu.memory_space<semaphore_mem>>)
      %mul3A_1398 = arith.constant 6 : i32
      %mul3A_1399 = arith.muli %add3A_1316, %mul3A_1398 : i32
      %add3A_1400 = arith.constant 3 : i32
      %add3A_1401 = arith.addi %mul3A_1399, %add3A_1400 : i32
      %mul3A_1402 = arith.constant 128 : i32
      %mul3A_1403 = arith.muli %add3A_1401, %mul3A_1402 : i32
      %add3A_1404 = arith.addi %mul3A_2, %mul3A_1403 : i32
      %dma_start3A_1405 = arith.constant 0 : i32
      %dma_start3A_1406 = arith.constant 3 : i32
      %dma_start3A_1407 = arith.constant 0 : i32
      %dma_start3A_1408 = tpu.memref_slice %arg7[%dma_start3A_1405, %dma_start3A_1406, %dma_start3A_1407] : memref<2x6x128xi32, #tpu.memory_space<vmem>> -> memref<1x1x128xi32, #tpu.memory_space<vmem>>
      %dma_start3A_1409 = tpu.memref_squeeze %dma_start3A_1408 : memref<1x1x128xi32, #tpu.memory_space<vmem>> -> memref<128xi32, #tpu.memory_space<vmem>>
      %dma_start3A_1410 = tpu.memref_slice %arg3[%add3A_1404] : memref<320000xi32, #tpu.memory_space<hbm>> -> memref<128xi32, #tpu.memory_space<hbm>>
      %dma_start3A_1411 = arith.constant 0 : i32
      %dma_start3A_1412 = tpu.memref_slice %arg7[%dma_start3A_1405, %dma_start3A_1406, %dma_start3A_1411] : memref<2x6x128xi32, #tpu.memory_space<vmem>> -> memref<1x1x128xi32, #tpu.memory_space<vmem>>
      %dma_start3A_1413 = tpu.memref_squeeze %dma_start3A_1412 : memref<1x1x128xi32, #tpu.memory_space<vmem>> -> memref<128xi32, #tpu.memory_space<vmem>>
      %dma_start3A_1414 = tpu.memref_slice %arg3[%add3A_1404] : memref<320000xi32, #tpu.memory_space<hbm>> -> memref<128xi32, #tpu.memory_space<hbm>>
      tpu.enqueue_dma source(%dma_start3A_1414 : memref<128xi32, #tpu.memory_space<hbm>>) target(%dma_start3A_1413 : memref<128xi32, #tpu.memory_space<vmem>>) target_semaphore(%arg14 : memref<!tpu.dma_semaphore, #tpu.memory_space<semaphore_mem>>)
      %dma_start3A_1415 = arith.constant 0 : i32
      %dma_start3A_1416 = arith.constant 3 : i32
      %dma_start3A_1417 = arith.constant 0 : i32
      %dma_start3A_1418 = tpu.memref_slice %arg8[%dma_start3A_1415, %dma_start3A_1416, %dma_start3A_1417] : memref<2x6x128xi32, #tpu.memory_space<vmem>> -> memref<1x1x128xi32, #tpu.memory_space<vmem>>
      %dma_start3A_1419 = tpu.memref_squeeze %dma_start3A_1418 : memref<1x1x128xi32, #tpu.memory_space<vmem>> -> memref<128xi32, #tpu.memory_space<vmem>>
      %dma_start3A_1420 = tpu.memref_slice %arg4[%add3A_1404] : memref<320000xi32, #tpu.memory_space<hbm>> -> memref<128xi32, #tpu.memory_space<hbm>>
      %dma_start3A_1421 = arith.constant 0 : i32
      %dma_start3A_1422 = tpu.memref_slice %arg8[%dma_start3A_1415, %dma_start3A_1416, %dma_start3A_1421] : memref<2x6x128xi32, #tpu.memory_space<vmem>> -> memref<1x1x128xi32, #tpu.memory_space<vmem>>
      %dma_start3A_1423 = tpu.memref_squeeze %dma_start3A_1422 : memref<1x1x128xi32, #tpu.memory_space<vmem>> -> memref<128xi32, #tpu.memory_space<vmem>>
      %dma_start3A_1424 = tpu.memref_slice %arg4[%add3A_1404] : memref<320000xi32, #tpu.memory_space<hbm>> -> memref<128xi32, #tpu.memory_space<hbm>>
      tpu.enqueue_dma source(%dma_start3A_1424 : memref<128xi32, #tpu.memory_space<hbm>>) target(%dma_start3A_1423 : memref<128xi32, #tpu.memory_space<vmem>>) target_semaphore(%arg14 : memref<!tpu.dma_semaphore, #tpu.memory_space<semaphore_mem>>)
      %mul3A_1425 = arith.constant 6 : i32
      %mul3A_1426 = arith.muli %add3A_1316, %mul3A_1425 : i32
      %add3A_1427 = arith.constant 4 : i32
      %add3A_1428 = arith.addi %mul3A_1426, %add3A_1427 : i32
      %mul3A_1429 = arith.constant 128 : i32
      %mul3A_1430 = arith.muli %add3A_1428, %mul3A_1429 : i32
      %add3A_1431 = arith.addi %mul3A_2, %mul3A_1430 : i32
      %dma_start3A_1432 = arith.constant 0 : i32
      %dma_start3A_1433 = arith.constant 4 : i32
      %dma_start3A_1434 = arith.constant 0 : i32
      %dma_start3A_1435 = tpu.memref_slice %arg7[%dma_start3A_1432, %dma_start3A_1433, %dma_start3A_1434] : memref<2x6x128xi32, #tpu.memory_space<vmem>> -> memref<1x1x128xi32, #tpu.memory_space<vmem>>
      %dma_start3A_1436 = tpu.memref_squeeze %dma_start3A_1435 : memref<1x1x128xi32, #tpu.memory_space<vmem>> -> memref<128xi32, #tpu.memory_space<vmem>>
      %dma_start3A_1437 = tpu.memref_slice %arg3[%add3A_1431] : memref<320000xi32, #tpu.memory_space<hbm>> -> memref<128xi32, #tpu.memory_space<hbm>>
      %dma_start3A_1438 = arith.constant 0 : i32
      %dma_start3A_1439 = tpu.memref_slice %arg7[%dma_start3A_1432, %dma_start3A_1433, %dma_start3A_1438] : memref<2x6x128xi32, #tpu.memory_space<vmem>> -> memref<1x1x128xi32, #tpu.memory_space<vmem>>
      %dma_start3A_1440 = tpu.memref_squeeze %dma_start3A_1439 : memref<1x1x128xi32, #tpu.memory_space<vmem>> -> memref<128xi32, #tpu.memory_space<vmem>>
      %dma_start3A_1441 = tpu.memref_slice %arg3[%add3A_1431] : memref<320000xi32, #tpu.memory_space<hbm>> -> memref<128xi32, #tpu.memory_space<hbm>>
      tpu.enqueue_dma source(%dma_start3A_1441 : memref<128xi32, #tpu.memory_space<hbm>>) target(%dma_start3A_1440 : memref<128xi32, #tpu.memory_space<vmem>>) target_semaphore(%arg14 : memref<!tpu.dma_semaphore, #tpu.memory_space<semaphore_mem>>)
      %dma_start3A_1442 = arith.constant 0 : i32
      %dma_start3A_1443 = arith.constant 4 : i32
      %dma_start3A_1444 = arith.constant 0 : i32
      %dma_start3A_1445 = tpu.memref_slice %arg8[%dma_start3A_1442, %dma_start3A_1443, %dma_start3A_1444] : memref<2x6x128xi32, #tpu.memory_space<vmem>> -> memref<1x1x128xi32, #tpu.memory_space<vmem>>
      %dma_start3A_1446 = tpu.memref_squeeze %dma_start3A_1445 : memref<1x1x128xi32, #tpu.memory_space<vmem>> -> memref<128xi32, #tpu.memory_space<vmem>>
      %dma_start3A_1447 = tpu.memref_slice %arg4[%add3A_1431] : memref<320000xi32, #tpu.memory_space<hbm>> -> memref<128xi32, #tpu.memory_space<hbm>>
      %dma_start3A_1448 = arith.constant 0 : i32
      %dma_start3A_1449 = tpu.memref_slice %arg8[%dma_start3A_1442, %dma_start3A_1443, %dma_start3A_1448] : memref<2x6x128xi32, #tpu.memory_space<vmem>> -> memref<1x1x128xi32, #tpu.memory_space<vmem>>
      %dma_start3A_1450 = tpu.memref_squeeze %dma_start3A_1449 : memref<1x1x128xi32, #tpu.memory_space<vmem>> -> memref<128xi32, #tpu.memory_space<vmem>>
      %dma_start3A_1451 = tpu.memref_slice %arg4[%add3A_1431] : memref<320000xi32, #tpu.memory_space<hbm>> -> memref<128xi32, #tpu.memory_space<hbm>>
      tpu.enqueue_dma source(%dma_start3A_1451 : memref<128xi32, #tpu.memory_space<hbm>>) target(%dma_start3A_1450 : memref<128xi32, #tpu.memory_space<vmem>>) target_semaphore(%arg14 : memref<!tpu.dma_semaphore, #tpu.memory_space<semaphore_mem>>)
      %mul3A_1452 = arith.constant 6 : i32
      %mul3A_1453 = arith.muli %add3A_1316, %mul3A_1452 : i32
      %add3A_1454 = arith.constant 5 : i32
      %add3A_1455 = arith.addi %mul3A_1453, %add3A_1454 : i32
      %mul3A_1456 = arith.constant 128 : i32
      %mul3A_1457 = arith.muli %add3A_1455, %mul3A_1456 : i32
      %add3A_1458 = arith.addi %mul3A_2, %mul3A_1457 : i32
      %dma_start3A_1459 = arith.constant 0 : i32
      %dma_start3A_1460 = arith.constant 5 : i32
      %dma_start3A_1461 = arith.constant 0 : i32
      %dma_start3A_1462 = tpu.memref_slice %arg7[%dma_start3A_1459, %dma_start3A_1460, %dma_start3A_1461] : memref<2x6x128xi32, #tpu.memory_space<vmem>> -> memref<1x1x128xi32, #tpu.memory_space<vmem>>
      %dma_start3A_1463 = tpu.memref_squeeze %dma_start3A_1462 : memref<1x1x128xi32, #tpu.memory_space<vmem>> -> memref<128xi32, #tpu.memory_space<vmem>>
      %dma_start3A_1464 = tpu.memref_slice %arg3[%add3A_1458] : memref<320000xi32, #tpu.memory_space<hbm>> -> memref<128xi32, #tpu.memory_space<hbm>>
      %dma_start3A_1465 = arith.constant 0 : i32
      %dma_start3A_1466 = tpu.memref_slice %arg7[%dma_start3A_1459, %dma_start3A_1460, %dma_start3A_1465] : memref<2x6x128xi32, #tpu.memory_space<vmem>> -> memref<1x1x128xi32, #tpu.memory_space<vmem>>
      %dma_start3A_1467 = tpu.memref_squeeze %dma_start3A_1466 : memref<1x1x128xi32, #tpu.memory_space<vmem>> -> memref<128xi32, #tpu.memory_space<vmem>>
      %dma_start3A_1468 = tpu.memref_slice %arg3[%add3A_1458] : memref<320000xi32, #tpu.memory_space<hbm>> -> memref<128xi32, #tpu.memory_space<hbm>>
      tpu.enqueue_dma source(%dma_start3A_1468 : memref<128xi32, #tpu.memory_space<hbm>>) target(%dma_start3A_1467 : memref<128xi32, #tpu.memory_space<vmem>>) target_semaphore(%arg14 : memref<!tpu.dma_semaphore, #tpu.memory_space<semaphore_mem>>)
      %dma_start3A_1469 = arith.constant 0 : i32
      %dma_start3A_1470 = arith.constant 5 : i32
      %dma_start3A_1471 = arith.constant 0 : i32
      %dma_start3A_1472 = tpu.memref_slice %arg8[%dma_start3A_1469, %dma_start3A_1470, %dma_start3A_1471] : memref<2x6x128xi32, #tpu.memory_space<vmem>> -> memref<1x1x128xi32, #tpu.memory_space<vmem>>
      %dma_start3A_1473 = tpu.memref_squeeze %dma_start3A_1472 : memref<1x1x128xi32, #tpu.memory_space<vmem>> -> memref<128xi32, #tpu.memory_space<vmem>>
      %dma_start3A_1474 = tpu.memref_slice %arg4[%add3A_1458] : memref<320000xi32, #tpu.memory_space<hbm>> -> memref<128xi32, #tpu.memory_space<hbm>>
      %dma_start3A_1475 = arith.constant 0 : i32
      %dma_start3A_1476 = tpu.memref_slice %arg8[%dma_start3A_1469, %dma_start3A_1470, %dma_start3A_1475] : memref<2x6x128xi32, #tpu.memory_space<vmem>> -> memref<1x1x128xi32, #tpu.memory_space<vmem>>
      %dma_start3A_1477 = tpu.memref_squeeze %dma_start3A_1476 : memref<1x1x128xi32, #tpu.memory_space<vmem>> -> memref<128xi32, #tpu.memory_space<vmem>>
      %dma_start3A_1478 = tpu.memref_slice %arg4[%add3A_1458] : memref<320000xi32, #tpu.memory_space<hbm>> -> memref<128xi32, #tpu.memory_space<hbm>>
      tpu.enqueue_dma source(%dma_start3A_1478 : memref<128xi32, #tpu.memory_space<hbm>>) target(%dma_start3A_1477 : memref<128xi32, #tpu.memory_space<vmem>>) target_semaphore(%arg14 : memref<!tpu.dma_semaphore, #tpu.memory_space<semaphore_mem>>)
      %dma_wait3A_1479 = arith.constant 1 : i32
      %dma_wait3A_1480 = arith.constant 0 : i32
      %dma_wait3A_1481 = arith.constant 0 : i32
      %dma_wait3A_1482 = arith.constant 0 : i32
      %dma_wait3A_1483 = arith.constant 0 : i32
      %dma_wait3A_1484 = tpu.memref_slice %arg11[%dma_wait3A_1481, %dma_wait3A_1482, %dma_wait3A_1483] : memref<2x128x128xf32, #tpu.memory_space<vmem>> -> memref<1x128x128xf32, #tpu.memory_space<vmem>>
      %dma_wait3A_1485 = tpu.memref_squeeze %dma_wait3A_1484 : memref<1x128x128xf32, #tpu.memory_space<vmem>> -> memref<128x128xf32, #tpu.memory_space<vmem>>
      %dma_wait3A_1486 = arith.constant 0 : i32
      %dma_wait3A_1487 = tpu.memref_slice %arg7[%dma_wait3A_1479, %dma_wait3A_1480, %dma_wait3A_1486] : memref<2x6x128xi32, #tpu.memory_space<vmem>> -> memref<1x1x128xi32, #tpu.memory_space<vmem>>
      %dma_wait3A_1488 = tpu.memref_squeeze %dma_wait3A_1487 : memref<1x1x128xi32, #tpu.memory_space<vmem>> -> memref<128xi32, #tpu.memory_space<vmem>>
      %dma_wait3A_1489 = arith.constant 0 : i32
      %dma_wait3A_1490 = arith.constant 0 : i32
      %dma_wait3A_1491 = tpu.memref_slice %arg2[%dma_wait3A_1489, %dma_wait3A_1490] : memref<10000x128xf32, #tpu.memory_space<hbm>> -> memref<10000x128xf32, #tpu.memory_space<hbm>>
      tpu.wait_indirect_dma semaphore(%arg13 : memref<!tpu.dma_semaphore, #tpu.memory_space<semaphore_mem>>) src(%dma_wait3A_1491 : memref<10000x128xf32, #tpu.memory_space<hbm>>) dst(%dma_wait3A_1485 : memref<128x128xf32, #tpu.memory_space<vmem>>)
      %dma_wait3A_1492 = arith.constant 1 : i32
      %dma_wait3A_1493 = arith.constant 1 : i32
      %dma_wait3A_1494 = arith.constant 0 : i32
      %dma_wait3A_1495 = arith.constant 0 : i32
      %dma_wait3A_1496 = arith.constant 0 : i32
      %dma_wait3A_1497 = tpu.memref_slice %arg11[%dma_wait3A_1492, %dma_wait3A_1495, %dma_wait3A_1496] : memref<2x128x128xf32, #tpu.memory_space<vmem>> -> memref<1x128x128xf32, #tpu.memory_space<vmem>>
      %dma_wait3A_1498 = tpu.memref_squeeze %dma_wait3A_1497 : memref<1x128x128xf32, #tpu.memory_space<vmem>> -> memref<128x128xf32, #tpu.memory_space<vmem>>
      %dma_wait3A_1499 = arith.constant 0 : i32
      %dma_wait3A_1500 = tpu.memref_slice %arg8[%dma_wait3A_1493, %dma_wait3A_1494, %dma_wait3A_1499] : memref<2x6x128xi32, #tpu.memory_space<vmem>> -> memref<1x1x128xi32, #tpu.memory_space<vmem>>
      %dma_wait3A_1501 = tpu.memref_squeeze %dma_wait3A_1500 : memref<1x1x128xi32, #tpu.memory_space<vmem>> -> memref<128xi32, #tpu.memory_space<vmem>>
      %dma_wait3A_1502 = arith.constant 0 : i32
      %dma_wait3A_1503 = arith.constant 0 : i32
      %dma_wait3A_1504 = tpu.memref_slice %arg12[%dma_wait3A_1502, %dma_wait3A_1503] : memref<10112x128xf32, #tpu.memory_space<vmem_shared>> -> memref<10112x128xf32, #tpu.memory_space<vmem_shared>>
      tpu.wait_indirect_dma semaphore(%arg15 : memref<!tpu.dma_semaphore, #tpu.memory_space<semaphore_mem>>) src(%dma_wait3A_1498 : memref<128x128xf32, #tpu.memory_space<vmem>>) dst(%dma_wait3A_1504 : memref<10112x128xf32, #tpu.memory_space<vmem_shared>>)
      %dma_start3A_1505 = arith.constant 1 : i32
      %dma_start3A_1506 = arith.constant 1 : i32
      %dma_start3A_1507 = arith.constant 1 : i32
      %dma_start3A_1508 = arith.constant 0 : i32
      %dma_start3A_1509 = arith.constant 0 : i32
      %dma_start3A_1510 = tpu.memref_slice %arg11[%dma_start3A_1507, %dma_start3A_1508, %dma_start3A_1509] : memref<2x128x128xf32, #tpu.memory_space<vmem>> -> memref<1x128x128xf32, #tpu.memory_space<vmem>>
      %dma_start3A_1511 = tpu.memref_squeeze %dma_start3A_1510 : memref<1x128x128xf32, #tpu.memory_space<vmem>> -> memref<128x128xf32, #tpu.memory_space<vmem>>
      %dma_start3A_1512 = arith.constant 0 : i32
      %dma_start3A_1513 = tpu.memref_slice %arg7[%dma_start3A_1505, %dma_start3A_1506, %dma_start3A_1512] : memref<2x6x128xi32, #tpu.memory_space<vmem>> -> memref<1x1x128xi32, #tpu.memory_space<vmem>>
      %dma_start3A_1514 = tpu.memref_squeeze %dma_start3A_1513 : memref<1x1x128xi32, #tpu.memory_space<vmem>> -> memref<128xi32, #tpu.memory_space<vmem>>
      %dma_start3A_1515 = arith.constant 0 : i32
      %dma_start3A_1516 = arith.constant 0 : i32
      %dma_start3A_1517 = tpu.memref_slice %arg2[%dma_start3A_1515, %dma_start3A_1516] : memref<10000x128xf32, #tpu.memory_space<hbm>> -> memref<10000x128xf32, #tpu.memory_space<hbm>>
      tpu.enqueue_indirect_dma source(%dma_start3A_1517 : memref<10000x128xf32, #tpu.memory_space<hbm>>) target(%dma_start3A_1511 : memref<128x128xf32, #tpu.memory_space<vmem>>) offsets(%dma_start3A_1514 : memref<128xi32, #tpu.memory_space<vmem>>) semaphore(%arg13 : memref<!tpu.dma_semaphore, #tpu.memory_space<semaphore_mem>>)
      %dma_start3A_1518 = arith.constant 0 : i32
      %dma_start3A_1519 = arith.constant 1 : i32
      %dma_start3A_1520 = arith.constant 0 : i32
      %dma_start3A_1521 = arith.constant 0 : i32
      %dma_start3A_1522 = arith.constant 0 : i32
      %dma_start3A_1523 = tpu.memref_slice %arg11[%dma_start3A_1518, %dma_start3A_1521, %dma_start3A_1522] : memref<2x128x128xf32, #tpu.memory_space<vmem>> -> memref<1x128x128xf32, #tpu.memory_space<vmem>>
      %dma_start3A_1524 = tpu.memref_squeeze %dma_start3A_1523 : memref<1x128x128xf32, #tpu.memory_space<vmem>> -> memref<128x128xf32, #tpu.memory_space<vmem>>
      %dma_start3A_1525 = arith.constant 0 : i32
      %dma_start3A_1526 = tpu.memref_slice %arg8[%dma_start3A_1519, %dma_start3A_1520, %dma_start3A_1525] : memref<2x6x128xi32, #tpu.memory_space<vmem>> -> memref<1x1x128xi32, #tpu.memory_space<vmem>>
      %dma_start3A_1527 = tpu.memref_squeeze %dma_start3A_1526 : memref<1x1x128xi32, #tpu.memory_space<vmem>> -> memref<128xi32, #tpu.memory_space<vmem>>
      %dma_start3A_1528 = arith.constant 0 : i32
      %dma_start3A_1529 = arith.constant 0 : i32
      %dma_start3A_1530 = tpu.memref_slice %arg12[%dma_start3A_1528, %dma_start3A_1529] : memref<10112x128xf32, #tpu.memory_space<vmem_shared>> -> memref<10112x128xf32, #tpu.memory_space<vmem_shared>>
      tpu.enqueue_indirect_dma source(%dma_start3A_1524 : memref<128x128xf32, #tpu.memory_space<vmem>>) target(%dma_start3A_1530 : memref<10112x128xf32, #tpu.memory_space<vmem_shared>>) offsets(%dma_start3A_1527 : memref<128xi32, #tpu.memory_space<vmem>>) semaphore(%arg15 : memref<!tpu.dma_semaphore, #tpu.memory_space<semaphore_mem>>) {add = true}
      %dma_wait3A_1531 = arith.constant 1 : i32
      %dma_wait3A_1532 = arith.constant 1 : i32
      %dma_wait3A_1533 = arith.constant 1 : i32
      %dma_wait3A_1534 = arith.constant 0 : i32
      %dma_wait3A_1535 = arith.constant 0 : i32
      %dma_wait3A_1536 = tpu.memref_slice %arg11[%dma_wait3A_1533, %dma_wait3A_1534, %dma_wait3A_1535] : memref<2x128x128xf32, #tpu.memory_space<vmem>> -> memref<1x128x128xf32, #tpu.memory_space<vmem>>
      %dma_wait3A_1537 = tpu.memref_squeeze %dma_wait3A_1536 : memref<1x128x128xf32, #tpu.memory_space<vmem>> -> memref<128x128xf32, #tpu.memory_space<vmem>>
      %dma_wait3A_1538 = arith.constant 0 : i32
      %dma_wait3A_1539 = tpu.memref_slice %arg7[%dma_wait3A_1531, %dma_wait3A_1532, %dma_wait3A_1538] : memref<2x6x128xi32, #tpu.memory_space<vmem>> -> memref<1x1x128xi32, #tpu.memory_space<vmem>>
      %dma_wait3A_1540 = tpu.memref_squeeze %dma_wait3A_1539 : memref<1x1x128xi32, #tpu.memory_space<vmem>> -> memref<128xi32, #tpu.memory_space<vmem>>
      %dma_wait3A_1541 = arith.constant 0 : i32
      %dma_wait3A_1542 = arith.constant 0 : i32
      %dma_wait3A_1543 = tpu.memref_slice %arg2[%dma_wait3A_1541, %dma_wait3A_1542] : memref<10000x128xf32, #tpu.memory_space<hbm>> -> memref<10000x128xf32, #tpu.memory_space<hbm>>
      tpu.wait_indirect_dma semaphore(%arg13 : memref<!tpu.dma_semaphore, #tpu.memory_space<semaphore_mem>>) src(%dma_wait3A_1543 : memref<10000x128xf32, #tpu.memory_space<hbm>>) dst(%dma_wait3A_1537 : memref<128x128xf32, #tpu.memory_space<vmem>>)
      %dma_wait3A_1544 = arith.constant 0 : i32
      %dma_wait3A_1545 = arith.constant 1 : i32
      %dma_wait3A_1546 = arith.constant 1 : i32
      %dma_wait3A_1547 = arith.constant 0 : i32
      %dma_wait3A_1548 = arith.constant 0 : i32
      %dma_wait3A_1549 = tpu.memref_slice %arg11[%dma_wait3A_1544, %dma_wait3A_1547, %dma_wait3A_1548] : memref<2x128x128xf32, #tpu.memory_space<vmem>> -> memref<1x128x128xf32, #tpu.memory_space<vmem>>
      %dma_wait3A_1550 = tpu.memref_squeeze %dma_wait3A_1549 : memref<1x128x128xf32, #tpu.memory_space<vmem>> -> memref<128x128xf32, #tpu.memory_space<vmem>>
      %dma_wait3A_1551 = arith.constant 0 : i32
      %dma_wait3A_1552 = tpu.memref_slice %arg8[%dma_wait3A_1545, %dma_wait3A_1546, %dma_wait3A_1551] : memref<2x6x128xi32, #tpu.memory_space<vmem>> -> memref<1x1x128xi32, #tpu.memory_space<vmem>>
      %dma_wait3A_1553 = tpu.memref_squeeze %dma_wait3A_1552 : memref<1x1x128xi32, #tpu.memory_space<vmem>> -> memref<128xi32, #tpu.memory_space<vmem>>
      %dma_wait3A_1554 = arith.constant 0 : i32
      %dma_wait3A_1555 = arith.constant 0 : i32
      %dma_wait3A_1556 = tpu.memref_slice %arg12[%dma_wait3A_1554, %dma_wait3A_1555] : memref<10112x128xf32, #tpu.memory_space<vmem_shared>> -> memref<10112x128xf32, #tpu.memory_space<vmem_shared>>
      tpu.wait_indirect_dma semaphore(%arg15 : memref<!tpu.dma_semaphore, #tpu.memory_space<semaphore_mem>>) src(%dma_wait3A_1550 : memref<128x128xf32, #tpu.memory_space<vmem>>) dst(%dma_wait3A_1556 : memref<10112x128xf32, #tpu.memory_space<vmem_shared>>)
      %dma_start3A_1557 = arith.constant 1 : i32
      %dma_start3A_1558 = arith.constant 2 : i32
      %dma_start3A_1559 = arith.constant 0 : i32
      %dma_start3A_1560 = arith.constant 0 : i32
      %dma_start3A_1561 = arith.constant 0 : i32
      %dma_start3A_1562 = tpu.memref_slice %arg11[%dma_start3A_1559, %dma_start3A_1560, %dma_start3A_1561] : memref<2x128x128xf32, #tpu.memory_space<vmem>> -> memref<1x128x128xf32, #tpu.memory_space<vmem>>
      %dma_start3A_1563 = tpu.memref_squeeze %dma_start3A_1562 : memref<1x128x128xf32, #tpu.memory_space<vmem>> -> memref<128x128xf32, #tpu.memory_space<vmem>>
      %dma_start3A_1564 = arith.constant 0 : i32
      %dma_start3A_1565 = tpu.memref_slice %arg7[%dma_start3A_1557, %dma_start3A_1558, %dma_start3A_1564] : memref<2x6x128xi32, #tpu.memory_space<vmem>> -> memref<1x1x128xi32, #tpu.memory_space<vmem>>
      %dma_start3A_1566 = tpu.memref_squeeze %dma_start3A_1565 : memref<1x1x128xi32, #tpu.memory_space<vmem>> -> memref<128xi32, #tpu.memory_space<vmem>>
      %dma_start3A_1567 = arith.constant 0 : i32
      %dma_start3A_1568 = arith.constant 0 : i32
      %dma_start3A_1569 = tpu.memref_slice %arg2[%dma_start3A_1567, %dma_start3A_1568] : memref<10000x128xf32, #tpu.memory_space<hbm>> -> memref<10000x128xf32, #tpu.memory_space<hbm>>
      tpu.enqueue_indirect_dma source(%dma_start3A_1569 : memref<10000x128xf32, #tpu.memory_space<hbm>>) target(%dma_start3A_1563 : memref<128x128xf32, #tpu.memory_space<vmem>>) offsets(%dma_start3A_1566 : memref<128xi32, #tpu.memory_space<vmem>>) semaphore(%arg13 : memref<!tpu.dma_semaphore, #tpu.memory_space<semaphore_mem>>)
      %dma_start3A_1570 = arith.constant 1 : i32
      %dma_start3A_1571 = arith.constant 1 : i32
      %dma_start3A_1572 = arith.constant 1 : i32
      %dma_start3A_1573 = arith.constant 0 : i32
      %dma_start3A_1574 = arith.constant 0 : i32
      %dma_start3A_1575 = tpu.memref_slice %arg11[%dma_start3A_1570, %dma_start3A_1573, %dma_start3A_1574] : memref<2x128x128xf32, #tpu.memory_space<vmem>> -> memref<1x128x128xf32, #tpu.memory_space<vmem>>
      %dma_start3A_1576 = tpu.memref_squeeze %dma_start3A_1575 : memref<1x128x128xf32, #tpu.memory_space<vmem>> -> memref<128x128xf32, #tpu.memory_space<vmem>>
      %dma_start3A_1577 = arith.constant 0 : i32
      %dma_start3A_1578 = tpu.memref_slice %arg8[%dma_start3A_1571, %dma_start3A_1572, %dma_start3A_1577] : memref<2x6x128xi32, #tpu.memory_space<vmem>> -> memref<1x1x128xi32, #tpu.memory_space<vmem>>
      %dma_start3A_1579 = tpu.memref_squeeze %dma_start3A_1578 : memref<1x1x128xi32, #tpu.memory_space<vmem>> -> memref<128xi32, #tpu.memory_space<vmem>>
      %dma_start3A_1580 = arith.constant 0 : i32
      %dma_start3A_1581 = arith.constant 0 : i32
      %dma_start3A_1582 = tpu.memref_slice %arg12[%dma_start3A_1580, %dma_start3A_1581] : memref<10112x128xf32, #tpu.memory_space<vmem_shared>> -> memref<10112x128xf32, #tpu.memory_space<vmem_shared>>
      tpu.enqueue_indirect_dma source(%dma_start3A_1576 : memref<128x128xf32, #tpu.memory_space<vmem>>) target(%dma_start3A_1582 : memref<10112x128xf32, #tpu.memory_space<vmem_shared>>) offsets(%dma_start3A_1579 : memref<128xi32, #tpu.memory_space<vmem>>) semaphore(%arg15 : memref<!tpu.dma_semaphore, #tpu.memory_space<semaphore_mem>>) {add = true}
      %dma_wait3A_1583 = arith.constant 1 : i32
      %dma_wait3A_1584 = arith.constant 2 : i32
      %dma_wait3A_1585 = arith.constant 0 : i32
      %dma_wait3A_1586 = arith.constant 0 : i32
      %dma_wait3A_1587 = arith.constant 0 : i32
      %dma_wait3A_1588 = tpu.memref_slice %arg11[%dma_wait3A_1585, %dma_wait3A_1586, %dma_wait3A_1587] : memref<2x128x128xf32, #tpu.memory_space<vmem>> -> memref<1x128x128xf32, #tpu.memory_space<vmem>>
      %dma_wait3A_1589 = tpu.memref_squeeze %dma_wait3A_1588 : memref<1x128x128xf32, #tpu.memory_space<vmem>> -> memref<128x128xf32, #tpu.memory_space<vmem>>
      %dma_wait3A_1590 = arith.constant 0 : i32
      %dma_wait3A_1591 = tpu.memref_slice %arg7[%dma_wait3A_1583, %dma_wait3A_1584, %dma_wait3A_1590] : memref<2x6x128xi32, #tpu.memory_space<vmem>> -> memref<1x1x128xi32, #tpu.memory_space<vmem>>
      %dma_wait3A_1592 = tpu.memref_squeeze %dma_wait3A_1591 : memref<1x1x128xi32, #tpu.memory_space<vmem>> -> memref<128xi32, #tpu.memory_space<vmem>>
      %dma_wait3A_1593 = arith.constant 0 : i32
      %dma_wait3A_1594 = arith.constant 0 : i32
      %dma_wait3A_1595 = tpu.memref_slice %arg2[%dma_wait3A_1593, %dma_wait3A_1594] : memref<10000x128xf32, #tpu.memory_space<hbm>> -> memref<10000x128xf32, #tpu.memory_space<hbm>>
      tpu.wait_indirect_dma semaphore(%arg13 : memref<!tpu.dma_semaphore, #tpu.memory_space<semaphore_mem>>) src(%dma_wait3A_1595 : memref<10000x128xf32, #tpu.memory_space<hbm>>) dst(%dma_wait3A_1589 : memref<128x128xf32, #tpu.memory_space<vmem>>)
      %dma_wait3A_1596 = arith.constant 1 : i32
      %dma_wait3A_1597 = arith.constant 1 : i32
      %dma_wait3A_1598 = arith.constant 2 : i32
      %dma_wait3A_1599 = arith.constant 0 : i32
      %dma_wait3A_1600 = arith.constant 0 : i32
      %dma_wait3A_1601 = tpu.memref_slice %arg11[%dma_wait3A_1596, %dma_wait3A_1599, %dma_wait3A_1600] : memref<2x128x128xf32, #tpu.memory_space<vmem>> -> memref<1x128x128xf32, #tpu.memory_space<vmem>>
      %dma_wait3A_1602 = tpu.memref_squeeze %dma_wait3A_1601 : memref<1x128x128xf32, #tpu.memory_space<vmem>> -> memref<128x128xf32, #tpu.memory_space<vmem>>
      %dma_wait3A_1603 = arith.constant 0 : i32
      %dma_wait3A_1604 = tpu.memref_slice %arg8[%dma_wait3A_1597, %dma_wait3A_1598, %dma_wait3A_1603] : memref<2x6x128xi32, #tpu.memory_space<vmem>> -> memref<1x1x128xi32, #tpu.memory_space<vmem>>
      %dma_wait3A_1605 = tpu.memref_squeeze %dma_wait3A_1604 : memref<1x1x128xi32, #tpu.memory_space<vmem>> -> memref<128xi32, #tpu.memory_space<vmem>>
      %dma_wait3A_1606 = arith.constant 0 : i32
      %dma_wait3A_1607 = arith.constant 0 : i32
      %dma_wait3A_1608 = tpu.memref_slice %arg12[%dma_wait3A_1606, %dma_wait3A_1607] : memref<10112x128xf32, #tpu.memory_space<vmem_shared>> -> memref<10112x128xf32, #tpu.memory_space<vmem_shared>>
      tpu.wait_indirect_dma semaphore(%arg15 : memref<!tpu.dma_semaphore, #tpu.memory_space<semaphore_mem>>) src(%dma_wait3A_1602 : memref<128x128xf32, #tpu.memory_space<vmem>>) dst(%dma_wait3A_1608 : memref<10112x128xf32, #tpu.memory_space<vmem_shared>>)
      %dma_start3A_1609 = arith.constant 1 : i32
      %dma_start3A_1610 = arith.constant 3 : i32
      %dma_start3A_1611 = arith.constant 1 : i32
      %dma_start3A_1612 = arith.constant 0 : i32
      %dma_start3A_1613 = arith.constant 0 : i32
      %dma_start3A_1614 = tpu.memref_slice %arg11[%dma_start3A_1611, %dma_start3A_1612, %dma_start3A_1613] : memref<2x128x128xf32, #tpu.memory_space<vmem>> -> memref<1x128x128xf32, #tpu.memory_space<vmem>>
      %dma_start3A_1615 = tpu.memref_squeeze %dma_start3A_1614 : memref<1x128x128xf32, #tpu.memory_space<vmem>> -> memref<128x128xf32, #tpu.memory_space<vmem>>
      %dma_start3A_1616 = arith.constant 0 : i32
      %dma_start3A_1617 = tpu.memref_slice %arg7[%dma_start3A_1609, %dma_start3A_1610, %dma_start3A_1616] : memref<2x6x128xi32, #tpu.memory_space<vmem>> -> memref<1x1x128xi32, #tpu.memory_space<vmem>>
      %dma_start3A_1618 = tpu.memref_squeeze %dma_start3A_1617 : memref<1x1x128xi32, #tpu.memory_space<vmem>> -> memref<128xi32, #tpu.memory_space<vmem>>
      %dma_start3A_1619 = arith.constant 0 : i32
      %dma_start3A_1620 = arith.constant 0 : i32
      %dma_start3A_1621 = tpu.memref_slice %arg2[%dma_start3A_1619, %dma_start3A_1620] : memref<10000x128xf32, #tpu.memory_space<hbm>> -> memref<10000x128xf32, #tpu.memory_space<hbm>>
      tpu.enqueue_indirect_dma source(%dma_start3A_1621 : memref<10000x128xf32, #tpu.memory_space<hbm>>) target(%dma_start3A_1615 : memref<128x128xf32, #tpu.memory_space<vmem>>) offsets(%dma_start3A_1618 : memref<128xi32, #tpu.memory_space<vmem>>) semaphore(%arg13 : memref<!tpu.dma_semaphore, #tpu.memory_space<semaphore_mem>>)
      %dma_start3A_1622 = arith.constant 0 : i32
      %dma_start3A_1623 = arith.constant 1 : i32
      %dma_start3A_1624 = arith.constant 2 : i32
      %dma_start3A_1625 = arith.constant 0 : i32
      %dma_start3A_1626 = arith.constant 0 : i32
      %dma_start3A_1627 = tpu.memref_slice %arg11[%dma_start3A_1622, %dma_start3A_1625, %dma_start3A_1626] : memref<2x128x128xf32, #tpu.memory_space<vmem>> -> memref<1x128x128xf32, #tpu.memory_space<vmem>>
      %dma_start3A_1628 = tpu.memref_squeeze %dma_start3A_1627 : memref<1x128x128xf32, #tpu.memory_space<vmem>> -> memref<128x128xf32, #tpu.memory_space<vmem>>
      %dma_start3A_1629 = arith.constant 0 : i32
      %dma_start3A_1630 = tpu.memref_slice %arg8[%dma_start3A_1623, %dma_start3A_1624, %dma_start3A_1629] : memref<2x6x128xi32, #tpu.memory_space<vmem>> -> memref<1x1x128xi32, #tpu.memory_space<vmem>>
      %dma_start3A_1631 = tpu.memref_squeeze %dma_start3A_1630 : memref<1x1x128xi32, #tpu.memory_space<vmem>> -> memref<128xi32, #tpu.memory_space<vmem>>
      %dma_start3A_1632 = arith.constant 0 : i32
      %dma_start3A_1633 = arith.constant 0 : i32
      %dma_start3A_1634 = tpu.memref_slice %arg12[%dma_start3A_1632, %dma_start3A_1633] : memref<10112x128xf32, #tpu.memory_space<vmem_shared>> -> memref<10112x128xf32, #tpu.memory_space<vmem_shared>>
      tpu.enqueue_indirect_dma source(%dma_start3A_1628 : memref<128x128xf32, #tpu.memory_space<vmem>>) target(%dma_start3A_1634 : memref<10112x128xf32, #tpu.memory_space<vmem_shared>>) offsets(%dma_start3A_1631 : memref<128xi32, #tpu.memory_space<vmem>>) semaphore(%arg15 : memref<!tpu.dma_semaphore, #tpu.memory_space<semaphore_mem>>) {add = true}
      %dma_wait3A_1635 = arith.constant 1 : i32
      %dma_wait3A_1636 = arith.constant 3 : i32
      %dma_wait3A_1637 = arith.constant 1 : i32
      %dma_wait3A_1638 = arith.constant 0 : i32
      %dma_wait3A_1639 = arith.constant 0 : i32
      %dma_wait3A_1640 = tpu.memref_slice %arg11[%dma_wait3A_1637, %dma_wait3A_1638, %dma_wait3A_1639] : memref<2x128x128xf32, #tpu.memory_space<vmem>> -> memref<1x128x128xf32, #tpu.memory_space<vmem>>
      %dma_wait3A_1641 = tpu.memref_squeeze %dma_wait3A_1640 : memref<1x128x128xf32, #tpu.memory_space<vmem>> -> memref<128x128xf32, #tpu.memory_space<vmem>>
      %dma_wait3A_1642 = arith.constant 0 : i32
      %dma_wait3A_1643 = tpu.memref_slice %arg7[%dma_wait3A_1635, %dma_wait3A_1636, %dma_wait3A_1642] : memref<2x6x128xi32, #tpu.memory_space<vmem>> -> memref<1x1x128xi32, #tpu.memory_space<vmem>>
      %dma_wait3A_1644 = tpu.memref_squeeze %dma_wait3A_1643 : memref<1x1x128xi32, #tpu.memory_space<vmem>> -> memref<128xi32, #tpu.memory_space<vmem>>
      %dma_wait3A_1645 = arith.constant 0 : i32
      %dma_wait3A_1646 = arith.constant 0 : i32
      %dma_wait3A_1647 = tpu.memref_slice %arg2[%dma_wait3A_1645, %dma_wait3A_1646] : memref<10000x128xf32, #tpu.memory_space<hbm>> -> memref<10000x128xf32, #tpu.memory_space<hbm>>
      tpu.wait_indirect_dma semaphore(%arg13 : memref<!tpu.dma_semaphore, #tpu.memory_space<semaphore_mem>>) src(%dma_wait3A_1647 : memref<10000x128xf32, #tpu.memory_space<hbm>>) dst(%dma_wait3A_1641 : memref<128x128xf32, #tpu.memory_space<vmem>>)
      %dma_wait3A_1648 = arith.constant 0 : i32
      %dma_wait3A_1649 = arith.constant 1 : i32
      %dma_wait3A_1650 = arith.constant 3 : i32
      %dma_wait3A_1651 = arith.constant 0 : i32
      %dma_wait3A_1652 = arith.constant 0 : i32
      %dma_wait3A_1653 = tpu.memref_slice %arg11[%dma_wait3A_1648, %dma_wait3A_1651, %dma_wait3A_1652] : memref<2x128x128xf32, #tpu.memory_space<vmem>> -> memref<1x128x128xf32, #tpu.memory_space<vmem>>
      %dma_wait3A_1654 = tpu.memref_squeeze %dma_wait3A_1653 : memref<1x128x128xf32, #tpu.memory_space<vmem>> -> memref<128x128xf32, #tpu.memory_space<vmem>>
      %dma_wait3A_1655 = arith.constant 0 : i32
      %dma_wait3A_1656 = tpu.memref_slice %arg8[%dma_wait3A_1649, %dma_wait3A_1650, %dma_wait3A_1655] : memref<2x6x128xi32, #tpu.memory_space<vmem>> -> memref<1x1x128xi32, #tpu.memory_space<vmem>>
      %dma_wait3A_1657 = tpu.memref_squeeze %dma_wait3A_1656 : memref<1x1x128xi32, #tpu.memory_space<vmem>> -> memref<128xi32, #tpu.memory_space<vmem>>
      %dma_wait3A_1658 = arith.constant 0 : i32
      %dma_wait3A_1659 = arith.constant 0 : i32
      %dma_wait3A_1660 = tpu.memref_slice %arg12[%dma_wait3A_1658, %dma_wait3A_1659] : memref<10112x128xf32, #tpu.memory_space<vmem_shared>> -> memref<10112x128xf32, #tpu.memory_space<vmem_shared>>
      tpu.wait_indirect_dma semaphore(%arg15 : memref<!tpu.dma_semaphore, #tpu.memory_space<semaphore_mem>>) src(%dma_wait3A_1654 : memref<128x128xf32, #tpu.memory_space<vmem>>) dst(%dma_wait3A_1660 : memref<10112x128xf32, #tpu.memory_space<vmem_shared>>)
      %dma_start3A_1661 = arith.constant 1 : i32
      %dma_start3A_1662 = arith.constant 4 : i32
      %dma_start3A_1663 = arith.constant 0 : i32
      %dma_start3A_1664 = arith.constant 0 : i32
      %dma_start3A_1665 = arith.constant 0 : i32
      %dma_start3A_1666 = tpu.memref_slice %arg11[%dma_start3A_1663, %dma_start3A_1664, %dma_start3A_1665] : memref<2x128x128xf32, #tpu.memory_space<vmem>> -> memref<1x128x128xf32, #tpu.memory_space<vmem>>
      %dma_start3A_1667 = tpu.memref_squeeze %dma_start3A_1666 : memref<1x128x128xf32, #tpu.memory_space<vmem>> -> memref<128x128xf32, #tpu.memory_space<vmem>>
      %dma_start3A_1668 = arith.constant 0 : i32
      %dma_start3A_1669 = tpu.memref_slice %arg7[%dma_start3A_1661, %dma_start3A_1662, %dma_start3A_1668] : memref<2x6x128xi32, #tpu.memory_space<vmem>> -> memref<1x1x128xi32, #tpu.memory_space<vmem>>
      %dma_start3A_1670 = tpu.memref_squeeze %dma_start3A_1669 : memref<1x1x128xi32, #tpu.memory_space<vmem>> -> memref<128xi32, #tpu.memory_space<vmem>>
      %dma_start3A_1671 = arith.constant 0 : i32
      %dma_start3A_1672 = arith.constant 0 : i32
      %dma_start3A_1673 = tpu.memref_slice %arg2[%dma_start3A_1671, %dma_start3A_1672] : memref<10000x128xf32, #tpu.memory_space<hbm>> -> memref<10000x128xf32, #tpu.memory_space<hbm>>
      tpu.enqueue_indirect_dma source(%dma_start3A_1673 : memref<10000x128xf32, #tpu.memory_space<hbm>>) target(%dma_start3A_1667 : memref<128x128xf32, #tpu.memory_space<vmem>>) offsets(%dma_start3A_1670 : memref<128xi32, #tpu.memory_space<vmem>>) semaphore(%arg13 : memref<!tpu.dma_semaphore, #tpu.memory_space<semaphore_mem>>)
      %dma_start3A_1674 = arith.constant 1 : i32
      %dma_start3A_1675 = arith.constant 1 : i32
      %dma_start3A_1676 = arith.constant 3 : i32
      %dma_start3A_1677 = arith.constant 0 : i32
      %dma_start3A_1678 = arith.constant 0 : i32
      %dma_start3A_1679 = tpu.memref_slice %arg11[%dma_start3A_1674, %dma_start3A_1677, %dma_start3A_1678] : memref<2x128x128xf32, #tpu.memory_space<vmem>> -> memref<1x128x128xf32, #tpu.memory_space<vmem>>
      %dma_start3A_1680 = tpu.memref_squeeze %dma_start3A_1679 : memref<1x128x128xf32, #tpu.memory_space<vmem>> -> memref<128x128xf32, #tpu.memory_space<vmem>>
      %dma_start3A_1681 = arith.constant 0 : i32
      %dma_start3A_1682 = tpu.memref_slice %arg8[%dma_start3A_1675, %dma_start3A_1676, %dma_start3A_1681] : memref<2x6x128xi32, #tpu.memory_space<vmem>> -> memref<1x1x128xi32, #tpu.memory_space<vmem>>
      %dma_start3A_1683 = tpu.memref_squeeze %dma_start3A_1682 : memref<1x1x128xi32, #tpu.memory_space<vmem>> -> memref<128xi32, #tpu.memory_space<vmem>>
      %dma_start3A_1684 = arith.constant 0 : i32
      %dma_start3A_1685 = arith.constant 0 : i32
      %dma_start3A_1686 = tpu.memref_slice %arg12[%dma_start3A_1684, %dma_start3A_1685] : memref<10112x128xf32, #tpu.memory_space<vmem_shared>> -> memref<10112x128xf32, #tpu.memory_space<vmem_shared>>
      tpu.enqueue_indirect_dma source(%dma_start3A_1680 : memref<128x128xf32, #tpu.memory_space<vmem>>) target(%dma_start3A_1686 : memref<10112x128xf32, #tpu.memory_space<vmem_shared>>) offsets(%dma_start3A_1683 : memref<128xi32, #tpu.memory_space<vmem>>) semaphore(%arg15 : memref<!tpu.dma_semaphore, #tpu.memory_space<semaphore_mem>>) {add = true}
      %dma_wait3A_1687 = arith.constant 1 : i32
      %dma_wait3A_1688 = arith.constant 4 : i32
      %dma_wait3A_1689 = arith.constant 0 : i32
      %dma_wait3A_1690 = arith.constant 0 : i32
      %dma_wait3A_1691 = arith.constant 0 : i32
      %dma_wait3A_1692 = tpu.memref_slice %arg11[%dma_wait3A_1689, %dma_wait3A_1690, %dma_wait3A_1691] : memref<2x128x128xf32, #tpu.memory_space<vmem>> -> memref<1x128x128xf32, #tpu.memory_space<vmem>>
      %dma_wait3A_1693 = tpu.memref_squeeze %dma_wait3A_1692 : memref<1x128x128xf32, #tpu.memory_space<vmem>> -> memref<128x128xf32, #tpu.memory_space<vmem>>
      %dma_wait3A_1694 = arith.constant 0 : i32
      %dma_wait3A_1695 = tpu.memref_slice %arg7[%dma_wait3A_1687, %dma_wait3A_1688, %dma_wait3A_1694] : memref<2x6x128xi32, #tpu.memory_space<vmem>> -> memref<1x1x128xi32, #tpu.memory_space<vmem>>
      %dma_wait3A_1696 = tpu.memref_squeeze %dma_wait3A_1695 : memref<1x1x128xi32, #tpu.memory_space<vmem>> -> memref<128xi32, #tpu.memory_space<vmem>>
      %dma_wait3A_1697 = arith.constant 0 : i32
      %dma_wait3A_1698 = arith.constant 0 : i32
      %dma_wait3A_1699 = tpu.memref_slice %arg2[%dma_wait3A_1697, %dma_wait3A_1698] : memref<10000x128xf32, #tpu.memory_space<hbm>> -> memref<10000x128xf32, #tpu.memory_space<hbm>>
      tpu.wait_indirect_dma semaphore(%arg13 : memref<!tpu.dma_semaphore, #tpu.memory_space<semaphore_mem>>) src(%dma_wait3A_1699 : memref<10000x128xf32, #tpu.memory_space<hbm>>) dst(%dma_wait3A_1693 : memref<128x128xf32, #tpu.memory_space<vmem>>)
      %dma_wait3A_1700 = arith.constant 1 : i32
      %dma_wait3A_1701 = arith.constant 1 : i32
      %dma_wait3A_1702 = arith.constant 4 : i32
      %dma_wait3A_1703 = arith.constant 0 : i32
      %dma_wait3A_1704 = arith.constant 0 : i32
      %dma_wait3A_1705 = tpu.memref_slice %arg11[%dma_wait3A_1700, %dma_wait3A_1703, %dma_wait3A_1704] : memref<2x128x128xf32, #tpu.memory_space<vmem>> -> memref<1x128x128xf32, #tpu.memory_space<vmem>>
      %dma_wait3A_1706 = tpu.memref_squeeze %dma_wait3A_1705 : memref<1x128x128xf32, #tpu.memory_space<vmem>> -> memref<128x128xf32, #tpu.memory_space<vmem>>
      %dma_wait3A_1707 = arith.constant 0 : i32
      %dma_wait3A_1708 = tpu.memref_slice %arg8[%dma_wait3A_1701, %dma_wait3A_1702, %dma_wait3A_1707] : memref<2x6x128xi32, #tpu.memory_space<vmem>> -> memref<1x1x128xi32, #tpu.memory_space<vmem>>
      %dma_wait3A_1709 = tpu.memref_squeeze %dma_wait3A_1708 : memref<1x1x128xi32, #tpu.memory_space<vmem>> -> memref<128xi32, #tpu.memory_space<vmem>>
      %dma_wait3A_1710 = arith.constant 0 : i32
      %dma_wait3A_1711 = arith.constant 0 : i32
      %dma_wait3A_1712 = tpu.memref_slice %arg12[%dma_wait3A_1710, %dma_wait3A_1711] : memref<10112x128xf32, #tpu.memory_space<vmem_shared>> -> memref<10112x128xf32, #tpu.memory_space<vmem_shared>>
      tpu.wait_indirect_dma semaphore(%arg15 : memref<!tpu.dma_semaphore, #tpu.memory_space<semaphore_mem>>) src(%dma_wait3A_1706 : memref<128x128xf32, #tpu.memory_space<vmem>>) dst(%dma_wait3A_1712 : memref<10112x128xf32, #tpu.memory_space<vmem_shared>>)
      %dma_start3A_1713 = arith.constant 1 : i32
      %dma_start3A_1714 = arith.constant 5 : i32
      %dma_start3A_1715 = arith.constant 1 : i32
      %dma_start3A_1716 = arith.constant 0 : i32
      %dma_start3A_1717 = arith.constant 0 : i32
      %dma_start3A_1718 = tpu.memref_slice %arg11[%dma_start3A_1715, %dma_start3A_1716, %dma_start3A_1717] : memref<2x128x128xf32, #tpu.memory_space<vmem>> -> memref<1x128x128xf32, #tpu.memory_space<vmem>>
      %dma_start3A_1719 = tpu.memref_squeeze %dma_start3A_1718 : memref<1x128x128xf32, #tpu.memory_space<vmem>> -> memref<128x128xf32, #tpu.memory_space<vmem>>
      %dma_start3A_1720 = arith.constant 0 : i32
      %dma_start3A_1721 = tpu.memref_slice %arg7[%dma_start3A_1713, %dma_start3A_1714, %dma_start3A_1720] : memref<2x6x128xi32, #tpu.memory_space<vmem>> -> memref<1x1x128xi32, #tpu.memory_space<vmem>>
      %dma_start3A_1722 = tpu.memref_squeeze %dma_start3A_1721 : memref<1x1x128xi32, #tpu.memory_space<vmem>> -> memref<128xi32, #tpu.memory_space<vmem>>
      %dma_start3A_1723 = arith.constant 0 : i32
      %dma_start3A_1724 = arith.constant 0 : i32
      %dma_start3A_1725 = tpu.memref_slice %arg2[%dma_start3A_1723, %dma_start3A_1724] : memref<10000x128xf32, #tpu.memory_space<hbm>> -> memref<10000x128xf32, #tpu.memory_space<hbm>>
      tpu.enqueue_indirect_dma source(%dma_start3A_1725 : memref<10000x128xf32, #tpu.memory_space<hbm>>) target(%dma_start3A_1719 : memref<128x128xf32, #tpu.memory_space<vmem>>) offsets(%dma_start3A_1722 : memref<128xi32, #tpu.memory_space<vmem>>) semaphore(%arg13 : memref<!tpu.dma_semaphore, #tpu.memory_space<semaphore_mem>>)
      %dma_start3A_1726 = arith.constant 0 : i32
      %dma_start3A_1727 = arith.constant 1 : i32
      %dma_start3A_1728 = arith.constant 4 : i32
      %dma_start3A_1729 = arith.constant 0 : i32
      %dma_start3A_1730 = arith.constant 0 : i32
      %dma_start3A_1731 = tpu.memref_slice %arg11[%dma_start3A_1726, %dma_start3A_1729, %dma_start3A_1730] : memref<2x128x128xf32, #tpu.memory_space<vmem>> -> memref<1x128x128xf32, #tpu.memory_space<vmem>>
      %dma_start3A_1732 = tpu.memref_squeeze %dma_start3A_1731 : memref<1x128x128xf32, #tpu.memory_space<vmem>> -> memref<128x128xf32, #tpu.memory_space<vmem>>
      %dma_start3A_1733 = arith.constant 0 : i32
      %dma_start3A_1734 = tpu.memref_slice %arg8[%dma_start3A_1727, %dma_start3A_1728, %dma_start3A_1733] : memref<2x6x128xi32, #tpu.memory_space<vmem>> -> memref<1x1x128xi32, #tpu.memory_space<vmem>>
      %dma_start3A_1735 = tpu.memref_squeeze %dma_start3A_1734 : memref<1x1x128xi32, #tpu.memory_space<vmem>> -> memref<128xi32, #tpu.memory_space<vmem>>
      %dma_start3A_1736 = arith.constant 0 : i32
      %dma_start3A_1737 = arith.constant 0 : i32
      %dma_start3A_1738 = tpu.memref_slice %arg12[%dma_start3A_1736, %dma_start3A_1737] : memref<10112x128xf32, #tpu.memory_space<vmem_shared>> -> memref<10112x128xf32, #tpu.memory_space<vmem_shared>>
      tpu.enqueue_indirect_dma source(%dma_start3A_1732 : memref<128x128xf32, #tpu.memory_space<vmem>>) target(%dma_start3A_1738 : memref<10112x128xf32, #tpu.memory_space<vmem_shared>>) offsets(%dma_start3A_1735 : memref<128xi32, #tpu.memory_space<vmem>>) semaphore(%arg15 : memref<!tpu.dma_semaphore, #tpu.memory_space<semaphore_mem>>) {add = true}
      %dma_wait3A_1739 = arith.constant 1 : i32
      %dma_wait3A_1740 = arith.constant 5 : i32
      %dma_wait3A_1741 = arith.constant 1 : i32
      %dma_wait3A_1742 = arith.constant 0 : i32
      %dma_wait3A_1743 = arith.constant 0 : i32
      %dma_wait3A_1744 = tpu.memref_slice %arg11[%dma_wait3A_1741, %dma_wait3A_1742, %dma_wait3A_1743] : memref<2x128x128xf32, #tpu.memory_space<vmem>> -> memref<1x128x128xf32, #tpu.memory_space<vmem>>
      %dma_wait3A_1745 = tpu.memref_squeeze %dma_wait3A_1744 : memref<1x128x128xf32, #tpu.memory_space<vmem>> -> memref<128x128xf32, #tpu.memory_space<vmem>>
      %dma_wait3A_1746 = arith.constant 0 : i32
      %dma_wait3A_1747 = tpu.memref_slice %arg7[%dma_wait3A_1739, %dma_wait3A_1740, %dma_wait3A_1746] : memref<2x6x128xi32, #tpu.memory_space<vmem>> -> memref<1x1x128xi32, #tpu.memory_space<vmem>>
      %dma_wait3A_1748 = tpu.memref_squeeze %dma_wait3A_1747 : memref<1x1x128xi32, #tpu.memory_space<vmem>> -> memref<128xi32, #tpu.memory_space<vmem>>
      %dma_wait3A_1749 = arith.constant 0 : i32
      %dma_wait3A_1750 = arith.constant 0 : i32
      %dma_wait3A_1751 = tpu.memref_slice %arg2[%dma_wait3A_1749, %dma_wait3A_1750] : memref<10000x128xf32, #tpu.memory_space<hbm>> -> memref<10000x128xf32, #tpu.memory_space<hbm>>
      tpu.wait_indirect_dma semaphore(%arg13 : memref<!tpu.dma_semaphore, #tpu.memory_space<semaphore_mem>>) src(%dma_wait3A_1751 : memref<10000x128xf32, #tpu.memory_space<hbm>>) dst(%dma_wait3A_1745 : memref<128x128xf32, #tpu.memory_space<vmem>>)
      %dma_wait3A_1752 = arith.constant 0 : i32
      %dma_wait3A_1753 = arith.constant 1 : i32
      %dma_wait3A_1754 = arith.constant 5 : i32
      %dma_wait3A_1755 = arith.constant 0 : i32
      %dma_wait3A_1756 = arith.constant 0 : i32
      %dma_wait3A_1757 = tpu.memref_slice %arg11[%dma_wait3A_1752, %dma_wait3A_1755, %dma_wait3A_1756] : memref<2x128x128xf32, #tpu.memory_space<vmem>> -> memref<1x128x128xf32, #tpu.memory_space<vmem>>
      %dma_wait3A_1758 = tpu.memref_squeeze %dma_wait3A_1757 : memref<1x128x128xf32, #tpu.memory_space<vmem>> -> memref<128x128xf32, #tpu.memory_space<vmem>>
      %dma_wait3A_1759 = arith.constant 0 : i32
      %dma_wait3A_1760 = tpu.memref_slice %arg8[%dma_wait3A_1753, %dma_wait3A_1754, %dma_wait3A_1759] : memref<2x6x128xi32, #tpu.memory_space<vmem>> -> memref<1x1x128xi32, #tpu.memory_space<vmem>>
      %dma_wait3A_1761 = tpu.memref_squeeze %dma_wait3A_1760 : memref<1x1x128xi32, #tpu.memory_space<vmem>> -> memref<128xi32, #tpu.memory_space<vmem>>
      %dma_wait3A_1762 = arith.constant 0 : i32
      %dma_wait3A_1763 = arith.constant 0 : i32
      %dma_wait3A_1764 = tpu.memref_slice %arg12[%dma_wait3A_1762, %dma_wait3A_1763] : memref<10112x128xf32, #tpu.memory_space<vmem_shared>> -> memref<10112x128xf32, #tpu.memory_space<vmem_shared>>
      tpu.wait_indirect_dma semaphore(%arg15 : memref<!tpu.dma_semaphore, #tpu.memory_space<semaphore_mem>>) src(%dma_wait3A_1758 : memref<128x128xf32, #tpu.memory_space<vmem>>) dst(%dma_wait3A_1764 : memref<10112x128xf32, #tpu.memory_space<vmem_shared>>)
      %add3A_1765 = arith.constant 1 : i32
      %add3A_1766 = arith.addi %add3A_1314, %add3A_1765 : i32
      %mul3A_1767 = arith.constant 6 : i32
      %mul3A_1768 = arith.muli %add3A_1766, %mul3A_1767 : i32
      %add3A_1769 = arith.constant 0 : i32
      %add3A_1770 = arith.addi %mul3A_1768, %add3A_1769 : i32
      %mul3A_1771 = arith.constant 128 : i32
      %mul3A_1772 = arith.muli %add3A_1770, %mul3A_1771 : i32
      %add3A_1773 = arith.addi %mul3A_2, %mul3A_1772 : i32
      %dma_wait3A_1774 = arith.constant 0 : i32
      %dma_wait3A_1775 = arith.constant 0 : i32
      %dma_wait3A_1776 = arith.constant 0 : i32
      %dma_wait3A_1777 = tpu.memref_slice %arg7[%dma_wait3A_1774, %dma_wait3A_1775, %dma_wait3A_1776] : memref<2x6x128xi32, #tpu.memory_space<vmem>> -> memref<1x1x128xi32, #tpu.memory_space<vmem>>
      %dma_wait3A_1778 = tpu.memref_squeeze %dma_wait3A_1777 : memref<1x1x128xi32, #tpu.memory_space<vmem>> -> memref<128xi32, #tpu.memory_space<vmem>>
      %dma_wait3A_1779 = tpu.memref_slice %arg3[%add3A_1773] : memref<320000xi32, #tpu.memory_space<hbm>> -> memref<128xi32, #tpu.memory_space<hbm>>
      %dma_wait3A_1780 = arith.constant 0 : i32
      %dma_wait3A_1781 = tpu.memref_slice %arg7[%dma_wait3A_1774, %dma_wait3A_1775, %dma_wait3A_1780] : memref<2x6x128xi32, #tpu.memory_space<vmem>> -> memref<1x1x128xi32, #tpu.memory_space<vmem>>
      %dma_wait3A_1782 = tpu.memref_squeeze %dma_wait3A_1781 : memref<1x1x128xi32, #tpu.memory_space<vmem>> -> memref<128xi32, #tpu.memory_space<vmem>>
      %dma_wait3A_1783 = tpu.memref_slice %arg3[%add3A_1773] : memref<320000xi32, #tpu.memory_space<hbm>> -> memref<128xi32, #tpu.memory_space<hbm>>
      tpu.wait_dma2 semaphore(%arg14 : memref<!tpu.dma_semaphore, #tpu.memory_space<semaphore_mem>>) src(%dma_wait3A_1783 : memref<128xi32, #tpu.memory_space<hbm>>) dst(%dma_wait3A_1782 : memref<128xi32, #tpu.memory_space<vmem>>)
      %dma_wait3A_1784 = arith.constant 0 : i32
      %dma_wait3A_1785 = arith.constant 0 : i32
      %dma_wait3A_1786 = arith.constant 0 : i32
      %dma_wait3A_1787 = tpu.memref_slice %arg8[%dma_wait3A_1784, %dma_wait3A_1785, %dma_wait3A_1786] : memref<2x6x128xi32, #tpu.memory_space<vmem>> -> memref<1x1x128xi32, #tpu.memory_space<vmem>>
      %dma_wait3A_1788 = tpu.memref_squeeze %dma_wait3A_1787 : memref<1x1x128xi32, #tpu.memory_space<vmem>> -> memref<128xi32, #tpu.memory_space<vmem>>
      %dma_wait3A_1789 = tpu.memref_slice %arg4[%add3A_1773] : memref<320000xi32, #tpu.memory_space<hbm>> -> memref<128xi32, #tpu.memory_space<hbm>>
      %dma_wait3A_1790 = arith.constant 0 : i32
      %dma_wait3A_1791 = tpu.memref_slice %arg8[%dma_wait3A_1784, %dma_wait3A_1785, %dma_wait3A_1790] : memref<2x6x128xi32, #tpu.memory_space<vmem>> -> memref<1x1x128xi32, #tpu.memory_space<vmem>>
      %dma_wait3A_1792 = tpu.memref_squeeze %dma_wait3A_1791 : memref<1x1x128xi32, #tpu.memory_space<vmem>> -> memref<128xi32, #tpu.memory_space<vmem>>
      %dma_wait3A_1793 = tpu.memref_slice %arg4[%add3A_1773] : memref<320000xi32, #tpu.memory_space<hbm>> -> memref<128xi32, #tpu.memory_space<hbm>>
      tpu.wait_dma2 semaphore(%arg14 : memref<!tpu.dma_semaphore, #tpu.memory_space<semaphore_mem>>) src(%dma_wait3A_1793 : memref<128xi32, #tpu.memory_space<hbm>>) dst(%dma_wait3A_1792 : memref<128xi32, #tpu.memory_space<vmem>>)
      %mul3A_1794 = arith.constant 6 : i32
      %mul3A_1795 = arith.muli %add3A_1766, %mul3A_1794 : i32
      %add3A_1796 = arith.constant 1 : i32
      %add3A_1797 = arith.addi %mul3A_1795, %add3A_1796 : i32
      %mul3A_1798 = arith.constant 128 : i32
      %mul3A_1799 = arith.muli %add3A_1797, %mul3A_1798 : i32
      %add3A_1800 = arith.addi %mul3A_2, %mul3A_1799 : i32
      %dma_wait3A_1801 = arith.constant 0 : i32
      %dma_wait3A_1802 = arith.constant 1 : i32
      %dma_wait3A_1803 = arith.constant 0 : i32
      %dma_wait3A_1804 = tpu.memref_slice %arg7[%dma_wait3A_1801, %dma_wait3A_1802, %dma_wait3A_1803] : memref<2x6x128xi32, #tpu.memory_space<vmem>> -> memref<1x1x128xi32, #tpu.memory_space<vmem>>
      %dma_wait3A_1805 = tpu.memref_squeeze %dma_wait3A_1804 : memref<1x1x128xi32, #tpu.memory_space<vmem>> -> memref<128xi32, #tpu.memory_space<vmem>>
      %dma_wait3A_1806 = tpu.memref_slice %arg3[%add3A_1800] : memref<320000xi32, #tpu.memory_space<hbm>> -> memref<128xi32, #tpu.memory_space<hbm>>
      %dma_wait3A_1807 = arith.constant 0 : i32
      %dma_wait3A_1808 = tpu.memref_slice %arg7[%dma_wait3A_1801, %dma_wait3A_1802, %dma_wait3A_1807] : memref<2x6x128xi32, #tpu.memory_space<vmem>> -> memref<1x1x128xi32, #tpu.memory_space<vmem>>
      %dma_wait3A_1809 = tpu.memref_squeeze %dma_wait3A_1808 : memref<1x1x128xi32, #tpu.memory_space<vmem>> -> memref<128xi32, #tpu.memory_space<vmem>>
      %dma_wait3A_1810 = tpu.memref_slice %arg3[%add3A_1800] : memref<320000xi32, #tpu.memory_space<hbm>> -> memref<128xi32, #tpu.memory_space<hbm>>
      tpu.wait_dma2 semaphore(%arg14 : memref<!tpu.dma_semaphore, #tpu.memory_space<semaphore_mem>>) src(%dma_wait3A_1810 : memref<128xi32, #tpu.memory_space<hbm>>) dst(%dma_wait3A_1809 : memref<128xi32, #tpu.memory_space<vmem>>)
      %dma_wait3A_1811 = arith.constant 0 : i32
      %dma_wait3A_1812 = arith.constant 1 : i32
      %dma_wait3A_1813 = arith.constant 0 : i32
      %dma_wait3A_1814 = tpu.memref_slice %arg8[%dma_wait3A_1811, %dma_wait3A_1812, %dma_wait3A_1813] : memref<2x6x128xi32, #tpu.memory_space<vmem>> -> memref<1x1x128xi32, #tpu.memory_space<vmem>>
      %dma_wait3A_1815 = tpu.memref_squeeze %dma_wait3A_1814 : memref<1x1x128xi32, #tpu.memory_space<vmem>> -> memref<128xi32, #tpu.memory_space<vmem>>
      %dma_wait3A_1816 = tpu.memref_slice %arg4[%add3A_1800] : memref<320000xi32, #tpu.memory_space<hbm>> -> memref<128xi32, #tpu.memory_space<hbm>>
      %dma_wait3A_1817 = arith.constant 0 : i32
      %dma_wait3A_1818 = tpu.memref_slice %arg8[%dma_wait3A_1811, %dma_wait3A_1812, %dma_wait3A_1817] : memref<2x6x128xi32, #tpu.memory_space<vmem>> -> memref<1x1x128xi32, #tpu.memory_space<vmem>>
      %dma_wait3A_1819 = tpu.memref_squeeze %dma_wait3A_1818 : memref<1x1x128xi32, #tpu.memory_space<vmem>> -> memref<128xi32, #tpu.memory_space<vmem>>
      %dma_wait3A_1820 = tpu.memref_slice %arg4[%add3A_1800] : memref<320000xi32, #tpu.memory_space<hbm>> -> memref<128xi32, #tpu.memory_space<hbm>>
      tpu.wait_dma2 semaphore(%arg14 : memref<!tpu.dma_semaphore, #tpu.memory_space<semaphore_mem>>) src(%dma_wait3A_1820 : memref<128xi32, #tpu.memory_space<hbm>>) dst(%dma_wait3A_1819 : memref<128xi32, #tpu.memory_space<vmem>>)
      %mul3A_1821 = arith.constant 6 : i32
      %mul3A_1822 = arith.muli %add3A_1766, %mul3A_1821 : i32
      %add3A_1823 = arith.constant 2 : i32
      %add3A_1824 = arith.addi %mul3A_1822, %add3A_1823 : i32
      %mul3A_1825 = arith.constant 128 : i32
      %mul3A_1826 = arith.muli %add3A_1824, %mul3A_1825 : i32
      %add3A_1827 = arith.addi %mul3A_2, %mul3A_1826 : i32
      %dma_wait3A_1828 = arith.constant 0 : i32
      %dma_wait3A_1829 = arith.constant 2 : i32
      %dma_wait3A_1830 = arith.constant 0 : i32
      %dma_wait3A_1831 = tpu.memref_slice %arg7[%dma_wait3A_1828, %dma_wait3A_1829, %dma_wait3A_1830] : memref<2x6x128xi32, #tpu.memory_space<vmem>> -> memref<1x1x128xi32, #tpu.memory_space<vmem>>
      %dma_wait3A_1832 = tpu.memref_squeeze %dma_wait3A_1831 : memref<1x1x128xi32, #tpu.memory_space<vmem>> -> memref<128xi32, #tpu.memory_space<vmem>>
      %dma_wait3A_1833 = tpu.memref_slice %arg3[%add3A_1827] : memref<320000xi32, #tpu.memory_space<hbm>> -> memref<128xi32, #tpu.memory_space<hbm>>
      %dma_wait3A_1834 = arith.constant 0 : i32
      %dma_wait3A_1835 = tpu.memref_slice %arg7[%dma_wait3A_1828, %dma_wait3A_1829, %dma_wait3A_1834] : memref<2x6x128xi32, #tpu.memory_space<vmem>> -> memref<1x1x128xi32, #tpu.memory_space<vmem>>
      %dma_wait3A_1836 = tpu.memref_squeeze %dma_wait3A_1835 : memref<1x1x128xi32, #tpu.memory_space<vmem>> -> memref<128xi32, #tpu.memory_space<vmem>>
      %dma_wait3A_1837 = tpu.memref_slice %arg3[%add3A_1827] : memref<320000xi32, #tpu.memory_space<hbm>> -> memref<128xi32, #tpu.memory_space<hbm>>
      tpu.wait_dma2 semaphore(%arg14 : memref<!tpu.dma_semaphore, #tpu.memory_space<semaphore_mem>>) src(%dma_wait3A_1837 : memref<128xi32, #tpu.memory_space<hbm>>) dst(%dma_wait3A_1836 : memref<128xi32, #tpu.memory_space<vmem>>)
      %dma_wait3A_1838 = arith.constant 0 : i32
      %dma_wait3A_1839 = arith.constant 2 : i32
      %dma_wait3A_1840 = arith.constant 0 : i32
      %dma_wait3A_1841 = tpu.memref_slice %arg8[%dma_wait3A_1838, %dma_wait3A_1839, %dma_wait3A_1840] : memref<2x6x128xi32, #tpu.memory_space<vmem>> -> memref<1x1x128xi32, #tpu.memory_space<vmem>>
      %dma_wait3A_1842 = tpu.memref_squeeze %dma_wait3A_1841 : memref<1x1x128xi32, #tpu.memory_space<vmem>> -> memref<128xi32, #tpu.memory_space<vmem>>
      %dma_wait3A_1843 = tpu.memref_slice %arg4[%add3A_1827] : memref<320000xi32, #tpu.memory_space<hbm>> -> memref<128xi32, #tpu.memory_space<hbm>>
      %dma_wait3A_1844 = arith.constant 0 : i32
      %dma_wait3A_1845 = tpu.memref_slice %arg8[%dma_wait3A_1838, %dma_wait3A_1839, %dma_wait3A_1844] : memref<2x6x128xi32, #tpu.memory_space<vmem>> -> memref<1x1x128xi32, #tpu.memory_space<vmem>>
      %dma_wait3A_1846 = tpu.memref_squeeze %dma_wait3A_1845 : memref<1x1x128xi32, #tpu.memory_space<vmem>> -> memref<128xi32, #tpu.memory_space<vmem>>
      %dma_wait3A_1847 = tpu.memref_slice %arg4[%add3A_1827] : memref<320000xi32, #tpu.memory_space<hbm>> -> memref<128xi32, #tpu.memory_space<hbm>>
      tpu.wait_dma2 semaphore(%arg14 : memref<!tpu.dma_semaphore, #tpu.memory_space<semaphore_mem>>) src(%dma_wait3A_1847 : memref<128xi32, #tpu.memory_space<hbm>>) dst(%dma_wait3A_1846 : memref<128xi32, #tpu.memory_space<vmem>>)
      %mul3A_1848 = arith.constant 6 : i32
      %mul3A_1849 = arith.muli %add3A_1766, %mul3A_1848 : i32
      %add3A_1850 = arith.constant 3 : i32
      %add3A_1851 = arith.addi %mul3A_1849, %add3A_1850 : i32
      %mul3A_1852 = arith.constant 128 : i32
      %mul3A_1853 = arith.muli %add3A_1851, %mul3A_1852 : i32
      %add3A_1854 = arith.addi %mul3A_2, %mul3A_1853 : i32
      %dma_wait3A_1855 = arith.constant 0 : i32
      %dma_wait3A_1856 = arith.constant 3 : i32
      %dma_wait3A_1857 = arith.constant 0 : i32
      %dma_wait3A_1858 = tpu.memref_slice %arg7[%dma_wait3A_1855, %dma_wait3A_1856, %dma_wait3A_1857] : memref<2x6x128xi32, #tpu.memory_space<vmem>> -> memref<1x1x128xi32, #tpu.memory_space<vmem>>
      %dma_wait3A_1859 = tpu.memref_squeeze %dma_wait3A_1858 : memref<1x1x128xi32, #tpu.memory_space<vmem>> -> memref<128xi32, #tpu.memory_space<vmem>>
      %dma_wait3A_1860 = tpu.memref_slice %arg3[%add3A_1854] : memref<320000xi32, #tpu.memory_space<hbm>> -> memref<128xi32, #tpu.memory_space<hbm>>
      %dma_wait3A_1861 = arith.constant 0 : i32
      %dma_wait3A_1862 = tpu.memref_slice %arg7[%dma_wait3A_1855, %dma_wait3A_1856, %dma_wait3A_1861] : memref<2x6x128xi32, #tpu.memory_space<vmem>> -> memref<1x1x128xi32, #tpu.memory_space<vmem>>
      %dma_wait3A_1863 = tpu.memref_squeeze %dma_wait3A_1862 : memref<1x1x128xi32, #tpu.memory_space<vmem>> -> memref<128xi32, #tpu.memory_space<vmem>>
      %dma_wait3A_1864 = tpu.memref_slice %arg3[%add3A_1854] : memref<320000xi32, #tpu.memory_space<hbm>> -> memref<128xi32, #tpu.memory_space<hbm>>
      tpu.wait_dma2 semaphore(%arg14 : memref<!tpu.dma_semaphore, #tpu.memory_space<semaphore_mem>>) src(%dma_wait3A_1864 : memref<128xi32, #tpu.memory_space<hbm>>) dst(%dma_wait3A_1863 : memref<128xi32, #tpu.memory_space<vmem>>)
      %dma_wait3A_1865 = arith.constant 0 : i32
      %dma_wait3A_1866 = arith.constant 3 : i32
      %dma_wait3A_1867 = arith.constant 0 : i32
      %dma_wait3A_1868 = tpu.memref_slice %arg8[%dma_wait3A_1865, %dma_wait3A_1866, %dma_wait3A_1867] : memref<2x6x128xi32, #tpu.memory_space<vmem>> -> memref<1x1x128xi32, #tpu.memory_space<vmem>>
      %dma_wait3A_1869 = tpu.memref_squeeze %dma_wait3A_1868 : memref<1x1x128xi32, #tpu.memory_space<vmem>> -> memref<128xi32, #tpu.memory_space<vmem>>
      %dma_wait3A_1870 = tpu.memref_slice %arg4[%add3A_1854] : memref<320000xi32, #tpu.memory_space<hbm>> -> memref<128xi32, #tpu.memory_space<hbm>>
      %dma_wait3A_1871 = arith.constant 0 : i32
      %dma_wait3A_1872 = tpu.memref_slice %arg8[%dma_wait3A_1865, %dma_wait3A_1866, %dma_wait3A_1871] : memref<2x6x128xi32, #tpu.memory_space<vmem>> -> memref<1x1x128xi32, #tpu.memory_space<vmem>>
      %dma_wait3A_1873 = tpu.memref_squeeze %dma_wait3A_1872 : memref<1x1x128xi32, #tpu.memory_space<vmem>> -> memref<128xi32, #tpu.memory_space<vmem>>
      %dma_wait3A_1874 = tpu.memref_slice %arg4[%add3A_1854] : memref<320000xi32, #tpu.memory_space<hbm>> -> memref<128xi32, #tpu.memory_space<hbm>>
      tpu.wait_dma2 semaphore(%arg14 : memref<!tpu.dma_semaphore, #tpu.memory_space<semaphore_mem>>) src(%dma_wait3A_1874 : memref<128xi32, #tpu.memory_space<hbm>>) dst(%dma_wait3A_1873 : memref<128xi32, #tpu.memory_space<vmem>>)
      %mul3A_1875 = arith.constant 6 : i32
      %mul3A_1876 = arith.muli %add3A_1766, %mul3A_1875 : i32
      %add3A_1877 = arith.constant 4 : i32
      %add3A_1878 = arith.addi %mul3A_1876, %add3A_1877 : i32
      %mul3A_1879 = arith.constant 128 : i32
      %mul3A_1880 = arith.muli %add3A_1878, %mul3A_1879 : i32
      %add3A_1881 = arith.addi %mul3A_2, %mul3A_1880 : i32
      %dma_wait3A_1882 = arith.constant 0 : i32
      %dma_wait3A_1883 = arith.constant 4 : i32
      %dma_wait3A_1884 = arith.constant 0 : i32
      %dma_wait3A_1885 = tpu.memref_slice %arg7[%dma_wait3A_1882, %dma_wait3A_1883, %dma_wait3A_1884] : memref<2x6x128xi32, #tpu.memory_space<vmem>> -> memref<1x1x128xi32, #tpu.memory_space<vmem>>
      %dma_wait3A_1886 = tpu.memref_squeeze %dma_wait3A_1885 : memref<1x1x128xi32, #tpu.memory_space<vmem>> -> memref<128xi32, #tpu.memory_space<vmem>>
      %dma_wait3A_1887 = tpu.memref_slice %arg3[%add3A_1881] : memref<320000xi32, #tpu.memory_space<hbm>> -> memref<128xi32, #tpu.memory_space<hbm>>
      %dma_wait3A_1888 = arith.constant 0 : i32
      %dma_wait3A_1889 = tpu.memref_slice %arg7[%dma_wait3A_1882, %dma_wait3A_1883, %dma_wait3A_1888] : memref<2x6x128xi32, #tpu.memory_space<vmem>> -> memref<1x1x128xi32, #tpu.memory_space<vmem>>
      %dma_wait3A_1890 = tpu.memref_squeeze %dma_wait3A_1889 : memref<1x1x128xi32, #tpu.memory_space<vmem>> -> memref<128xi32, #tpu.memory_space<vmem>>
      %dma_wait3A_1891 = tpu.memref_slice %arg3[%add3A_1881] : memref<320000xi32, #tpu.memory_space<hbm>> -> memref<128xi32, #tpu.memory_space<hbm>>
      tpu.wait_dma2 semaphore(%arg14 : memref<!tpu.dma_semaphore, #tpu.memory_space<semaphore_mem>>) src(%dma_wait3A_1891 : memref<128xi32, #tpu.memory_space<hbm>>) dst(%dma_wait3A_1890 : memref<128xi32, #tpu.memory_space<vmem>>)
      %dma_wait3A_1892 = arith.constant 0 : i32
      %dma_wait3A_1893 = arith.constant 4 : i32
      %dma_wait3A_1894 = arith.constant 0 : i32
      %dma_wait3A_1895 = tpu.memref_slice %arg8[%dma_wait3A_1892, %dma_wait3A_1893, %dma_wait3A_1894] : memref<2x6x128xi32, #tpu.memory_space<vmem>> -> memref<1x1x128xi32, #tpu.memory_space<vmem>>
      %dma_wait3A_1896 = tpu.memref_squeeze %dma_wait3A_1895 : memref<1x1x128xi32, #tpu.memory_space<vmem>> -> memref<128xi32, #tpu.memory_space<vmem>>
      %dma_wait3A_1897 = tpu.memref_slice %arg4[%add3A_1881] : memref<320000xi32, #tpu.memory_space<hbm>> -> memref<128xi32, #tpu.memory_space<hbm>>
      %dma_wait3A_1898 = arith.constant 0 : i32
      %dma_wait3A_1899 = tpu.memref_slice %arg8[%dma_wait3A_1892, %dma_wait3A_1893, %dma_wait3A_1898] : memref<2x6x128xi32, #tpu.memory_space<vmem>> -> memref<1x1x128xi32, #tpu.memory_space<vmem>>
      %dma_wait3A_1900 = tpu.memref_squeeze %dma_wait3A_1899 : memref<1x1x128xi32, #tpu.memory_space<vmem>> -> memref<128xi32, #tpu.memory_space<vmem>>
      %dma_wait3A_1901 = tpu.memref_slice %arg4[%add3A_1881] : memref<320000xi32, #tpu.memory_space<hbm>> -> memref<128xi32, #tpu.memory_space<hbm>>
      tpu.wait_dma2 semaphore(%arg14 : memref<!tpu.dma_semaphore, #tpu.memory_space<semaphore_mem>>) src(%dma_wait3A_1901 : memref<128xi32, #tpu.memory_space<hbm>>) dst(%dma_wait3A_1900 : memref<128xi32, #tpu.memory_space<vmem>>)
      %mul3A_1902 = arith.constant 6 : i32
      %mul3A_1903 = arith.muli %add3A_1766, %mul3A_1902 : i32
      %add3A_1904 = arith.constant 5 : i32
      %add3A_1905 = arith.addi %mul3A_1903, %add3A_1904 : i32
      %mul3A_1906 = arith.constant 128 : i32
      %mul3A_1907 = arith.muli %add3A_1905, %mul3A_1906 : i32
      %add3A_1908 = arith.addi %mul3A_2, %mul3A_1907 : i32
      %dma_wait3A_1909 = arith.constant 0 : i32
      %dma_wait3A_1910 = arith.constant 5 : i32
      %dma_wait3A_1911 = arith.constant 0 : i32
      %dma_wait3A_1912 = tpu.memref_slice %arg7[%dma_wait3A_1909, %dma_wait3A_1910, %dma_wait3A_1911] : memref<2x6x128xi32, #tpu.memory_space<vmem>> -> memref<1x1x128xi32, #tpu.memory_space<vmem>>
      %dma_wait3A_1913 = tpu.memref_squeeze %dma_wait3A_1912 : memref<1x1x128xi32, #tpu.memory_space<vmem>> -> memref<128xi32, #tpu.memory_space<vmem>>
      %dma_wait3A_1914 = tpu.memref_slice %arg3[%add3A_1908] : memref<320000xi32, #tpu.memory_space<hbm>> -> memref<128xi32, #tpu.memory_space<hbm>>
      %dma_wait3A_1915 = arith.constant 0 : i32
      %dma_wait3A_1916 = tpu.memref_slice %arg7[%dma_wait3A_1909, %dma_wait3A_1910, %dma_wait3A_1915] : memref<2x6x128xi32, #tpu.memory_space<vmem>> -> memref<1x1x128xi32, #tpu.memory_space<vmem>>
      %dma_wait3A_1917 = tpu.memref_squeeze %dma_wait3A_1916 : memref<1x1x128xi32, #tpu.memory_space<vmem>> -> memref<128xi32, #tpu.memory_space<vmem>>
      %dma_wait3A_1918 = tpu.memref_slice %arg3[%add3A_1908] : memref<320000xi32, #tpu.memory_space<hbm>> -> memref<128xi32, #tpu.memory_space<hbm>>
      tpu.wait_dma2 semaphore(%arg14 : memref<!tpu.dma_semaphore, #tpu.memory_space<semaphore_mem>>) src(%dma_wait3A_1918 : memref<128xi32, #tpu.memory_space<hbm>>) dst(%dma_wait3A_1917 : memref<128xi32, #tpu.memory_space<vmem>>)
      %dma_wait3A_1919 = arith.constant 0 : i32
      %dma_wait3A_1920 = arith.constant 5 : i32
      %dma_wait3A_1921 = arith.constant 0 : i32
      %dma_wait3A_1922 = tpu.memref_slice %arg8[%dma_wait3A_1919, %dma_wait3A_1920, %dma_wait3A_1921] : memref<2x6x128xi32, #tpu.memory_space<vmem>> -> memref<1x1x128xi32, #tpu.memory_space<vmem>>
      %dma_wait3A_1923 = tpu.memref_squeeze %dma_wait3A_1922 : memref<1x1x128xi32, #tpu.memory_space<vmem>> -> memref<128xi32, #tpu.memory_space<vmem>>
      %dma_wait3A_1924 = tpu.memref_slice %arg4[%add3A_1908] : memref<320000xi32, #tpu.memory_space<hbm>> -> memref<128xi32, #tpu.memory_space<hbm>>
      %dma_wait3A_1925 = arith.constant 0 : i32
      %dma_wait3A_1926 = tpu.memref_slice %arg8[%dma_wait3A_1919, %dma_wait3A_1920, %dma_wait3A_1925] : memref<2x6x128xi32, #tpu.memory_space<vmem>> -> memref<1x1x128xi32, #tpu.memory_space<vmem>>
      %dma_wait3A_1927 = tpu.memref_squeeze %dma_wait3A_1926 : memref<1x1x128xi32, #tpu.memory_space<vmem>> -> memref<128xi32, #tpu.memory_space<vmem>>
      %dma_wait3A_1928 = tpu.memref_slice %arg4[%add3A_1908] : memref<320000xi32, #tpu.memory_space<hbm>> -> memref<128xi32, #tpu.memory_space<hbm>>
      tpu.wait_dma2 semaphore(%arg14 : memref<!tpu.dma_semaphore, #tpu.memory_space<semaphore_mem>>) src(%dma_wait3A_1928 : memref<128xi32, #tpu.memory_space<hbm>>) dst(%dma_wait3A_1927 : memref<128xi32, #tpu.memory_space<vmem>>)
      %dma_start3A_1929 = arith.constant 0 : i32
      %dma_start3A_1930 = arith.constant 0 : i32
      %dma_start3A_1931 = arith.constant 0 : i32
      %dma_start3A_1932 = arith.constant 0 : i32
      %dma_start3A_1933 = arith.constant 0 : i32
      %dma_start3A_1934 = tpu.memref_slice %arg11[%dma_start3A_1931, %dma_start3A_1932, %dma_start3A_1933] : memref<2x128x128xf32, #tpu.memory_space<vmem>> -> memref<1x128x128xf32, #tpu.memory_space<vmem>>
      %dma_start3A_1935 = tpu.memref_squeeze %dma_start3A_1934 : memref<1x128x128xf32, #tpu.memory_space<vmem>> -> memref<128x128xf32, #tpu.memory_space<vmem>>
      %dma_start3A_1936 = arith.constant 0 : i32
      %dma_start3A_1937 = tpu.memref_slice %arg7[%dma_start3A_1929, %dma_start3A_1930, %dma_start3A_1936] : memref<2x6x128xi32, #tpu.memory_space<vmem>> -> memref<1x1x128xi32, #tpu.memory_space<vmem>>
      %dma_start3A_1938 = tpu.memref_squeeze %dma_start3A_1937 : memref<1x1x128xi32, #tpu.memory_space<vmem>> -> memref<128xi32, #tpu.memory_space<vmem>>
      %dma_start3A_1939 = arith.constant 0 : i32
      %dma_start3A_1940 = arith.constant 0 : i32
      %dma_start3A_1941 = tpu.memref_slice %arg2[%dma_start3A_1939, %dma_start3A_1940] : memref<10000x128xf32, #tpu.memory_space<hbm>> -> memref<10000x128xf32, #tpu.memory_space<hbm>>
      tpu.enqueue_indirect_dma source(%dma_start3A_1941 : memref<10000x128xf32, #tpu.memory_space<hbm>>) target(%dma_start3A_1935 : memref<128x128xf32, #tpu.memory_space<vmem>>) offsets(%dma_start3A_1938 : memref<128xi32, #tpu.memory_space<vmem>>) semaphore(%arg13 : memref<!tpu.dma_semaphore, #tpu.memory_space<semaphore_mem>>)
      %dma_start3A_1942 = arith.constant 1 : i32
      %dma_start3A_1943 = arith.constant 1 : i32
      %dma_start3A_1944 = arith.constant 5 : i32
      %dma_start3A_1945 = arith.constant 0 : i32
      %dma_start3A_1946 = arith.constant 0 : i32
      %dma_start3A_1947 = tpu.memref_slice %arg11[%dma_start3A_1942, %dma_start3A_1945, %dma_start3A_1946] : memref<2x128x128xf32, #tpu.memory_space<vmem>> -> memref<1x128x128xf32, #tpu.memory_space<vmem>>
      %dma_start3A_1948 = tpu.memref_squeeze %dma_start3A_1947 : memref<1x128x128xf32, #tpu.memory_space<vmem>> -> memref<128x128xf32, #tpu.memory_space<vmem>>
      %dma_start3A_1949 = arith.constant 0 : i32
      %dma_start3A_1950 = tpu.memref_slice %arg8[%dma_start3A_1943, %dma_start3A_1944, %dma_start3A_1949] : memref<2x6x128xi32, #tpu.memory_space<vmem>> -> memref<1x1x128xi32, #tpu.memory_space<vmem>>
      %dma_start3A_1951 = tpu.memref_squeeze %dma_start3A_1950 : memref<1x1x128xi32, #tpu.memory_space<vmem>> -> memref<128xi32, #tpu.memory_space<vmem>>
      %dma_start3A_1952 = arith.constant 0 : i32
      %dma_start3A_1953 = arith.constant 0 : i32
      %dma_start3A_1954 = tpu.memref_slice %arg12[%dma_start3A_1952, %dma_start3A_1953] : memref<10112x128xf32, #tpu.memory_space<vmem_shared>> -> memref<10112x128xf32, #tpu.memory_space<vmem_shared>>
      tpu.enqueue_indirect_dma source(%dma_start3A_1948 : memref<128x128xf32, #tpu.memory_space<vmem>>) target(%dma_start3A_1954 : memref<10112x128xf32, #tpu.memory_space<vmem_shared>>) offsets(%dma_start3A_1951 : memref<128xi32, #tpu.memory_space<vmem>>) semaphore(%arg15 : memref<!tpu.dma_semaphore, #tpu.memory_space<semaphore_mem>>) {add = true}
    }
    %scan3A_338 = arith.constant 6 : i32
    %dma_wait3A_339 = arith.constant 0 : i32
    %dma_wait3A_340 = arith.constant 0 : i32
    %dma_wait3A_341 = arith.constant 0 : i32
    %dma_wait3A_342 = arith.constant 0 : i32
    %dma_wait3A_343 = arith.constant 0 : i32
    %dma_wait3A_344 = tpu.memref_slice %arg11[%dma_wait3A_341, %dma_wait3A_342, %dma_wait3A_343] : memref<2x128x128xf32, #tpu.memory_space<vmem>> -> memref<1x128x128xf32, #tpu.memory_space<vmem>>
    %dma_wait3A_345 = tpu.memref_squeeze %dma_wait3A_344 : memref<1x128x128xf32, #tpu.memory_space<vmem>> -> memref<128x128xf32, #tpu.memory_space<vmem>>
    %dma_wait3A_346 = arith.constant 0 : i32
    %dma_wait3A_347 = tpu.memref_slice %arg7[%dma_wait3A_339, %dma_wait3A_340, %dma_wait3A_346] : memref<2x6x128xi32, #tpu.memory_space<vmem>> -> memref<1x1x128xi32, #tpu.memory_space<vmem>>
    %dma_wait3A_348 = tpu.memref_squeeze %dma_wait3A_347 : memref<1x1x128xi32, #tpu.memory_space<vmem>> -> memref<128xi32, #tpu.memory_space<vmem>>
    %dma_wait3A_349 = arith.constant 0 : i32
    %dma_wait3A_350 = arith.constant 0 : i32
    %dma_wait3A_351 = tpu.memref_slice %arg2[%dma_wait3A_349, %dma_wait3A_350] : memref<10000x128xf32, #tpu.memory_space<hbm>> -> memref<10000x128xf32, #tpu.memory_space<hbm>>
    tpu.wait_indirect_dma semaphore(%arg13 : memref<!tpu.dma_semaphore, #tpu.memory_space<semaphore_mem>>) src(%dma_wait3A_351 : memref<10000x128xf32, #tpu.memory_space<hbm>>) dst(%dma_wait3A_345 : memref<128x128xf32, #tpu.memory_space<vmem>>)
    %dma_wait3A_352 = arith.constant 1 : i32
    %dma_wait3A_353 = arith.constant 0 : i32
    %dma_wait3A_354 = arith.constant 0 : i32
    %dma_wait3A_355 = arith.constant 0 : i32
    %dma_wait3A_356 = arith.constant 0 : i32
    %dma_wait3A_357 = tpu.memref_slice %arg11[%dma_wait3A_352, %dma_wait3A_355, %dma_wait3A_356] : memref<2x128x128xf32, #tpu.memory_space<vmem>> -> memref<1x128x128xf32, #tpu.memory_space<vmem>>
    %dma_wait3A_358 = tpu.memref_squeeze %dma_wait3A_357 : memref<1x128x128xf32, #tpu.memory_space<vmem>> -> memref<128x128xf32, #tpu.memory_space<vmem>>
    %dma_wait3A_359 = arith.constant 0 : i32
    %dma_wait3A_360 = tpu.memref_slice %arg8[%dma_wait3A_353, %dma_wait3A_354, %dma_wait3A_359] : memref<2x6x128xi32, #tpu.memory_space<vmem>> -> memref<1x1x128xi32, #tpu.memory_space<vmem>>
    %dma_wait3A_361 = tpu.memref_squeeze %dma_wait3A_360 : memref<1x1x128xi32, #tpu.memory_space<vmem>> -> memref<128xi32, #tpu.memory_space<vmem>>
    %dma_wait3A_362 = arith.constant 0 : i32
    %dma_wait3A_363 = arith.constant 0 : i32
    %dma_wait3A_364 = tpu.memref_slice %arg12[%dma_wait3A_362, %dma_wait3A_363] : memref<10112x128xf32, #tpu.memory_space<vmem_shared>> -> memref<10112x128xf32, #tpu.memory_space<vmem_shared>>
    tpu.wait_indirect_dma semaphore(%arg15 : memref<!tpu.dma_semaphore, #tpu.memory_space<semaphore_mem>>) src(%dma_wait3A_358 : memref<128x128xf32, #tpu.memory_space<vmem>>) dst(%dma_wait3A_364 : memref<10112x128xf32, #tpu.memory_space<vmem_shared>>)
    %dma_start3A_365 = arith.constant 0 : i32
    %dma_start3A_366 = arith.constant 1 : i32
    %dma_start3A_367 = arith.constant 1 : i32
    %dma_start3A_368 = arith.constant 0 : i32
    %dma_start3A_369 = arith.constant 0 : i32
    %dma_start3A_370 = tpu.memref_slice %arg11[%dma_start3A_367, %dma_start3A_368, %dma_start3A_369] : memref<2x128x128xf32, #tpu.memory_space<vmem>> -> memref<1x128x128xf32, #tpu.memory_space<vmem>>
    %dma_start3A_371 = tpu.memref_squeeze %dma_start3A_370 : memref<1x128x128xf32, #tpu.memory_space<vmem>> -> memref<128x128xf32, #tpu.memory_space<vmem>>
    %dma_start3A_372 = arith.constant 0 : i32
    %dma_start3A_373 = tpu.memref_slice %arg7[%dma_start3A_365, %dma_start3A_366, %dma_start3A_372] : memref<2x6x128xi32, #tpu.memory_space<vmem>> -> memref<1x1x128xi32, #tpu.memory_space<vmem>>
    %dma_start3A_374 = tpu.memref_squeeze %dma_start3A_373 : memref<1x1x128xi32, #tpu.memory_space<vmem>> -> memref<128xi32, #tpu.memory_space<vmem>>
    %dma_start3A_375 = arith.constant 0 : i32
    %dma_start3A_376 = arith.constant 0 : i32
    %dma_start3A_377 = tpu.memref_slice %arg2[%dma_start3A_375, %dma_start3A_376] : memref<10000x128xf32, #tpu.memory_space<hbm>> -> memref<10000x128xf32, #tpu.memory_space<hbm>>
    tpu.enqueue_indirect_dma source(%dma_start3A_377 : memref<10000x128xf32, #tpu.memory_space<hbm>>) target(%dma_start3A_371 : memref<128x128xf32, #tpu.memory_space<vmem>>) offsets(%dma_start3A_374 : memref<128xi32, #tpu.memory_space<vmem>>) semaphore(%arg13 : memref<!tpu.dma_semaphore, #tpu.memory_space<semaphore_mem>>)
    %dma_start3A_378 = arith.constant 0 : i32
    %dma_start3A_379 = arith.constant 0 : i32
    %dma_start3A_380 = arith.constant 0 : i32
    %dma_start3A_381 = arith.constant 0 : i32
    %dma_start3A_382 = arith.constant 0 : i32
    %dma_start3A_383 = tpu.memref_slice %arg11[%dma_start3A_378, %dma_start3A_381, %dma_start3A_382] : memref<2x128x128xf32, #tpu.memory_space<vmem>> -> memref<1x128x128xf32, #tpu.memory_space<vmem>>
    %dma_start3A_384 = tpu.memref_squeeze %dma_start3A_383 : memref<1x128x128xf32, #tpu.memory_space<vmem>> -> memref<128x128xf32, #tpu.memory_space<vmem>>
    %dma_start3A_385 = arith.constant 0 : i32
    %dma_start3A_386 = tpu.memref_slice %arg8[%dma_start3A_379, %dma_start3A_380, %dma_start3A_385] : memref<2x6x128xi32, #tpu.memory_space<vmem>> -> memref<1x1x128xi32, #tpu.memory_space<vmem>>
    %dma_start3A_387 = tpu.memref_squeeze %dma_start3A_386 : memref<1x1x128xi32, #tpu.memory_space<vmem>> -> memref<128xi32, #tpu.memory_space<vmem>>
    %dma_start3A_388 = arith.constant 0 : i32
    %dma_start3A_389 = arith.constant 0 : i32
    %dma_start3A_390 = tpu.memref_slice %arg12[%dma_start3A_388, %dma_start3A_389] : memref<10112x128xf32, #tpu.memory_space<vmem_shared>> -> memref<10112x128xf32, #tpu.memory_space<vmem_shared>>
    tpu.enqueue_indirect_dma source(%dma_start3A_384 : memref<128x128xf32, #tpu.memory_space<vmem>>) target(%dma_start3A_390 : memref<10112x128xf32, #tpu.memory_space<vmem_shared>>) offsets(%dma_start3A_387 : memref<128xi32, #tpu.memory_space<vmem>>) semaphore(%arg15 : memref<!tpu.dma_semaphore, #tpu.memory_space<semaphore_mem>>) {add = true}
    %dma_wait3A_391 = arith.constant 0 : i32
    %dma_wait3A_392 = arith.constant 1 : i32
    %dma_wait3A_393 = arith.constant 1 : i32
    %dma_wait3A_394 = arith.constant 0 : i32
    %dma_wait3A_395 = arith.constant 0 : i32
    %dma_wait3A_396 = tpu.memref_slice %arg11[%dma_wait3A_393, %dma_wait3A_394, %dma_wait3A_395] : memref<2x128x128xf32, #tpu.memory_space<vmem>> -> memref<1x128x128xf32, #tpu.memory_space<vmem>>
    %dma_wait3A_397 = tpu.memref_squeeze %dma_wait3A_396 : memref<1x128x128xf32, #tpu.memory_space<vmem>> -> memref<128x128xf32, #tpu.memory_space<vmem>>
    %dma_wait3A_398 = arith.constant 0 : i32
    %dma_wait3A_399 = tpu.memref_slice %arg7[%dma_wait3A_391, %dma_wait3A_392, %dma_wait3A_398] : memref<2x6x128xi32, #tpu.memory_space<vmem>> -> memref<1x1x128xi32, #tpu.memory_space<vmem>>
    %dma_wait3A_400 = tpu.memref_squeeze %dma_wait3A_399 : memref<1x1x128xi32, #tpu.memory_space<vmem>> -> memref<128xi32, #tpu.memory_space<vmem>>
    %dma_wait3A_401 = arith.constant 0 : i32
    %dma_wait3A_402 = arith.constant 0 : i32
    %dma_wait3A_403 = tpu.memref_slice %arg2[%dma_wait3A_401, %dma_wait3A_402] : memref<10000x128xf32, #tpu.memory_space<hbm>> -> memref<10000x128xf32, #tpu.memory_space<hbm>>
    tpu.wait_indirect_dma semaphore(%arg13 : memref<!tpu.dma_semaphore, #tpu.memory_space<semaphore_mem>>) src(%dma_wait3A_403 : memref<10000x128xf32, #tpu.memory_space<hbm>>) dst(%dma_wait3A_397 : memref<128x128xf32, #tpu.memory_space<vmem>>)
    %dma_wait3A_404 = arith.constant 0 : i32
    %dma_wait3A_405 = arith.constant 0 : i32
    %dma_wait3A_406 = arith.constant 1 : i32
    %dma_wait3A_407 = arith.constant 0 : i32
    %dma_wait3A_408 = arith.constant 0 : i32
    %dma_wait3A_409 = tpu.memref_slice %arg11[%dma_wait3A_404, %dma_wait3A_407, %dma_wait3A_408] : memref<2x128x128xf32, #tpu.memory_space<vmem>> -> memref<1x128x128xf32, #tpu.memory_space<vmem>>
    %dma_wait3A_410 = tpu.memref_squeeze %dma_wait3A_409 : memref<1x128x128xf32, #tpu.memory_space<vmem>> -> memref<128x128xf32, #tpu.memory_space<vmem>>
    %dma_wait3A_411 = arith.constant 0 : i32
    %dma_wait3A_412 = tpu.memref_slice %arg8[%dma_wait3A_405, %dma_wait3A_406, %dma_wait3A_411] : memref<2x6x128xi32, #tpu.memory_space<vmem>> -> memref<1x1x128xi32, #tpu.memory_space<vmem>>
    %dma_wait3A_413 = tpu.memref_squeeze %dma_wait3A_412 : memref<1x1x128xi32, #tpu.memory_space<vmem>> -> memref<128xi32, #tpu.memory_space<vmem>>
    %dma_wait3A_414 = arith.constant 0 : i32
    %dma_wait3A_415 = arith.constant 0 : i32
    %dma_wait3A_416 = tpu.memref_slice %arg12[%dma_wait3A_414, %dma_wait3A_415] : memref<10112x128xf32, #tpu.memory_space<vmem_shared>> -> memref<10112x128xf32, #tpu.memory_space<vmem_shared>>
    tpu.wait_indirect_dma semaphore(%arg15 : memref<!tpu.dma_semaphore, #tpu.memory_space<semaphore_mem>>) src(%dma_wait3A_410 : memref<128x128xf32, #tpu.memory_space<vmem>>) dst(%dma_wait3A_416 : memref<10112x128xf32, #tpu.memory_space<vmem_shared>>)
    %dma_start3A_417 = arith.constant 0 : i32
    %dma_start3A_418 = arith.constant 2 : i32
    %dma_start3A_419 = arith.constant 0 : i32
    %dma_start3A_420 = arith.constant 0 : i32
    %dma_start3A_421 = arith.constant 0 : i32
    %dma_start3A_422 = tpu.memref_slice %arg11[%dma_start3A_419, %dma_start3A_420, %dma_start3A_421] : memref<2x128x128xf32, #tpu.memory_space<vmem>> -> memref<1x128x128xf32, #tpu.memory_space<vmem>>
    %dma_start3A_423 = tpu.memref_squeeze %dma_start3A_422 : memref<1x128x128xf32, #tpu.memory_space<vmem>> -> memref<128x128xf32, #tpu.memory_space<vmem>>
    %dma_start3A_424 = arith.constant 0 : i32
    %dma_start3A_425 = tpu.memref_slice %arg7[%dma_start3A_417, %dma_start3A_418, %dma_start3A_424] : memref<2x6x128xi32, #tpu.memory_space<vmem>> -> memref<1x1x128xi32, #tpu.memory_space<vmem>>
    %dma_start3A_426 = tpu.memref_squeeze %dma_start3A_425 : memref<1x1x128xi32, #tpu.memory_space<vmem>> -> memref<128xi32, #tpu.memory_space<vmem>>
    %dma_start3A_427 = arith.constant 0 : i32
    %dma_start3A_428 = arith.constant 0 : i32
    %dma_start3A_429 = tpu.memref_slice %arg2[%dma_start3A_427, %dma_start3A_428] : memref<10000x128xf32, #tpu.memory_space<hbm>> -> memref<10000x128xf32, #tpu.memory_space<hbm>>
    tpu.enqueue_indirect_dma source(%dma_start3A_429 : memref<10000x128xf32, #tpu.memory_space<hbm>>) target(%dma_start3A_423 : memref<128x128xf32, #tpu.memory_space<vmem>>) offsets(%dma_start3A_426 : memref<128xi32, #tpu.memory_space<vmem>>) semaphore(%arg13 : memref<!tpu.dma_semaphore, #tpu.memory_space<semaphore_mem>>)
    %dma_start3A_430 = arith.constant 1 : i32
    %dma_start3A_431 = arith.constant 0 : i32
    %dma_start3A_432 = arith.constant 1 : i32
    %dma_start3A_433 = arith.constant 0 : i32
    %dma_start3A_434 = arith.constant 0 : i32
    %dma_start3A_435 = tpu.memref_slice %arg11[%dma_start3A_430, %dma_start3A_433, %dma_start3A_434] : memref<2x128x128xf32, #tpu.memory_space<vmem>> -> memref<1x128x128xf32, #tpu.memory_space<vmem>>
    %dma_start3A_436 = tpu.memref_squeeze %dma_start3A_435 : memref<1x128x128xf32, #tpu.memory_space<vmem>> -> memref<128x128xf32, #tpu.memory_space<vmem>>
    %dma_start3A_437 = arith.constant 0 : i32
    %dma_start3A_438 = tpu.memref_slice %arg8[%dma_start3A_431, %dma_start3A_432, %dma_start3A_437] : memref<2x6x128xi32, #tpu.memory_space<vmem>> -> memref<1x1x128xi32, #tpu.memory_space<vmem>>
    %dma_start3A_439 = tpu.memref_squeeze %dma_start3A_438 : memref<1x1x128xi32, #tpu.memory_space<vmem>> -> memref<128xi32, #tpu.memory_space<vmem>>
    %dma_start3A_440 = arith.constant 0 : i32
    %dma_start3A_441 = arith.constant 0 : i32
    %dma_start3A_442 = tpu.memref_slice %arg12[%dma_start3A_440, %dma_start3A_441] : memref<10112x128xf32, #tpu.memory_space<vmem_shared>> -> memref<10112x128xf32, #tpu.memory_space<vmem_shared>>
    tpu.enqueue_indirect_dma source(%dma_start3A_436 : memref<128x128xf32, #tpu.memory_space<vmem>>) target(%dma_start3A_442 : memref<10112x128xf32, #tpu.memory_space<vmem_shared>>) offsets(%dma_start3A_439 : memref<128xi32, #tpu.memory_space<vmem>>) semaphore(%arg15 : memref<!tpu.dma_semaphore, #tpu.memory_space<semaphore_mem>>) {add = true}
    %dma_wait3A_443 = arith.constant 0 : i32
    %dma_wait3A_444 = arith.constant 2 : i32
    %dma_wait3A_445 = arith.constant 0 : i32
    %dma_wait3A_446 = arith.constant 0 : i32
    %dma_wait3A_447 = arith.constant 0 : i32
    %dma_wait3A_448 = tpu.memref_slice %arg11[%dma_wait3A_445, %dma_wait3A_446, %dma_wait3A_447] : memref<2x128x128xf32, #tpu.memory_space<vmem>> -> memref<1x128x128xf32, #tpu.memory_space<vmem>>
    %dma_wait3A_449 = tpu.memref_squeeze %dma_wait3A_448 : memref<1x128x128xf32, #tpu.memory_space<vmem>> -> memref<128x128xf32, #tpu.memory_space<vmem>>
    %dma_wait3A_450 = arith.constant 0 : i32
    %dma_wait3A_451 = tpu.memref_slice %arg7[%dma_wait3A_443, %dma_wait3A_444, %dma_wait3A_450] : memref<2x6x128xi32, #tpu.memory_space<vmem>> -> memref<1x1x128xi32, #tpu.memory_space<vmem>>
    %dma_wait3A_452 = tpu.memref_squeeze %dma_wait3A_451 : memref<1x1x128xi32, #tpu.memory_space<vmem>> -> memref<128xi32, #tpu.memory_space<vmem>>
    %dma_wait3A_453 = arith.constant 0 : i32
    %dma_wait3A_454 = arith.constant 0 : i32
    %dma_wait3A_455 = tpu.memref_slice %arg2[%dma_wait3A_453, %dma_wait3A_454] : memref<10000x128xf32, #tpu.memory_space<hbm>> -> memref<10000x128xf32, #tpu.memory_space<hbm>>
    tpu.wait_indirect_dma semaphore(%arg13 : memref<!tpu.dma_semaphore, #tpu.memory_space<semaphore_mem>>) src(%dma_wait3A_455 : memref<10000x128xf32, #tpu.memory_space<hbm>>) dst(%dma_wait3A_449 : memref<128x128xf32, #tpu.memory_space<vmem>>)
    %dma_wait3A_456 = arith.constant 1 : i32
    %dma_wait3A_457 = arith.constant 0 : i32
    %dma_wait3A_458 = arith.constant 2 : i32
    %dma_wait3A_459 = arith.constant 0 : i32
    %dma_wait3A_460 = arith.constant 0 : i32
    %dma_wait3A_461 = tpu.memref_slice %arg11[%dma_wait3A_456, %dma_wait3A_459, %dma_wait3A_460] : memref<2x128x128xf32, #tpu.memory_space<vmem>> -> memref<1x128x128xf32, #tpu.memory_space<vmem>>
    %dma_wait3A_462 = tpu.memref_squeeze %dma_wait3A_461 : memref<1x128x128xf32, #tpu.memory_space<vmem>> -> memref<128x128xf32, #tpu.memory_space<vmem>>
    %dma_wait3A_463 = arith.constant 0 : i32
    %dma_wait3A_464 = tpu.memref_slice %arg8[%dma_wait3A_457, %dma_wait3A_458, %dma_wait3A_463] : memref<2x6x128xi32, #tpu.memory_space<vmem>> -> memref<1x1x128xi32, #tpu.memory_space<vmem>>
    %dma_wait3A_465 = tpu.memref_squeeze %dma_wait3A_464 : memref<1x1x128xi32, #tpu.memory_space<vmem>> -> memref<128xi32, #tpu.memory_space<vmem>>
    %dma_wait3A_466 = arith.constant 0 : i32
    %dma_wait3A_467 = arith.constant 0 : i32
    %dma_wait3A_468 = tpu.memref_slice %arg12[%dma_wait3A_466, %dma_wait3A_467] : memref<10112x128xf32, #tpu.memory_space<vmem_shared>> -> memref<10112x128xf32, #tpu.memory_space<vmem_shared>>
    tpu.wait_indirect_dma semaphore(%arg15 : memref<!tpu.dma_semaphore, #tpu.memory_space<semaphore_mem>>) src(%dma_wait3A_462 : memref<128x128xf32, #tpu.memory_space<vmem>>) dst(%dma_wait3A_468 : memref<10112x128xf32, #tpu.memory_space<vmem_shared>>)
    %dma_start3A_469 = arith.constant 0 : i32
    %dma_start3A_470 = arith.constant 3 : i32
    %dma_start3A_471 = arith.constant 1 : i32
    %dma_start3A_472 = arith.constant 0 : i32
    %dma_start3A_473 = arith.constant 0 : i32
    %dma_start3A_474 = tpu.memref_slice %arg11[%dma_start3A_471, %dma_start3A_472, %dma_start3A_473] : memref<2x128x128xf32, #tpu.memory_space<vmem>> -> memref<1x128x128xf32, #tpu.memory_space<vmem>>
    %dma_start3A_475 = tpu.memref_squeeze %dma_start3A_474 : memref<1x128x128xf32, #tpu.memory_space<vmem>> -> memref<128x128xf32, #tpu.memory_space<vmem>>
    %dma_start3A_476 = arith.constant 0 : i32
    %dma_start3A_477 = tpu.memref_slice %arg7[%dma_start3A_469, %dma_start3A_470, %dma_start3A_476] : memref<2x6x128xi32, #tpu.memory_space<vmem>> -> memref<1x1x128xi32, #tpu.memory_space<vmem>>
    %dma_start3A_478 = tpu.memref_squeeze %dma_start3A_477 : memref<1x1x128xi32, #tpu.memory_space<vmem>> -> memref<128xi32, #tpu.memory_space<vmem>>
    %dma_start3A_479 = arith.constant 0 : i32
    %dma_start3A_480 = arith.constant 0 : i32
    %dma_start3A_481 = tpu.memref_slice %arg2[%dma_start3A_479, %dma_start3A_480] : memref<10000x128xf32, #tpu.memory_space<hbm>> -> memref<10000x128xf32, #tpu.memory_space<hbm>>
    tpu.enqueue_indirect_dma source(%dma_start3A_481 : memref<10000x128xf32, #tpu.memory_space<hbm>>) target(%dma_start3A_475 : memref<128x128xf32, #tpu.memory_space<vmem>>) offsets(%dma_start3A_478 : memref<128xi32, #tpu.memory_space<vmem>>) semaphore(%arg13 : memref<!tpu.dma_semaphore, #tpu.memory_space<semaphore_mem>>)
    %dma_start3A_482 = arith.constant 0 : i32
    %dma_start3A_483 = arith.constant 0 : i32
    %dma_start3A_484 = arith.constant 2 : i32
    %dma_start3A_485 = arith.constant 0 : i32
    %dma_start3A_486 = arith.constant 0 : i32
    %dma_start3A_487 = tpu.memref_slice %arg11[%dma_start3A_482, %dma_start3A_485, %dma_start3A_486] : memref<2x128x128xf32, #tpu.memory_space<vmem>> -> memref<1x128x128xf32, #tpu.memory_space<vmem>>
    %dma_start3A_488 = tpu.memref_squeeze %dma_start3A_487 : memref<1x128x128xf32, #tpu.memory_space<vmem>> -> memref<128x128xf32, #tpu.memory_space<vmem>>
    %dma_start3A_489 = arith.constant 0 : i32
    %dma_start3A_490 = tpu.memref_slice %arg8[%dma_start3A_483, %dma_start3A_484, %dma_start3A_489] : memref<2x6x128xi32, #tpu.memory_space<vmem>> -> memref<1x1x128xi32, #tpu.memory_space<vmem>>
    %dma_start3A_491 = tpu.memref_squeeze %dma_start3A_490 : memref<1x1x128xi32, #tpu.memory_space<vmem>> -> memref<128xi32, #tpu.memory_space<vmem>>
    %dma_start3A_492 = arith.constant 0 : i32
    %dma_start3A_493 = arith.constant 0 : i32
    %dma_start3A_494 = tpu.memref_slice %arg12[%dma_start3A_492, %dma_start3A_493] : memref<10112x128xf32, #tpu.memory_space<vmem_shared>> -> memref<10112x128xf32, #tpu.memory_space<vmem_shared>>
    tpu.enqueue_indirect_dma source(%dma_start3A_488 : memref<128x128xf32, #tpu.memory_space<vmem>>) target(%dma_start3A_494 : memref<10112x128xf32, #tpu.memory_space<vmem_shared>>) offsets(%dma_start3A_491 : memref<128xi32, #tpu.memory_space<vmem>>) semaphore(%arg15 : memref<!tpu.dma_semaphore, #tpu.memory_space<semaphore_mem>>) {add = true}
    %dma_wait3A_495 = arith.constant 0 : i32
    %dma_wait3A_496 = arith.constant 3 : i32
    %dma_wait3A_497 = arith.constant 1 : i32
    %dma_wait3A_498 = arith.constant 0 : i32
    %dma_wait3A_499 = arith.constant 0 : i32
    %dma_wait3A_500 = tpu.memref_slice %arg11[%dma_wait3A_497, %dma_wait3A_498, %dma_wait3A_499] : memref<2x128x128xf32, #tpu.memory_space<vmem>> -> memref<1x128x128xf32, #tpu.memory_space<vmem>>
    %dma_wait3A_501 = tpu.memref_squeeze %dma_wait3A_500 : memref<1x128x128xf32, #tpu.memory_space<vmem>> -> memref<128x128xf32, #tpu.memory_space<vmem>>
    %dma_wait3A_502 = arith.constant 0 : i32
    %dma_wait3A_503 = tpu.memref_slice %arg7[%dma_wait3A_495, %dma_wait3A_496, %dma_wait3A_502] : memref<2x6x128xi32, #tpu.memory_space<vmem>> -> memref<1x1x128xi32, #tpu.memory_space<vmem>>
    %dma_wait3A_504 = tpu.memref_squeeze %dma_wait3A_503 : memref<1x1x128xi32, #tpu.memory_space<vmem>> -> memref<128xi32, #tpu.memory_space<vmem>>
    %dma_wait3A_505 = arith.constant 0 : i32
    %dma_wait3A_506 = arith.constant 0 : i32
    %dma_wait3A_507 = tpu.memref_slice %arg2[%dma_wait3A_505, %dma_wait3A_506] : memref<10000x128xf32, #tpu.memory_space<hbm>> -> memref<10000x128xf32, #tpu.memory_space<hbm>>
    tpu.wait_indirect_dma semaphore(%arg13 : memref<!tpu.dma_semaphore, #tpu.memory_space<semaphore_mem>>) src(%dma_wait3A_507 : memref<10000x128xf32, #tpu.memory_space<hbm>>) dst(%dma_wait3A_501 : memref<128x128xf32, #tpu.memory_space<vmem>>)
    %dma_wait3A_508 = arith.constant 0 : i32
    %dma_wait3A_509 = arith.constant 0 : i32
    %dma_wait3A_510 = arith.constant 3 : i32
    %dma_wait3A_511 = arith.constant 0 : i32
    %dma_wait3A_512 = arith.constant 0 : i32
    %dma_wait3A_513 = tpu.memref_slice %arg11[%dma_wait3A_508, %dma_wait3A_511, %dma_wait3A_512] : memref<2x128x128xf32, #tpu.memory_space<vmem>> -> memref<1x128x128xf32, #tpu.memory_space<vmem>>
    %dma_wait3A_514 = tpu.memref_squeeze %dma_wait3A_513 : memref<1x128x128xf32, #tpu.memory_space<vmem>> -> memref<128x128xf32, #tpu.memory_space<vmem>>
    %dma_wait3A_515 = arith.constant 0 : i32
    %dma_wait3A_516 = tpu.memref_slice %arg8[%dma_wait3A_509, %dma_wait3A_510, %dma_wait3A_515] : memref<2x6x128xi32, #tpu.memory_space<vmem>> -> memref<1x1x128xi32, #tpu.memory_space<vmem>>
    %dma_wait3A_517 = tpu.memref_squeeze %dma_wait3A_516 : memref<1x1x128xi32, #tpu.memory_space<vmem>> -> memref<128xi32, #tpu.memory_space<vmem>>
    %dma_wait3A_518 = arith.constant 0 : i32
    %dma_wait3A_519 = arith.constant 0 : i32
    %dma_wait3A_520 = tpu.memref_slice %arg12[%dma_wait3A_518, %dma_wait3A_519] : memref<10112x128xf32, #tpu.memory_space<vmem_shared>> -> memref<10112x128xf32, #tpu.memory_space<vmem_shared>>
    tpu.wait_indirect_dma semaphore(%arg15 : memref<!tpu.dma_semaphore, #tpu.memory_space<semaphore_mem>>) src(%dma_wait3A_514 : memref<128x128xf32, #tpu.memory_space<vmem>>) dst(%dma_wait3A_520 : memref<10112x128xf32, #tpu.memory_space<vmem_shared>>)
    %dma_start3A_521 = arith.constant 0 : i32
    %dma_start3A_522 = arith.constant 4 : i32
    %dma_start3A_523 = arith.constant 0 : i32
    %dma_start3A_524 = arith.constant 0 : i32
    %dma_start3A_525 = arith.constant 0 : i32
    %dma_start3A_526 = tpu.memref_slice %arg11[%dma_start3A_523, %dma_start3A_524, %dma_start3A_525] : memref<2x128x128xf32, #tpu.memory_space<vmem>> -> memref<1x128x128xf32, #tpu.memory_space<vmem>>
    %dma_start3A_527 = tpu.memref_squeeze %dma_start3A_526 : memref<1x128x128xf32, #tpu.memory_space<vmem>> -> memref<128x128xf32, #tpu.memory_space<vmem>>
    %dma_start3A_528 = arith.constant 0 : i32
    %dma_start3A_529 = tpu.memref_slice %arg7[%dma_start3A_521, %dma_start3A_522, %dma_start3A_528] : memref<2x6x128xi32, #tpu.memory_space<vmem>> -> memref<1x1x128xi32, #tpu.memory_space<vmem>>
    %dma_start3A_530 = tpu.memref_squeeze %dma_start3A_529 : memref<1x1x128xi32, #tpu.memory_space<vmem>> -> memref<128xi32, #tpu.memory_space<vmem>>
    %dma_start3A_531 = arith.constant 0 : i32
    %dma_start3A_532 = arith.constant 0 : i32
    %dma_start3A_533 = tpu.memref_slice %arg2[%dma_start3A_531, %dma_start3A_532] : memref<10000x128xf32, #tpu.memory_space<hbm>> -> memref<10000x128xf32, #tpu.memory_space<hbm>>
    tpu.enqueue_indirect_dma source(%dma_start3A_533 : memref<10000x128xf32, #tpu.memory_space<hbm>>) target(%dma_start3A_527 : memref<128x128xf32, #tpu.memory_space<vmem>>) offsets(%dma_start3A_530 : memref<128xi32, #tpu.memory_space<vmem>>) semaphore(%arg13 : memref<!tpu.dma_semaphore, #tpu.memory_space<semaphore_mem>>)
    %dma_start3A_534 = arith.constant 1 : i32
    %dma_start3A_535 = arith.constant 0 : i32
    %dma_start3A_536 = arith.constant 3 : i32
    %dma_start3A_537 = arith.constant 0 : i32
    %dma_start3A_538 = arith.constant 0 : i32
    %dma_start3A_539 = tpu.memref_slice %arg11[%dma_start3A_534, %dma_start3A_537, %dma_start3A_538] : memref<2x128x128xf32, #tpu.memory_space<vmem>> -> memref<1x128x128xf32, #tpu.memory_space<vmem>>
    %dma_start3A_540 = tpu.memref_squeeze %dma_start3A_539 : memref<1x128x128xf32, #tpu.memory_space<vmem>> -> memref<128x128xf32, #tpu.memory_space<vmem>>
    %dma_start3A_541 = arith.constant 0 : i32
    %dma_start3A_542 = tpu.memref_slice %arg8[%dma_start3A_535, %dma_start3A_536, %dma_start3A_541] : memref<2x6x128xi32, #tpu.memory_space<vmem>> -> memref<1x1x128xi32, #tpu.memory_space<vmem>>
    %dma_start3A_543 = tpu.memref_squeeze %dma_start3A_542 : memref<1x1x128xi32, #tpu.memory_space<vmem>> -> memref<128xi32, #tpu.memory_space<vmem>>
    %dma_start3A_544 = arith.constant 0 : i32
    %dma_start3A_545 = arith.constant 0 : i32
    %dma_start3A_546 = tpu.memref_slice %arg12[%dma_start3A_544, %dma_start3A_545] : memref<10112x128xf32, #tpu.memory_space<vmem_shared>> -> memref<10112x128xf32, #tpu.memory_space<vmem_shared>>
    tpu.enqueue_indirect_dma source(%dma_start3A_540 : memref<128x128xf32, #tpu.memory_space<vmem>>) target(%dma_start3A_546 : memref<10112x128xf32, #tpu.memory_space<vmem_shared>>) offsets(%dma_start3A_543 : memref<128xi32, #tpu.memory_space<vmem>>) semaphore(%arg15 : memref<!tpu.dma_semaphore, #tpu.memory_space<semaphore_mem>>) {add = true}
    %dma_wait3A_547 = arith.constant 0 : i32
    %dma_wait3A_548 = arith.constant 4 : i32
    %dma_wait3A_549 = arith.constant 0 : i32
    %dma_wait3A_550 = arith.constant 0 : i32
    %dma_wait3A_551 = arith.constant 0 : i32
    %dma_wait3A_552 = tpu.memref_slice %arg11[%dma_wait3A_549, %dma_wait3A_550, %dma_wait3A_551] : memref<2x128x128xf32, #tpu.memory_space<vmem>> -> memref<1x128x128xf32, #tpu.memory_space<vmem>>
    %dma_wait3A_553 = tpu.memref_squeeze %dma_wait3A_552 : memref<1x128x128xf32, #tpu.memory_space<vmem>> -> memref<128x128xf32, #tpu.memory_space<vmem>>
    %dma_wait3A_554 = arith.constant 0 : i32
    %dma_wait3A_555 = tpu.memref_slice %arg7[%dma_wait3A_547, %dma_wait3A_548, %dma_wait3A_554] : memref<2x6x128xi32, #tpu.memory_space<vmem>> -> memref<1x1x128xi32, #tpu.memory_space<vmem>>
    %dma_wait3A_556 = tpu.memref_squeeze %dma_wait3A_555 : memref<1x1x128xi32, #tpu.memory_space<vmem>> -> memref<128xi32, #tpu.memory_space<vmem>>
    %dma_wait3A_557 = arith.constant 0 : i32
    %dma_wait3A_558 = arith.constant 0 : i32
    %dma_wait3A_559 = tpu.memref_slice %arg2[%dma_wait3A_557, %dma_wait3A_558] : memref<10000x128xf32, #tpu.memory_space<hbm>> -> memref<10000x128xf32, #tpu.memory_space<hbm>>
    tpu.wait_indirect_dma semaphore(%arg13 : memref<!tpu.dma_semaphore, #tpu.memory_space<semaphore_mem>>) src(%dma_wait3A_559 : memref<10000x128xf32, #tpu.memory_space<hbm>>) dst(%dma_wait3A_553 : memref<128x128xf32, #tpu.memory_space<vmem>>)
    %dma_wait3A_560 = arith.constant 1 : i32
    %dma_wait3A_561 = arith.constant 0 : i32
    %dma_wait3A_562 = arith.constant 4 : i32
    %dma_wait3A_563 = arith.constant 0 : i32
    %dma_wait3A_564 = arith.constant 0 : i32
    %dma_wait3A_565 = tpu.memref_slice %arg11[%dma_wait3A_560, %dma_wait3A_563, %dma_wait3A_564] : memref<2x128x128xf32, #tpu.memory_space<vmem>> -> memref<1x128x128xf32, #tpu.memory_space<vmem>>
    %dma_wait3A_566 = tpu.memref_squeeze %dma_wait3A_565 : memref<1x128x128xf32, #tpu.memory_space<vmem>> -> memref<128x128xf32, #tpu.memory_space<vmem>>
    %dma_wait3A_567 = arith.constant 0 : i32
    %dma_wait3A_568 = tpu.memref_slice %arg8[%dma_wait3A_561, %dma_wait3A_562, %dma_wait3A_567] : memref<2x6x128xi32, #tpu.memory_space<vmem>> -> memref<1x1x128xi32, #tpu.memory_space<vmem>>
    %dma_wait3A_569 = tpu.memref_squeeze %dma_wait3A_568 : memref<1x1x128xi32, #tpu.memory_space<vmem>> -> memref<128xi32, #tpu.memory_space<vmem>>
    %dma_wait3A_570 = arith.constant 0 : i32
    %dma_wait3A_571 = arith.constant 0 : i32
    %dma_wait3A_572 = tpu.memref_slice %arg12[%dma_wait3A_570, %dma_wait3A_571] : memref<10112x128xf32, #tpu.memory_space<vmem_shared>> -> memref<10112x128xf32, #tpu.memory_space<vmem_shared>>
    tpu.wait_indirect_dma semaphore(%arg15 : memref<!tpu.dma_semaphore, #tpu.memory_space<semaphore_mem>>) src(%dma_wait3A_566 : memref<128x128xf32, #tpu.memory_space<vmem>>) dst(%dma_wait3A_572 : memref<10112x128xf32, #tpu.memory_space<vmem_shared>>)
    %dma_start3A_573 = arith.constant 0 : i32
    %dma_start3A_574 = arith.constant 5 : i32
    %dma_start3A_575 = arith.constant 1 : i32
    %dma_start3A_576 = arith.constant 0 : i32
    %dma_start3A_577 = arith.constant 0 : i32
    %dma_start3A_578 = tpu.memref_slice %arg11[%dma_start3A_575, %dma_start3A_576, %dma_start3A_577] : memref<2x128x128xf32, #tpu.memory_space<vmem>> -> memref<1x128x128xf32, #tpu.memory_space<vmem>>
    %dma_start3A_579 = tpu.memref_squeeze %dma_start3A_578 : memref<1x128x128xf32, #tpu.memory_space<vmem>> -> memref<128x128xf32, #tpu.memory_space<vmem>>
    %dma_start3A_580 = arith.constant 0 : i32
    %dma_start3A_581 = tpu.memref_slice %arg7[%dma_start3A_573, %dma_start3A_574, %dma_start3A_580] : memref<2x6x128xi32, #tpu.memory_space<vmem>> -> memref<1x1x128xi32, #tpu.memory_space<vmem>>
    %dma_start3A_582 = tpu.memref_squeeze %dma_start3A_581 : memref<1x1x128xi32, #tpu.memory_space<vmem>> -> memref<128xi32, #tpu.memory_space<vmem>>
    %dma_start3A_583 = arith.constant 0 : i32
    %dma_start3A_584 = arith.constant 0 : i32
    %dma_start3A_585 = tpu.memref_slice %arg2[%dma_start3A_583, %dma_start3A_584] : memref<10000x128xf32, #tpu.memory_space<hbm>> -> memref<10000x128xf32, #tpu.memory_space<hbm>>
    tpu.enqueue_indirect_dma source(%dma_start3A_585 : memref<10000x128xf32, #tpu.memory_space<hbm>>) target(%dma_start3A_579 : memref<128x128xf32, #tpu.memory_space<vmem>>) offsets(%dma_start3A_582 : memref<128xi32, #tpu.memory_space<vmem>>) semaphore(%arg13 : memref<!tpu.dma_semaphore, #tpu.memory_space<semaphore_mem>>)
    %dma_start3A_586 = arith.constant 0 : i32
    %dma_start3A_587 = arith.constant 0 : i32
    %dma_start3A_588 = arith.constant 4 : i32
    %dma_start3A_589 = arith.constant 0 : i32
    %dma_start3A_590 = arith.constant 0 : i32
    %dma_start3A_591 = tpu.memref_slice %arg11[%dma_start3A_586, %dma_start3A_589, %dma_start3A_590] : memref<2x128x128xf32, #tpu.memory_space<vmem>> -> memref<1x128x128xf32, #tpu.memory_space<vmem>>
    %dma_start3A_592 = tpu.memref_squeeze %dma_start3A_591 : memref<1x128x128xf32, #tpu.memory_space<vmem>> -> memref<128x128xf32, #tpu.memory_space<vmem>>
    %dma_start3A_593 = arith.constant 0 : i32
    %dma_start3A_594 = tpu.memref_slice %arg8[%dma_start3A_587, %dma_start3A_588, %dma_start3A_593] : memref<2x6x128xi32, #tpu.memory_space<vmem>> -> memref<1x1x128xi32, #tpu.memory_space<vmem>>
    %dma_start3A_595 = tpu.memref_squeeze %dma_start3A_594 : memref<1x1x128xi32, #tpu.memory_space<vmem>> -> memref<128xi32, #tpu.memory_space<vmem>>
    %dma_start3A_596 = arith.constant 0 : i32
    %dma_start3A_597 = arith.constant 0 : i32
    %dma_start3A_598 = tpu.memref_slice %arg12[%dma_start3A_596, %dma_start3A_597] : memref<10112x128xf32, #tpu.memory_space<vmem_shared>> -> memref<10112x128xf32, #tpu.memory_space<vmem_shared>>
    tpu.enqueue_indirect_dma source(%dma_start3A_592 : memref<128x128xf32, #tpu.memory_space<vmem>>) target(%dma_start3A_598 : memref<10112x128xf32, #tpu.memory_space<vmem_shared>>) offsets(%dma_start3A_595 : memref<128xi32, #tpu.memory_space<vmem>>) semaphore(%arg15 : memref<!tpu.dma_semaphore, #tpu.memory_space<semaphore_mem>>) {add = true}
    %dma_wait3A_599 = arith.constant 0 : i32
    %dma_wait3A_600 = arith.constant 5 : i32
    %dma_wait3A_601 = arith.constant 1 : i32
    %dma_wait3A_602 = arith.constant 0 : i32
    %dma_wait3A_603 = arith.constant 0 : i32
    %dma_wait3A_604 = tpu.memref_slice %arg11[%dma_wait3A_601, %dma_wait3A_602, %dma_wait3A_603] : memref<2x128x128xf32, #tpu.memory_space<vmem>> -> memref<1x128x128xf32, #tpu.memory_space<vmem>>
    %dma_wait3A_605 = tpu.memref_squeeze %dma_wait3A_604 : memref<1x128x128xf32, #tpu.memory_space<vmem>> -> memref<128x128xf32, #tpu.memory_space<vmem>>
    %dma_wait3A_606 = arith.constant 0 : i32
    %dma_wait3A_607 = tpu.memref_slice %arg7[%dma_wait3A_599, %dma_wait3A_600, %dma_wait3A_606] : memref<2x6x128xi32, #tpu.memory_space<vmem>> -> memref<1x1x128xi32, #tpu.memory_space<vmem>>
    %dma_wait3A_608 = tpu.memref_squeeze %dma_wait3A_607 : memref<1x1x128xi32, #tpu.memory_space<vmem>> -> memref<128xi32, #tpu.memory_space<vmem>>
    %dma_wait3A_609 = arith.constant 0 : i32
    %dma_wait3A_610 = arith.constant 0 : i32
    %dma_wait3A_611 = tpu.memref_slice %arg2[%dma_wait3A_609, %dma_wait3A_610] : memref<10000x128xf32, #tpu.memory_space<hbm>> -> memref<10000x128xf32, #tpu.memory_space<hbm>>
    tpu.wait_indirect_dma semaphore(%arg13 : memref<!tpu.dma_semaphore, #tpu.memory_space<semaphore_mem>>) src(%dma_wait3A_611 : memref<10000x128xf32, #tpu.memory_space<hbm>>) dst(%dma_wait3A_605 : memref<128x128xf32, #tpu.memory_space<vmem>>)
    %dma_wait3A_612 = arith.constant 0 : i32
    %dma_wait3A_613 = arith.constant 0 : i32
    %dma_wait3A_614 = arith.constant 5 : i32
    %dma_wait3A_615 = arith.constant 0 : i32
    %dma_wait3A_616 = arith.constant 0 : i32
    %dma_wait3A_617 = tpu.memref_slice %arg11[%dma_wait3A_612, %dma_wait3A_615, %dma_wait3A_616] : memref<2x128x128xf32, #tpu.memory_space<vmem>> -> memref<1x128x128xf32, #tpu.memory_space<vmem>>
    %dma_wait3A_618 = tpu.memref_squeeze %dma_wait3A_617 : memref<1x128x128xf32, #tpu.memory_space<vmem>> -> memref<128x128xf32, #tpu.memory_space<vmem>>
    %dma_wait3A_619 = arith.constant 0 : i32
    %dma_wait3A_620 = tpu.memref_slice %arg8[%dma_wait3A_613, %dma_wait3A_614, %dma_wait3A_619] : memref<2x6x128xi32, #tpu.memory_space<vmem>> -> memref<1x1x128xi32, #tpu.memory_space<vmem>>
    %dma_wait3A_621 = tpu.memref_squeeze %dma_wait3A_620 : memref<1x1x128xi32, #tpu.memory_space<vmem>> -> memref<128xi32, #tpu.memory_space<vmem>>
    %dma_wait3A_622 = arith.constant 0 : i32
    %dma_wait3A_623 = arith.constant 0 : i32
    %dma_wait3A_624 = tpu.memref_slice %arg12[%dma_wait3A_622, %dma_wait3A_623] : memref<10112x128xf32, #tpu.memory_space<vmem_shared>> -> memref<10112x128xf32, #tpu.memory_space<vmem_shared>>
    tpu.wait_indirect_dma semaphore(%arg15 : memref<!tpu.dma_semaphore, #tpu.memory_space<semaphore_mem>>) src(%dma_wait3A_618 : memref<128x128xf32, #tpu.memory_space<vmem>>) dst(%dma_wait3A_624 : memref<10112x128xf32, #tpu.memory_space<vmem_shared>>)
    %dma_start3A_625 = arith.constant 1 : i32
    %dma_start3A_626 = arith.constant 0 : i32
    %dma_start3A_627 = arith.constant 5 : i32
    %dma_start3A_628 = arith.constant 0 : i32
    %dma_start3A_629 = arith.constant 0 : i32
    %dma_start3A_630 = tpu.memref_slice %arg11[%dma_start3A_625, %dma_start3A_628, %dma_start3A_629] : memref<2x128x128xf32, #tpu.memory_space<vmem>> -> memref<1x128x128xf32, #tpu.memory_space<vmem>>
    %dma_start3A_631 = tpu.memref_squeeze %dma_start3A_630 : memref<1x128x128xf32, #tpu.memory_space<vmem>> -> memref<128x128xf32, #tpu.memory_space<vmem>>
    %dma_start3A_632 = arith.constant 0 : i32
    %dma_start3A_633 = tpu.memref_slice %arg8[%dma_start3A_626, %dma_start3A_627, %dma_start3A_632] : memref<2x6x128xi32, #tpu.memory_space<vmem>> -> memref<1x1x128xi32, #tpu.memory_space<vmem>>
    %dma_start3A_634 = tpu.memref_squeeze %dma_start3A_633 : memref<1x1x128xi32, #tpu.memory_space<vmem>> -> memref<128xi32, #tpu.memory_space<vmem>>
    %dma_start3A_635 = arith.constant 0 : i32
    %dma_start3A_636 = arith.constant 0 : i32
    %dma_start3A_637 = tpu.memref_slice %arg12[%dma_start3A_635, %dma_start3A_636] : memref<10112x128xf32, #tpu.memory_space<vmem_shared>> -> memref<10112x128xf32, #tpu.memory_space<vmem_shared>>
    tpu.enqueue_indirect_dma source(%dma_start3A_631 : memref<128x128xf32, #tpu.memory_space<vmem>>) target(%dma_start3A_637 : memref<10112x128xf32, #tpu.memory_space<vmem_shared>>) offsets(%dma_start3A_634 : memref<128xi32, #tpu.memory_space<vmem>>) semaphore(%arg15 : memref<!tpu.dma_semaphore, #tpu.memory_space<semaphore_mem>>) {add = true}
    %dma_start3A_638 = arith.constant 0 : i32
    %dma_start3A_639 = arith.constant 0 : i32
    %dma_start3A_640 = arith.constant 0 : i32
    %dma_start3A_641 = arith.constant 0 : i32
    %dma_start3A_642 = tpu.memref_slice %arg11[%dma_start3A_639, %dma_start3A_640, %dma_start3A_641] : memref<2x128x128xf32, #tpu.memory_space<vmem>> -> memref<1x16x128xf32, #tpu.memory_space<vmem>>
    %dma_start3A_643 = tpu.memref_squeeze %dma_start3A_642 : memref<1x16x128xf32, #tpu.memory_space<vmem>> -> memref<16x128xf32, #tpu.memory_space<vmem>>
    %dma_start3A_644 = arith.constant 0 : i32
    %dma_start3A_645 = tpu.memref_slice %arg9[%dma_start3A_638, %dma_start3A_644] : memref<1x16xi32, #tpu.memory_space<vmem>> -> memref<1x16xi32, #tpu.memory_space<vmem>>
    %dma_start3A_646 = tpu.memref_squeeze %dma_start3A_645 : memref<1x16xi32, #tpu.memory_space<vmem>> -> memref<16xi32, #tpu.memory_space<vmem>>
    %dma_start3A_647 = arith.constant 0 : i32
    %dma_start3A_648 = arith.constant 0 : i32
    %dma_start3A_649 = tpu.memref_slice %arg2[%dma_start3A_647, %dma_start3A_648] : memref<10000x128xf32, #tpu.memory_space<hbm>> -> memref<10000x128xf32, #tpu.memory_space<hbm>>
    tpu.enqueue_indirect_dma source(%dma_start3A_649 : memref<10000x128xf32, #tpu.memory_space<hbm>>) target(%dma_start3A_643 : memref<16x128xf32, #tpu.memory_space<vmem>>) offsets(%dma_start3A_646 : memref<16xi32, #tpu.memory_space<vmem>>) semaphore(%arg13 : memref<!tpu.dma_semaphore, #tpu.memory_space<semaphore_mem>>)
    %dma_wait3A_650 = arith.constant 0 : i32
    %dma_wait3A_651 = arith.constant 0 : i32
    %dma_wait3A_652 = arith.constant 0 : i32
    %dma_wait3A_653 = arith.constant 0 : i32
    %dma_wait3A_654 = tpu.memref_slice %arg11[%dma_wait3A_651, %dma_wait3A_652, %dma_wait3A_653] : memref<2x128x128xf32, #tpu.memory_space<vmem>> -> memref<1x16x128xf32, #tpu.memory_space<vmem>>
    %dma_wait3A_655 = tpu.memref_squeeze %dma_wait3A_654 : memref<1x16x128xf32, #tpu.memory_space<vmem>> -> memref<16x128xf32, #tpu.memory_space<vmem>>
    %dma_wait3A_656 = arith.constant 0 : i32
    %dma_wait3A_657 = tpu.memref_slice %arg9[%dma_wait3A_650, %dma_wait3A_656] : memref<1x16xi32, #tpu.memory_space<vmem>> -> memref<1x16xi32, #tpu.memory_space<vmem>>
    %dma_wait3A_658 = tpu.memref_squeeze %dma_wait3A_657 : memref<1x16xi32, #tpu.memory_space<vmem>> -> memref<16xi32, #tpu.memory_space<vmem>>
    %dma_wait3A_659 = arith.constant 0 : i32
    %dma_wait3A_660 = arith.constant 0 : i32
    %dma_wait3A_661 = tpu.memref_slice %arg2[%dma_wait3A_659, %dma_wait3A_660] : memref<10000x128xf32, #tpu.memory_space<hbm>> -> memref<10000x128xf32, #tpu.memory_space<hbm>>
    tpu.wait_indirect_dma semaphore(%arg13 : memref<!tpu.dma_semaphore, #tpu.memory_space<semaphore_mem>>) src(%dma_wait3A_661 : memref<10000x128xf32, #tpu.memory_space<hbm>>) dst(%dma_wait3A_655 : memref<16x128xf32, #tpu.memory_space<vmem>>)
    %dma_wait3A_662 = arith.constant 1 : i32
    %dma_wait3A_663 = arith.constant 0 : i32
    %dma_wait3A_664 = arith.constant 5 : i32
    %dma_wait3A_665 = arith.constant 0 : i32
    %dma_wait3A_666 = arith.constant 0 : i32
    %dma_wait3A_667 = tpu.memref_slice %arg11[%dma_wait3A_662, %dma_wait3A_665, %dma_wait3A_666] : memref<2x128x128xf32, #tpu.memory_space<vmem>> -> memref<1x128x128xf32, #tpu.memory_space<vmem>>
    %dma_wait3A_668 = tpu.memref_squeeze %dma_wait3A_667 : memref<1x128x128xf32, #tpu.memory_space<vmem>> -> memref<128x128xf32, #tpu.memory_space<vmem>>
    %dma_wait3A_669 = arith.constant 0 : i32
    %dma_wait3A_670 = tpu.memref_slice %arg8[%dma_wait3A_663, %dma_wait3A_664, %dma_wait3A_669] : memref<2x6x128xi32, #tpu.memory_space<vmem>> -> memref<1x1x128xi32, #tpu.memory_space<vmem>>
    %dma_wait3A_671 = tpu.memref_squeeze %dma_wait3A_670 : memref<1x1x128xi32, #tpu.memory_space<vmem>> -> memref<128xi32, #tpu.memory_space<vmem>>
    %dma_wait3A_672 = arith.constant 0 : i32
    %dma_wait3A_673 = arith.constant 0 : i32
    %dma_wait3A_674 = tpu.memref_slice %arg12[%dma_wait3A_672, %dma_wait3A_673] : memref<10112x128xf32, #tpu.memory_space<vmem_shared>> -> memref<10112x128xf32, #tpu.memory_space<vmem_shared>>
    tpu.wait_indirect_dma semaphore(%arg15 : memref<!tpu.dma_semaphore, #tpu.memory_space<semaphore_mem>>) src(%dma_wait3A_668 : memref<128x128xf32, #tpu.memory_space<vmem>>) dst(%dma_wait3A_674 : memref<10112x128xf32, #tpu.memory_space<vmem_shared>>)
    %run_scoped3A = arith.constant 0 : i32
    %run_scoped3A_675 = arith.constant 0 : i32
    "tpu.region"() ({
      %run_scoped3A_679 = tpu.sem_alloc : memref<!tpu.dma_semaphore, #tpu.memory_space<semaphore_mem>>
      %dma_start3A_680 = arith.constant 0 : i32
      %dma_start3A_681 = arith.constant 0 : i32
      %dma_start3A_682 = tpu.memref_slice %arg11[%run_scoped3A, %dma_start3A_680, %dma_start3A_681] : memref<2x128x128xf32, #tpu.memory_space<vmem>> -> memref<1x16x128xf32, #tpu.memory_space<vmem>>
      %dma_start3A_683 = tpu.memref_squeeze %dma_start3A_682 : memref<1x16x128xf32, #tpu.memory_space<vmem>> -> memref<16x128xf32, #tpu.memory_space<vmem>>
      %dma_start3A_684 = arith.constant 0 : i32
      %dma_start3A_685 = tpu.memref_slice %arg10[%run_scoped3A_675, %dma_start3A_684] : memref<1x16xi32, #tpu.memory_space<vmem>> -> memref<1x16xi32, #tpu.memory_space<vmem>>
      %dma_start3A_686 = tpu.memref_squeeze %dma_start3A_685 : memref<1x16xi32, #tpu.memory_space<vmem>> -> memref<16xi32, #tpu.memory_space<vmem>>
      %dma_start3A_687 = arith.constant 0 : i32
      %dma_start3A_688 = arith.constant 0 : i32
      %dma_start3A_689 = tpu.memref_slice %arg12[%dma_start3A_687, %dma_start3A_688] : memref<10112x128xf32, #tpu.memory_space<vmem_shared>> -> memref<10112x128xf32, #tpu.memory_space<vmem_shared>>
      tpu.enqueue_indirect_dma source(%dma_start3A_683 : memref<16x128xf32, #tpu.memory_space<vmem>>) target(%dma_start3A_689 : memref<10112x128xf32, #tpu.memory_space<vmem_shared>>) offsets(%dma_start3A_686 : memref<16xi32, #tpu.memory_space<vmem>>) semaphore(%run_scoped3A_679 : memref<!tpu.dma_semaphore, #tpu.memory_space<semaphore_mem>>) {add = true}
      %dma_wait3A_690 = arith.constant 0 : i32
      %dma_wait3A_691 = arith.constant 0 : i32
      %dma_wait3A_692 = tpu.memref_slice %arg11[%run_scoped3A, %dma_wait3A_690, %dma_wait3A_691] : memref<2x128x128xf32, #tpu.memory_space<vmem>> -> memref<1x16x128xf32, #tpu.memory_space<vmem>>
      %dma_wait3A_693 = tpu.memref_squeeze %dma_wait3A_692 : memref<1x16x128xf32, #tpu.memory_space<vmem>> -> memref<16x128xf32, #tpu.memory_space<vmem>>
      %dma_wait3A_694 = arith.constant 0 : i32
      %dma_wait3A_695 = tpu.memref_slice %arg10[%run_scoped3A_675, %dma_wait3A_694] : memref<1x16xi32, #tpu.memory_space<vmem>> -> memref<1x16xi32, #tpu.memory_space<vmem>>
      %dma_wait3A_696 = tpu.memref_squeeze %dma_wait3A_695 : memref<1x16xi32, #tpu.memory_space<vmem>> -> memref<16xi32, #tpu.memory_space<vmem>>
      %dma_wait3A_697 = arith.constant 0 : i32
      %dma_wait3A_698 = arith.constant 0 : i32
      %dma_wait3A_699 = tpu.memref_slice %arg12[%dma_wait3A_697, %dma_wait3A_698] : memref<10112x128xf32, #tpu.memory_space<vmem_shared>> -> memref<10112x128xf32, #tpu.memory_space<vmem_shared>>
      tpu.wait_indirect_dma semaphore(%run_scoped3A_679 : memref<!tpu.dma_semaphore, #tpu.memory_space<semaphore_mem>>) src(%dma_wait3A_693 : memref<16x128xf32, #tpu.memory_space<vmem>>) dst(%dma_wait3A_699 : memref<10112x128xf32, #tpu.memory_space<vmem_shared>>)
      tpu.yield
    }) : () -> ()
    %barrier3A_676 = arith.constant 0 : index
    tpu.barrier barrier_id(%barrier3A_676)
    %mul3A_677 = arith.constant 632 : i32
    %mul3A_678 = arith.muli %arg1, %mul3A_677 : i32
    "tpu.region"() ({
      %run_scoped3A_679 = tpu.sem_alloc : memref<!tpu.dma_semaphore, #tpu.memory_space<semaphore_mem>>
      %dma_start3A_680 = arith.constant 0 : i32
      %dma_start3A_681 = tpu.memref_slice %arg6[%arg0, %mul3A_678, %dma_start3A_680] : memref<2x10112x128xf32, #tpu.memory_space<hbm>> -> memref<1x632x128xf32, #tpu.memory_space<hbm>>
      %dma_start3A_682 = tpu.memref_squeeze %dma_start3A_681 : memref<1x632x128xf32, #tpu.memory_space<hbm>> -> memref<632x128xf32, #tpu.memory_space<hbm>>
      %dma_start3A_683 = arith.constant 0 : i32
      %dma_start3A_684 = tpu.memref_slice %arg12[%mul3A_678, %dma_start3A_683] : memref<10112x128xf32, #tpu.memory_space<vmem_shared>> -> memref<632x128xf32, #tpu.memory_space<vmem_shared>>
      tpu.enqueue_dma source(%dma_start3A_684 : memref<632x128xf32, #tpu.memory_space<vmem_shared>>) target(%dma_start3A_682 : memref<632x128xf32, #tpu.memory_space<hbm>>) target_semaphore(%run_scoped3A_679 : memref<!tpu.dma_semaphore, #tpu.memory_space<semaphore_mem>>)
      %dma_wait3A_685 = arith.constant 0 : i32
      %dma_wait3A_686 = tpu.memref_slice %arg6[%arg0, %mul3A_678, %dma_wait3A_685] : memref<2x10112x128xf32, #tpu.memory_space<hbm>> -> memref<1x632x128xf32, #tpu.memory_space<hbm>>
      %dma_wait3A_687 = tpu.memref_squeeze %dma_wait3A_686 : memref<1x632x128xf32, #tpu.memory_space<hbm>> -> memref<632x128xf32, #tpu.memory_space<hbm>>
      %dma_wait3A_688 = arith.constant 0 : i32
      %dma_wait3A_689 = tpu.memref_slice %arg12[%mul3A_678, %dma_wait3A_688] : memref<10112x128xf32, #tpu.memory_space<vmem_shared>> -> memref<632x128xf32, #tpu.memory_space<vmem_shared>>
      tpu.wait_dma2 semaphore(%run_scoped3A_679 : memref<!tpu.dma_semaphore, #tpu.memory_space<semaphore_mem>>) src(%dma_wait3A_689 : memref<632x128xf32, #tpu.memory_space<vmem_shared>>) dst(%dma_wait3A_687 : memref<632x128xf32, #tpu.memory_space<hbm>>)
      tpu.yield
    }) : () -> ()
    return
  }
}

module attributes {stable_mosaic.version = 14 : i64} {
  func.func @_logmap_body(%arg0: i32, %arg1: memref<1000x128xf32, #tpu.memory_space<vmem>>, %arg2: memref<1000x128xf32, #tpu.memory_space<vmem>>) attributes {dimension_semantics = [#tpu.dimension_semantics<arbitrary>], iteration_bounds = array<i64: 10>, scalar_prefetch = 0 : i64, scratch_operands = 0 : i64, tpu.core_type = #tpu.core_type<tc>, window_params = [{transform_indices = @transform_0, window_bounds = array<i64: 1000, 128>}, {transform_indices = @transform_1, window_bounds = array<i64: 1000, 128>}]} {
    %get3A = arith.constant 0 : index
    %get3A_0 = arith.constant 0 : index
    %get3A_1 = vector.load %arg1[%get3A, %get3A_0] : memref<1000x128xf32, #tpu.memory_space<vmem>>, vector<1000x128xf32>
    %mul3A = arith.mulf %get3A_1, %get3A_1 : vector<1000x128xf32>
    %reduce_sum3A = arith.constant dense<0.000000e+00> : vector<1000xf32>
    %reduce_sum3A_2 = vector.multi_reduction <add>, %mul3A, %reduce_sum3A [1] : vector<1000x128xf32> to vector<1000xf32>
    %broadcast_in_dim3A = vector.shape_cast %reduce_sum3A_2 : vector<1000xf32> to vector<1000x1xf32>
    %sqrt3A = math.sqrt %broadcast_in_dim3A : vector<1000x1xf32>
    %max3A = arith.constant 1.000000e-15 : f32
    %max3A_3 = vector.broadcast %max3A : f32 to vector<1000x1xf32>
    %max3A_4 = arith.maximumf %sqrt3A, %max3A_3 : vector<1000x1xf32>
    %jit3A = arith.constant -0.99999988 : f32
    %jit3A_5 = arith.constant 0.99999988 : f32
    %max3A_6 = vector.broadcast %jit3A : f32 to vector<1000x1xf32>
    %max3A_7 = arith.maximumf %max3A_6, %max3A_4 : vector<1000x1xf32>
    %min3A = vector.broadcast %jit3A_5 : f32 to vector<1000x1xf32>
    %min3A_8 = arith.minimumf %min3A, %max3A_7 : vector<1000x1xf32>
    %add3A = arith.constant 1.000000e+00 : f32
    %add3A_9 = vector.broadcast %add3A : f32 to vector<1000x1xf32>
    %add3A_10 = arith.addf %add3A_9, %min3A_8 : vector<1000x1xf32>
    %sub3A = arith.constant 1.000000e+00 : f32
    %sub3A_11 = vector.broadcast %sub3A : f32 to vector<1000x1xf32>
    %sub3A_12 = arith.subf %sub3A_11, %min3A_8 : vector<1000x1xf32>
    %div3A = arith.divf %add3A_10, %sub3A_12 : vector<1000x1xf32>
    %log3A = math.log %div3A : vector<1000x1xf32>
    %mul3A_13 = arith.constant 5.000000e-01 : f32
    %mul3A_14 = vector.broadcast %mul3A_13 : f32 to vector<1000x1xf32>
    %mul3A_15 = arith.mulf %mul3A_14, %log3A : vector<1000x1xf32>
    %div3A_16 = arith.divf %mul3A_15, %max3A_4 : vector<1000x1xf32>
    %mul3A_17 = vector.broadcast %div3A_16 : vector<1000x1xf32> to vector<1000x128xf32>
    %mul3A_18 = arith.mulf %get3A_1, %mul3A_17 : vector<1000x128xf32>
    %swap3A = arith.constant 0 : index
    %swap3A_19 = arith.constant 0 : index
    %swap3A_20 = vector.load %arg2[%swap3A, %swap3A_19] : memref<1000x128xf32, #tpu.memory_space<vmem>>, vector<1000x128xf32>
    tpu.vector_store %arg2[%swap3A, %swap3A_19], %mul3A_18 {strides = array<i32>} : memref<1000x128xf32, #tpu.memory_space<vmem>>, vector<1000x128xf32>,
    return
  }
  func.func @transform_0(%arg0: i32) -> (i32, i32) {
    %c0_i32 = arith.constant 0 : i32
    %c0_i32_0 = arith.constant 0 : i32
    return %arg0, %c0_i32 : i32, i32
  }
  func.func @transform_1(%arg0: i32) -> (i32, i32) {
    %c0_i32 = arith.constant 0 : i32
    %c0_i32_0 = arith.constant 0 : i32
    return %arg0, %c0_i32 : i32, i32
  }
}

module attributes {stable_mosaic.version = 14 : i64} {
  func.func @_expproj_body(%arg0: i32, %arg1: memref<2x1000x128xf32, #tpu.memory_space<vmem>>, %arg2: memref<1000x128xf32, #tpu.memory_space<vmem>>) attributes {dimension_semantics = [#tpu.dimension_semantics<arbitrary>], iteration_bounds = array<i64: 10>, scalar_prefetch = 0 : i64, scratch_operands = 0 : i64, tpu.core_type = #tpu.core_type<tc>, window_params = [{transform_indices = @transform_0, window_bounds = array<i64: 2, 1000, 128>}, {transform_indices = @transform_1, window_bounds = array<i64: 1000, 128>}]} {
    %get3A = arith.constant 0 : index
    %get3A_0 = arith.constant 0 : index
    %get3A_1 = arith.constant 0 : index
    %get3A_2 = vector.load %arg1[%get3A, %get3A_0, %get3A_1] : memref<2x1000x128xf32, #tpu.memory_space<vmem>>, vector<1x1000x128xf32>
    %get3A_3 = vector.shape_cast %get3A_2 : vector<1x1000x128xf32> to vector<1000x128xf32>
    %get3A_4 = arith.constant 1 : index
    %get3A_5 = arith.constant 0 : index
    %get3A_6 = arith.constant 0 : index
    %get3A_7 = vector.load %arg1[%get3A_4, %get3A_5, %get3A_6] : memref<2x1000x128xf32, #tpu.memory_space<vmem>>, vector<1x1000x128xf32>
    %get3A_8 = vector.shape_cast %get3A_7 : vector<1x1000x128xf32> to vector<1000x128xf32>
    %add3A = arith.addf %get3A_3, %get3A_8 : vector<1000x128xf32>
    %mul3A = arith.mulf %add3A, %add3A : vector<1000x128xf32>
    %reduce_sum3A = arith.constant dense<0.000000e+00> : vector<1000xf32>
    %reduce_sum3A_9 = vector.multi_reduction <add>, %mul3A, %reduce_sum3A [1] : vector<1000x128xf32> to vector<1000xf32>
    %broadcast_in_dim3A = vector.shape_cast %reduce_sum3A_9 : vector<1000xf32> to vector<1000x1xf32>
    %sqrt3A = math.sqrt %broadcast_in_dim3A : vector<1000x1xf32>
    %max3A = arith.constant 1.000000e-15 : f32
    %max3A_10 = vector.broadcast %max3A : f32 to vector<1000x1xf32>
    %max3A_11 = arith.maximumf %sqrt3A, %max3A_10 : vector<1000x1xf32>
    %tanh3A = math.tanh %max3A_11 : vector<1000x1xf32>
    %mul3A_12 = vector.broadcast %tanh3A : vector<1000x1xf32> to vector<1000x128xf32>
    %mul3A_13 = arith.mulf %mul3A_12, %add3A : vector<1000x128xf32>
    %div3A = vector.broadcast %max3A_11 : vector<1000x1xf32> to vector<1000x128xf32>
    %div3A_14 = arith.divf %mul3A_13, %div3A : vector<1000x128xf32>
    %mul3A_15 = arith.mulf %div3A_14, %div3A_14 : vector<1000x128xf32>
    %reduce_sum3A_16 = arith.constant dense<0.000000e+00> : vector<1000xf32>
    %reduce_sum3A_17 = vector.multi_reduction <add>, %mul3A_15, %reduce_sum3A_16 [1] : vector<1000x128xf32> to vector<1000xf32>
    %broadcast_in_dim3A_18 = vector.shape_cast %reduce_sum3A_17 : vector<1000xf32> to vector<1000x1xf32>
    %sqrt3A_19 = math.sqrt %broadcast_in_dim3A_18 : vector<1000x1xf32>
    %max3A_20 = arith.constant 1.000000e-15 : f32
    %max3A_21 = vector.broadcast %max3A_20 : f32 to vector<1000x1xf32>
    %max3A_22 = arith.maximumf %sqrt3A_19, %max3A_21 : vector<1000x1xf32>
    %gt3A = arith.constant 0.995999991 : f32
    %gt3A_23 = vector.broadcast %gt3A : f32 to vector<1000x1xf32>
    %gt3A_24 = arith.cmpf ogt, %max3A_22, %gt3A_23 : vector<1000x1xf32>
    %div3A_25 = vector.broadcast %max3A_22 : vector<1000x1xf32> to vector<1000x128xf32>
    %div3A_26 = arith.divf %div3A_14, %div3A_25 : vector<1000x128xf32>
    %mul3A_27 = arith.constant 0.995999991 : f32
    %mul3A_28 = vector.broadcast %mul3A_27 : f32 to vector<1000x128xf32>
    %mul3A_29 = arith.mulf %div3A_26, %mul3A_28 : vector<1000x128xf32>
    %broadcast_in_dim3A_30 = vector.shape_cast %gt3A_24 : vector<1000x1xi1> to vector<1000x1xi1>
    %broadcast_in_dim3A_31 = vector.broadcast %broadcast_in_dim3A_30 : vector<1000x1xi1> to vector<1000x128xi1>
    %select_n3A = arith.select %broadcast_in_dim3A_31, %mul3A_29, %div3A_14 : vector<1000x128xi1>, vector<1000x128xf32>
    %swap3A = arith.constant 0 : index
    %swap3A_32 = arith.constant 0 : index
    %swap3A_33 = vector.load %arg2[%swap3A, %swap3A_32] : memref<1000x128xf32, #tpu.memory_space<vmem>>, vector<1000x128xf32>
    tpu.vector_store %arg2[%swap3A, %swap3A_32], %select_n3A {strides = array<i32>} : memref<1000x128xf32, #tpu.memory_space<vmem>>, vector<1000x128xf32>,
    return
  }
  func.func @transform_0(%arg0: i32) -> (i32, i32, i32) {
    %c0_i32 = arith.constant 0 : i32
    %c0_i32_0 = arith.constant 0 : i32
    %c0_i32_1 = arith.constant 0 : i32
    return %c0_i32, %arg0, %c0_i32_0 : i32, i32, i32
  }
  func.func @transform_1(%arg0: i32) -> (i32, i32) {
    %c0_i32 = arith.constant 0 : i32
    %c0_i32_0 = arith.constant 0 : i32
    return %arg0, %c0_i32 : i32, i32
  }
}

</mosaic_0001>

<sc_bundles>
// kernel: kernel.5.cloned.1.call-start
scs
__scs_entry_jumppad:
0x0: {  	(pc) =	sbr.rel $0x88, $3  }
0x1: {  	(tag) =	ssettag $0x0;
	lr =	simm.s32 $0x1  }
0x2: {  	[smem:$0x3F9F] =	sst lr;
	_ =	strace $0xD0000000  }
0x3: {  	_ = 	snop  }
0x4: {  	_ = 	snop  }
0x5: {  	_ = 	snop  }
0x6: {  	_ = 	snop  }
0x7: {  	_ = 	snop  }
__scs_overlays_trampoline_lowered:
0x8: {  	[smem:$0x3FAE] =	sst s0  }
0x9: {  	[smem:$0x3FAF] =	sst s1  }
0xa: {  	[smem:$0x3FB0] =	sst s2  }
0xb: {  	[smem:$0x3FB1] =	sst s3  }
0xc: {  	[smem:$0x3FB2] =	sst s4  }
0xd: {  	[smem:$0x3FB3] =	sst s5  }
0xe: {  	[smem:$0x3FB4] =	sst s6  }
0xf: {  	[smem:$0x3FB5] =	sst s7  }
0x10: {  	[smem:$0x3FB6] =	sst s8  }
0x11: {  	[smem:$0x3FB7] =	sst s9;
	s0 =	simm.s32 @!p0 $0x0  }
0x12: {  	s1 =	sld [smem:$0x3F9D];
	s0 =	simm.s32 @p0 $0x1  }
0x13: {  	[smem:$0x3FB8] =	sst s0;
	s0 =	simm.s32 @!p1 $0x0  }
0x14: {  	s2 =	sld [smem:$0x3F9C];
	s0 =	simm.s32 @p1 $0x1  }
0x15: {  	[smem:$0x3FB9] =	sst s0;
	s0 =	simm.s32 @!p2 $0x0  }
0x16: {  	s3 =	sld [smem:$0x3FDB];
	s0 =	simm.s32 @p2 $0x1  }
0x17: {  	s4 =	simm.s32 $0x1BF5;
	[smem:$0x3FBB] =	sst s0  }
0x18: {  	s0 =	sld [smem:$0x3F9E];
	_ =	swait.ge [sflag:s4], $0x0  }
0x19: {  	s7 =	sld [smem:$0x3F9F]  }
0x1a: {  	s8 =	sadd.s32 $0xFFFFE003, lr  }
0x1b: {  	s9 =	sadd.s32 $0xFFFFFEF7, lr;
	s5 =	simm.s32 $0xFFFFFFFF;
	p2 =	slt.u32 s8, $0xFFFFF086  }
0x1c: {  	p1 =	slt.u32 s9, $0xF7A;
	s5 =	simm.s32 @!p2 $0x0  }
0x1d: {  	s5 =	simm.s32 @p1 $0x1;
	p0 =	seq.s32 s7, s2  }
0x1e: {  	s7 =	smul.u32 @!p0 $0xF7A, s2;
	p2 =	seq.s32 @!p0 s5, $0x0  }
0x1f: {  	s9 =	smul.u32 $0xF7A, s1;
	s8 =	simm.s32 @!p0 $0x1BF5;
	p2 =	por !p2, p0  }
0x20: {  	[sflag:s8] =	ssyncset.s32 @!p0 $0xFFFFF086;
	s6 =	sadd.s32 @!p0 s3, s7;
	s7 =	simm.s32 @!p0 $0x108  }
0x21: {  	s3 =	sadd.s32 s3, s9;
	s6 =	sadd.s32 @!p0 $0x88, s6;
	s7 =	simm.s32 @p2 $0x1082  }
0x22: {  	[simem:s7], [sflag:s8] =	dma.local @!p0 [hbm:s6], $0xF7A  }
0x23: {  	s9 =	sor.u32 $0xD0000000, s2;
	s6 =	simm.s32 $0x108;
	_ =	swait.ge @!p0 [sflag:s8], $0x0  }
0x24: {  	s3 =	sadd.s32 $0x88, s3;
	s6 =	simm.s32 @!p1 $0x1082;
	[sflag:s4] =	ssyncset.s32 $0xFFFFF086  }
0x25: {  	[simem:s6], [sflag:s4] =	dma.local [hbm:s3], $0xF7A  }
0x26: {  	[smem:$0x3F9F] =	sst s1;
	(tag) =	ssettag s2;
	_ =	strace s9  }
0x27: {  	s1 =	sld [smem:$0x3FAF]  }
0x28: {  	s2 =	sld [smem:$0x3FB0]  }
0x29: {  	s4 =	sld [smem:$0x3FB2]  }
0x2a: {  	p0 =	seq.s32 s5, $0x0;
	s5 =	sld [smem:$0x3FB3]  }
0x2b: {  	s6 =	sld [smem:$0x3FB4]  }
0x2c: {  	s7 =	sld [smem:$0x3FB5]  }
0x2d: {  	s3 =	simm.s32 $0x108;
	s8 =	sld [smem:$0x3FB6]  }
0x2e: {  	s3 =	simm.s32 @!p0 $0x1082;
	s9 =	sld [smem:$0x3FB7]  }
0x2f: {  	lr =	sadd.s32 s0, s3;
	s0 =	sld [smem:$0x3FAE]  }
0x30: {  	s3 =	sld [smem:$0x3FB1]  }
0x31: {  	[smem:$0x3FBA] =	sst s10  }
0x32: {  	s10 =	sld [smem:$0x3FB8];
	_ =	sdelay $0x3  }
0x33: {  	p0 =	seq.s32 s10, $0x1;
	s10 =	sld [smem:$0x3FBA];
	_ =	sdelay $0x3  }
0x34: {  	[smem:$0x3FBA] =	sst s10  }
0x35: {  	s10 =	sld [smem:$0x3FB9];
	_ =	sdelay $0x3  }
0x36: {  	p1 =	seq.s32 s10, $0x1;
	s10 =	sld [smem:$0x3FBA];
	_ =	sdelay $0x3  }
0x37: {  	[smem:$0x3FBA] =	sst s10  }
0x38: {  	s10 =	sld [smem:$0x3FBB]  }
0x39: {  	_ = 	snop;
	(pc) =	sbr.ind lr, $3  }
0x3a: {  	_ = 	snop  }
0x3b: {  	_ = 	snop  }
0x3c: {  	p2 =	seq.s32 s10, $0x1;
	s10 =	sld [smem:$0x3FBA]  }
0x3d: {  	_ =	shalt  }
0x3e: {  	_ =	shalt  }
0x3f: {  	_ =	shalt  }
0x40: {  	_ =	shalt  }
0x41: {  	_ =	shalt  }
0x42: {  	_ =	shalt  }
0x43: {  	_ =	shalt  }
0x44: {  	_ =	shalt  }
0x45: {  	_ =	shalt  }
0x46: {  	_ =	shalt  }
0x47: {  	_ =	shalt  }
0x48: {  	_ =	shalt  }
0x49: {  	_ =	shalt  }
0x4a: {  	_ =	shalt  }
0x4b: {  	_ =	shalt  }
0x4c: {  	_ =	shalt  }
0x4d: {  	_ =	shalt  }
0x4e: {  	_ =	shalt  }
0x4f: {  	_ =	shalt  }
0x50: {  	_ =	shalt  }
0x51: {  	_ =	shalt  }
0x52: {  	_ =	shalt  }
0x53: {  	_ =	shalt  }
0x54: {  	_ =	shalt  }
0x55: {  	_ =	shalt  }
0x56: {  	_ =	shalt  }
0x57: {  	_ =	shalt  }
0x58: {  	_ =	shalt  }
0x59: {  	_ =	shalt  }
0x5a: {  	_ =	shalt  }
0x5b: {  	_ =	shalt  }
0x5c: {  	_ =	shalt  }
0x5d: {  	_ =	shalt  }
0x5e: {  	_ =	shalt  }
0x5f: {  	_ =	shalt  }
0x60: {  	_ =	shalt  }
0x61: {  	_ =	shalt  }
0x62: {  	_ =	shalt  }
0x63: {  	_ =	shalt  }
0x64: {  	_ =	shalt  }
0x65: {  	_ =	shalt  }
0x66: {  	_ =	shalt  }
0x67: {  	_ =	shalt  }
0x68: {  	_ =	shalt  }
0x69: {  	_ =	shalt  }
0x6a: {  	_ =	shalt  }
0x6b: {  	_ =	shalt  }
0x6c: {  	_ =	shalt  }
0x6d: {  	_ =	shalt  }
0x6e: {  	_ =	shalt  }
0x6f: {  	_ =	shalt  }
0x70: {  	_ =	shalt  }
0x71: {  	_ =	shalt  }
0x72: {  	_ =	shalt  }
0x73: {  	_ =	shalt  }
0x74: {  	_ =	shalt  }
0x75: {  	_ =	shalt  }
0x76: {  	_ =	shalt  }
0x77: {  	_ =	shalt  }
0x78: {  	_ =	shalt  }
0x79: {  	_ =	shalt  }
0x7a: {  	_ =	shalt  }
0x7b: {  	_ =	shalt  }
0x7c: {  	_ =	shalt  }
0x7d: {  	_ =	shalt  }
0x7e: {  	_ =	shalt  }
0x7f: {  	_ =	shalt  }
0x80: {  	_ =	shalt  }
0x81: {  	_ =	shalt  }
0x82: {  	_ =	shalt  }
0x83: {  	_ =	shalt  }
0x84: {  	_ =	shalt  }
0x85: {  	_ =	shalt  }
0x86: {  	_ =	shalt  }
0x87: {  	_ =	shalt  }
.Lfunc_end0:
.L_simem_size_0:
called_computation_lowered:
.L_overlay_start_0:
0x88: {  	s2 =	sld [smem:$0x3FD9]  }
0x89: {  	s3 =	sld [smem:$0x3FFE];
	_ =	sdelay $0x1  }
0x8a: {  	s1 =	srdreg.scid  }
0x8b: {  	s0 =	sand.u32 $0x1, s1  }
0x8c: {  	s17 =	sshll.u32 s0, $0xA;
	s2 =	sadd.s32 s3, s2  }
0x8d: {  	s2 =	sadd.s32 s2, s17  }
0x8e: {  	[smem:$0x3FC6] =	sst s2  }
0x8f: {  	_ = 	snop  }
0x90: {  	s2 =	sld [smem:$0x3FD0];
	(tm) =	ssettm $0x1  }
0x91: {  	s18 =	sld [smem:$0x3FFB];
	_ =	sdelay $0x3  }
0x92: {  	_ =	strace s18  }
0x93: {  	s3 =	sld [smem:$0x3FFC];
	_ =	sdelay $0x3  }
0x94: {  	_ =	strace s3  }
0x95: {  	s3 =	sld [smem:$0x3FFD];
	_ =	sdelay $0x3  }
0x96: {  	_ =	strace s3  }
0x97: {  	_ =	strace $0x8FFFFFFF  }
0x98: {  	s19 =	sld [smem:$0x3FDB];
	_ =	sdelay $0x1  }
0x99: {  	s4 =	simm.s32 $_scs_section_size  }
0x9a: {  	s5 =	simm.s32 $_size__tile_overlayer_lowered;
	s6 =	simm.s32 $_tile_overlayer_lowered  }
0x9b: {  	s22 =	simm.s32 $0x1BFF;
	s21 =	sshll.u32 s6, $0x1;
	s3 =	sadd.s32 s4, s19  }
0x9c: {  	s7 =	simm.s32 $0x0;
	s20 =	sshll.u32 s5, $0x1;
	s5 =	sadd.s32 s21, s3  }
0x9d: {  	[timem:s7], [sflag:s22] =	dma.local [hbm:s5], s20  }
0x9e: {  	_ =	swait.ge [sflag:s22], s20  }
0x9f: {  	s4 =	ssub.s32 $0x0, s20;
	[sflag:s22] =	ssyncset.done $0x0  }
0xa0: {  	[sflag:s22] =	ssyncadd.s32 s4;
	_ =	sdelay $0x1  }
0xa1: {  	s23 =	simm.s32 $0x1B8B  }
0xa2: {  	_ =	swait.ge [sflag:s23], $0x1  }
0xa3: {  	[sflag:s23] =	ssyncset.done $0x0  }
0xa4: {  	s25 =	simm.s32 $0x1B8E;
	s24 =	sld [smem:$0x3FFE];
	[sflag:s23] =	ssyncadd.s32 $0xFFFFFFFF  }
0xa5: {  	s26 =	simm.s32 $execute0_lowered;
	[smem:$0x3FD2] =	sst s25  }
0xa6: {  	s5 =	sshll.u32 s26, $0x1;
	_ =	strace $0x80000046;
	[dreg:$0x1] =	wrdreg $0xFFFFFFFF  }
0xa7: {  	s28 =	simm.s32 $_size_execute0_lowered;
	s3 =	sadd.s32 s3, s5;
	[dreg:$0x0] =	wrdreg $0x0  }
0xa8: {  	s5 =	sshll.u32 s28, $0x1;
	[dreg:$0x2] =	wrdreg s3  }
0xa9: {  	[dreg:$0x3] =	wrdreg s5  }
0xaa: {  	[dreg:$0x4] =	wrdreg $0xC0  }
0xab: {  	_ =	task [dreg:s7], $0x5FFFF  }
0xac: {  	[dreg:$0x1] =	wrdreg $0xFFFFFFFF  }
0xad: {  	[dreg:$0x0] =	wrdreg $0x60  }
0xae: {  	[dreg:$0x2] =	wrdreg s2  }
0xaf: {  	[dreg:$0x3] =	wrdreg s24  }
0xb0: {  	[dreg:$0x4] =	wrdreg $0x91000  }
0xb1: {  	[dreg:$0x5] =	wrdreg $0x9  }
0xb2: {  	_ =	task.clear_ibuf [dreg:s7], $0x6FFFF;
	_ =	strace $0x90000046  }
0xb3: {  	s29 =	simm.s32 $0x9;
	_ =	strace $0x80000048  }
0xb4: {  	_ =	swait.ge [sflag:s29], $0x1  }
0xb5: {  	[sflag:s29] =	ssyncadd.s32 $0xFFFFFFFF  }
0xb6: {  	_ =	strace $0x90000048  }
0xb7: {  	_ =	sfence  }
0xb8: {  	s30 =	sld [smem:$0x0];
	_ =	sdelay $0x2  }
0xb9: {  	s31 =	sshll.u32 s1, $0xD;
	s1 =	sshrl.u32 s1, $0x2  }
0xba: {  	s3 =	sand.u32 $0x4000, s31;
	s1 =	sadd.s32 s1, s30  }
0xbb: {  	s0 =	sor.u32 s3, s0;
	s1 =	sshll.u32 s1, $0x11  }
0xbc: {  	s0 =	sor.u32 s1, s0  }
0xbd: {  	s0 =	sadd.s32 $0x8F2B, s0  }
0xbe: {  	[sflag:s0] =	ssyncadd.remote.s32 $0x1  }
0xbf: {  	_ =	sfence.sel $0xFFFF  }
0xc0: {  	[dreg:$0x0] =	wrdreg $0xFFFFFFFF;
	(pc) =	sbr.abs _section_cstart, $3  }
0xc1: {  	[dreg:$0x1] =	wrdreg $0xFFFFFFFF  }
0xc2: {  	_ =	task.clear_ibuf [dreg:s7], $0x2FFFF;
	_ =	strace $0x9FFFFFFF  }
0xc3: {  	(tm) =	ssettm $0x7FFFFFFF  }
tec
execute0_lowered:
.L_overlay_start_1:
0x0: {  	(tag) =	ssettag $0x1  }
0x1: {  	s1 =	rddreg [dreg:$0x0]  }
0x2: {  	s0 =	rddreg [dreg:$0x1]  }
0x3: {  	s3 =	rddreg [dreg:$0x2]  }
0x4: {  	s4 =	simm.s32 $0x0;
	s11 =	stileid.u32;
	s5 =	srdreg.scid  }
0x5: {  	[smem:$0x7FF] =	sst s4;
	s2 =	smul.u32 $0x13C00, s11;
	s6 =	sand.u32 $0x1, s5  }
0x6: {  	s12 =	sadd.s32 $0xA000, s0;
	s13 =	sadd.s32 $0x200, s0;
	s31 =	smul.u32 $0x4F000, s11  }
0x7: {  	s28 =	sshll.u32 s11, $0x1;
	s16 =	smul.u32 $0x4E20, s11;
	_ =	strace $0x80000047  }
0x8: {  	s7 =	smul.u32 $0x13C000, s6;
	s5 =	sor.u32 s6, s28;
	s9 =	ssub.s32 $0x2, s6  }
0x9: {  	s6 =	smul.u32 $0x2710, s6;
	[dreg:$0x1a] =	wrdreg s12;
	s26 =	sshrl.u32 s2, $0x3  }
0xa: {  	s5 =	smul.u32 $0x2710, s5;
	s2 =	sadd.s32 s2, s7;
	s7 =	sshrl.u32 s31, $0x2  }
0xb: {  	[dreg:$0x1b] =	wrdreg s13;
	s8 =	sadd.s32 s26, s0;
	s7 =	sadd.s32 s7, s3  }
0xc: {  	s5 =	sshrl.u32 s5, $0x3;
	s14 =	sadd.s32 $0x13E00, s8;
	[dreg:$0x1c] =	wrdreg s7  }
0xd: {  	s10 =	sshrl.u32 s9, $0x1;
	[dreg:$0x1d] =	wrdreg s14;
	s15 =	sadd.s32 s12, s5  }
0xe: {  	s17 =	sadd.s32 s13, s5;
	s18 =	sadd.s32 $0x10, s5;
	[dreg:$0x1e] =	wrdreg s15  }
0xf: {  	s6 =	sadd.s32 s6, s16;
	[dreg:$0x1f] =	wrdreg s17;
	s19 =	sadd.s32 s12, s18  }
0x10: {  	s20 =	sadd.s32 $0x20, s5;
	s8 =	sadd.s32 s13, s18;
	[smem:$0x7ED] =	sst s19  }
0x11: {  	s2 =	sshrl.u32 s2, $0x3;
	s21 =	sadd.s32 s12, s20;
	[smem:$0x7EE] =	sst s8  }
0x12: {  	s22 =	sadd.s32 $0x30, s5;
	s23 =	sadd.s32 s13, s20;
	[smem:$0x7EF] =	sst s21  }
0x13: {  	s0 =	sadd.s32 s2, s0;
	s24 =	sadd.s32 s12, s22;
	[smem:$0x7F0] =	sst s23  }
0x14: {  	s7 =	sadd.s32 $0x40, s5;
	s26 =	sadd.s32 s13, s22;
	[smem:$0x7F1] =	sst s24  }
0x15: {  	s2 =	ssub.s32 s9, s10;
	s28 =	sadd.s32 s12, s7;
	[smem:$0x7F2] =	sst s26  }
0x16: {  	s10 =	sadd.s32 $0x700, s6;
	s7 =	sadd.s32 s13, s7;
	[smem:$0x7F3] =	sst s28  }
0x17: {  	s14 =	sshrl.u32 s10, $0x3;
	s0 =	sadd.s32 $0x3B600, s0;
	[smem:$0x7F4] =	sst s7  }
0x18: {  	s16 =	sadd.s32 $0x680, s6;
	s15 =	sadd.s32 s14, s13;
	[smem:$0x7F9] =	sst s0  }
0x19: {  	s18 =	sshrl.u32 s16, $0x3;
	s17 =	sadd.s32 s14, s12;
	[dreg:$0x6] =	wrdreg s15  }
0x1a: {  	s25 =	sadd.s32 $0x780, s6;
	s19 =	sadd.s32 s18, s13;
	[dreg:$0x7] =	wrdreg s17  }
0x1b: {  	s8 =	sshrl.u32 s25, $0x3;
	s21 =	sadd.s32 s18, s12;
	[dreg:$0x8] =	wrdreg s19  }
0x1c: {  	s20 =	sadd.s32 $0x800, s6;
	s31 =	sadd.s32 s8, s13;
	[dreg:$0x9] =	wrdreg s21  }
0x1d: {  	s22 =	sshrl.u32 s20, $0x3;
	s8 =	sadd.s32 s8, s12;
	[dreg:$0x4] =	wrdreg s31  }
0x1e: {  	s16 =	sadd.s32 $0x500, s6;
	s23 =	sadd.s32 s22, s13;
	[dreg:$0x5] =	wrdreg s8  }
0x1f: {  	s18 =	sshrl.u32 s16, $0x3;
	s25 =	sadd.s32 s22, s12;
	[dreg:$0xa] =	wrdreg s23  }
0x20: {  	s24 =	sadd.s32 $0x880, s6;
	s19 =	sadd.s32 s18, s13;
	[dreg:$0xb] =	wrdreg s25  }
0x21: {  	s26 =	sshrl.u32 s24, $0x3;
	s21 =	sadd.s32 s18, s12;
	[dreg:$0x10] =	wrdreg s19  }
0x22: {  	s20 =	sadd.s32 $0x480, s6;
	s28 =	sadd.s32 s26, s13;
	[dreg:$0x11] =	wrdreg s21  }
0x23: {  	s22 =	sshrl.u32 s20, $0x3;
	s9 =	sadd.s32 s26, s12;
	[dreg:$0xc] =	wrdreg s28  }
0x24: {  	s24 =	sadd.s32 $0x400, s6;
	s23 =	sadd.s32 s22, s13;
	[dreg:$0xd] =	wrdreg s9  }
0x25: {  	s20 =	sadd.s32 $0x50, s5;
	s25 =	sadd.s32 s22, s12;
	[dreg:$0x12] =	wrdreg s23  }
0x26: {  	s26 =	sshrl.u32 s24, $0x3;
	s22 =	sadd.s32 s12, s20;
	[dreg:$0x13] =	wrdreg s25  }
0x27: {  	s30 =	simm.s32 $0x80;
	s28 =	sadd.s32 s26, s13;
	[smem:$0x7F5] =	sst s22  }
0x28: {  	s5 =	sadd.s32 $0x4E0, s5;
	s23 =	sadd.s32 s13, s20;
	[dreg:$0x14] =	wrdreg s28  }
0x29: {  	s31 =	sadd.s32 $0x580, s6;
	s25 =	sadd.s32 s12, s5;
	[smem:$0x7F6] =	sst s23  }
0x2a: {  	s14 =	sshrl.u32 s31, $0x3;
	s5 =	sadd.s32 s13, s5;
	[smem:$0x7F7] =	sst s25  }
0x2b: {  	s29 =	simm.s32 $0xE80;
	s15 =	sadd.s32 s14, s13;
	[smem:$0x7F8] =	sst s5  }
0x2c: {  	s7 =	simm.s32 $0x1000;
	s17 =	sadd.s32 s14, s12;
	[dreg:$0xe] =	wrdreg s15  }
0x2d: {  	s31 =	sadd.s32 $0x380, s6;
	s14 =	sadd.s32 s26, s12;
	[dreg:$0xf] =	wrdreg s17  }
0x2e: {  	s9 =	simm.s32 $0x1080;
	s26 =	smax.u32 s2, $0x1;
	[dreg:$0x15] =	wrdreg s14  }
0x2f: {  	s28 =	sshll.u32 s11, $0x6;
	s5 =	simm.s32 $0x5100;
	[smem:$0x7FA] =	sst s26  }
0x30: {  	s15 =	sshrl.u32 s31, $0x3;
	s31 =	sadd.s32 $0x600, s6;
	[smem:$0x7FC] =	sst s28  }
0x31: {  	s2 =	simm.s32 $0x0;
	s0 =	sor.u32 $0x1C04, s28;
	[smem:$0x7FB] =	sst s31  }
0x32: {  	s17 =	sadd.s32 $0x300, s6;
	s16 =	sadd.s32 s15, s13;
	[smem:$0x7FD] =	sst s0  }
0x33: {  	s18 =	sadd.s32 s15, s12;
	s19 =	sshrl.u32 s17, $0x3;
	[dreg:$0x16] =	wrdreg s16  }
0x34: {  	s26 =	simm.s32 $0x1;
	[dreg:$0x17] =	wrdreg s18;
	s21 =	sadd.s32 s19, s13  }
0x35: {  	s6 =	simm.s32 $0x3;
	s24 =	sadd.s32 s19, s12;
	[dreg:$0x18] =	wrdreg s21  }
0x36: {  	s15 =	simm.s32 $0x2;
	s17 =	simm.s32 $0x1100;
	[dreg:$0x19] =	wrdreg s24  }
.LBB2_1:
0x37: {  	[smem:$0x7EB] =	sst s2  }
0x38: {  	s0 =	rddreg [dreg:$0x1c]  }
0x39: {  	s13 =	sld [smem:$0x7FD]  }
0x3a: {  	s12 =	rddreg [dreg:$0x1d];
	s8 =	sshrl.u32 s0, $0x3  }
0x3b: {  	[smem:$0x7EC] =	sst s8  }
0x3c: {  	[spmem:s8], [sflag:s13] =	dma.local [hbm:s12], $0x2780  }
0x3d: {  	s0 =	rddreg [dreg:$0x1e]  }
0x3e: {  	s14 =	rddreg [dreg:$0x1f]  }
0x3f: {  	[tilespmem:s4], [sflag:$0x2] =	stream.linear.gather [hbm4b:s0+s4], $0x80, $0x38;
	[tilespmem:$0x1CD00] =	vst v63  }
0x40: {  	s8 =	simm.s32 $0x800;
	s16 =	sld [smem:$0x7ED]  }
0x41: {  	[tilespmem:s8], [sflag:$0x2] =	stream.linear.gather [hbm4b:s14+s4], $0x80, $0x38;
	[tilespmem:$0x1CD00] =	vst v63  }
0x42: {  	s18 =	sld [smem:$0x7EE]  }
0x43: {  	[tilespmem:s30], [sflag:$0x2] =	stream.linear.gather [hbm4b:s16+s4], $0x80, $0x38;
	[tilespmem:$0x1CD00] =	vst v63  }
0x44: {  	s10 =	simm.s32 $0x880;
	s19 =	sld [smem:$0x7EF]  }
0x45: {  	[tilespmem:s10], [sflag:$0x2] =	stream.linear.gather [hbm4b:s18+s4], $0x80, $0x38;
	[tilespmem:$0x1CD00] =	vst v63  }
0x46: {  	s11 =	simm.s32 $0x100;
	s20 =	sld [smem:$0x7F0]  }
0x47: {  	[tilespmem:s11], [sflag:$0x2] =	stream.linear.gather [hbm4b:s19+s4], $0x80, $0x38;
	[tilespmem:$0x1CD00] =	vst v63  }
0x48: {  	s12 =	simm.s32 $0x900;
	s21 =	sld [smem:$0x7F1]  }
0x49: {  	[tilespmem:s12], [sflag:$0x2] =	stream.linear.gather [hbm4b:s20+s4], $0x80, $0x38;
	[tilespmem:$0x1CD00] =	vst v63  }
0x4a: {  	s22 =	sld [smem:$0x7F2];
	s18 =	simm.s32 $0x180  }
0x4b: {  	[tilespmem:s18], [sflag:$0x2] =	stream.linear.gather [hbm4b:s21+s4], $0x80, $0x38;
	[tilespmem:$0x1CD00] =	vst v63  }
0x4c: {  	s23 =	sld [smem:$0x7F3];
	s19 =	simm.s32 $0x980  }
0x4d: {  	[tilespmem:s19], [sflag:$0x2] =	stream.linear.gather [hbm4b:s22+s4], $0x80, $0x38;
	[tilespmem:$0x1CD00] =	vst v63  }
0x4e: {  	s24 =	sld [smem:$0x7F4];
	s20 =	simm.s32 $0x200  }
0x4f: {  	[tilespmem:s20], [sflag:$0x2] =	stream.linear.gather [hbm4b:s23+s4], $0x80, $0x38;
	[tilespmem:$0x1CD00] =	vst v63  }
0x50: {  	s25 =	sld [smem:$0x7F5];
	s21 =	simm.s32 $0xA00  }
0x51: {  	[tilespmem:s21], [sflag:$0x2] =	stream.linear.gather [hbm4b:s24+s4], $0x80, $0x38;
	[tilespmem:$0x1CD00] =	vst v63  }
0x52: {  	s13 =	simm.s32 $0x280;
	s28 =	sld [smem:$0x7F6]  }
0x53: {  	[tilespmem:s13], [sflag:$0x2] =	stream.linear.gather [hbm4b:s25+s4], $0x80, $0x38;
	[tilespmem:$0x1CD00] =	vst v63  }
0x54: {  	s2 =	sld [smem:$0x7F7];
	s22 =	simm.s32 $0xA80  }
0x55: {  	[tilespmem:s22], [sflag:$0x2] =	stream.linear.gather [hbm4b:s28+s4], $0x80, $0x38;
	[tilespmem:$0x1CD00] =	vst v63  }
0x56: {  	_ = 	snop  }
0x57: {  	[tilespmem:s7], [sflag:$0x2] =	stream.linear.gather [hbm4b:s2+s4], $0x10, $0x38;
	[tilespmem:$0x1CD00] =	vst v63  }
0x58: {  	s7 =	sld [smem:$0x7F8];
	_ =	sdelay $0x2  }
0x59: {  	[tilespmem:s9], [sflag:$0x2] =	stream.linear.gather [hbm4b:s7+s4], $0x10, $0x38;
	[tilespmem:$0x1CD00] =	vst v63  }
0x5a: {  	_ =	swait.ge [sflag:s15], $0x80  }
0x5b: {  	[sflag:s15] =	ssyncset.done $0x0  }
0x5c: {  	[sflag:s15] =	ssyncadd.s32 $0xFFFFFF80  }
0x5d: {  	_ =	swait.ge [sflag:s15], $0x80  }
0x5e: {  	[sflag:s15] =	ssyncset.done $0x0  }
0x5f: {  	[sflag:s15] =	ssyncadd.s32 $0xFFFFFF80  }
0x60: {  	_ =	swait.ge [sflag:s15], $0x80  }
0x61: {  	[sflag:s15] =	ssyncset.done $0x0  }
0x62: {  	[sflag:s15] =	ssyncadd.s32 $0xFFFFFF80  }
0x63: {  	_ =	swait.ge [sflag:s15], $0x80  }
0x64: {  	[sflag:s15] =	ssyncset.done $0x0  }
0x65: {  	[sflag:s15] =	ssyncadd.s32 $0xFFFFFF80  }
0x66: {  	_ =	swait.ge [sflag:s15], $0x80  }
0x67: {  	[sflag:s15] =	ssyncset.done $0x0  }
0x68: {  	[sflag:s15] =	ssyncadd.s32 $0xFFFFFF80  }
0x69: {  	_ =	swait.ge [sflag:s15], $0x80  }
0x6a: {  	[sflag:s15] =	ssyncset.done $0x0  }
0x6b: {  	[sflag:s15] =	ssyncadd.s32 $0xFFFFFF80  }
0x6c: {  	_ =	swait.ge [sflag:s15], $0x80  }
0x6d: {  	[sflag:s15] =	ssyncset.done $0x0  }
0x6e: {  	[sflag:s15] =	ssyncadd.s32 $0xFFFFFF80  }
0x6f: {  	_ =	swait.ge [sflag:s15], $0x80  }
0x70: {  	[sflag:s15] =	ssyncset.done $0x0  }
0x71: {  	[sflag:s15] =	ssyncadd.s32 $0xFFFFFF80  }
0x72: {  	_ =	swait.ge [sflag:s15], $0x80  }
0x73: {  	[sflag:s15] =	ssyncset.done $0x0  }
0x74: {  	[sflag:s15] =	ssyncadd.s32 $0xFFFFFF80  }
0x75: {  	_ =	swait.ge [sflag:s15], $0x80  }
0x76: {  	[sflag:s15] =	ssyncset.done $0x0  }
0x77: {  	[sflag:s15] =	ssyncadd.s32 $0xFFFFFF80  }
0x78: {  	_ =	swait.ge [sflag:s15], $0x80  }
0x79: {  	[sflag:s15] =	ssyncset.done $0x0  }
0x7a: {  	[sflag:s15] =	ssyncadd.s32 $0xFFFFFF80  }
0x7b: {  	_ =	swait.ge [sflag:s15], $0x80  }
0x7c: {  	[sflag:s15] =	ssyncset.done $0x0  }
0x7d: {  	[sflag:s15] =	ssyncadd.s32 $0xFFFFFF80  }
0x7e: {  	_ =	swait.ge [sflag:s15], $0x10  }
0x7f: {  	[sflag:s15] =	ssyncset.done $0x0  }
0x80: {  	[sflag:s15] =	ssyncadd.s32 $0xFFFFFFF0  }
0x81: {  	_ =	swait.ge [sflag:s15], $0x10  }
0x82: {  	[sflag:s15] =	ssyncset.done $0x0  }
0x83: {  	s14 =	simm.s32 $0x4;
	[sflag:s15] =	ssyncadd.s32 $0xFFFFFFF0  }
0x84: {  	_ =	swait.ge [sflag:s14], $0x2780  }
0x85: {  	[sflag:s14] =	ssyncset.done $0x0  }
0x86: {  	[sflag:s14] =	ssyncadd.s32 $0xFFFFD880  }
0x87: {  	[bflag:$0x0] =	sbarrier.arrive $0xFFFF  }
0x88: {  	s16 =	rddreg [dreg:$0x19]  }
0x89: {  	[tilespmem:s17], [sflag:$0x1] =	stream.indirect.gather [hbm4b:s1+s30], $0x80, s4, s30, $0xb8;
	[tilespmem:$0x1CD00] =	vst v63  }
0x8a: {  	s9 =	simm.s32 $0x400;
	s23 =	rddreg [dreg:$0x18];
	s0 =	sadd.s32 $0x0, s16  }
0x8b: {  	[tilespmem:s9], [sflag:$0x2] =	stream.linear.gather [hbm4b:s0+s4], $0x80, $0x38;
	[tilespmem:$0x1CD00] =	vst v63  }
0x8c: {  	s14 =	simm.s32 $0xC00;
	s24 =	rddreg [dreg:$0x17];
	s25 =	sadd.s32 $0x0, s23  }
0x8d: {  	[tilespmem:s14], [sflag:$0x2] =	stream.linear.gather [hbm4b:s25+s4], $0x80, $0x38;
	[tilespmem:$0x1CD00] =	vst v63  }
0x8e: {  	s28 =	rddreg [dreg:$0x16];
	s7 =	sadd.s32 $0x0, s24;
	s23 =	simm.s32 $0x480  }
0x8f: {  	[tilespmem:s23], [sflag:$0x2] =	stream.linear.gather [hbm4b:s7+s4], $0x80, $0x38;
	[tilespmem:$0x1CD00] =	vst v63  }
0x90: {  	s16 =	rddreg [dreg:$0x15];
	s24 =	simm.s32 $0xC80;
	s25 =	sadd.s32 $0x0, s28  }
0x91: {  	[tilespmem:s24], [sflag:$0x2] =	stream.linear.gather [hbm4b:s25+s4], $0x80, $0x38;
	[tilespmem:$0x1CD00] =	vst v63  }
0x92: {  	s16 =	sadd.s32 $0x0, s16;
	s28 =	rddreg [dreg:$0x14];
	s25 =	simm.s32 $0x500  }
0x93: {  	[tilespmem:s25], [sflag:$0x2] =	stream.linear.gather [hbm4b:s16+s4], $0x80, $0x38;
	[tilespmem:$0x1CD00] =	vst v63  }
0x94: {  	s28 =	sadd.s32 $0x0, s28;
	s7 =	rddreg [dreg:$0x13];
	s16 =	simm.s32 $0xD00  }
0x95: {  	[tilespmem:s16], [sflag:$0x2] =	stream.linear.gather [hbm4b:s28+s4], $0x80, $0x38;
	[tilespmem:$0x1CD00] =	vst v63  }
0x96: {  	s2 =	rddreg [dreg:$0x12];
	s16 =	sadd.s32 $0x0, s7;
	s28 =	simm.s32 $0x580  }
0x97: {  	[tilespmem:s28], [sflag:$0x2] =	stream.linear.gather [hbm4b:s16+s4], $0x80, $0x38;
	[tilespmem:$0x1CD00] =	vst v63  }
0x98: {  	s0 =	sadd.s32 $0x0, s2;
	s7 =	rddreg [dreg:$0x11];
	s16 =	simm.s32 $0xD80  }
0x99: {  	[tilespmem:s16], [sflag:$0x2] =	stream.linear.gather [hbm4b:s0+s4], $0x80, $0x38;
	[tilespmem:$0x1CD00] =	vst v63  }
0x9a: {  	s31 =	simm.s32 $0x600;
	s2 =	rddreg [dreg:$0x10];
	s16 =	sadd.s32 $0x0, s7  }
0x9b: {  	[tilespmem:s31], [sflag:$0x2] =	stream.linear.gather [hbm4b:s16+s4], $0x80, $0x38;
	[tilespmem:$0x1CD00] =	vst v63  }
0x9c: {  	s7 =	rddreg [dreg:$0xf];
	s0 =	sadd.s32 $0x0, s2;
	s16 =	simm.s32 $0xE00  }
0x9d: {  	[tilespmem:s16], [sflag:$0x2] =	stream.linear.gather [hbm4b:s0+s4], $0x80, $0x38;
	[tilespmem:$0x1CD00] =	vst v63  }
0x9e: {  	s2 =	rddreg [dreg:$0xe];
	s7 =	sadd.s32 $0x0, s7;
	s16 =	simm.s32 $0x680  }
0x9f: {  	[tilespmem:s16], [sflag:$0x2] =	stream.linear.gather [hbm4b:s7+s4], $0x80, $0x38;
	[tilespmem:$0x1CD00] =	vst v63  }
0xa0: {  	s2 =	sadd.s32 $0x0, s2  }
0xa1: {  	[tilespmem:s29], [sflag:$0x2] =	stream.linear.gather [hbm4b:s2+s4], $0x80, $0x38;
	[tilespmem:$0x1CD00] =	vst v63  }
0xa2: {  	_ =	swait.ge [sflag:s26], $0x4000  }
0xa3: {  	p0 =	por $0x1, $0x1;
	[sflag:s26] =	ssyncset.done $0x0  }
0xa4: {  	s0 =	simm.s32 @!p0 $0x3;
	[sflag:s26] =	ssyncadd.s32 $0xFFFFC000  }
0xa5: {  	_ =	swait.ge @!p0 [sflag:s0], $0x4000  }
0xa6: {  	[sflag:s0] =	ssyncset.done @!p0 $0x0  }
0xa7: {  	[sflag:s0] =	ssyncadd.s32 @!p0 $0xFFFFC000  }
0xa8: {  	[tilespmem:s5], [sflag:$0x1] =	stream.indirect.gather [hbm4b:s1+s30], $0x80, s30, s30, $0xb8;
	[tilespmem:$0x1CD00] =	vst v63  }
0xa9: {  	_ = 	snop  }
0xaa: {  	[spmem:s3] =	stream.indirect.scatter.add.f32 [tilespmem:s17], [sflag:$0x3], $0x80, s8, s30, $0xb8;
	[tilespmem:$0x1CD00] =	vst v63  }
0xab: {  	_ =	swait.ge [sflag:s26], $0x4000  }
0xac: {  	[sflag:s26] =	ssyncset.done $0x0  }
0xad: {  	[sflag:s26] =	ssyncadd.s32 $0xFFFFC000  }
0xae: {  	_ =	swait.ge [sflag:s6], $0x4000  }
0xaf: {  	[sflag:s6] =	ssyncset.done $0x0  }
0xb0: {  	[sflag:s6] =	ssyncadd.s32 $0xFFFFC000  }
0xb1: {  	[tilespmem:s17], [sflag:$0x1] =	stream.indirect.gather [hbm4b:s1+s30], $0x80, s11, s30, $0xb8;
	[tilespmem:$0x1CD00] =	vst v63  }
0xb2: {  	_ = 	snop  }
0xb3: {  	[spmem:s3] =	stream.indirect.scatter.add.f32 [tilespmem:s5], [sflag:$0x3], $0x80, s10, s30, $0xb8;
	[tilespmem:$0x1CD00] =	vst v63  }
0xb4: {  	_ =	swait.ge [sflag:s26], $0x4000  }
0xb5: {  	[sflag:s26] =	ssyncset.done $0x0  }
0xb6: {  	[sflag:s26] =	ssyncadd.s32 $0xFFFFC000  }
0xb7: {  	_ =	swait.ge [sflag:s6], $0x4000  }
0xb8: {  	[sflag:s6] =	ssyncset.done $0x0  }
0xb9: {  	[sflag:s6] =	ssyncadd.s32 $0xFFFFC000  }
0xba: {  	[tilespmem:s5], [sflag:$0x1] =	stream.indirect.gather [hbm4b:s1+s30], $0x80, s18, s30, $0xb8;
	[tilespmem:$0x1CD00] =	vst v63  }
0xbb: {  	_ = 	snop  }
0xbc: {  	[spmem:s3] =	stream.indirect.scatter.add.f32 [tilespmem:s17], [sflag:$0x3], $0x80, s12, s30, $0xb8;
	[tilespmem:$0x1CD00] =	vst v63  }
0xbd: {  	_ =	swait.ge [sflag:s26], $0x4000  }
0xbe: {  	[sflag:s26] =	ssyncset.done $0x0  }
0xbf: {  	[sflag:s26] =	ssyncadd.s32 $0xFFFFC000  }
0xc0: {  	_ =	swait.ge [sflag:s6], $0x4000  }
0xc1: {  	[sflag:s6] =	ssyncset.done $0x0  }
0xc2: {  	[sflag:s6] =	ssyncadd.s32 $0xFFFFC000  }
0xc3: {  	[tilespmem:s17], [sflag:$0x1] =	stream.indirect.gather [hbm4b:s1+s30], $0x80, s20, s30, $0xb8;
	[tilespmem:$0x1CD00] =	vst v63  }
0xc4: {  	_ = 	snop  }
0xc5: {  	[spmem:s3] =	stream.indirect.scatter.add.f32 [tilespmem:s5], [sflag:$0x3], $0x80, s19, s30, $0xb8;
	[tilespmem:$0x1CD00] =	vst v63  }
0xc6: {  	_ =	swait.ge [sflag:s26], $0x4000  }
0xc7: {  	[sflag:s26] =	ssyncset.done $0x0  }
0xc8: {  	[sflag:s26] =	ssyncadd.s32 $0xFFFFC000  }
0xc9: {  	_ =	swait.ge [sflag:s6], $0x4000  }
0xca: {  	[sflag:s6] =	ssyncset.done $0x0  }
0xcb: {  	[sflag:s6] =	ssyncadd.s32 $0xFFFFC000  }
0xcc: {  	[tilespmem:s5], [sflag:$0x1] =	stream.indirect.gather [hbm4b:s1+s30], $0x80, s13, s30, $0xb8;
	[tilespmem:$0x1CD00] =	vst v63  }
0xcd: {  	_ = 	snop  }
0xce: {  	[spmem:s3] =	stream.indirect.scatter.add.f32 [tilespmem:s17], [sflag:$0x3], $0x80, s21, s30, $0xb8;
	[tilespmem:$0x1CD00] =	vst v63  }
0xcf: {  	_ =	swait.ge [sflag:s26], $0x4000  }
0xd0: {  	[sflag:s26] =	ssyncset.done $0x0  }
0xd1: {  	[sflag:s26] =	ssyncadd.s32 $0xFFFFC000  }
0xd2: {  	_ =	swait.ge [sflag:s6], $0x4000  }
0xd3: {  	[sflag:s6] =	ssyncset.done $0x0  }
0xd4: {  	[sflag:s6] =	ssyncadd.s32 $0xFFFFC000  }
0xd5: {  	_ =	swait.ge [sflag:s15], $0x80  }
0xd6: {  	[sflag:s15] =	ssyncset.done $0x0  }
0xd7: {  	[sflag:s15] =	ssyncadd.s32 $0xFFFFFF80  }
0xd8: {  	_ =	swait.ge [sflag:s15], $0x80  }
0xd9: {  	[sflag:s15] =	ssyncset.done $0x0  }
0xda: {  	[sflag:s15] =	ssyncadd.s32 $0xFFFFFF80  }
0xdb: {  	_ =	swait.ge [sflag:s15], $0x80  }
0xdc: {  	[sflag:s15] =	ssyncset.done $0x0  }
0xdd: {  	[sflag:s15] =	ssyncadd.s32 $0xFFFFFF80  }
0xde: {  	_ =	swait.ge [sflag:s15], $0x80  }
0xdf: {  	[sflag:s15] =	ssyncset.done $0x0  }
0xe0: {  	[sflag:s15] =	ssyncadd.s32 $0xFFFFFF80  }
0xe1: {  	_ =	swait.ge [sflag:s15], $0x80  }
0xe2: {  	[sflag:s15] =	ssyncset.done $0x0  }
0xe3: {  	[sflag:s15] =	ssyncadd.s32 $0xFFFFFF80  }
0xe4: {  	_ =	swait.ge [sflag:s15], $0x80  }
0xe5: {  	[sflag:s15] =	ssyncset.done $0x0  }
0xe6: {  	[sflag:s15] =	ssyncadd.s32 $0xFFFFFF80  }
0xe7: {  	_ =	swait.ge [sflag:s15], $0x80  }
0xe8: {  	[sflag:s15] =	ssyncset.done $0x0  }
0xe9: {  	[sflag:s15] =	ssyncadd.s32 $0xFFFFFF80  }
0xea: {  	_ =	swait.ge [sflag:s15], $0x80  }
0xeb: {  	[sflag:s15] =	ssyncset.done $0x0  }
0xec: {  	[sflag:s15] =	ssyncadd.s32 $0xFFFFFF80  }
0xed: {  	_ =	swait.ge [sflag:s15], $0x80  }
0xee: {  	[sflag:s15] =	ssyncset.done $0x0  }
0xef: {  	[sflag:s15] =	ssyncadd.s32 $0xFFFFFF80  }
0xf0: {  	_ =	swait.ge [sflag:s15], $0x80  }
0xf1: {  	[sflag:s15] =	ssyncset.done $0x0  }
0xf2: {  	[sflag:s15] =	ssyncadd.s32 $0xFFFFFF80  }
0xf3: {  	_ =	swait.ge [sflag:s15], $0x80  }
0xf4: {  	[sflag:s15] =	ssyncset.done $0x0  }
0xf5: {  	[sflag:s15] =	ssyncadd.s32 $0xFFFFFF80  }
0xf6: {  	_ =	swait.ge [sflag:s15], $0x80  }
0xf7: {  	[sflag:s15] =	ssyncset.done $0x0  }
0xf8: {  	[sflag:s15] =	ssyncadd.s32 $0xFFFFFF80  }
0xf9: {  	[tilespmem:s17], [sflag:$0x1] =	stream.indirect.gather [hbm4b:s1+s30], $0x80, s9, s30, $0xb8;
	[tilespmem:$0x1CD00] =	vst v63  }
0xfa: {  	s9 =	sld [smem:$0x7FB];
	_ =	sdelay $0x1  }
0xfb: {  	[spmem:s3] =	stream.indirect.scatter.add.f32 [tilespmem:s5], [sflag:$0x3], $0x80, s22, s30, $0xb8;
	[tilespmem:$0x1CD00] =	vst v63  }
0xfc: {  	s7 =	rddreg [dreg:$0x1a];
	s0 =	sshrl.u32 s9, $0x3  }
0xfd: {  	s2 =	sadd.s32 s7, s0  }
0xfe: {  	[tilespmem:s4], [sflag:$0x2] =	stream.linear.gather [hbm4b:s2+s4], $0x80, $0x38;
	[tilespmem:$0x1CD00] =	vst v63  }
0xff: {  	s2 =	rddreg [dreg:$0x1b]  }
0x100: {  	s7 =	rddreg [dreg:$0x9];
	s0 =	sadd.s32 s2, s0  }
0x101: {  	[tilespmem:s8], [sflag:$0x2] =	stream.linear.gather [hbm4b:s0+s4], $0x80, $0x38;
	[tilespmem:$0x1CD00] =	vst v63  }
0x102: {  	s2 =	rddreg [dreg:$0x8];
	s8 =	sadd.s32 $0x0, s7  }
0x103: {  	[tilespmem:s30], [sflag:$0x2] =	stream.linear.gather [hbm4b:s8+s4], $0x80, $0x38;
	[tilespmem:$0x1CD00] =	vst v63  }
0x104: {  	s7 =	rddreg [dreg:$0x7];
	s2 =	sadd.s32 $0x0, s2  }
0x105: {  	[tilespmem:s10], [sflag:$0x2] =	stream.linear.gather [hbm4b:s2+s4], $0x80, $0x38;
	[tilespmem:$0x1CD00] =	vst v63  }
0x106: {  	s8 =	rddreg [dreg:$0x6];
	s10 =	sadd.s32 $0x0, s7  }
0x107: {  	[tilespmem:s11], [sflag:$0x2] =	stream.linear.gather [hbm4b:s10+s4], $0x80, $0x38;
	[tilespmem:$0x1CD00] =	vst v63  }
0x108: {  	s8 =	sadd.s32 $0x0, s8;
	s7 =	rddreg [dreg:$0x5]  }
0x109: {  	[tilespmem:s12], [sflag:$0x2] =	stream.linear.gather [hbm4b:s8+s4], $0x80, $0x38;
	[tilespmem:$0x1CD00] =	vst v63  }
0x10a: {  	s10 =	rddreg [dreg:$0x4];
	s11 =	sadd.s32 $0x0, s7  }
0x10b: {  	[tilespmem:s18], [sflag:$0x2] =	stream.linear.gather [hbm4b:s11+s4], $0x80, $0x38;
	[tilespmem:$0x1CD00] =	vst v63  }
0x10c: {  	s12 =	rddreg [dreg:$0xb];
	s8 =	sadd.s32 $0x0, s10  }
0x10d: {  	[tilespmem:s19], [sflag:$0x2] =	stream.linear.gather [hbm4b:s8+s4], $0x80, $0x38;
	[tilespmem:$0x1CD00] =	vst v63  }
0x10e: {  	s10 =	rddreg [dreg:$0xa];
	s11 =	sadd.s32 $0x0, s12  }
0x10f: {  	[tilespmem:s20], [sflag:$0x2] =	stream.linear.gather [hbm4b:s11+s4], $0x80, $0x38;
	[tilespmem:$0x1CD00] =	vst v63  }
0x110: {  	s12 =	rddreg [dreg:$0xd];
	s18 =	sadd.s32 $0x0, s10  }
0x111: {  	[tilespmem:s21], [sflag:$0x2] =	stream.linear.gather [hbm4b:s18+s4], $0x80, $0x38;
	[tilespmem:$0x1CD00] =	vst v63  }
0x112: {  	s19 =	rddreg [dreg:$0xc];
	s20 =	sadd.s32 $0x0, s12  }
0x113: {  	[tilespmem:s13], [sflag:$0x2] =	stream.linear.gather [hbm4b:s20+s4], $0x80, $0x38;
	[tilespmem:$0x1CD00] =	vst v63  }
0x114: {  	s21 =	sadd.s32 $0x0, s19  }
0x115: {  	[tilespmem:s22], [sflag:$0x2] =	stream.linear.gather [hbm4b:s21+s4], $0x80, $0x38;
	[tilespmem:$0x1CD00] =	vst v63  }
0x116: {  	_ =	swait.ge [sflag:s26], $0x4000  }
0x117: {  	[sflag:s26] =	ssyncset.done $0x0  }
0x118: {  	[sflag:s26] =	ssyncadd.s32 $0xFFFFC000  }
0x119: {  	_ =	swait.ge [sflag:s6], $0x4000  }
0x11a: {  	[sflag:s6] =	ssyncset.done $0x0  }
0x11b: {  	[sflag:s6] =	ssyncadd.s32 $0xFFFFC000  }
0x11c: {  	[tilespmem:s5], [sflag:$0x1] =	stream.indirect.gather [hbm4b:s1+s30], $0x80, s23, s30, $0xb8;
	[tilespmem:$0x1CD00] =	vst v63  }
0x11d: {  	_ = 	snop  }
0x11e: {  	[spmem:s3] =	stream.indirect.scatter.add.f32 [tilespmem:s17], [sflag:$0x3], $0x80, s14, s30, $0xb8;
	[tilespmem:$0x1CD00] =	vst v63  }
0x11f: {  	_ =	swait.ge [sflag:s26], $0x4000  }
0x120: {  	[sflag:s26] =	ssyncset.done $0x0  }
0x121: {  	[sflag:s26] =	ssyncadd.s32 $0xFFFFC000  }
0x122: {  	_ =	swait.ge [sflag:s6], $0x4000  }
0x123: {  	[sflag:s6] =	ssyncset.done $0x0  }
0x124: {  	[sflag:s6] =	ssyncadd.s32 $0xFFFFC000  }
0x125: {  	[tilespmem:s17], [sflag:$0x1] =	stream.indirect.gather [hbm4b:s1+s30], $0x80, s25, s30, $0xb8;
	[tilespmem:$0x1CD00] =	vst v63  }
0x126: {  	_ = 	snop  }
0x127: {  	[spmem:s3] =	stream.indirect.scatter.add.f32 [tilespmem:s5], [sflag:$0x3], $0x80, s24, s30, $0xb8;
	[tilespmem:$0x1CD00] =	vst v63  }
0x128: {  	_ =	swait.ge [sflag:s26], $0x4000  }
0x129: {  	[sflag:s26] =	ssyncset.done $0x0  }
0x12a: {  	[sflag:s26] =	ssyncadd.s32 $0xFFFFC000  }
0x12b: {  	_ =	swait.ge [sflag:s6], $0x4000  }
0x12c: {  	[sflag:s6] =	ssyncset.done $0x0  }
0x12d: {  	[sflag:s6] =	ssyncadd.s32 $0xFFFFC000  }
0x12e: {  	[tilespmem:s5], [sflag:$0x1] =	stream.indirect.gather [hbm4b:s1+s30], $0x80, s28, s30, $0xb8;
	[tilespmem:$0x1CD00] =	vst v63  }
0x12f: {  	s24 =	simm.s32 $0xD00  }
0x130: {  	[spmem:s3] =	stream.indirect.scatter.add.f32 [tilespmem:s17], [sflag:$0x3], $0x80, s24, s30, $0xb8;
	[tilespmem:$0x1CD00] =	vst v63  }
0x131: {  	_ =	swait.ge [sflag:s26], $0x4000  }
0x132: {  	[sflag:s26] =	ssyncset.done $0x0  }
0x133: {  	[sflag:s26] =	ssyncadd.s32 $0xFFFFC000  }
0x134: {  	_ =	swait.ge [sflag:s6], $0x4000  }
0x135: {  	[sflag:s6] =	ssyncset.done $0x0  }
0x136: {  	[sflag:s6] =	ssyncadd.s32 $0xFFFFC000  }
0x137: {  	[tilespmem:s17], [sflag:$0x1] =	stream.indirect.gather [hbm4b:s1+s30], $0x80, s31, s30, $0xb8;
	[tilespmem:$0x1CD00] =	vst v63  }
0x138: {  	s25 =	simm.s32 $0xD80  }
0x139: {  	[spmem:s3] =	stream.indirect.scatter.add.f32 [tilespmem:s5], [sflag:$0x3], $0x80, s25, s30, $0xb8;
	[tilespmem:$0x1CD00] =	vst v63  }
0x13a: {  	_ =	swait.ge [sflag:s26], $0x4000  }
0x13b: {  	[sflag:s26] =	ssyncset.done $0x0  }
0x13c: {  	[sflag:s26] =	ssyncadd.s32 $0xFFFFC000  }
0x13d: {  	_ =	swait.ge [sflag:s6], $0x4000  }
0x13e: {  	[sflag:s6] =	ssyncset.done $0x0  }
0x13f: {  	s16 =	simm.s32 $0x680;
	[sflag:s6] =	ssyncadd.s32 $0xFFFFC000  }
0x140: {  	[tilespmem:s5], [sflag:$0x1] =	stream.indirect.gather [hbm4b:s1+s30], $0x80, s16, s30, $0xb8;
	[tilespmem:$0x1CD00] =	vst v63  }
0x141: {  	s28 =	simm.s32 $0xE00  }
0x142: {  	[spmem:s3] =	stream.indirect.scatter.add.f32 [tilespmem:s17], [sflag:$0x3], $0x80, s28, s30, $0xb8;
	[tilespmem:$0x1CD00] =	vst v63  }
0x143: {  	_ =	swait.ge [sflag:s26], $0x4000  }
0x144: {  	[sflag:s26] =	ssyncset.done $0x0  }
0x145: {  	[sflag:s26] =	ssyncadd.s32 $0xFFFFC000  }
0x146: {  	_ =	swait.ge [sflag:s6], $0x4000  }
0x147: {  	[sflag:s6] =	ssyncset.done $0x0  }
0x148: {  	[sflag:s6] =	ssyncadd.s32 $0xFFFFC000  }
0x149: {  	_ =	swait.ge [sflag:s15], $0x80  }
0x14a: {  	[sflag:s15] =	ssyncset.done $0x0  }
0x14b: {  	[sflag:s15] =	ssyncadd.s32 $0xFFFFFF80  }
0x14c: {  	_ =	swait.ge [sflag:s15], $0x80  }
0x14d: {  	[sflag:s15] =	ssyncset.done $0x0  }
0x14e: {  	[sflag:s15] =	ssyncadd.s32 $0xFFFFFF80  }
0x14f: {  	_ =	swait.ge [sflag:s15], $0x80  }
0x150: {  	[sflag:s15] =	ssyncset.done $0x0  }
0x151: {  	[sflag:s15] =	ssyncadd.s32 $0xFFFFFF80  }
0x152: {  	_ =	swait.ge [sflag:s15], $0x80  }
0x153: {  	[sflag:s15] =	ssyncset.done $0x0  }
0x154: {  	[sflag:s15] =	ssyncadd.s32 $0xFFFFFF80  }
0x155: {  	_ =	swait.ge [sflag:s15], $0x80  }
0x156: {  	[sflag:s15] =	ssyncset.done $0x0  }
0x157: {  	[sflag:s15] =	ssyncadd.s32 $0xFFFFFF80  }
0x158: {  	_ =	swait.ge [sflag:s15], $0x80  }
0x159: {  	[sflag:s15] =	ssyncset.done $0x0  }
0x15a: {  	[sflag:s15] =	ssyncadd.s32 $0xFFFFFF80  }
0x15b: {  	_ =	swait.ge [sflag:s15], $0x80  }
0x15c: {  	[sflag:s15] =	ssyncset.done $0x0  }
0x15d: {  	[sflag:s15] =	ssyncadd.s32 $0xFFFFFF80  }
0x15e: {  	_ =	swait.ge [sflag:s15], $0x80  }
0x15f: {  	[sflag:s15] =	ssyncset.done $0x0  }
0x160: {  	[sflag:s15] =	ssyncadd.s32 $0xFFFFFF80  }
0x161: {  	_ =	swait.ge [sflag:s15], $0x80  }
0x162: {  	[sflag:s15] =	ssyncset.done $0x0  }
0x163: {  	[sflag:s15] =	ssyncadd.s32 $0xFFFFFF80  }
0x164: {  	_ =	swait.ge [sflag:s15], $0x80  }
0x165: {  	[sflag:s15] =	ssyncset.done $0x0  }
0x166: {  	[sflag:s15] =	ssyncadd.s32 $0xFFFFFF80  }
0x167: {  	_ =	swait.ge [sflag:s15], $0x80  }
0x168: {  	[sflag:s15] =	ssyncset.done $0x0  }
0x169: {  	[sflag:s15] =	ssyncadd.s32 $0xFFFFFF80  }
0x16a: {  	s29 =	simm.s32 $0xC0;
	_ =	swait.ge [sflag:s15], $0x80  }
0x16b: {  	s0 =	simm.s32 $0x180;
	[sflag:s15] =	ssyncset.done $0x0;
	s7 =	rddreg [dreg:$0x18]  }
0x16c: {  	s31 =	sadd.s32 $0x600, s9;
	s8 =	rddreg [dreg:$0x19];
	[sflag:s15] =	ssyncadd.s32 $0xFFFFFF80  }
0x16d: {  	[tilespmem:s17], [sflag:$0x1] =	stream.indirect.gather [hbm4b:s1+s30], $0x80, s4, s30, $0xb8;
	[tilespmem:$0x1CD00] =	vst v63  }
.LBB2_2:
0x16e: {  	s10 =	simm.s32 $0xE80  }
0x16f: {  	[spmem:s3] =	stream.indirect.scatter.add.f32 [tilespmem:s5], [sflag:$0x3], $0x80, s10, s30, $0xb8;
	[tilespmem:$0x1CD00] =	vst v63  }
0x170: {  	s8 =	sadd.s32 s29, s8;
	s14 =	simm.s32 $0x400  }
0x171: {  	[tilespmem:s14], [sflag:$0x2] =	stream.linear.gather [hbm4b:s8+s4], $0x80, $0x38;
	[tilespmem:$0x1CD00] =	vst v63  }
0x172: {  	s9 =	rddreg [dreg:$0x17];
	s7 =	sadd.s32 s29, s7;
	s23 =	simm.s32 $0xC00  }
0x173: {  	[tilespmem:s23], [sflag:$0x2] =	stream.linear.gather [hbm4b:s7+s4], $0x80, $0x38;
	[tilespmem:$0x1CD00] =	vst v63  }
0x174: {  	s13 =	rddreg [dreg:$0x16];
	s24 =	simm.s32 $0x480;
	s16 =	sadd.s32 s29, s9  }
0x175: {  	[tilespmem:s24], [sflag:$0x2] =	stream.linear.gather [hbm4b:s16+s4], $0x80, $0x38;
	[tilespmem:$0x1CD00] =	vst v63  }
0x176: {  	s18 =	rddreg [dreg:$0x15];
	s28 =	simm.s32 $0xC80;
	s19 =	sadd.s32 s29, s13  }
0x177: {  	[tilespmem:s28], [sflag:$0x2] =	stream.linear.gather [hbm4b:s19+s4], $0x80, $0x38;
	[tilespmem:$0x1CD00] =	vst v63  }
0x178: {  	s20 =	rddreg [dreg:$0x14];
	s25 =	simm.s32 $0x500;
	s21 =	sadd.s32 s29, s18  }
0x179: {  	[tilespmem:s25], [sflag:$0x2] =	stream.linear.gather [hbm4b:s21+s4], $0x80, $0x38;
	[tilespmem:$0x1CD00] =	vst v63  }
0x17a: {  	s22 =	rddreg [dreg:$0x13];
	s11 =	simm.s32 $0xD00;
	s12 =	sadd.s32 s29, s20  }
0x17b: {  	[tilespmem:s11], [sflag:$0x2] =	stream.linear.gather [hbm4b:s12+s4], $0x80, $0x38;
	[tilespmem:$0x1CD00] =	vst v63  }
0x17c: {  	s13 =	rddreg [dreg:$0x12];
	s18 =	sadd.s32 s29, s22;
	s16 =	simm.s32 $0x580  }
0x17d: {  	[tilespmem:s16], [sflag:$0x2] =	stream.linear.gather [hbm4b:s18+s4], $0x80, $0x38;
	[tilespmem:$0x1CD00] =	vst v63  }
0x17e: {  	s22 =	simm.s32 $0xD80;
	s20 =	sadd.s32 s29, s13;
	s19 =	rddreg [dreg:$0x11]  }
0x17f: {  	[tilespmem:s22], [sflag:$0x2] =	stream.linear.gather [hbm4b:s20+s4], $0x80, $0x38;
	[tilespmem:$0x1CD00] =	vst v63  }
0x180: {  	s13 =	simm.s32 $0x600;
	s21 =	rddreg [dreg:$0x10];
	s11 =	sadd.s32 s29, s19  }
0x181: {  	[tilespmem:s13], [sflag:$0x2] =	stream.linear.gather [hbm4b:s11+s4], $0x80, $0x38;
	[tilespmem:$0x1CD00] =	vst v63  }
0x182: {  	s12 =	rddreg [dreg:$0xf];
	s18 =	sadd.s32 s29, s21;
	s20 =	simm.s32 $0xE00  }
0x183: {  	[tilespmem:s20], [sflag:$0x2] =	stream.linear.gather [hbm4b:s18+s4], $0x80, $0x38;
	[tilespmem:$0x1CD00] =	vst v63  }
0x184: {  	s19 =	rddreg [dreg:$0xe];
	s21 =	sadd.s32 s29, s12;
	s22 =	simm.s32 $0x680  }
0x185: {  	[tilespmem:s22], [sflag:$0x2] =	stream.linear.gather [hbm4b:s21+s4], $0x80, $0x38;
	[tilespmem:$0x1CD00] =	vst v63  }
0x186: {  	s8 =	sadd.s32 s29, s19  }
0x187: {  	[tilespmem:s10], [sflag:$0x2] =	stream.linear.gather [hbm4b:s8+s4], $0x80, $0x38;
	[tilespmem:$0x1CD00] =	vst v63  }
0x188: {  	_ =	swait.ge [sflag:s26], $0x4000  }
0x189: {  	p1 =	seq.s32 s29, $0x0;
	[sflag:s26] =	ssyncset.done $0x0  }
0x18a: {  	s7 =	simm.s32 @!p1 $0x3;
	[sflag:s26] =	ssyncadd.s32 $0xFFFFC000  }
0x18b: {  	_ =	swait.ge @!p1 [sflag:s7], $0x4000  }
0x18c: {  	[sflag:s7] =	ssyncset.done @!p1 $0x0  }
0x18d: {  	[sflag:s7] =	ssyncadd.s32 @!p1 $0xFFFFC000  }
0x18e: {  	[tilespmem:s5], [sflag:$0x1] =	stream.indirect.gather [hbm4b:s1+s30], $0x80, s30, s30, $0xb8;
	[tilespmem:$0x1CD00] =	vst v63  }
0x18f: {  	s10 =	simm.s32 $0x800  }
0x190: {  	[spmem:s3] =	stream.indirect.scatter.add.f32 [tilespmem:s17], [sflag:$0x3], $0x80, s10, s30, $0xb8;
	[tilespmem:$0x1CD00] =	vst v63  }
0x191: {  	_ =	swait.ge [sflag:s26], $0x4000  }
0x192: {  	[sflag:s26] =	ssyncset.done $0x0  }
0x193: {  	[sflag:s26] =	ssyncadd.s32 $0xFFFFC000  }
0x194: {  	_ =	swait.ge [sflag:s6], $0x4000  }
0x195: {  	[sflag:s6] =	ssyncset.done $0x0  }
0x196: {  	s12 =	simm.s32 $0x100;
	[sflag:s6] =	ssyncadd.s32 $0xFFFFC000  }
0x197: {  	[tilespmem:s17], [sflag:$0x1] =	stream.indirect.gather [hbm4b:s1+s30], $0x80, s12, s30, $0xb8;
	[tilespmem:$0x1CD00] =	vst v63  }
0x198: {  	s11 =	simm.s32 $0x880  }
0x199: {  	[spmem:s3] =	stream.indirect.scatter.add.f32 [tilespmem:s5], [sflag:$0x3], $0x80, s11, s30, $0xb8;
	[tilespmem:$0x1CD00] =	vst v63  }
0x19a: {  	_ =	swait.ge [sflag:s26], $0x4000  }
0x19b: {  	[sflag:s26] =	ssyncset.done $0x0  }
0x19c: {  	[sflag:s26] =	ssyncadd.s32 $0xFFFFC000  }
0x19d: {  	_ =	swait.ge [sflag:s6], $0x4000  }
0x19e: {  	[sflag:s6] =	ssyncset.done $0x0  }
0x19f: {  	s19 =	simm.s32 $0x180;
	[sflag:s6] =	ssyncadd.s32 $0xFFFFC000  }
0x1a0: {  	[tilespmem:s5], [sflag:$0x1] =	stream.indirect.gather [hbm4b:s1+s30], $0x80, s19, s30, $0xb8;
	[tilespmem:$0x1CD00] =	vst v63  }
0x1a1: {  	s18 =	simm.s32 $0x900  }
0x1a2: {  	[spmem:s3] =	stream.indirect.scatter.add.f32 [tilespmem:s17], [sflag:$0x3], $0x80, s18, s30, $0xb8;
	[tilespmem:$0x1CD00] =	vst v63  }
0x1a3: {  	_ =	swait.ge [sflag:s26], $0x4000  }
0x1a4: {  	[sflag:s26] =	ssyncset.done $0x0  }
0x1a5: {  	[sflag:s26] =	ssyncadd.s32 $0xFFFFC000  }
0x1a6: {  	_ =	swait.ge [sflag:s6], $0x4000  }
0x1a7: {  	[sflag:s6] =	ssyncset.done $0x0  }
0x1a8: {  	s21 =	simm.s32 $0x200;
	[sflag:s6] =	ssyncadd.s32 $0xFFFFC000  }
0x1a9: {  	[tilespmem:s17], [sflag:$0x1] =	stream.indirect.gather [hbm4b:s1+s30], $0x80, s21, s30, $0xb8;
	[tilespmem:$0x1CD00] =	vst v63  }
0x1aa: {  	s20 =	simm.s32 $0x980  }
0x1ab: {  	[spmem:s3] =	stream.indirect.scatter.add.f32 [tilespmem:s5], [sflag:$0x3], $0x80, s20, s30, $0xb8;
	[tilespmem:$0x1CD00] =	vst v63  }
0x1ac: {  	_ =	swait.ge [sflag:s26], $0x4000  }
0x1ad: {  	[sflag:s26] =	ssyncset.done $0x0  }
0x1ae: {  	[sflag:s26] =	ssyncadd.s32 $0xFFFFC000  }
0x1af: {  	_ =	swait.ge [sflag:s6], $0x4000  }
0x1b0: {  	[sflag:s6] =	ssyncset.done $0x0  }
0x1b1: {  	s22 =	simm.s32 $0x280;
	[sflag:s6] =	ssyncadd.s32 $0xFFFFC000  }
0x1b2: {  	[tilespmem:s5], [sflag:$0x1] =	stream.indirect.gather [hbm4b:s1+s30], $0x80, s22, s30, $0xb8;
	[tilespmem:$0x1CD00] =	vst v63  }
0x1b3: {  	s13 =	simm.s32 $0xA00  }
0x1b4: {  	[spmem:s3] =	stream.indirect.scatter.add.f32 [tilespmem:s17], [sflag:$0x3], $0x80, s13, s30, $0xb8;
	[tilespmem:$0x1CD00] =	vst v63  }
0x1b5: {  	_ =	swait.ge [sflag:s26], $0x4000  }
0x1b6: {  	[sflag:s26] =	ssyncset.done $0x0  }
0x1b7: {  	[sflag:s26] =	ssyncadd.s32 $0xFFFFC000  }
0x1b8: {  	_ =	swait.ge [sflag:s6], $0x4000  }
0x1b9: {  	[sflag:s6] =	ssyncset.done $0x0  }
0x1ba: {  	[sflag:s6] =	ssyncadd.s32 $0xFFFFC000  }
0x1bb: {  	_ =	swait.ge [sflag:s15], $0x80  }
0x1bc: {  	[sflag:s15] =	ssyncset.done $0x0  }
0x1bd: {  	[sflag:s15] =	ssyncadd.s32 $0xFFFFFF80  }
0x1be: {  	_ =	swait.ge [sflag:s15], $0x80  }
0x1bf: {  	[sflag:s15] =	ssyncset.done $0x0  }
0x1c0: {  	[sflag:s15] =	ssyncadd.s32 $0xFFFFFF80  }
0x1c1: {  	_ =	swait.ge [sflag:s15], $0x80  }
0x1c2: {  	[sflag:s15] =	ssyncset.done $0x0  }
0x1c3: {  	[sflag:s15] =	ssyncadd.s32 $0xFFFFFF80  }
0x1c4: {  	_ =	swait.ge [sflag:s15], $0x80  }
0x1c5: {  	[sflag:s15] =	ssyncset.done $0x0  }
0x1c6: {  	[sflag:s15] =	ssyncadd.s32 $0xFFFFFF80  }
0x1c7: {  	_ =	swait.ge [sflag:s15], $0x80  }
0x1c8: {  	[sflag:s15] =	ssyncset.done $0x0  }
0x1c9: {  	[sflag:s15] =	ssyncadd.s32 $0xFFFFFF80  }
0x1ca: {  	_ =	swait.ge [sflag:s15], $0x80  }
0x1cb: {  	[sflag:s15] =	ssyncset.done $0x0  }
0x1cc: {  	[sflag:s15] =	ssyncadd.s32 $0xFFFFFF80  }
0x1cd: {  	_ =	swait.ge [sflag:s15], $0x80  }
0x1ce: {  	[sflag:s15] =	ssyncset.done $0x0  }
0x1cf: {  	[sflag:s15] =	ssyncadd.s32 $0xFFFFFF80  }
0x1d0: {  	_ =	swait.ge [sflag:s15], $0x80  }
0x1d1: {  	[sflag:s15] =	ssyncset.done $0x0  }
0x1d2: {  	[sflag:s15] =	ssyncadd.s32 $0xFFFFFF80  }
0x1d3: {  	_ =	swait.ge [sflag:s15], $0x80  }
0x1d4: {  	[sflag:s15] =	ssyncset.done $0x0  }
0x1d5: {  	[sflag:s15] =	ssyncadd.s32 $0xFFFFFF80  }
0x1d6: {  	_ =	swait.ge [sflag:s15], $0x80  }
0x1d7: {  	[sflag:s15] =	ssyncset.done $0x0  }
0x1d8: {  	[sflag:s15] =	ssyncadd.s32 $0xFFFFFF80  }
0x1d9: {  	_ =	swait.ge [sflag:s15], $0x80  }
0x1da: {  	[sflag:s15] =	ssyncset.done $0x0  }
0x1db: {  	[sflag:s15] =	ssyncadd.s32 $0xFFFFFF80  }
0x1dc: {  	_ =	swait.ge [sflag:s15], $0x80  }
0x1dd: {  	[sflag:s15] =	ssyncset.done $0x0  }
0x1de: {  	[sflag:s15] =	ssyncadd.s32 $0xFFFFFF80  }
0x1df: {  	[tilespmem:s17], [sflag:$0x1] =	stream.indirect.gather [hbm4b:s1+s30], $0x80, s14, s30, $0xb8;
	[tilespmem:$0x1CD00] =	vst v63  }
0x1e0: {  	s7 =	sshrl.u32 s31, $0x3;
	s9 =	rddreg [dreg:$0x1a];
	s14 =	simm.s32 $0xA80  }
0x1e1: {  	[spmem:s3] =	stream.indirect.scatter.add.f32 [tilespmem:s5], [sflag:$0x3], $0x80, s14, s30, $0xb8;
	[tilespmem:$0x1CD00] =	vst v63  }
0x1e2: {  	s8 =	sadd.s32 s9, s7  }
0x1e3: {  	[tilespmem:s4], [sflag:$0x2] =	stream.linear.gather [hbm4b:s8+s4], $0x80, $0x38;
	[tilespmem:$0x1CD00] =	vst v63  }
0x1e4: {  	s8 =	rddreg [dreg:$0x1b]  }
0x1e5: {  	s9 =	rddreg [dreg:$0x9];
	s7 =	sadd.s32 s8, s7  }
0x1e6: {  	[tilespmem:s10], [sflag:$0x2] =	stream.linear.gather [hbm4b:s7+s4], $0x80, $0x38;
	[tilespmem:$0x1CD00] =	vst v63  }
0x1e7: {  	s8 =	rddreg [dreg:$0x8];
	s10 =	sadd.s32 s29, s9  }
0x1e8: {  	[tilespmem:s30], [sflag:$0x2] =	stream.linear.gather [hbm4b:s10+s4], $0x80, $0x38;
	[tilespmem:$0x1CD00] =	vst v63  }
0x1e9: {  	s9 =	rddreg [dreg:$0x7];
	s8 =	sadd.s32 s29, s8  }
0x1ea: {  	[tilespmem:s11], [sflag:$0x2] =	stream.linear.gather [hbm4b:s8+s4], $0x80, $0x38;
	[tilespmem:$0x1CD00] =	vst v63  }
0x1eb: {  	s10 =	rddreg [dreg:$0x6];
	s11 =	sadd.s32 s29, s9  }
0x1ec: {  	[tilespmem:s12], [sflag:$0x2] =	stream.linear.gather [hbm4b:s11+s4], $0x80, $0x38;
	[tilespmem:$0x1CD00] =	vst v63  }
0x1ed: {  	s10 =	sadd.s32 s29, s10;
	s9 =	rddreg [dreg:$0x5]  }
0x1ee: {  	[tilespmem:s18], [sflag:$0x2] =	stream.linear.gather [hbm4b:s10+s4], $0x80, $0x38;
	[tilespmem:$0x1CD00] =	vst v63  }
0x1ef: {  	s11 =	rddreg [dreg:$0x4];
	s12 =	sadd.s32 s29, s9  }
0x1f0: {  	[tilespmem:s19], [sflag:$0x2] =	stream.linear.gather [hbm4b:s12+s4], $0x80, $0x38;
	[tilespmem:$0x1CD00] =	vst v63  }
0x1f1: {  	s8 =	sadd.s32 s29, s11;
	s18 =	rddreg [dreg:$0xb]  }
0x1f2: {  	[tilespmem:s20], [sflag:$0x2] =	stream.linear.gather [hbm4b:s8+s4], $0x80, $0x38;
	[tilespmem:$0x1CD00] =	vst v63  }
0x1f3: {  	s10 =	rddreg [dreg:$0xa];
	s11 =	sadd.s32 s29, s18  }
0x1f4: {  	[tilespmem:s21], [sflag:$0x2] =	stream.linear.gather [hbm4b:s11+s4], $0x80, $0x38;
	[tilespmem:$0x1CD00] =	vst v63  }
0x1f5: {  	s18 =	sadd.s32 s29, s10;
	s12 =	rddreg [dreg:$0xd]  }
0x1f6: {  	[tilespmem:s13], [sflag:$0x2] =	stream.linear.gather [hbm4b:s18+s4], $0x80, $0x38;
	[tilespmem:$0x1CD00] =	vst v63  }
0x1f7: {  	s19 =	rddreg [dreg:$0xc];
	s20 =	sadd.s32 s29, s12  }
0x1f8: {  	[tilespmem:s22], [sflag:$0x2] =	stream.linear.gather [hbm4b:s20+s4], $0x80, $0x38;
	[tilespmem:$0x1CD00] =	vst v63  }
0x1f9: {  	s21 =	sadd.s32 s29, s19  }
0x1fa: {  	[tilespmem:s14], [sflag:$0x2] =	stream.linear.gather [hbm4b:s21+s4], $0x80, $0x38;
	[tilespmem:$0x1CD00] =	vst v63  }
0x1fb: {  	_ =	swait.ge [sflag:s26], $0x4000  }
0x1fc: {  	[sflag:s26] =	ssyncset.done $0x0  }
0x1fd: {  	[sflag:s26] =	ssyncadd.s32 $0xFFFFC000  }
0x1fe: {  	_ =	swait.ge [sflag:s6], $0x4000  }
0x1ff: {  	[sflag:s6] =	ssyncset.done $0x0  }
0x200: {  	[sflag:s6] =	ssyncadd.s32 $0xFFFFC000  }
0x201: {  	[tilespmem:s5], [sflag:$0x1] =	stream.indirect.gather [hbm4b:s1+s30], $0x80, s24, s30, $0xb8;
	[tilespmem:$0x1CD00] =	vst v63  }
0x202: {  	_ = 	snop  }
0x203: {  	[spmem:s3] =	stream.indirect.scatter.add.f32 [tilespmem:s17], [sflag:$0x3], $0x80, s23, s30, $0xb8;
	[tilespmem:$0x1CD00] =	vst v63  }
0x204: {  	_ =	swait.ge [sflag:s26], $0x4000  }
0x205: {  	[sflag:s26] =	ssyncset.done $0x0  }
0x206: {  	[sflag:s26] =	ssyncadd.s32 $0xFFFFC000  }
0x207: {  	_ =	swait.ge [sflag:s6], $0x4000  }
0x208: {  	[sflag:s6] =	ssyncset.done $0x0  }
0x209: {  	[sflag:s6] =	ssyncadd.s32 $0xFFFFC000  }
0x20a: {  	[tilespmem:s17], [sflag:$0x1] =	stream.indirect.gather [hbm4b:s1+s30], $0x80, s25, s30, $0xb8;
	[tilespmem:$0x1CD00] =	vst v63  }
0x20b: {  	_ = 	snop  }
0x20c: {  	[spmem:s3] =	stream.indirect.scatter.add.f32 [tilespmem:s5], [sflag:$0x3], $0x80, s28, s30, $0xb8;
	[tilespmem:$0x1CD00] =	vst v63  }
0x20d: {  	_ =	swait.ge [sflag:s26], $0x4000  }
0x20e: {  	[sflag:s26] =	ssyncset.done $0x0  }
0x20f: {  	[sflag:s26] =	ssyncadd.s32 $0xFFFFC000  }
0x210: {  	_ =	swait.ge [sflag:s6], $0x4000  }
0x211: {  	[sflag:s6] =	ssyncset.done $0x0  }
0x212: {  	[sflag:s6] =	ssyncadd.s32 $0xFFFFC000  }
0x213: {  	[tilespmem:s5], [sflag:$0x1] =	stream.indirect.gather [hbm4b:s1+s30], $0x80, s16, s30, $0xb8;
	[tilespmem:$0x1CD00] =	vst v63  }
0x214: {  	s22 =	simm.s32 $0xD00  }
0x215: {  	[spmem:s3] =	stream.indirect.scatter.add.f32 [tilespmem:s17], [sflag:$0x3], $0x80, s22, s30, $0xb8;
	[tilespmem:$0x1CD00] =	vst v63  }
0x216: {  	_ =	swait.ge [sflag:s26], $0x4000  }
0x217: {  	[sflag:s26] =	ssyncset.done $0x0  }
0x218: {  	[sflag:s26] =	ssyncadd.s32 $0xFFFFC000  }
0x219: {  	_ =	swait.ge [sflag:s6], $0x4000  }
0x21a: {  	[sflag:s6] =	ssyncset.done $0x0  }
0x21b: {  	s23 =	simm.s32 $0x600;
	[sflag:s6] =	ssyncadd.s32 $0xFFFFC000  }
0x21c: {  	[tilespmem:s17], [sflag:$0x1] =	stream.indirect.gather [hbm4b:s1+s30], $0x80, s23, s30, $0xb8;
	[tilespmem:$0x1CD00] =	vst v63  }
0x21d: {  	s24 =	simm.s32 $0xD80  }
0x21e: {  	[spmem:s3] =	stream.indirect.scatter.add.f32 [tilespmem:s5], [sflag:$0x3], $0x80, s24, s30, $0xb8;
	[tilespmem:$0x1CD00] =	vst v63  }
0x21f: {  	_ =	swait.ge [sflag:s26], $0x4000  }
0x220: {  	[sflag:s26] =	ssyncset.done $0x0  }
0x221: {  	[sflag:s26] =	ssyncadd.s32 $0xFFFFC000  }
0x222: {  	_ =	swait.ge [sflag:s6], $0x4000  }
0x223: {  	[sflag:s6] =	ssyncset.done $0x0  }
0x224: {  	s25 =	simm.s32 $0x680;
	[sflag:s6] =	ssyncadd.s32 $0xFFFFC000  }
0x225: {  	[tilespmem:s5], [sflag:$0x1] =	stream.indirect.gather [hbm4b:s1+s30], $0x80, s25, s30, $0xb8;
	[tilespmem:$0x1CD00] =	vst v63  }
0x226: {  	s28 =	simm.s32 $0xE00  }
0x227: {  	[spmem:s3] =	stream.indirect.scatter.add.f32 [tilespmem:s17], [sflag:$0x3], $0x80, s28, s30, $0xb8;
	[tilespmem:$0x1CD00] =	vst v63  }
0x228: {  	_ =	swait.ge [sflag:s26], $0x4000  }
0x229: {  	[sflag:s26] =	ssyncset.done $0x0  }
0x22a: {  	[sflag:s26] =	ssyncadd.s32 $0xFFFFC000  }
0x22b: {  	_ =	swait.ge [sflag:s6], $0x4000  }
0x22c: {  	[sflag:s6] =	ssyncset.done $0x0  }
0x22d: {  	[sflag:s6] =	ssyncadd.s32 $0xFFFFC000  }
0x22e: {  	_ =	swait.ge [sflag:s15], $0x80  }
0x22f: {  	[sflag:s15] =	ssyncset.done $0x0  }
0x230: {  	[sflag:s15] =	ssyncadd.s32 $0xFFFFFF80  }
0x231: {  	_ =	swait.ge [sflag:s15], $0x80  }
0x232: {  	[sflag:s15] =	ssyncset.done $0x0  }
0x233: {  	[sflag:s15] =	ssyncadd.s32 $0xFFFFFF80  }
0x234: {  	_ =	swait.ge [sflag:s15], $0x80  }
0x235: {  	[sflag:s15] =	ssyncset.done $0x0  }
0x236: {  	[sflag:s15] =	ssyncadd.s32 $0xFFFFFF80  }
0x237: {  	_ =	swait.ge [sflag:s15], $0x80  }
0x238: {  	[sflag:s15] =	ssyncset.done $0x0  }
0x239: {  	[sflag:s15] =	ssyncadd.s32 $0xFFFFFF80  }
0x23a: {  	_ =	swait.ge [sflag:s15], $0x80  }
0x23b: {  	[sflag:s15] =	ssyncset.done $0x0  }
0x23c: {  	[sflag:s15] =	ssyncadd.s32 $0xFFFFFF80  }
0x23d: {  	_ =	swait.ge [sflag:s15], $0x80  }
0x23e: {  	[sflag:s15] =	ssyncset.done $0x0  }
0x23f: {  	[sflag:s15] =	ssyncadd.s32 $0xFFFFFF80  }
0x240: {  	_ =	swait.ge [sflag:s15], $0x80  }
0x241: {  	[sflag:s15] =	ssyncset.done $0x0  }
0x242: {  	[sflag:s15] =	ssyncadd.s32 $0xFFFFFF80  }
0x243: {  	_ =	swait.ge [sflag:s15], $0x80  }
0x244: {  	[sflag:s15] =	ssyncset.done $0x0  }
0x245: {  	[sflag:s15] =	ssyncadd.s32 $0xFFFFFF80  }
0x246: {  	_ =	swait.ge [sflag:s15], $0x80  }
0x247: {  	[sflag:s15] =	ssyncset.done $0x0  }
0x248: {  	[sflag:s15] =	ssyncadd.s32 $0xFFFFFF80  }
0x249: {  	_ =	swait.ge [sflag:s15], $0x80  }
0x24a: {  	[sflag:s15] =	ssyncset.done $0x0  }
0x24b: {  	[sflag:s15] =	ssyncadd.s32 $0xFFFFFF80  }
0x24c: {  	s2 =	smov.u32 s0;
	s0 =	sadd.s32 $0xC0, s0;
	_ =	swait.ge [sflag:s15], $0x80  }
0x24d: {  	p0 =	sne.s32 s0, $0x480;
	[sflag:s15] =	ssyncset.done $0x0  }
.Ltmp0:
0x24e: {  	[sflag:s15] =	ssyncadd.s32 $0xFFFFFF80;
	(pc) =	sbr.rel @p0 .LBB2_2-.Ltmp0, $4  }
0x24f: {  	_ =	swait.ge [sflag:s15], $0x80  }
0x250: {  	s31 =	sadd.s32 $0x600, s31;
	s7 =	rddreg [dreg:$0x18];
	[sflag:s15] =	ssyncset.done $0x0  }
0x251: {  	s29 =	smov.u32 s2;
	s8 =	rddreg [dreg:$0x19];
	[sflag:s15] =	ssyncadd.s32 $0xFFFFFF80  }
0x252: {  	[tilespmem:s17], [sflag:$0x1] =	stream.indirect.gather [hbm4b:s1+s30], $0x80, s4, s30, $0xb8;
	[tilespmem:$0x1CD00] =	vst v63  }
0x253: {  	s0 =	simm.s32 $0xE80  }
0x254: {  	[spmem:s3] =	stream.indirect.scatter.add.f32 [tilespmem:s5], [sflag:$0x3], $0x80, s0, s30, $0xb8;
	[tilespmem:$0x1CD00] =	vst v63  }
0x255: {  	s13 =	sadd.s32 s29, s8;
	s14 =	simm.s32 $0x400  }
0x256: {  	[tilespmem:s14], [sflag:$0x2] =	stream.linear.gather [hbm4b:s13+s4], $0x80, $0x38;
	[tilespmem:$0x1CD00] =	vst v63  }
0x257: {  	s16 =	rddreg [dreg:$0x17];
	s2 =	sadd.s32 s29, s7;
	s22 =	simm.s32 $0xC00  }
0x258: {  	[tilespmem:s22], [sflag:$0x2] =	stream.linear.gather [hbm4b:s2+s4], $0x80, $0x38;
	[tilespmem:$0x1CD00] =	vst v63  }
0x259: {  	s18 =	rddreg [dreg:$0x16];
	s23 =	simm.s32 $0x480;
	s0 =	sadd.s32 s29, s16  }
0x25a: {  	[tilespmem:s23], [sflag:$0x2] =	stream.linear.gather [hbm4b:s0+s4], $0x80, $0x38;
	[tilespmem:$0x1CD00] =	vst v63  }
0x25b: {  	s19 =	rddreg [dreg:$0x15];
	s24 =	simm.s32 $0xC80;
	s2 =	sadd.s32 s29, s18  }
0x25c: {  	[tilespmem:s24], [sflag:$0x2] =	stream.linear.gather [hbm4b:s2+s4], $0x80, $0x38;
	[tilespmem:$0x1CD00] =	vst v63  }
0x25d: {  	s20 =	rddreg [dreg:$0x14];
	s25 =	simm.s32 $0x500;
	s0 =	sadd.s32 s29, s19  }
0x25e: {  	[tilespmem:s25], [sflag:$0x2] =	stream.linear.gather [hbm4b:s0+s4], $0x80, $0x38;
	[tilespmem:$0x1CD00] =	vst v63  }
0x25f: {  	s21 =	rddreg [dreg:$0x13];
	s28 =	simm.s32 $0xD00;
	s2 =	sadd.s32 s29, s20  }
0x260: {  	[tilespmem:s28], [sflag:$0x2] =	stream.linear.gather [hbm4b:s2+s4], $0x80, $0x38;
	[tilespmem:$0x1CD00] =	vst v63  }
0x261: {  	s8 =	rddreg [dreg:$0x12];
	s0 =	sadd.s32 s29, s21;
	s28 =	simm.s32 $0x580  }
0x262: {  	[tilespmem:s28], [sflag:$0x2] =	stream.linear.gather [hbm4b:s0+s4], $0x80, $0x38;
	[tilespmem:$0x1CD00] =	vst v63  }
0x263: {  	s10 =	rddreg [dreg:$0x11];
	s11 =	simm.s32 $0xD80;
	s2 =	sadd.s32 s29, s8  }
0x264: {  	[tilespmem:s11], [sflag:$0x2] =	stream.linear.gather [hbm4b:s2+s4], $0x80, $0x38;
	[tilespmem:$0x1CD00] =	vst v63  }
0x265: {  	s12 =	rddreg [dreg:$0x10];
	s16 =	simm.s32 $0x600;
	s0 =	sadd.s32 s29, s10  }
0x266: {  	[tilespmem:s16], [sflag:$0x2] =	stream.linear.gather [hbm4b:s0+s4], $0x80, $0x38;
	[tilespmem:$0x1CD00] =	vst v63  }
0x267: {  	s13 =	rddreg [dreg:$0xf];
	s18 =	simm.s32 $0xE00;
	s2 =	sadd.s32 s29, s12  }
0x268: {  	[tilespmem:s18], [sflag:$0x2] =	stream.linear.gather [hbm4b:s2+s4], $0x80, $0x38;
	[tilespmem:$0x1CD00] =	vst v63  }
0x269: {  	s19 =	rddreg [dreg:$0xe];
	s20 =	simm.s32 $0x680;
	s0 =	sadd.s32 s29, s13  }
0x26a: {  	[tilespmem:s20], [sflag:$0x2] =	stream.linear.gather [hbm4b:s0+s4], $0x80, $0x38;
	[tilespmem:$0x1CD00] =	vst v63  }
0x26b: {  	s9 =	simm.s32 $0xE80;
	s21 =	sadd.s32 s29, s19  }
0x26c: {  	[tilespmem:s9], [sflag:$0x2] =	stream.linear.gather [hbm4b:s21+s4], $0x80, $0x38;
	[tilespmem:$0x1CD00] =	vst v63  }
0x26d: {  	_ =	swait.ge [sflag:s26], $0x4000  }
0x26e: {  	p0 =	seq.s32 s29, $0x0;
	[sflag:s26] =	ssyncset.done $0x0  }
0x26f: {  	s0 =	simm.s32 @!p0 $0x3;
	[sflag:s26] =	ssyncadd.s32 $0xFFFFC000  }
0x270: {  	_ =	swait.ge @!p0 [sflag:s0], $0x4000  }
0x271: {  	[sflag:s0] =	ssyncset.done @!p0 $0x0  }
0x272: {  	[sflag:s0] =	ssyncadd.s32 @!p0 $0xFFFFC000  }
0x273: {  	[tilespmem:s5], [sflag:$0x1] =	stream.indirect.gather [hbm4b:s1+s30], $0x80, s30, s30, $0xb8;
	[tilespmem:$0x1CD00] =	vst v63  }
0x274: {  	s8 =	simm.s32 $0x800  }
0x275: {  	[spmem:s3] =	stream.indirect.scatter.add.f32 [tilespmem:s17], [sflag:$0x3], $0x80, s8, s30, $0xb8;
	[tilespmem:$0x1CD00] =	vst v63  }
0x276: {  	_ =	swait.ge [sflag:s26], $0x4000  }
0x277: {  	[sflag:s26] =	ssyncset.done $0x0  }
0x278: {  	[sflag:s26] =	ssyncadd.s32 $0xFFFFC000  }
0x279: {  	_ =	swait.ge [sflag:s6], $0x4000  }
0x27a: {  	[sflag:s6] =	ssyncset.done $0x0  }
0x27b: {  	s10 =	simm.s32 $0x100;
	[sflag:s6] =	ssyncadd.s32 $0xFFFFC000  }
0x27c: {  	[tilespmem:s17], [sflag:$0x1] =	stream.indirect.gather [hbm4b:s1+s30], $0x80, s10, s30, $0xb8;
	[tilespmem:$0x1CD00] =	vst v63  }
0x27d: {  	s9 =	simm.s32 $0x880  }
0x27e: {  	[spmem:s3] =	stream.indirect.scatter.add.f32 [tilespmem:s5], [sflag:$0x3], $0x80, s9, s30, $0xb8;
	[tilespmem:$0x1CD00] =	vst v63  }
0x27f: {  	_ =	swait.ge [sflag:s26], $0x4000  }
0x280: {  	[sflag:s26] =	ssyncset.done $0x0  }
0x281: {  	[sflag:s26] =	ssyncadd.s32 $0xFFFFC000  }
0x282: {  	_ =	swait.ge [sflag:s6], $0x4000  }
0x283: {  	[sflag:s6] =	ssyncset.done $0x0  }
0x284: {  	s12 =	simm.s32 $0x180;
	[sflag:s6] =	ssyncadd.s32 $0xFFFFC000  }
0x285: {  	[tilespmem:s5], [sflag:$0x1] =	stream.indirect.gather [hbm4b:s1+s30], $0x80, s12, s30, $0xb8;
	[tilespmem:$0x1CD00] =	vst v63  }
0x286: {  	s11 =	simm.s32 $0x900  }
0x287: {  	[spmem:s3] =	stream.indirect.scatter.add.f32 [tilespmem:s17], [sflag:$0x3], $0x80, s11, s30, $0xb8;
	[tilespmem:$0x1CD00] =	vst v63  }
0x288: {  	_ =	swait.ge [sflag:s26], $0x4000  }
0x289: {  	[sflag:s26] =	ssyncset.done $0x0  }
0x28a: {  	[sflag:s26] =	ssyncadd.s32 $0xFFFFC000  }
0x28b: {  	_ =	swait.ge [sflag:s6], $0x4000  }
0x28c: {  	[sflag:s6] =	ssyncset.done $0x0  }
0x28d: {  	s19 =	simm.s32 $0x200;
	[sflag:s6] =	ssyncadd.s32 $0xFFFFC000  }
0x28e: {  	[tilespmem:s17], [sflag:$0x1] =	stream.indirect.gather [hbm4b:s1+s30], $0x80, s19, s30, $0xb8;
	[tilespmem:$0x1CD00] =	vst v63  }
0x28f: {  	s18 =	simm.s32 $0x980  }
0x290: {  	[spmem:s3] =	stream.indirect.scatter.add.f32 [tilespmem:s5], [sflag:$0x3], $0x80, s18, s30, $0xb8;
	[tilespmem:$0x1CD00] =	vst v63  }
0x291: {  	_ =	swait.ge [sflag:s26], $0x4000  }
0x292: {  	[sflag:s26] =	ssyncset.done $0x0  }
0x293: {  	[sflag:s26] =	ssyncadd.s32 $0xFFFFC000  }
0x294: {  	_ =	swait.ge [sflag:s6], $0x4000  }
0x295: {  	[sflag:s6] =	ssyncset.done $0x0  }
0x296: {  	s13 =	simm.s32 $0x280;
	[sflag:s6] =	ssyncadd.s32 $0xFFFFC000  }
0x297: {  	[tilespmem:s5], [sflag:$0x1] =	stream.indirect.gather [hbm4b:s1+s30], $0x80, s13, s30, $0xb8;
	[tilespmem:$0x1CD00] =	vst v63  }
0x298: {  	s20 =	simm.s32 $0xA00  }
0x299: {  	[spmem:s3] =	stream.indirect.scatter.add.f32 [tilespmem:s17], [sflag:$0x3], $0x80, s20, s30, $0xb8;
	[tilespmem:$0x1CD00] =	vst v63  }
0x29a: {  	_ =	swait.ge [sflag:s26], $0x4000  }
0x29b: {  	[sflag:s26] =	ssyncset.done $0x0  }
0x29c: {  	[sflag:s26] =	ssyncadd.s32 $0xFFFFC000  }
0x29d: {  	_ =	swait.ge [sflag:s6], $0x4000  }
0x29e: {  	[sflag:s6] =	ssyncset.done $0x0  }
0x29f: {  	[sflag:s6] =	ssyncadd.s32 $0xFFFFC000  }
0x2a0: {  	_ =	swait.ge [sflag:s15], $0x80  }
0x2a1: {  	[sflag:s15] =	ssyncset.done $0x0  }
0x2a2: {  	[sflag:s15] =	ssyncadd.s32 $0xFFFFFF80  }
0x2a3: {  	_ =	swait.ge [sflag:s15], $0x80  }
0x2a4: {  	[sflag:s15] =	ssyncset.done $0x0  }
0x2a5: {  	[sflag:s15] =	ssyncadd.s32 $0xFFFFFF80  }
0x2a6: {  	_ =	swait.ge [sflag:s15], $0x80  }
0x2a7: {  	[sflag:s15] =	ssyncset.done $0x0  }
0x2a8: {  	[sflag:s15] =	ssyncadd.s32 $0xFFFFFF80  }
0x2a9: {  	_ =	swait.ge [sflag:s15], $0x80  }
0x2aa: {  	[sflag:s15] =	ssyncset.done $0x0  }
0x2ab: {  	[sflag:s15] =	ssyncadd.s32 $0xFFFFFF80  }
0x2ac: {  	_ =	swait.ge [sflag:s15], $0x80  }
0x2ad: {  	[sflag:s15] =	ssyncset.done $0x0  }
0x2ae: {  	[sflag:s15] =	ssyncadd.s32 $0xFFFFFF80  }
0x2af: {  	_ =	swait.ge [sflag:s15], $0x80  }
0x2b0: {  	[sflag:s15] =	ssyncset.done $0x0  }
0x2b1: {  	[sflag:s15] =	ssyncadd.s32 $0xFFFFFF80  }
0x2b2: {  	_ =	swait.ge [sflag:s15], $0x80  }
0x2b3: {  	[sflag:s15] =	ssyncset.done $0x0  }
0x2b4: {  	[sflag:s15] =	ssyncadd.s32 $0xFFFFFF80  }
0x2b5: {  	_ =	swait.ge [sflag:s15], $0x80  }
0x2b6: {  	[sflag:s15] =	ssyncset.done $0x0  }
0x2b7: {  	[sflag:s15] =	ssyncadd.s32 $0xFFFFFF80  }
0x2b8: {  	_ =	swait.ge [sflag:s15], $0x80  }
0x2b9: {  	[sflag:s15] =	ssyncset.done $0x0  }
0x2ba: {  	[sflag:s15] =	ssyncadd.s32 $0xFFFFFF80  }
0x2bb: {  	_ =	swait.ge [sflag:s15], $0x80  }
0x2bc: {  	[sflag:s15] =	ssyncset.done $0x0  }
0x2bd: {  	[sflag:s15] =	ssyncadd.s32 $0xFFFFFF80  }
0x2be: {  	_ =	swait.ge [sflag:s15], $0x80  }
0x2bf: {  	[sflag:s15] =	ssyncset.done $0x0  }
0x2c0: {  	[sflag:s15] =	ssyncadd.s32 $0xFFFFFF80  }
0x2c1: {  	_ =	swait.ge [sflag:s15], $0x80  }
0x2c2: {  	[sflag:s15] =	ssyncset.done $0x0  }
0x2c3: {  	[sflag:s15] =	ssyncadd.s32 $0xFFFFFF80  }
0x2c4: {  	[tilespmem:s17], [sflag:$0x1] =	stream.indirect.gather [hbm4b:s1+s30], $0x80, s14, s30, $0xb8;
	[tilespmem:$0x1CD00] =	vst v63  }
0x2c5: {  	s31 =	sshrl.u32 s31, $0x3;
	s21 =	simm.s32 $0xA80;
	s7 =	rddreg [dreg:$0x1a]  }
0x2c6: {  	[spmem:s3] =	stream.indirect.scatter.add.f32 [tilespmem:s5], [sflag:$0x3], $0x80, s21, s30, $0xb8;
	[tilespmem:$0x1CD00] =	vst v63  }
0x2c7: {  	s2 =	sadd.s32 s7, s31;
	s14 =	rddreg [dreg:$0x1b]  }
0x2c8: {  	[tilespmem:s4], [sflag:$0x2] =	stream.linear.gather [hbm4b:s2+s4], $0x80, $0x38;
	[tilespmem:$0x1CD00] =	vst v63  }
0x2c9: {  	s0 =	sadd.s32 s14, s31;
	s2 =	rddreg [dreg:$0x9]  }
0x2ca: {  	[tilespmem:s8], [sflag:$0x2] =	stream.linear.gather [hbm4b:s0+s4], $0x80, $0x38;
	[tilespmem:$0x1CD00] =	vst v63  }
0x2cb: {  	s31 =	rddreg [dreg:$0x8];
	s2 =	sadd.s32 s29, s2  }
0x2cc: {  	[tilespmem:s30], [sflag:$0x2] =	stream.linear.gather [hbm4b:s2+s4], $0x80, $0x38;
	[tilespmem:$0x1CD00] =	vst v63  }
0x2cd: {  	s7 =	rddreg [dreg:$0x7];
	s0 =	sadd.s32 s29, s31  }
0x2ce: {  	[tilespmem:s9], [sflag:$0x2] =	stream.linear.gather [hbm4b:s0+s4], $0x80, $0x38;
	[tilespmem:$0x1CD00] =	vst v63  }
0x2cf: {  	s14 =	rddreg [dreg:$0x6];
	s2 =	sadd.s32 s29, s7  }
0x2d0: {  	[tilespmem:s10], [sflag:$0x2] =	stream.linear.gather [hbm4b:s2+s4], $0x80, $0x38;
	[tilespmem:$0x1CD00] =	vst v63  }
0x2d1: {  	s31 =	rddreg [dreg:$0x5];
	s0 =	sadd.s32 s29, s14  }
0x2d2: {  	[tilespmem:s11], [sflag:$0x2] =	stream.linear.gather [hbm4b:s0+s4], $0x80, $0x38;
	[tilespmem:$0x1CD00] =	vst v63  }
0x2d3: {  	s7 =	rddreg [dreg:$0x4];
	s2 =	sadd.s32 s29, s31  }
0x2d4: {  	[tilespmem:s12], [sflag:$0x2] =	stream.linear.gather [hbm4b:s2+s4], $0x80, $0x38;
	[tilespmem:$0x1CD00] =	vst v63  }
0x2d5: {  	s14 =	rddreg [dreg:$0xb];
	s0 =	sadd.s32 s29, s7  }
0x2d6: {  	[tilespmem:s18], [sflag:$0x2] =	stream.linear.gather [hbm4b:s0+s4], $0x80, $0x38;
	[tilespmem:$0x1CD00] =	vst v63  }
0x2d7: {  	s31 =	rddreg [dreg:$0xa];
	s2 =	sadd.s32 s29, s14  }
0x2d8: {  	[tilespmem:s19], [sflag:$0x2] =	stream.linear.gather [hbm4b:s2+s4], $0x80, $0x38;
	[tilespmem:$0x1CD00] =	vst v63  }
0x2d9: {  	s7 =	rddreg [dreg:$0xd];
	s0 =	sadd.s32 s29, s31  }
0x2da: {  	[tilespmem:s20], [sflag:$0x2] =	stream.linear.gather [hbm4b:s0+s4], $0x80, $0x38;
	[tilespmem:$0x1CD00] =	vst v63  }
0x2db: {  	s14 =	rddreg [dreg:$0xc];
	s2 =	sadd.s32 s29, s7  }
0x2dc: {  	[tilespmem:s13], [sflag:$0x2] =	stream.linear.gather [hbm4b:s2+s4], $0x80, $0x38;
	[tilespmem:$0x1CD00] =	vst v63  }
0x2dd: {  	s0 =	sadd.s32 s29, s14  }
0x2de: {  	[tilespmem:s21], [sflag:$0x2] =	stream.linear.gather [hbm4b:s0+s4], $0x80, $0x38;
	[tilespmem:$0x1CD00] =	vst v63  }
0x2df: {  	_ =	swait.ge [sflag:s26], $0x4000  }
0x2e0: {  	[sflag:s26] =	ssyncset.done $0x0  }
0x2e1: {  	[sflag:s26] =	ssyncadd.s32 $0xFFFFC000  }
0x2e2: {  	_ =	swait.ge [sflag:s6], $0x4000  }
0x2e3: {  	[sflag:s6] =	ssyncset.done $0x0  }
0x2e4: {  	[sflag:s6] =	ssyncadd.s32 $0xFFFFC000  }
0x2e5: {  	[tilespmem:s5], [sflag:$0x1] =	stream.indirect.gather [hbm4b:s1+s30], $0x80, s23, s30, $0xb8;
	[tilespmem:$0x1CD00] =	vst v63  }
0x2e6: {  	_ = 	snop  }
0x2e7: {  	[spmem:s3] =	stream.indirect.scatter.add.f32 [tilespmem:s17], [sflag:$0x3], $0x80, s22, s30, $0xb8;
	[tilespmem:$0x1CD00] =	vst v63  }
0x2e8: {  	_ =	swait.ge [sflag:s26], $0x4000  }
0x2e9: {  	[sflag:s26] =	ssyncset.done $0x0  }
0x2ea: {  	[sflag:s26] =	ssyncadd.s32 $0xFFFFC000  }
0x2eb: {  	_ =	swait.ge [sflag:s6], $0x4000  }
0x2ec: {  	[sflag:s6] =	ssyncset.done $0x0  }
0x2ed: {  	[sflag:s6] =	ssyncadd.s32 $0xFFFFC000  }
0x2ee: {  	[tilespmem:s17], [sflag:$0x1] =	stream.indirect.gather [hbm4b:s1+s30], $0x80, s25, s30, $0xb8;
	[tilespmem:$0x1CD00] =	vst v63  }
0x2ef: {  	_ = 	snop  }
0x2f0: {  	[spmem:s3] =	stream.indirect.scatter.add.f32 [tilespmem:s5], [sflag:$0x3], $0x80, s24, s30, $0xb8;
	[tilespmem:$0x1CD00] =	vst v63  }
0x2f1: {  	_ =	swait.ge [sflag:s26], $0x4000  }
0x2f2: {  	[sflag:s26] =	ssyncset.done $0x0  }
0x2f3: {  	[sflag:s26] =	ssyncadd.s32 $0xFFFFC000  }
0x2f4: {  	_ =	swait.ge [sflag:s6], $0x4000  }
0x2f5: {  	[sflag:s6] =	ssyncset.done $0x0  }
0x2f6: {  	[sflag:s6] =	ssyncadd.s32 $0xFFFFC000  }
0x2f7: {  	[tilespmem:s5], [sflag:$0x1] =	stream.indirect.gather [hbm4b:s1+s30], $0x80, s28, s30, $0xb8;
	[tilespmem:$0x1CD00] =	vst v63  }
0x2f8: {  	s31 =	simm.s32 $0xD00  }
0x2f9: {  	[spmem:s3] =	stream.indirect.scatter.add.f32 [tilespmem:s17], [sflag:$0x3], $0x80, s31, s30, $0xb8;
	[tilespmem:$0x1CD00] =	vst v63  }
0x2fa: {  	_ =	swait.ge [sflag:s26], $0x4000  }
0x2fb: {  	[sflag:s26] =	ssyncset.done $0x0  }
0x2fc: {  	[sflag:s26] =	ssyncadd.s32 $0xFFFFC000  }
0x2fd: {  	_ =	swait.ge [sflag:s6], $0x4000  }
0x2fe: {  	[sflag:s6] =	ssyncset.done $0x0  }
0x2ff: {  	[sflag:s6] =	ssyncadd.s32 $0xFFFFC000  }
0x300: {  	[tilespmem:s17], [sflag:$0x1] =	stream.indirect.gather [hbm4b:s1+s30], $0x80, s16, s30, $0xb8;
	[tilespmem:$0x1CD00] =	vst v63  }
0x301: {  	s2 =	simm.s32 $0xD80  }
0x302: {  	[spmem:s3] =	stream.indirect.scatter.add.f32 [tilespmem:s5], [sflag:$0x3], $0x80, s2, s30, $0xb8;
	[tilespmem:$0x1CD00] =	vst v63  }
0x303: {  	_ =	swait.ge [sflag:s26], $0x4000  }
0x304: {  	[sflag:s26] =	ssyncset.done $0x0  }
0x305: {  	[sflag:s26] =	ssyncadd.s32 $0xFFFFC000  }
0x306: {  	_ =	swait.ge [sflag:s6], $0x4000  }
0x307: {  	[sflag:s6] =	ssyncset.done $0x0  }
0x308: {  	s7 =	simm.s32 $0x680;
	[sflag:s6] =	ssyncadd.s32 $0xFFFFC000  }
0x309: {  	[tilespmem:s5], [sflag:$0x1] =	stream.indirect.gather [hbm4b:s1+s30], $0x80, s7, s30, $0xb8;
	[tilespmem:$0x1CD00] =	vst v63  }
0x30a: {  	s14 =	simm.s32 $0xE00  }
0x30b: {  	[spmem:s3] =	stream.indirect.scatter.add.f32 [tilespmem:s17], [sflag:$0x3], $0x80, s14, s30, $0xb8;
	[tilespmem:$0x1CD00] =	vst v63  }
0x30c: {  	_ =	swait.ge [sflag:s26], $0x4000  }
0x30d: {  	[sflag:s26] =	ssyncset.done $0x0  }
0x30e: {  	[sflag:s26] =	ssyncadd.s32 $0xFFFFC000  }
0x30f: {  	_ =	swait.ge [sflag:s6], $0x4000  }
0x310: {  	[sflag:s6] =	ssyncset.done $0x0  }
0x311: {  	[sflag:s6] =	ssyncadd.s32 $0xFFFFC000  }
0x312: {  	_ =	swait.ge [sflag:s15], $0x80  }
0x313: {  	[sflag:s15] =	ssyncset.done $0x0  }
0x314: {  	[sflag:s15] =	ssyncadd.s32 $0xFFFFFF80  }
0x315: {  	_ =	swait.ge [sflag:s15], $0x80  }
0x316: {  	[sflag:s15] =	ssyncset.done $0x0  }
0x317: {  	[sflag:s15] =	ssyncadd.s32 $0xFFFFFF80  }
0x318: {  	_ =	swait.ge [sflag:s15], $0x80  }
0x319: {  	[sflag:s15] =	ssyncset.done $0x0  }
0x31a: {  	[sflag:s15] =	ssyncadd.s32 $0xFFFFFF80  }
0x31b: {  	_ =	swait.ge [sflag:s15], $0x80  }
0x31c: {  	[sflag:s15] =	ssyncset.done $0x0  }
0x31d: {  	[sflag:s15] =	ssyncadd.s32 $0xFFFFFF80  }
0x31e: {  	_ =	swait.ge [sflag:s15], $0x80  }
0x31f: {  	[sflag:s15] =	ssyncset.done $0x0  }
0x320: {  	[sflag:s15] =	ssyncadd.s32 $0xFFFFFF80  }
0x321: {  	_ =	swait.ge [sflag:s15], $0x80  }
0x322: {  	[sflag:s15] =	ssyncset.done $0x0  }
0x323: {  	[sflag:s15] =	ssyncadd.s32 $0xFFFFFF80  }
0x324: {  	_ =	swait.ge [sflag:s15], $0x80  }
0x325: {  	[sflag:s15] =	ssyncset.done $0x0  }
0x326: {  	[sflag:s15] =	ssyncadd.s32 $0xFFFFFF80  }
0x327: {  	_ =	swait.ge [sflag:s15], $0x80  }
0x328: {  	[sflag:s15] =	ssyncset.done $0x0  }
0x329: {  	[sflag:s15] =	ssyncadd.s32 $0xFFFFFF80  }
0x32a: {  	_ =	swait.ge [sflag:s15], $0x80  }
0x32b: {  	[sflag:s15] =	ssyncset.done $0x0  }
0x32c: {  	[sflag:s15] =	ssyncadd.s32 $0xFFFFFF80  }
0x32d: {  	_ =	swait.ge [sflag:s15], $0x80  }
0x32e: {  	[sflag:s15] =	ssyncset.done $0x0  }
0x32f: {  	[sflag:s15] =	ssyncadd.s32 $0xFFFFFF80  }
0x330: {  	_ =	swait.ge [sflag:s15], $0x80  }
0x331: {  	[sflag:s15] =	ssyncset.done $0x0  }
0x332: {  	[sflag:s15] =	ssyncadd.s32 $0xFFFFFF80  }
0x333: {  	_ =	swait.ge [sflag:s15], $0x80  }
0x334: {  	[sflag:s15] =	ssyncset.done $0x0  }
0x335: {  	[sflag:s15] =	ssyncadd.s32 $0xFFFFFF80  }
0x336: {  	[tilespmem:s17], [sflag:$0x1] =	stream.indirect.gather [hbm4b:s1+s30], $0x80, s4, s30, $0xb8;
	[tilespmem:$0x1CD00] =	vst v63  }
0x337: {  	s16 =	simm.s32 $0xE80  }
0x338: {  	[spmem:s3] =	stream.indirect.scatter.add.f32 [tilespmem:s5], [sflag:$0x3], $0x80, s16, s30, $0xb8;
	[tilespmem:$0x1CD00] =	vst v63  }
0x339: {  	_ =	swait.ge [sflag:s26], $0x4000  }
0x33a: {  	[sflag:s26] =	ssyncset.done $0x0  }
0x33b: {  	[sflag:s26] =	ssyncadd.s32 $0xFFFFC000  }
0x33c: {  	_ =	swait.ge [sflag:s6], $0x4000  }
0x33d: {  	[sflag:s6] =	ssyncset.done $0x0  }
0x33e: {  	[sflag:s6] =	ssyncadd.s32 $0xFFFFC000  }
0x33f: {  	[tilespmem:s5], [sflag:$0x1] =	stream.indirect.gather [hbm4b:s1+s30], $0x80, s30, s30, $0xb8;
	[tilespmem:$0x1CD00] =	vst v63  }
0x340: {  	_ = 	snop  }
0x341: {  	[spmem:s3] =	stream.indirect.scatter.add.f32 [tilespmem:s17], [sflag:$0x3], $0x80, s8, s30, $0xb8;
	[tilespmem:$0x1CD00] =	vst v63  }
0x342: {  	_ =	swait.ge [sflag:s26], $0x4000  }
0x343: {  	[sflag:s26] =	ssyncset.done $0x0  }
0x344: {  	[sflag:s26] =	ssyncadd.s32 $0xFFFFC000  }
0x345: {  	_ =	swait.ge [sflag:s6], $0x4000  }
0x346: {  	[sflag:s6] =	ssyncset.done $0x0  }
0x347: {  	[sflag:s6] =	ssyncadd.s32 $0xFFFFC000  }
0x348: {  	[tilespmem:s17], [sflag:$0x1] =	stream.indirect.gather [hbm4b:s1+s30], $0x80, s10, s30, $0xb8;
	[tilespmem:$0x1CD00] =	vst v63  }
0x349: {  	_ = 	snop  }
0x34a: {  	[spmem:s3] =	stream.indirect.scatter.add.f32 [tilespmem:s5], [sflag:$0x3], $0x80, s9, s30, $0xb8;
	[tilespmem:$0x1CD00] =	vst v63  }
0x34b: {  	_ =	swait.ge [sflag:s26], $0x4000  }
0x34c: {  	[sflag:s26] =	ssyncset.done $0x0  }
0x34d: {  	[sflag:s26] =	ssyncadd.s32 $0xFFFFC000  }
0x34e: {  	_ =	swait.ge [sflag:s6], $0x4000  }
0x34f: {  	[sflag:s6] =	ssyncset.done $0x0  }
0x350: {  	[sflag:s6] =	ssyncadd.s32 $0xFFFFC000  }
0x351: {  	[tilespmem:s5], [sflag:$0x1] =	stream.indirect.gather [hbm4b:s1+s30], $0x80, s12, s30, $0xb8;
	[tilespmem:$0x1CD00] =	vst v63  }
0x352: {  	_ = 	snop  }
0x353: {  	[spmem:s3] =	stream.indirect.scatter.add.f32 [tilespmem:s17], [sflag:$0x3], $0x80, s11, s30, $0xb8;
	[tilespmem:$0x1CD00] =	vst v63  }
0x354: {  	_ =	swait.ge [sflag:s26], $0x4000  }
0x355: {  	[sflag:s26] =	ssyncset.done $0x0  }
0x356: {  	[sflag:s26] =	ssyncadd.s32 $0xFFFFC000  }
0x357: {  	_ =	swait.ge [sflag:s6], $0x4000  }
0x358: {  	[sflag:s6] =	ssyncset.done $0x0  }
0x359: {  	[sflag:s6] =	ssyncadd.s32 $0xFFFFC000  }
0x35a: {  	[tilespmem:s17], [sflag:$0x1] =	stream.indirect.gather [hbm4b:s1+s30], $0x80, s19, s30, $0xb8;
	[tilespmem:$0x1CD00] =	vst v63  }
0x35b: {  	_ = 	snop  }
0x35c: {  	[spmem:s3] =	stream.indirect.scatter.add.f32 [tilespmem:s5], [sflag:$0x3], $0x80, s18, s30, $0xb8;
	[tilespmem:$0x1CD00] =	vst v63  }
0x35d: {  	_ =	swait.ge [sflag:s26], $0x4000  }
0x35e: {  	[sflag:s26] =	ssyncset.done $0x0  }
0x35f: {  	[sflag:s26] =	ssyncadd.s32 $0xFFFFC000  }
0x360: {  	_ =	swait.ge [sflag:s6], $0x4000  }
0x361: {  	[sflag:s6] =	ssyncset.done $0x0  }
0x362: {  	[sflag:s6] =	ssyncadd.s32 $0xFFFFC000  }
0x363: {  	[tilespmem:s5], [sflag:$0x1] =	stream.indirect.gather [hbm4b:s1+s30], $0x80, s13, s30, $0xb8;
	[tilespmem:$0x1CD00] =	vst v63  }
0x364: {  	_ = 	snop  }
0x365: {  	[spmem:s3] =	stream.indirect.scatter.add.f32 [tilespmem:s17], [sflag:$0x3], $0x80, s20, s30, $0xb8;
	[tilespmem:$0x1CD00] =	vst v63  }
0x366: {  	_ =	swait.ge [sflag:s26], $0x4000  }
0x367: {  	[sflag:s26] =	ssyncset.done $0x0  }
0x368: {  	[sflag:s26] =	ssyncadd.s32 $0xFFFFC000  }
0x369: {  	_ =	swait.ge [sflag:s6], $0x4000  }
0x36a: {  	[sflag:s6] =	ssyncset.done $0x0  }
0x36b: {  	[sflag:s6] =	ssyncadd.s32 $0xFFFFC000  }
0x36c: {  	[spmem:s3] =	stream.indirect.scatter.add.f32 [tilespmem:s5], [sflag:$0x3], $0x80, s21, s30, $0xb8;
	[tilespmem:$0x1CD00] =	vst v63  }
0x36d: {  	s7 =	simm.s32 $0x1000;
	s21 =	simm.s32 $0x10  }
0x36e: {  	[tilespmem:s17], [sflag:$0x1] =	stream.indirect.gather [hbm4b:s1+s21], $0x80, s7, s21, $0xb8;
	[tilespmem:$0x1CD00] =	vst v63  }
0x36f: {  	_ =	swait.ge [sflag:s26], $0x800  }
0x370: {  	[sflag:s26] =	ssyncset.done $0x0  }
0x371: {  	[sflag:s26] =	ssyncadd.s32 $0xFFFFF800  }
0x372: {  	_ =	swait.ge [sflag:s6], $0x4000  }
0x373: {  	[sflag:s6] =	ssyncset.done $0x0  }
0x374: {  	s22 =	simm.s32 $0x5;
	s9 =	simm.s32 $0x1080;
	[sflag:s6] =	ssyncadd.s32 $0xFFFFC000  }
0x375: {  	[spmem:s3] =	stream.indirect.scatter.add.f32 [tilespmem:s17], [sflag:$0x5], $0x80, s9, s21, $0xb8;
	[tilespmem:$0x1CD00] =	vst v63  }
0x376: {  	_ =	swait.ge [sflag:s22], $0x800  }
0x377: {  	[sflag:s22] =	ssyncset.done $0x0  }
0x378: {  	[sflag:s22] =	ssyncadd.s32 $0xFFFFF800  }
0x379: {  	[bflag:$0x0] =	sbarrier.arrive $0xFFFF  }
0x37a: {  	s23 =	sld [smem:$0x7FC]  }
0x37b: {  	s24 =	sld [smem:$0x7F9]  }
0x37c: {  	s25 =	sld [smem:$0x7EC];
	_ =	sdelay $0x1  }
0x37d: {  	s0 =	sor.u32 $0x1C05, s23  }
0x37e: {  	[hbm:s24], [sflag:s0] =	dma.local [spmem:s25], $0x2780  }
0x37f: {  	_ =	swait.ge [sflag:s22], $0x2780  }
0x380: {  	s28 =	sld [smem:$0x7EB]  }
0x381: {  	s31 =	sld [smem:$0x7FA];
	_ =	sdelay $0x1  }
0x382: {  	s2 =	sadd.s32 $0x1, s28  }
0x383: {  	p0 =	sne.s32 s2, s31  }
.Ltmp1:
0x384: {  	_ = 	snop;
	(pc) =	sbr.rel @p0 .LBB2_1-.Ltmp1, $3  }
0x385: {  	_ =	sdelay $0x1  }
0x386: {  	[sflag:s22] =	ssyncset.done $0x0  }
0x387: {  	s29 =	simm.s32 $0xE80;
	[sflag:s22] =	ssyncadd.s32 $0xFFFFD880  }
0x388: {  	_ =	sfence.sel $0x180000  }
0x389: {  	[bflag:$0x0] =	sbarrier.arrive $0xFFFF  }
0x38a: {  	_ =	strace $0x90000047  }
0x38b: {  	s0 =	stileid.u32;
	[bflag:$0x2] =	sbarrier.arrive $0xFFFF  }
0x38c: {  	p0 =	sne.s32 s0, $0x0;
	s0 =	rddreg [dreg:$0x3]  }
0x38d: {  	s0 =	sadd.s32 @!p0 $0x100000, s0  }
0x38e: {  	[sflag:s0] =	ssyncadd.tile.s32 @!p0 $0x1;
	_ =	shalt  }
.Lfunc_end2:
_tile_overlayer_lowered:
.L_overlay_start_2:
0x38f: {  	(tag) =	ssettag $0x2  }
0x390: {  	s0 =	rddreg [dreg:$0x0];
	s2 =	stileid.u32  }
0x391: {  	s1 =	rddreg [dreg:$0x1];
	p0 =	sne.s32 s2, $0x0  }
0x392: {  	s3 =	rddreg [dreg:$0x2];
	[bflag:$0x3] =	sbarrier.arrive $0xFFFF;
	s2 =	simm.s32 @!p0 $0x1C05  }
0x393: {  	[timem:s3], [sflag:s2] =	dma.local @!p0 [hbm:s0], s1  }
0x394: {  	s0 =	simm.s32 @!p0 $0x5  }
0x395: {  	_ =	swait.ge @!p0 [sflag:s0], s1  }
0x396: {  	s1 =	ssub.s32 @!p0 $0x0, s1;
	[sflag:s0] =	ssyncset.done @!p0 $0x0  }
0x397: {  	[sflag:s0] =	ssyncadd.s32 @!p0 s1  }
0x398: {  	[bflag:$0x3] =	sbarrier.arrive $0xFFFF  }
0x399: {  	_ =	shalt  }

</sc_bundles>
